<compile_context>
chip_gen: v7x
topology: tpu7x:2x2x1
jax: 0.10.2.dev20260603
libtpu: 0.0.44.dev20260713+nightly
codegen_flags: <defaults>
</compile_context>

<pallas_src>
import jax
import jax.numpy as jnp
import numpy as np
from jax import lax
from jax.experimental import pallas as pl
from jax.experimental.pallas import tpu as pltpu
from jax.experimental.pallas import tpu_sc as plsc

NC = 2
NS = 16
NW = NC * NS
NBUF = 4
LANE = 128
SUB = 8
IB = 128


def _pat_row(j, half, B1):
    jt, js = j // SUB, j % SUB
    full = min(SUB, B1 - jt * SUB)
    return 2 * SUB * jt + half * full + js


def _body(idx2_hbm, table2_hbm, pat_hbm, out_hbm, idx_v, pat_v, table_v,
          table_sh, bufs, gsems, wsems):
    sid = lax.axis_index("s")
    wid = sid * NC + lax.axis_index("c")
    cperw = idx2_hbm.shape[1]

    @pl.when(sid == 0)
    def _():
        pltpu.sync_copy(table2_hbm, table_v)
        pltpu.sync_copy(table_v, table_sh)

    pltpu.sync_copy(idx2_hbm.at[wid], idx_v)
    pltpu.sync_copy(pat_hbm, pat_v)
    plsc.subcore_barrier()

    def gather(c, b):
        pltpu.make_async_copy(
            table_sh.at[idx_v.at[c]], bufs[b], gsems[b]).start()

    def wait_gather(b):
        pltpu.make_async_copy(
            table_sh.at[idx_v.at[0]], bufs[b], gsems[b]).wait()

    def scatter(c, b):
        pltpu.make_async_copy(
            bufs[b], out_hbm.at[wid * cperw + c].at[pat_v.at[0]],
            wsems[b]).start()

    def wait_scatter(b):
        pltpu.make_async_copy(
            bufs[b], out_hbm.at[0].at[pat_v.at[0]], wsems[b]).wait()

    for b in range(NBUF):
        gather(b, b)

    def step(g, carry):
        c0 = NBUF * g
        for b in range(NBUF):
            wait_gather(b)
            scatter(c0 + b, b)
        for b in range(NBUF):
            wait_scatter(b)
            gather(c0 + NBUF + b, b)
        return carry

    lax.fori_loop(0, cperw // NBUF - 1, step, 0)

    c0 = cperw - NBUF
    for b in range(NBUF):
        wait_gather(b)
        scatter(c0 + b, b)
    for b in range(NBUF):
        wait_scatter(b)


def _make_convert_body(B1, D):
    def _convert_body(t_ref, o_ref):
        for j in range(B1):
            for half in range(2):
                cmax = min(LANE, D - half * LANE)
                row = _pat_row(j, half, B1)
                sheet = t_ref[:, row, :]
                tr = jnp.transpose(sheet)
                o_ref[j, half * LANE:half * LANE + cmax, :] = tr[:cmax, :]
    return _convert_body


def kernel(x, table):
    B0, B1 = x.shape
    V, D = table.shape
    half_b = B0 // 2
    cperw = half_b // NW
    dt = (D + LANE - 1) // LANE
    nseg = B1 * dt
    nrow = ((nseg + SUB - 1) // SUB) * SUB

    table2 = jnp.pad(table, ((0, 0), (0, dt * LANE - D))).reshape(
        V * dt, LANE)

    x4 = x.reshape(2, NW, cperw, B1)
    idx2 = jnp.stack([2 * x4, 2 * x4 + 1], axis=-1).reshape(
        2, NW, cperw, nseg)

    pat = np.zeros((1, nseg), dtype=np.int32)
    for j in range(B1):
        for half in range(2):
            pat[0, 2 * j + half] = _pat_row(j, half, B1)
    pat = jnp.asarray(pat)

    def sc_gather(idx2_half):
        fn = pl.kernel(
            _body,
            out_type=jax.ShapeDtypeStruct((half_b, nrow, LANE), jnp.float32),
            mesh=plsc.VectorSubcoreMesh(core_axis_name="c",
                                        subcore_axis_name="s"),
            compiler_params=pltpu.CompilerParams(use_tc_tiling_on_sc=False),
            scratch_types=[
                pltpu.VMEM((cperw, nseg), jnp.int32),
                pltpu.VMEM((1, nseg), jnp.int32),
                pltpu.VMEM((V * dt, LANE), jnp.float32),
                pltpu.VMEM_SHARED((V * dt, LANE), jnp.float32),
                [pltpu.VMEM((nseg, LANE), jnp.float32) for _ in range(NBUF)],
                [pltpu.SemaphoreType.DMA for _ in range(NBUF)],
                [pltpu.SemaphoreType.DMA for _ in range(NBUF)],
            ],
        )
        return fn(idx2_half, table2, pat)

    grid_half = half_b // IB
    body = _make_convert_body(B1, D)

    t5a = sc_gather(idx2[0])
    t5b = sc_gather(idx2[1])

    conv_a = pl.pallas_call(
        body,
        grid=(grid_half,),
        in_specs=[pl.BlockSpec((IB, nrow, LANE), lambda g: (g, 0, 0))],
        out_specs=pl.BlockSpec((B1, D, IB), lambda g: (0, 0, g)),
        out_shape=jax.ShapeDtypeStruct((B1, D, B0), jnp.float32),
    )
    out1 = conv_a(t5a)

    def body_b(t_ref, _prev, o_ref):
        body(t_ref, o_ref)

    conv_b = pl.pallas_call(
        body_b,
        grid=(grid_half,),
        in_specs=[pl.BlockSpec((IB, nrow, LANE), lambda g: (g, 0, 0)),
                  pl.BlockSpec(memory_space=pl.ANY)],
        out_specs=pl.BlockSpec((B1, D, IB),
                               lambda g: (0, 0, g + grid_half)),
        out_shape=jax.ShapeDtypeStruct((B1, D, B0), jnp.float32),
        input_output_aliases={1: 0},
    )
    out_t = conv_b(t5b, out1)
    return jnp.transpose(out_t, (2, 0, 1))

# --- scband reference (transcript-rebuilt; emitter-appended) ---
"""Pipeline reference for scband-element-embedder-38062000177437 (READ-ONLY COPY).

The authoritative reference and input builder live on the scoring server;
editing this copy changes nothing except your own understanding.
"""

import jax, jax.numpy as jnp
import numpy as np

NUM_ELEMENTS = 118  # periodic table; table has NUM_ELEMENTS + 1 rows (padding row)
EDIM = 200


def setup_inputs(seed: int = 0) -> dict:
    key = jax.random.key(seed)
    k1, k2 = jax.random.split(key)
    # element indices for each (composition, slot) pair
    x = jax.random.randint(k1, (4096, 50), 0, NUM_ELEMENTS + 1, dtype=jnp.int32)
    # learned embedding table: Embedding(NumElements + 1, edim)
    table = jax.random.normal(k2, (NUM_ELEMENTS + 1, EDIM), dtype=jnp.float32)
    return {"x": x, "table": table}


def reference(x, table):
    # forward: x = self.embedding(x); x = self.linear(x)  (linear is Identity
    # in the from_pretrained=False branch)
    out = jnp.take(table, x, axis=0)
    return out

if __name__ == "__main__":
    import jax
    _d = setup_inputs()
    print(jax.jit(kernel)(*tuple(_d.values())))

</pallas_src>

<mosaic_0001>
#map = affine_map<(d0, d1) -> (0, 0, 0)>
#map1 = affine_map<(d0, d1) -> (0, 0)>
module attributes {stable_mosaic.version = 14 : i64} {
  func.func @_body(%arg0: i32, %arg1: i32, %arg2: memref<32x64x100xi32, #tpu.memory_space<hbm>>, %arg3: memref<238x128xf32, #tpu.memory_space<hbm>>, %arg4: memref<1x100xi32, #tpu.memory_space<hbm>>, %arg5: memref<2048x104x128xf32, #tpu.memory_space<hbm>>, %arg6: memref<64x100xi32, #tpu.memory_space<vmem>>, %arg7: memref<1x100xi32, #tpu.memory_space<vmem>>, %arg8: memref<238x128xf32, #tpu.memory_space<vmem>>, %arg9: memref<238x128xf32, #tpu.memory_space<vmem_shared>>, %arg10: memref<100x128xf32, #tpu.memory_space<vmem>>, %arg11: memref<100x128xf32, #tpu.memory_space<vmem>>, %arg12: memref<100x128xf32, #tpu.memory_space<vmem>>, %arg13: memref<100x128xf32, #tpu.memory_space<vmem>>, %arg14: memref<!tpu.dma_semaphore, #tpu.memory_space<semaphore_mem>>, %arg15: memref<!tpu.dma_semaphore, #tpu.memory_space<semaphore_mem>>, %arg16: memref<!tpu.dma_semaphore, #tpu.memory_space<semaphore_mem>>, %arg17: memref<!tpu.dma_semaphore, #tpu.memory_space<semaphore_mem>>, %arg18: memref<!tpu.dma_semaphore, #tpu.memory_space<semaphore_mem>>, %arg19: memref<!tpu.dma_semaphore, #tpu.memory_space<semaphore_mem>>, %arg20: memref<!tpu.dma_semaphore, #tpu.memory_space<semaphore_mem>>, %arg21: memref<!tpu.dma_semaphore, #tpu.memory_space<semaphore_mem>>) attributes {dimension_semantics = [#tpu.dimension_semantics<core_parallel>, #tpu.dimension_semantics<subcore_parallel>], iteration_bounds = array<i64: 2, 16>, scalar_prefetch = 0 : i64, scratch_operands = 16 : i64, tpu.core_type = #tpu.core_type<sc_vector_subcore>, window_params = [{transform_indices = #map}, {transform_indices = #map1}, {transform_indices = #map1}, {transform_indices = #map}]} {
    %mul3A = arith.constant 2 : i32
    %mul3A_0 = arith.muli %arg1, %mul3A : i32
    %add3A = arith.addi %mul3A_0, %arg0 : i32
    %eq3A = arith.constant 0 : i32
    %eq3A_1 = arith.cmpi eq, %arg1, %eq3A : i32
    %convert_element_type3A = arith.extui %eq3A_1 : i1 to i32
    %cond3A = arith.constant 0 : i32
    %cond3A_2 = arith.cmpi ne, %convert_element_type3A, %cond3A : i32
    scf.if %cond3A_2 {
      "tpu.region"() ({
        %run_scoped3A = tpu.sem_alloc : memref<!tpu.dma_semaphore, #tpu.memory_space<semaphore_mem>>
        tpu.enqueue_dma source(%arg3 : memref<238x128xf32, #tpu.memory_space<hbm>>) target(%arg8 : memref<238x128xf32, #tpu.memory_space<vmem>>) target_semaphore(%run_scoped3A : memref<!tpu.dma_semaphore, #tpu.memory_space<semaphore_mem>>)
        tpu.wait_dma2 semaphore(%run_scoped3A : memref<!tpu.dma_semaphore, #tpu.memory_space<semaphore_mem>>) src(%arg3 : memref<238x128xf32, #tpu.memory_space<hbm>>) dst(%arg8 : memref<238x128xf32, #tpu.memory_space<vmem>>)
        tpu.yield
      }) : () -> ()
      "tpu.region"() ({
        %run_scoped3A = tpu.sem_alloc : memref<!tpu.dma_semaphore, #tpu.memory_space<semaphore_mem>>
        tpu.enqueue_dma source(%arg8 : memref<238x128xf32, #tpu.memory_space<vmem>>) target(%arg9 : memref<238x128xf32, #tpu.memory_space<vmem_shared>>) target_semaphore(%run_scoped3A : memref<!tpu.dma_semaphore, #tpu.memory_space<semaphore_mem>>)
        tpu.wait_dma2 semaphore(%run_scoped3A : memref<!tpu.dma_semaphore, #tpu.memory_space<semaphore_mem>>) src(%arg8 : memref<238x128xf32, #tpu.memory_space<vmem>>) dst(%arg9 : memref<238x128xf32, #tpu.memory_space<vmem_shared>>)
        tpu.yield
      }) : () -> ()
    } else {
    }
    "tpu.region"() ({
      %run_scoped3A = tpu.sem_alloc : memref<!tpu.dma_semaphore, #tpu.memory_space<semaphore_mem>>
      %dma_start3A_170 = arith.constant 0 : i32
      %dma_start3A_171 = arith.constant 0 : i32
      %dma_start3A_172 = tpu.memref_slice %arg2[%add3A, %dma_start3A_170, %dma_start3A_171] : memref<32x64x100xi32, #tpu.memory_space<hbm>> -> memref<1x64x100xi32, #tpu.memory_space<hbm>>
      %dma_start3A_173 = tpu.memref_squeeze %dma_start3A_172 : memref<1x64x100xi32, #tpu.memory_space<hbm>> -> memref<64x100xi32, #tpu.memory_space<hbm>>
      %dma_start3A_174 = arith.constant 0 : i32
      %dma_start3A_175 = arith.constant 0 : i32
      %dma_start3A_176 = tpu.memref_slice %arg2[%add3A, %dma_start3A_174, %dma_start3A_175] : memref<32x64x100xi32, #tpu.memory_space<hbm>> -> memref<1x64x100xi32, #tpu.memory_space<hbm>>
      %dma_start3A_177 = tpu.memref_squeeze %dma_start3A_176 : memref<1x64x100xi32, #tpu.memory_space<hbm>> -> memref<64x100xi32, #tpu.memory_space<hbm>>
      tpu.enqueue_dma source(%dma_start3A_177 : memref<64x100xi32, #tpu.memory_space<hbm>>) target(%arg6 : memref<64x100xi32, #tpu.memory_space<vmem>>) target_semaphore(%run_scoped3A : memref<!tpu.dma_semaphore, #tpu.memory_space<semaphore_mem>>)
      %dma_wait3A_178 = arith.constant 0 : i32
      %dma_wait3A_179 = arith.constant 0 : i32
      %dma_wait3A_180 = tpu.memref_slice %arg2[%add3A, %dma_wait3A_178, %dma_wait3A_179] : memref<32x64x100xi32, #tpu.memory_space<hbm>> -> memref<1x64x100xi32, #tpu.memory_space<hbm>>
      %dma_wait3A_181 = tpu.memref_squeeze %dma_wait3A_180 : memref<1x64x100xi32, #tpu.memory_space<hbm>> -> memref<64x100xi32, #tpu.memory_space<hbm>>
      %dma_wait3A_182 = arith.constant 0 : i32
      %dma_wait3A_183 = arith.constant 0 : i32
      %dma_wait3A_184 = tpu.memref_slice %arg2[%add3A, %dma_wait3A_182, %dma_wait3A_183] : memref<32x64x100xi32, #tpu.memory_space<hbm>> -> memref<1x64x100xi32, #tpu.memory_space<hbm>>
      %dma_wait3A_185 = tpu.memref_squeeze %dma_wait3A_184 : memref<1x64x100xi32, #tpu.memory_space<hbm>> -> memref<64x100xi32, #tpu.memory_space<hbm>>
      tpu.wait_dma2 semaphore(%run_scoped3A : memref<!tpu.dma_semaphore, #tpu.memory_space<semaphore_mem>>) src(%dma_wait3A_185 : memref<64x100xi32, #tpu.memory_space<hbm>>) dst(%arg6 : memref<64x100xi32, #tpu.memory_space<vmem>>)
      tpu.yield
    }) : () -> ()
    "tpu.region"() ({
      %run_scoped3A = tpu.sem_alloc : memref<!tpu.dma_semaphore, #tpu.memory_space<semaphore_mem>>
      tpu.enqueue_dma source(%arg4 : memref<1x100xi32, #tpu.memory_space<hbm>>) target(%arg7 : memref<1x100xi32, #tpu.memory_space<vmem>>) target_semaphore(%run_scoped3A : memref<!tpu.dma_semaphore, #tpu.memory_space<semaphore_mem>>)
      tpu.wait_dma2 semaphore(%run_scoped3A : memref<!tpu.dma_semaphore, #tpu.memory_space<semaphore_mem>>) src(%arg4 : memref<1x100xi32, #tpu.memory_space<hbm>>) dst(%arg7 : memref<1x100xi32, #tpu.memory_space<vmem>>)
      tpu.yield
    }) : () -> ()
    %barrier3A = arith.constant 0 : index
    tpu.barrier barrier_id(%barrier3A)
    %dma_start3A = arith.constant 0 : i32
    %dma_start3A_3 = arith.constant 0 : i32
    %dma_start3A_4 = tpu.memref_slice %arg6[%dma_start3A, %dma_start3A_3] : memref<64x100xi32, #tpu.memory_space<vmem>> -> memref<1x100xi32, #tpu.memory_space<vmem>>
    %dma_start3A_5 = tpu.memref_squeeze %dma_start3A_4 : memref<1x100xi32, #tpu.memory_space<vmem>> -> memref<100xi32, #tpu.memory_space<vmem>>
    %dma_start3A_6 = arith.constant 0 : i32
    %dma_start3A_7 = arith.constant 0 : i32
    %dma_start3A_8 = tpu.memref_slice %arg9[%dma_start3A_6, %dma_start3A_7] : memref<238x128xf32, #tpu.memory_space<vmem_shared>> -> memref<238x128xf32, #tpu.memory_space<vmem_shared>>
    tpu.enqueue_indirect_dma source(%dma_start3A_8 : memref<238x128xf32, #tpu.memory_space<vmem_shared>>) target(%arg10 : memref<100x128xf32, #tpu.memory_space<vmem>>) offsets(%dma_start3A_5 : memref<100xi32, #tpu.memory_space<vmem>>) semaphore(%arg14 : memref<!tpu.dma_semaphore, #tpu.memory_space<semaphore_mem>>)
    %dma_start3A_9 = arith.constant 1 : i32
    %dma_start3A_10 = arith.constant 0 : i32
    %dma_start3A_11 = tpu.memref_slice %arg6[%dma_start3A_9, %dma_start3A_10] : memref<64x100xi32, #tpu.memory_space<vmem>> -> memref<1x100xi32, #tpu.memory_space<vmem>>
    %dma_start3A_12 = tpu.memref_squeeze %dma_start3A_11 : memref<1x100xi32, #tpu.memory_space<vmem>> -> memref<100xi32, #tpu.memory_space<vmem>>
    %dma_start3A_13 = arith.constant 0 : i32
    %dma_start3A_14 = arith.constant 0 : i32
    %dma_start3A_15 = tpu.memref_slice %arg9[%dma_start3A_13, %dma_start3A_14] : memref<238x128xf32, #tpu.memory_space<vmem_shared>> -> memref<238x128xf32, #tpu.memory_space<vmem_shared>>
    tpu.enqueue_indirect_dma source(%dma_start3A_15 : memref<238x128xf32, #tpu.memory_space<vmem_shared>>) target(%arg11 : memref<100x128xf32, #tpu.memory_space<vmem>>) offsets(%dma_start3A_12 : memref<100xi32, #tpu.memory_space<vmem>>) semaphore(%arg15 : memref<!tpu.dma_semaphore, #tpu.memory_space<semaphore_mem>>)
    %dma_start3A_16 = arith.constant 2 : i32
    %dma_start3A_17 = arith.constant 0 : i32
    %dma_start3A_18 = tpu.memref_slice %arg6[%dma_start3A_16, %dma_start3A_17] : memref<64x100xi32, #tpu.memory_space<vmem>> -> memref<1x100xi32, #tpu.memory_space<vmem>>
    %dma_start3A_19 = tpu.memref_squeeze %dma_start3A_18 : memref<1x100xi32, #tpu.memory_space<vmem>> -> memref<100xi32, #tpu.memory_space<vmem>>
    %dma_start3A_20 = arith.constant 0 : i32
    %dma_start3A_21 = arith.constant 0 : i32
    %dma_start3A_22 = tpu.memref_slice %arg9[%dma_start3A_20, %dma_start3A_21] : memref<238x128xf32, #tpu.memory_space<vmem_shared>> -> memref<238x128xf32, #tpu.memory_space<vmem_shared>>
    tpu.enqueue_indirect_dma source(%dma_start3A_22 : memref<238x128xf32, #tpu.memory_space<vmem_shared>>) target(%arg12 : memref<100x128xf32, #tpu.memory_space<vmem>>) offsets(%dma_start3A_19 : memref<100xi32, #tpu.memory_space<vmem>>) semaphore(%arg16 : memref<!tpu.dma_semaphore, #tpu.memory_space<semaphore_mem>>)
    %dma_start3A_23 = arith.constant 3 : i32
    %dma_start3A_24 = arith.constant 0 : i32
    %dma_start3A_25 = tpu.memref_slice %arg6[%dma_start3A_23, %dma_start3A_24] : memref<64x100xi32, #tpu.memory_space<vmem>> -> memref<1x100xi32, #tpu.memory_space<vmem>>
    %dma_start3A_26 = tpu.memref_squeeze %dma_start3A_25 : memref<1x100xi32, #tpu.memory_space<vmem>> -> memref<100xi32, #tpu.memory_space<vmem>>
    %dma_start3A_27 = arith.constant 0 : i32
    %dma_start3A_28 = arith.constant 0 : i32
    %dma_start3A_29 = tpu.memref_slice %arg9[%dma_start3A_27, %dma_start3A_28] : memref<238x128xf32, #tpu.memory_space<vmem_shared>> -> memref<238x128xf32, #tpu.memory_space<vmem_shared>>
    tpu.enqueue_indirect_dma source(%dma_start3A_29 : memref<238x128xf32, #tpu.memory_space<vmem_shared>>) target(%arg13 : memref<100x128xf32, #tpu.memory_space<vmem>>) offsets(%dma_start3A_26 : memref<100xi32, #tpu.memory_space<vmem>>) semaphore(%arg17 : memref<!tpu.dma_semaphore, #tpu.memory_space<semaphore_mem>>)
    %scan3A = arith.constant 0 : i32
    %scan3A_30 = arith.constant 0 : i32
    %scan3A_31 = arith.constant 15 : i32
    %scan3A_32 = arith.addi %scan3A_30, %scan3A_31 : i32
    %scan3A_33 = arith.constant 1 : i32
    scf.for %scan3A_170 = %scan3A_30 to %scan3A_32 step %scan3A_33  : i32 {
      %mul3A_171 = arith.constant 4 : i32
      %mul3A_172 = arith.muli %mul3A_171, %scan3A_170 : i32
      %dma_wait3A_173 = arith.constant 0 : i32
      %dma_wait3A_174 = arith.constant 0 : i32
      %dma_wait3A_175 = tpu.memref_slice %arg6[%dma_wait3A_173, %dma_wait3A_174] : memref<64x100xi32, #tpu.memory_space<vmem>> -> memref<1x100xi32, #tpu.memory_space<vmem>>
      %dma_wait3A_176 = tpu.memref_squeeze %dma_wait3A_175 : memref<1x100xi32, #tpu.memory_space<vmem>> -> memref<100xi32, #tpu.memory_space<vmem>>
      %dma_wait3A_177 = arith.constant 0 : i32
      %dma_wait3A_178 = arith.constant 0 : i32
      %dma_wait3A_179 = tpu.memref_slice %arg9[%dma_wait3A_177, %dma_wait3A_178] : memref<238x128xf32, #tpu.memory_space<vmem_shared>> -> memref<238x128xf32, #tpu.memory_space<vmem_shared>>
      tpu.wait_indirect_dma semaphore(%arg14 : memref<!tpu.dma_semaphore, #tpu.memory_space<semaphore_mem>>) src(%dma_wait3A_179 : memref<238x128xf32, #tpu.memory_space<vmem_shared>>) dst(%arg10 : memref<100x128xf32, #tpu.memory_space<vmem>>)
      %add3A_180 = arith.constant 0 : i32
      %add3A_181 = arith.addi %mul3A_172, %add3A_180 : i32
      %mul3A_182 = arith.constant 64 : i32
      %mul3A_183 = arith.muli %add3A, %mul3A_182 : i32
      %add3A_184 = arith.addi %mul3A_183, %add3A_181 : i32
      %dma_start3A_185 = arith.constant 0 : i32
      %dma_start3A_186 = arith.constant 0 : i32
      %dma_start3A_187 = tpu.memref_slice %arg7[%dma_start3A_185, %dma_start3A_186] : memref<1x100xi32, #tpu.memory_space<vmem>> -> memref<1x100xi32, #tpu.memory_space<vmem>>
      %dma_start3A_188 = tpu.memref_squeeze %dma_start3A_187 : memref<1x100xi32, #tpu.memory_space<vmem>> -> memref<100xi32, #tpu.memory_space<vmem>>
      %dma_start3A_189 = arith.constant 0 : i32
      %dma_start3A_190 = arith.constant 0 : i32
      %dma_start3A_191 = tpu.memref_slice %arg5[%add3A_184, %dma_start3A_189, %dma_start3A_190] : memref<2048x104x128xf32, #tpu.memory_space<hbm>> -> memref<1x104x128xf32, #tpu.memory_space<hbm>>
      %dma_start3A_192 = tpu.memref_squeeze %dma_start3A_191 : memref<1x104x128xf32, #tpu.memory_space<hbm>> -> memref<104x128xf32, #tpu.memory_space<hbm>>
      %dma_start3A_193 = arith.constant 0 : i32
      %dma_start3A_194 = arith.constant 0 : i32
      %dma_start3A_195 = tpu.memref_slice %dma_start3A_192[%dma_start3A_193, %dma_start3A_194] : memref<104x128xf32, #tpu.memory_space<hbm>> -> memref<104x128xf32, #tpu.memory_space<hbm>>
      tpu.enqueue_indirect_dma source(%arg10 : memref<100x128xf32, #tpu.memory_space<vmem>>) target(%dma_start3A_195 : memref<104x128xf32, #tpu.memory_space<hbm>>) offsets(%dma_start3A_188 : memref<100xi32, #tpu.memory_space<vmem>>) semaphore(%arg18 : memref<!tpu.dma_semaphore, #tpu.memory_space<semaphore_mem>>)
      %dma_wait3A_196 = arith.constant 0 : i32
      %dma_wait3A_197 = arith.constant 0 : i32
      %dma_wait3A_198 = tpu.memref_slice %arg6[%dma_wait3A_196, %dma_wait3A_197] : memref<64x100xi32, #tpu.memory_space<vmem>> -> memref<1x100xi32, #tpu.memory_space<vmem>>
      %dma_wait3A_199 = tpu.memref_squeeze %dma_wait3A_198 : memref<1x100xi32, #tpu.memory_space<vmem>> -> memref<100xi32, #tpu.memory_space<vmem>>
      %dma_wait3A_200 = arith.constant 0 : i32
      %dma_wait3A_201 = arith.constant 0 : i32
      %dma_wait3A_202 = tpu.memref_slice %arg9[%dma_wait3A_200, %dma_wait3A_201] : memref<238x128xf32, #tpu.memory_space<vmem_shared>> -> memref<238x128xf32, #tpu.memory_space<vmem_shared>>
      tpu.wait_indirect_dma semaphore(%arg15 : memref<!tpu.dma_semaphore, #tpu.memory_space<semaphore_mem>>) src(%dma_wait3A_202 : memref<238x128xf32, #tpu.memory_space<vmem_shared>>) dst(%arg11 : memref<100x128xf32, #tpu.memory_space<vmem>>)
      %add3A_203 = arith.constant 1 : i32
      %add3A_204 = arith.addi %mul3A_172, %add3A_203 : i32
      %mul3A_205 = arith.constant 64 : i32
      %mul3A_206 = arith.muli %add3A, %mul3A_205 : i32
      %add3A_207 = arith.addi %mul3A_206, %add3A_204 : i32
      %dma_start3A_208 = arith.constant 0 : i32
      %dma_start3A_209 = arith.constant 0 : i32
      %dma_start3A_210 = tpu.memref_slice %arg7[%dma_start3A_208, %dma_start3A_209] : memref<1x100xi32, #tpu.memory_space<vmem>> -> memref<1x100xi32, #tpu.memory_space<vmem>>
      %dma_start3A_211 = tpu.memref_squeeze %dma_start3A_210 : memref<1x100xi32, #tpu.memory_space<vmem>> -> memref<100xi32, #tpu.memory_space<vmem>>
      %dma_start3A_212 = arith.constant 0 : i32
      %dma_start3A_213 = arith.constant 0 : i32
      %dma_start3A_214 = tpu.memref_slice %arg5[%add3A_207, %dma_start3A_212, %dma_start3A_213] : memref<2048x104x128xf32, #tpu.memory_space<hbm>> -> memref<1x104x128xf32, #tpu.memory_space<hbm>>
      %dma_start3A_215 = tpu.memref_squeeze %dma_start3A_214 : memref<1x104x128xf32, #tpu.memory_space<hbm>> -> memref<104x128xf32, #tpu.memory_space<hbm>>
      %dma_start3A_216 = arith.constant 0 : i32
      %dma_start3A_217 = arith.constant 0 : i32
      %dma_start3A_218 = tpu.memref_slice %dma_start3A_215[%dma_start3A_216, %dma_start3A_217] : memref<104x128xf32, #tpu.memory_space<hbm>> -> memref<104x128xf32, #tpu.memory_space<hbm>>
      tpu.enqueue_indirect_dma source(%arg11 : memref<100x128xf32, #tpu.memory_space<vmem>>) target(%dma_start3A_218 : memref<104x128xf32, #tpu.memory_space<hbm>>) offsets(%dma_start3A_211 : memref<100xi32, #tpu.memory_space<vmem>>) semaphore(%arg19 : memref<!tpu.dma_semaphore, #tpu.memory_space<semaphore_mem>>)
      %dma_wait3A_219 = arith.constant 0 : i32
      %dma_wait3A_220 = arith.constant 0 : i32
      %dma_wait3A_221 = tpu.memref_slice %arg6[%dma_wait3A_219, %dma_wait3A_220] : memref<64x100xi32, #tpu.memory_space<vmem>> -> memref<1x100xi32, #tpu.memory_space<vmem>>
      %dma_wait3A_222 = tpu.memref_squeeze %dma_wait3A_221 : memref<1x100xi32, #tpu.memory_space<vmem>> -> memref<100xi32, #tpu.memory_space<vmem>>
      %dma_wait3A_223 = arith.constant 0 : i32
      %dma_wait3A_224 = arith.constant 0 : i32
      %dma_wait3A_225 = tpu.memref_slice %arg9[%dma_wait3A_223, %dma_wait3A_224] : memref<238x128xf32, #tpu.memory_space<vmem_shared>> -> memref<238x128xf32, #tpu.memory_space<vmem_shared>>
      tpu.wait_indirect_dma semaphore(%arg16 : memref<!tpu.dma_semaphore, #tpu.memory_space<semaphore_mem>>) src(%dma_wait3A_225 : memref<238x128xf32, #tpu.memory_space<vmem_shared>>) dst(%arg12 : memref<100x128xf32, #tpu.memory_space<vmem>>)
      %add3A_226 = arith.constant 2 : i32
      %add3A_227 = arith.addi %mul3A_172, %add3A_226 : i32
      %mul3A_228 = arith.constant 64 : i32
      %mul3A_229 = arith.muli %add3A, %mul3A_228 : i32
      %add3A_230 = arith.addi %mul3A_229, %add3A_227 : i32
      %dma_start3A_231 = arith.constant 0 : i32
      %dma_start3A_232 = arith.constant 0 : i32
      %dma_start3A_233 = tpu.memref_slice %arg7[%dma_start3A_231, %dma_start3A_232] : memref<1x100xi32, #tpu.memory_space<vmem>> -> memref<1x100xi32, #tpu.memory_space<vmem>>
      %dma_start3A_234 = tpu.memref_squeeze %dma_start3A_233 : memref<1x100xi32, #tpu.memory_space<vmem>> -> memref<100xi32, #tpu.memory_space<vmem>>
      %dma_start3A_235 = arith.constant 0 : i32
      %dma_start3A_236 = arith.constant 0 : i32
      %dma_start3A_237 = tpu.memref_slice %arg5[%add3A_230, %dma_start3A_235, %dma_start3A_236] : memref<2048x104x128xf32, #tpu.memory_space<hbm>> -> memref<1x104x128xf32, #tpu.memory_space<hbm>>
      %dma_start3A_238 = tpu.memref_squeeze %dma_start3A_237 : memref<1x104x128xf32, #tpu.memory_space<hbm>> -> memref<104x128xf32, #tpu.memory_space<hbm>>
      %dma_start3A_239 = arith.constant 0 : i32
      %dma_start3A_240 = arith.constant 0 : i32
      %dma_start3A_241 = tpu.memref_slice %dma_start3A_238[%dma_start3A_239, %dma_start3A_240] : memref<104x128xf32, #tpu.memory_space<hbm>> -> memref<104x128xf32, #tpu.memory_space<hbm>>
      tpu.enqueue_indirect_dma source(%arg12 : memref<100x128xf32, #tpu.memory_space<vmem>>) target(%dma_start3A_241 : memref<104x128xf32, #tpu.memory_space<hbm>>) offsets(%dma_start3A_234 : memref<100xi32, #tpu.memory_space<vmem>>) semaphore(%arg20 : memref<!tpu.dma_semaphore, #tpu.memory_space<semaphore_mem>>)
      %dma_wait3A_242 = arith.constant 0 : i32
      %dma_wait3A_243 = arith.constant 0 : i32
      %dma_wait3A_244 = tpu.memref_slice %arg6[%dma_wait3A_242, %dma_wait3A_243] : memref<64x100xi32, #tpu.memory_space<vmem>> -> memref<1x100xi32, #tpu.memory_space<vmem>>
      %dma_wait3A_245 = tpu.memref_squeeze %dma_wait3A_244 : memref<1x100xi32, #tpu.memory_space<vmem>> -> memref<100xi32, #tpu.memory_space<vmem>>
      %dma_wait3A_246 = arith.constant 0 : i32
      %dma_wait3A_247 = arith.constant 0 : i32
      %dma_wait3A_248 = tpu.memref_slice %arg9[%dma_wait3A_246, %dma_wait3A_247] : memref<238x128xf32, #tpu.memory_space<vmem_shared>> -> memref<238x128xf32, #tpu.memory_space<vmem_shared>>
      tpu.wait_indirect_dma semaphore(%arg17 : memref<!tpu.dma_semaphore, #tpu.memory_space<semaphore_mem>>) src(%dma_wait3A_248 : memref<238x128xf32, #tpu.memory_space<vmem_shared>>) dst(%arg13 : memref<100x128xf32, #tpu.memory_space<vmem>>)
      %add3A_249 = arith.constant 3 : i32
      %add3A_250 = arith.addi %mul3A_172, %add3A_249 : i32
      %mul3A_251 = arith.constant 64 : i32
      %mul3A_252 = arith.muli %add3A, %mul3A_251 : i32
      %add3A_253 = arith.addi %mul3A_252, %add3A_250 : i32
      %dma_start3A_254 = arith.constant 0 : i32
      %dma_start3A_255 = arith.constant 0 : i32
      %dma_start3A_256 = tpu.memref_slice %arg7[%dma_start3A_254, %dma_start3A_255] : memref<1x100xi32, #tpu.memory_space<vmem>> -> memref<1x100xi32, #tpu.memory_space<vmem>>
      %dma_start3A_257 = tpu.memref_squeeze %dma_start3A_256 : memref<1x100xi32, #tpu.memory_space<vmem>> -> memref<100xi32, #tpu.memory_space<vmem>>
      %dma_start3A_258 = arith.constant 0 : i32
      %dma_start3A_259 = arith.constant 0 : i32
      %dma_start3A_260 = tpu.memref_slice %arg5[%add3A_253, %dma_start3A_258, %dma_start3A_259] : memref<2048x104x128xf32, #tpu.memory_space<hbm>> -> memref<1x104x128xf32, #tpu.memory_space<hbm>>
      %dma_start3A_261 = tpu.memref_squeeze %dma_start3A_260 : memref<1x104x128xf32, #tpu.memory_space<hbm>> -> memref<104x128xf32, #tpu.memory_space<hbm>>
      %dma_start3A_262 = arith.constant 0 : i32
      %dma_start3A_263 = arith.constant 0 : i32
      %dma_start3A_264 = tpu.memref_slice %dma_start3A_261[%dma_start3A_262, %dma_start3A_263] : memref<104x128xf32, #tpu.memory_space<hbm>> -> memref<104x128xf32, #tpu.memory_space<hbm>>
      tpu.enqueue_indirect_dma source(%arg13 : memref<100x128xf32, #tpu.memory_space<vmem>>) target(%dma_start3A_264 : memref<104x128xf32, #tpu.memory_space<hbm>>) offsets(%dma_start3A_257 : memref<100xi32, #tpu.memory_space<vmem>>) semaphore(%arg21 : memref<!tpu.dma_semaphore, #tpu.memory_space<semaphore_mem>>)
      %dma_wait3A_265 = arith.constant 0 : i32
      %dma_wait3A_266 = arith.constant 0 : i32
      %dma_wait3A_267 = arith.constant 0 : i32
      %dma_wait3A_268 = tpu.memref_slice %arg7[%dma_wait3A_266, %dma_wait3A_267] : memref<1x100xi32, #tpu.memory_space<vmem>> -> memref<1x100xi32, #tpu.memory_space<vmem>>
      %dma_wait3A_269 = tpu.memref_squeeze %dma_wait3A_268 : memref<1x100xi32, #tpu.memory_space<vmem>> -> memref<100xi32, #tpu.memory_space<vmem>>
      %dma_wait3A_270 = arith.constant 0 : i32
      %dma_wait3A_271 = arith.constant 0 : i32
      %dma_wait3A_272 = tpu.memref_slice %arg5[%dma_wait3A_265, %dma_wait3A_270, %dma_wait3A_271] : memref<2048x104x128xf32, #tpu.memory_space<hbm>> -> memref<1x104x128xf32, #tpu.memory_space<hbm>>
      %dma_wait3A_273 = tpu.memref_squeeze %dma_wait3A_272 : memref<1x104x128xf32, #tpu.memory_space<hbm>> -> memref<104x128xf32, #tpu.memory_space<hbm>>
      %dma_wait3A_274 = arith.constant 0 : i32
      %dma_wait3A_275 = arith.constant 0 : i32
      %dma_wait3A_276 = tpu.memref_slice %dma_wait3A_273[%dma_wait3A_274, %dma_wait3A_275] : memref<104x128xf32, #tpu.memory_space<hbm>> -> memref<104x128xf32, #tpu.memory_space<hbm>>
      tpu.wait_indirect_dma semaphore(%arg18 : memref<!tpu.dma_semaphore, #tpu.memory_space<semaphore_mem>>) src(%arg10 : memref<100x128xf32, #tpu.memory_space<vmem>>) dst(%dma_wait3A_276 : memref<104x128xf32, #tpu.memory_space<hbm>>)
      %add3A_277 = arith.constant 4 : i32
      %add3A_278 = arith.addi %mul3A_172, %add3A_277 : i32
      %add3A_279 = arith.constant 0 : i32
      %add3A_280 = arith.addi %add3A_278, %add3A_279 : i32
      %dma_start3A_281 = arith.constant 0 : i32
      %dma_start3A_282 = tpu.memref_slice %arg6[%add3A_280, %dma_start3A_281] : memref<64x100xi32, #tpu.memory_space<vmem>> -> memref<1x100xi32, #tpu.memory_space<vmem>>
      %dma_start3A_283 = tpu.memref_squeeze %dma_start3A_282 : memref<1x100xi32, #tpu.memory_space<vmem>> -> memref<100xi32, #tpu.memory_space<vmem>>
      %dma_start3A_284 = arith.constant 0 : i32
      %dma_start3A_285 = arith.constant 0 : i32
      %dma_start3A_286 = tpu.memref_slice %arg9[%dma_start3A_284, %dma_start3A_285] : memref<238x128xf32, #tpu.memory_space<vmem_shared>> -> memref<238x128xf32, #tpu.memory_space<vmem_shared>>
      tpu.enqueue_indirect_dma source(%dma_start3A_286 : memref<238x128xf32, #tpu.memory_space<vmem_shared>>) target(%arg10 : memref<100x128xf32, #tpu.memory_space<vmem>>) offsets(%dma_start3A_283 : memref<100xi32, #tpu.memory_space<vmem>>) semaphore(%arg14 : memref<!tpu.dma_semaphore, #tpu.memory_space<semaphore_mem>>)
      %dma_wait3A_287 = arith.constant 0 : i32
      %dma_wait3A_288 = arith.constant 0 : i32
      %dma_wait3A_289 = arith.constant 0 : i32
      %dma_wait3A_290 = tpu.memref_slice %arg7[%dma_wait3A_288, %dma_wait3A_289] : memref<1x100xi32, #tpu.memory_space<vmem>> -> memref<1x100xi32, #tpu.memory_space<vmem>>
      %dma_wait3A_291 = tpu.memref_squeeze %dma_wait3A_290 : memref<1x100xi32, #tpu.memory_space<vmem>> -> memref<100xi32, #tpu.memory_space<vmem>>
      %dma_wait3A_292 = arith.constant 0 : i32
      %dma_wait3A_293 = arith.constant 0 : i32
      %dma_wait3A_294 = tpu.memref_slice %arg5[%dma_wait3A_287, %dma_wait3A_292, %dma_wait3A_293] : memref<2048x104x128xf32, #tpu.memory_space<hbm>> -> memref<1x104x128xf32, #tpu.memory_space<hbm>>
      %dma_wait3A_295 = tpu.memref_squeeze %dma_wait3A_294 : memref<1x104x128xf32, #tpu.memory_space<hbm>> -> memref<104x128xf32, #tpu.memory_space<hbm>>
      %dma_wait3A_296 = arith.constant 0 : i32
      %dma_wait3A_297 = arith.constant 0 : i32
      %dma_wait3A_298 = tpu.memref_slice %dma_wait3A_295[%dma_wait3A_296, %dma_wait3A_297] : memref<104x128xf32, #tpu.memory_space<hbm>> -> memref<104x128xf32, #tpu.memory_space<hbm>>
      tpu.wait_indirect_dma semaphore(%arg19 : memref<!tpu.dma_semaphore, #tpu.memory_space<semaphore_mem>>) src(%arg11 : memref<100x128xf32, #tpu.memory_space<vmem>>) dst(%dma_wait3A_298 : memref<104x128xf32, #tpu.memory_space<hbm>>)
      %add3A_299 = arith.constant 4 : i32
      %add3A_300 = arith.addi %mul3A_172, %add3A_299 : i32
      %add3A_301 = arith.constant 1 : i32
      %add3A_302 = arith.addi %add3A_300, %add3A_301 : i32
      %dma_start3A_303 = arith.constant 0 : i32
      %dma_start3A_304 = tpu.memref_slice %arg6[%add3A_302, %dma_start3A_303] : memref<64x100xi32, #tpu.memory_space<vmem>> -> memref<1x100xi32, #tpu.memory_space<vmem>>
      %dma_start3A_305 = tpu.memref_squeeze %dma_start3A_304 : memref<1x100xi32, #tpu.memory_space<vmem>> -> memref<100xi32, #tpu.memory_space<vmem>>
      %dma_start3A_306 = arith.constant 0 : i32
      %dma_start3A_307 = arith.constant 0 : i32
      %dma_start3A_308 = tpu.memref_slice %arg9[%dma_start3A_306, %dma_start3A_307] : memref<238x128xf32, #tpu.memory_space<vmem_shared>> -> memref<238x128xf32, #tpu.memory_space<vmem_shared>>
      tpu.enqueue_indirect_dma source(%dma_start3A_308 : memref<238x128xf32, #tpu.memory_space<vmem_shared>>) target(%arg11 : memref<100x128xf32, #tpu.memory_space<vmem>>) offsets(%dma_start3A_305 : memref<100xi32, #tpu.memory_space<vmem>>) semaphore(%arg15 : memref<!tpu.dma_semaphore, #tpu.memory_space<semaphore_mem>>)
      %dma_wait3A_309 = arith.constant 0 : i32
      %dma_wait3A_310 = arith.constant 0 : i32
      %dma_wait3A_311 = arith.constant 0 : i32
      %dma_wait3A_312 = tpu.memref_slice %arg7[%dma_wait3A_310, %dma_wait3A_311] : memref<1x100xi32, #tpu.memory_space<vmem>> -> memref<1x100xi32, #tpu.memory_space<vmem>>
      %dma_wait3A_313 = tpu.memref_squeeze %dma_wait3A_312 : memref<1x100xi32, #tpu.memory_space<vmem>> -> memref<100xi32, #tpu.memory_space<vmem>>
      %dma_wait3A_314 = arith.constant 0 : i32
      %dma_wait3A_315 = arith.constant 0 : i32
      %dma_wait3A_316 = tpu.memref_slice %arg5[%dma_wait3A_309, %dma_wait3A_314, %dma_wait3A_315] : memref<2048x104x128xf32, #tpu.memory_space<hbm>> -> memref<1x104x128xf32, #tpu.memory_space<hbm>>
      %dma_wait3A_317 = tpu.memref_squeeze %dma_wait3A_316 : memref<1x104x128xf32, #tpu.memory_space<hbm>> -> memref<104x128xf32, #tpu.memory_space<hbm>>
      %dma_wait3A_318 = arith.constant 0 : i32
      %dma_wait3A_319 = arith.constant 0 : i32
      %dma_wait3A_320 = tpu.memref_slice %dma_wait3A_317[%dma_wait3A_318, %dma_wait3A_319] : memref<104x128xf32, #tpu.memory_space<hbm>> -> memref<104x128xf32, #tpu.memory_space<hbm>>
      tpu.wait_indirect_dma semaphore(%arg20 : memref<!tpu.dma_semaphore, #tpu.memory_space<semaphore_mem>>) src(%arg12 : memref<100x128xf32, #tpu.memory_space<vmem>>) dst(%dma_wait3A_320 : memref<104x128xf32, #tpu.memory_space<hbm>>)
      %add3A_321 = arith.constant 4 : i32
      %add3A_322 = arith.addi %mul3A_172, %add3A_321 : i32
      %add3A_323 = arith.constant 2 : i32
      %add3A_324 = arith.addi %add3A_322, %add3A_323 : i32
      %dma_start3A_325 = arith.constant 0 : i32
      %dma_start3A_326 = tpu.memref_slice %arg6[%add3A_324, %dma_start3A_325] : memref<64x100xi32, #tpu.memory_space<vmem>> -> memref<1x100xi32, #tpu.memory_space<vmem>>
      %dma_start3A_327 = tpu.memref_squeeze %dma_start3A_326 : memref<1x100xi32, #tpu.memory_space<vmem>> -> memref<100xi32, #tpu.memory_space<vmem>>
      %dma_start3A_328 = arith.constant 0 : i32
      %dma_start3A_329 = arith.constant 0 : i32
      %dma_start3A_330 = tpu.memref_slice %arg9[%dma_start3A_328, %dma_start3A_329] : memref<238x128xf32, #tpu.memory_space<vmem_shared>> -> memref<238x128xf32, #tpu.memory_space<vmem_shared>>
      tpu.enqueue_indirect_dma source(%dma_start3A_330 : memref<238x128xf32, #tpu.memory_space<vmem_shared>>) target(%arg12 : memref<100x128xf32, #tpu.memory_space<vmem>>) offsets(%dma_start3A_327 : memref<100xi32, #tpu.memory_space<vmem>>) semaphore(%arg16 : memref<!tpu.dma_semaphore, #tpu.memory_space<semaphore_mem>>)
      %dma_wait3A_331 = arith.constant 0 : i32
      %dma_wait3A_332 = arith.constant 0 : i32
      %dma_wait3A_333 = arith.constant 0 : i32
      %dma_wait3A_334 = tpu.memref_slice %arg7[%dma_wait3A_332, %dma_wait3A_333] : memref<1x100xi32, #tpu.memory_space<vmem>> -> memref<1x100xi32, #tpu.memory_space<vmem>>
      %dma_wait3A_335 = tpu.memref_squeeze %dma_wait3A_334 : memref<1x100xi32, #tpu.memory_space<vmem>> -> memref<100xi32, #tpu.memory_space<vmem>>
      %dma_wait3A_336 = arith.constant 0 : i32
      %dma_wait3A_337 = arith.constant 0 : i32
      %dma_wait3A_338 = tpu.memref_slice %arg5[%dma_wait3A_331, %dma_wait3A_336, %dma_wait3A_337] : memref<2048x104x128xf32, #tpu.memory_space<hbm>> -> memref<1x104x128xf32, #tpu.memory_space<hbm>>
      %dma_wait3A_339 = tpu.memref_squeeze %dma_wait3A_338 : memref<1x104x128xf32, #tpu.memory_space<hbm>> -> memref<104x128xf32, #tpu.memory_space<hbm>>
      %dma_wait3A_340 = arith.constant 0 : i32
      %dma_wait3A_341 = arith.constant 0 : i32
      %dma_wait3A_342 = tpu.memref_slice %dma_wait3A_339[%dma_wait3A_340, %dma_wait3A_341] : memref<104x128xf32, #tpu.memory_space<hbm>> -> memref<104x128xf32, #tpu.memory_space<hbm>>
      tpu.wait_indirect_dma semaphore(%arg21 : memref<!tpu.dma_semaphore, #tpu.memory_space<semaphore_mem>>) src(%arg13 : memref<100x128xf32, #tpu.memory_space<vmem>>) dst(%dma_wait3A_342 : memref<104x128xf32, #tpu.memory_space<hbm>>)
      %add3A_343 = arith.constant 4 : i32
      %add3A_344 = arith.addi %mul3A_172, %add3A_343 : i32
      %add3A_345 = arith.constant 3 : i32
      %add3A_346 = arith.addi %add3A_344, %add3A_345 : i32
      %dma_start3A_347 = arith.constant 0 : i32
      %dma_start3A_348 = tpu.memref_slice %arg6[%add3A_346, %dma_start3A_347] : memref<64x100xi32, #tpu.memory_space<vmem>> -> memref<1x100xi32, #tpu.memory_space<vmem>>
      %dma_start3A_349 = tpu.memref_squeeze %dma_start3A_348 : memref<1x100xi32, #tpu.memory_space<vmem>> -> memref<100xi32, #tpu.memory_space<vmem>>
      %dma_start3A_350 = arith.constant 0 : i32
      %dma_start3A_351 = arith.constant 0 : i32
      %dma_start3A_352 = tpu.memref_slice %arg9[%dma_start3A_350, %dma_start3A_351] : memref<238x128xf32, #tpu.memory_space<vmem_shared>> -> memref<238x128xf32, #tpu.memory_space<vmem_shared>>
      tpu.enqueue_indirect_dma source(%dma_start3A_352 : memref<238x128xf32, #tpu.memory_space<vmem_shared>>) target(%arg13 : memref<100x128xf32, #tpu.memory_space<vmem>>) offsets(%dma_start3A_349 : memref<100xi32, #tpu.memory_space<vmem>>) semaphore(%arg17 : memref<!tpu.dma_semaphore, #tpu.memory_space<semaphore_mem>>)
    }
    %scan3A_34 = arith.constant 15 : i32
    %dma_wait3A = arith.constant 0 : i32
    %dma_wait3A_35 = arith.constant 0 : i32
    %dma_wait3A_36 = tpu.memref_slice %arg6[%dma_wait3A, %dma_wait3A_35] : memref<64x100xi32, #tpu.memory_space<vmem>> -> memref<1x100xi32, #tpu.memory_space<vmem>>
    %dma_wait3A_37 = tpu.memref_squeeze %dma_wait3A_36 : memref<1x100xi32, #tpu.memory_space<vmem>> -> memref<100xi32, #tpu.memory_space<vmem>>
    %dma_wait3A_38 = arith.constant 0 : i32
    %dma_wait3A_39 = arith.constant 0 : i32
    %dma_wait3A_40 = tpu.memref_slice %arg9[%dma_wait3A_38, %dma_wait3A_39] : memref<238x128xf32, #tpu.memory_space<vmem_shared>> -> memref<238x128xf32, #tpu.memory_space<vmem_shared>>
    tpu.wait_indirect_dma semaphore(%arg14 : memref<!tpu.dma_semaphore, #tpu.memory_space<semaphore_mem>>) src(%dma_wait3A_40 : memref<238x128xf32, #tpu.memory_space<vmem_shared>>) dst(%arg10 : memref<100x128xf32, #tpu.memory_space<vmem>>)
    %mul3A_41 = arith.constant 64 : i32
    %mul3A_42 = arith.muli %add3A, %mul3A_41 : i32
    %add3A_43 = arith.constant 60 : i32
    %add3A_44 = arith.addi %mul3A_42, %add3A_43 : i32
    %dma_start3A_45 = arith.constant 0 : i32
    %dma_start3A_46 = arith.constant 0 : i32
    %dma_start3A_47 = tpu.memref_slice %arg7[%dma_start3A_45, %dma_start3A_46] : memref<1x100xi32, #tpu.memory_space<vmem>> -> memref<1x100xi32, #tpu.memory_space<vmem>>
    %dma_start3A_48 = tpu.memref_squeeze %dma_start3A_47 : memref<1x100xi32, #tpu.memory_space<vmem>> -> memref<100xi32, #tpu.memory_space<vmem>>
    %dma_start3A_49 = arith.constant 0 : i32
    %dma_start3A_50 = arith.constant 0 : i32
    %dma_start3A_51 = tpu.memref_slice %arg5[%add3A_44, %dma_start3A_49, %dma_start3A_50] : memref<2048x104x128xf32, #tpu.memory_space<hbm>> -> memref<1x104x128xf32, #tpu.memory_space<hbm>>
    %dma_start3A_52 = tpu.memref_squeeze %dma_start3A_51 : memref<1x104x128xf32, #tpu.memory_space<hbm>> -> memref<104x128xf32, #tpu.memory_space<hbm>>
    %dma_start3A_53 = arith.constant 0 : i32
    %dma_start3A_54 = arith.constant 0 : i32
    %dma_start3A_55 = tpu.memref_slice %dma_start3A_52[%dma_start3A_53, %dma_start3A_54] : memref<104x128xf32, #tpu.memory_space<hbm>> -> memref<104x128xf32, #tpu.memory_space<hbm>>
    tpu.enqueue_indirect_dma source(%arg10 : memref<100x128xf32, #tpu.memory_space<vmem>>) target(%dma_start3A_55 : memref<104x128xf32, #tpu.memory_space<hbm>>) offsets(%dma_start3A_48 : memref<100xi32, #tpu.memory_space<vmem>>) semaphore(%arg18 : memref<!tpu.dma_semaphore, #tpu.memory_space<semaphore_mem>>)
    %dma_wait3A_56 = arith.constant 0 : i32
    %dma_wait3A_57 = arith.constant 0 : i32
    %dma_wait3A_58 = tpu.memref_slice %arg6[%dma_wait3A_56, %dma_wait3A_57] : memref<64x100xi32, #tpu.memory_space<vmem>> -> memref<1x100xi32, #tpu.memory_space<vmem>>
    %dma_wait3A_59 = tpu.memref_squeeze %dma_wait3A_58 : memref<1x100xi32, #tpu.memory_space<vmem>> -> memref<100xi32, #tpu.memory_space<vmem>>
    %dma_wait3A_60 = arith.constant 0 : i32
    %dma_wait3A_61 = arith.constant 0 : i32
    %dma_wait3A_62 = tpu.memref_slice %arg9[%dma_wait3A_60, %dma_wait3A_61] : memref<238x128xf32, #tpu.memory_space<vmem_shared>> -> memref<238x128xf32, #tpu.memory_space<vmem_shared>>
    tpu.wait_indirect_dma semaphore(%arg15 : memref<!tpu.dma_semaphore, #tpu.memory_space<semaphore_mem>>) src(%dma_wait3A_62 : memref<238x128xf32, #tpu.memory_space<vmem_shared>>) dst(%arg11 : memref<100x128xf32, #tpu.memory_space<vmem>>)
    %mul3A_63 = arith.constant 64 : i32
    %mul3A_64 = arith.muli %add3A, %mul3A_63 : i32
    %add3A_65 = arith.constant 61 : i32
    %add3A_66 = arith.addi %mul3A_64, %add3A_65 : i32
    %dma_start3A_67 = arith.constant 0 : i32
    %dma_start3A_68 = arith.constant 0 : i32
    %dma_start3A_69 = tpu.memref_slice %arg7[%dma_start3A_67, %dma_start3A_68] : memref<1x100xi32, #tpu.memory_space<vmem>> -> memref<1x100xi32, #tpu.memory_space<vmem>>
    %dma_start3A_70 = tpu.memref_squeeze %dma_start3A_69 : memref<1x100xi32, #tpu.memory_space<vmem>> -> memref<100xi32, #tpu.memory_space<vmem>>
    %dma_start3A_71 = arith.constant 0 : i32
    %dma_start3A_72 = arith.constant 0 : i32
    %dma_start3A_73 = tpu.memref_slice %arg5[%add3A_66, %dma_start3A_71, %dma_start3A_72] : memref<2048x104x128xf32, #tpu.memory_space<hbm>> -> memref<1x104x128xf32, #tpu.memory_space<hbm>>
    %dma_start3A_74 = tpu.memref_squeeze %dma_start3A_73 : memref<1x104x128xf32, #tpu.memory_space<hbm>> -> memref<104x128xf32, #tpu.memory_space<hbm>>
    %dma_start3A_75 = arith.constant 0 : i32
    %dma_start3A_76 = arith.constant 0 : i32
    %dma_start3A_77 = tpu.memref_slice %dma_start3A_74[%dma_start3A_75, %dma_start3A_76] : memref<104x128xf32, #tpu.memory_space<hbm>> -> memref<104x128xf32, #tpu.memory_space<hbm>>
    tpu.enqueue_indirect_dma source(%arg11 : memref<100x128xf32, #tpu.memory_space<vmem>>) target(%dma_start3A_77 : memref<104x128xf32, #tpu.memory_space<hbm>>) offsets(%dma_start3A_70 : memref<100xi32, #tpu.memory_space<vmem>>) semaphore(%arg19 : memref<!tpu.dma_semaphore, #tpu.memory_space<semaphore_mem>>)
    %dma_wait3A_78 = arith.constant 0 : i32
    %dma_wait3A_79 = arith.constant 0 : i32
    %dma_wait3A_80 = tpu.memref_slice %arg6[%dma_wait3A_78, %dma_wait3A_79] : memref<64x100xi32, #tpu.memory_space<vmem>> -> memref<1x100xi32, #tpu.memory_space<vmem>>
    %dma_wait3A_81 = tpu.memref_squeeze %dma_wait3A_80 : memref<1x100xi32, #tpu.memory_space<vmem>> -> memref<100xi32, #tpu.memory_space<vmem>>
    %dma_wait3A_82 = arith.constant 0 : i32
    %dma_wait3A_83 = arith.constant 0 : i32
    %dma_wait3A_84 = tpu.memref_slice %arg9[%dma_wait3A_82, %dma_wait3A_83] : memref<238x128xf32, #tpu.memory_space<vmem_shared>> -> memref<238x128xf32, #tpu.memory_space<vmem_shared>>
    tpu.wait_indirect_dma semaphore(%arg16 : memref<!tpu.dma_semaphore, #tpu.memory_space<semaphore_mem>>) src(%dma_wait3A_84 : memref<238x128xf32, #tpu.memory_space<vmem_shared>>) dst(%arg12 : memref<100x128xf32, #tpu.memory_space<vmem>>)
    %mul3A_85 = arith.constant 64 : i32
    %mul3A_86 = arith.muli %add3A, %mul3A_85 : i32
    %add3A_87 = arith.constant 62 : i32
    %add3A_88 = arith.addi %mul3A_86, %add3A_87 : i32
    %dma_start3A_89 = arith.constant 0 : i32
    %dma_start3A_90 = arith.constant 0 : i32
    %dma_start3A_91 = tpu.memref_slice %arg7[%dma_start3A_89, %dma_start3A_90] : memref<1x100xi32, #tpu.memory_space<vmem>> -> memref<1x100xi32, #tpu.memory_space<vmem>>
    %dma_start3A_92 = tpu.memref_squeeze %dma_start3A_91 : memref<1x100xi32, #tpu.memory_space<vmem>> -> memref<100xi32, #tpu.memory_space<vmem>>
    %dma_start3A_93 = arith.constant 0 : i32
    %dma_start3A_94 = arith.constant 0 : i32
    %dma_start3A_95 = tpu.memref_slice %arg5[%add3A_88, %dma_start3A_93, %dma_start3A_94] : memref<2048x104x128xf32, #tpu.memory_space<hbm>> -> memref<1x104x128xf32, #tpu.memory_space<hbm>>
    %dma_start3A_96 = tpu.memref_squeeze %dma_start3A_95 : memref<1x104x128xf32, #tpu.memory_space<hbm>> -> memref<104x128xf32, #tpu.memory_space<hbm>>
    %dma_start3A_97 = arith.constant 0 : i32
    %dma_start3A_98 = arith.constant 0 : i32
    %dma_start3A_99 = tpu.memref_slice %dma_start3A_96[%dma_start3A_97, %dma_start3A_98] : memref<104x128xf32, #tpu.memory_space<hbm>> -> memref<104x128xf32, #tpu.memory_space<hbm>>
    tpu.enqueue_indirect_dma source(%arg12 : memref<100x128xf32, #tpu.memory_space<vmem>>) target(%dma_start3A_99 : memref<104x128xf32, #tpu.memory_space<hbm>>) offsets(%dma_start3A_92 : memref<100xi32, #tpu.memory_space<vmem>>) semaphore(%arg20 : memref<!tpu.dma_semaphore, #tpu.memory_space<semaphore_mem>>)
    %dma_wait3A_100 = arith.constant 0 : i32
    %dma_wait3A_101 = arith.constant 0 : i32
    %dma_wait3A_102 = tpu.memref_slice %arg6[%dma_wait3A_100, %dma_wait3A_101] : memref<64x100xi32, #tpu.memory_space<vmem>> -> memref<1x100xi32, #tpu.memory_space<vmem>>
    %dma_wait3A_103 = tpu.memref_squeeze %dma_wait3A_102 : memref<1x100xi32, #tpu.memory_space<vmem>> -> memref<100xi32, #tpu.memory_space<vmem>>
    %dma_wait3A_104 = arith.constant 0 : i32
    %dma_wait3A_105 = arith.constant 0 : i32
    %dma_wait3A_106 = tpu.memref_slice %arg9[%dma_wait3A_104, %dma_wait3A_105] : memref<238x128xf32, #tpu.memory_space<vmem_shared>> -> memref<238x128xf32, #tpu.memory_space<vmem_shared>>
    tpu.wait_indirect_dma semaphore(%arg17 : memref<!tpu.dma_semaphore, #tpu.memory_space<semaphore_mem>>) src(%dma_wait3A_106 : memref<238x128xf32, #tpu.memory_space<vmem_shared>>) dst(%arg13 : memref<100x128xf32, #tpu.memory_space<vmem>>)
    %mul3A_107 = arith.constant 64 : i32
    %mul3A_108 = arith.muli %add3A, %mul3A_107 : i32
    %add3A_109 = arith.constant 63 : i32
    %add3A_110 = arith.addi %mul3A_108, %add3A_109 : i32
    %dma_start3A_111 = arith.constant 0 : i32
    %dma_start3A_112 = arith.constant 0 : i32
    %dma_start3A_113 = tpu.memref_slice %arg7[%dma_start3A_111, %dma_start3A_112] : memref<1x100xi32, #tpu.memory_space<vmem>> -> memref<1x100xi32, #tpu.memory_space<vmem>>
    %dma_start3A_114 = tpu.memref_squeeze %dma_start3A_113 : memref<1x100xi32, #tpu.memory_space<vmem>> -> memref<100xi32, #tpu.memory_space<vmem>>
    %dma_start3A_115 = arith.constant 0 : i32
    %dma_start3A_116 = arith.constant 0 : i32
    %dma_start3A_117 = tpu.memref_slice %arg5[%add3A_110, %dma_start3A_115, %dma_start3A_116] : memref<2048x104x128xf32, #tpu.memory_space<hbm>> -> memref<1x104x128xf32, #tpu.memory_space<hbm>>
    %dma_start3A_118 = tpu.memref_squeeze %dma_start3A_117 : memref<1x104x128xf32, #tpu.memory_space<hbm>> -> memref<104x128xf32, #tpu.memory_space<hbm>>
    %dma_start3A_119 = arith.constant 0 : i32
    %dma_start3A_120 = arith.constant 0 : i32
    %dma_start3A_121 = tpu.memref_slice %dma_start3A_118[%dma_start3A_119, %dma_start3A_120] : memref<104x128xf32, #tpu.memory_space<hbm>> -> memref<104x128xf32, #tpu.memory_space<hbm>>
    tpu.enqueue_indirect_dma source(%arg13 : memref<100x128xf32, #tpu.memory_space<vmem>>) target(%dma_start3A_121 : memref<104x128xf32, #tpu.memory_space<hbm>>) offsets(%dma_start3A_114 : memref<100xi32, #tpu.memory_space<vmem>>) semaphore(%arg21 : memref<!tpu.dma_semaphore, #tpu.memory_space<semaphore_mem>>)
    %dma_wait3A_122 = arith.constant 0 : i32
    %dma_wait3A_123 = arith.constant 0 : i32
    %dma_wait3A_124 = arith.constant 0 : i32
    %dma_wait3A_125 = tpu.memref_slice %arg7[%dma_wait3A_123, %dma_wait3A_124] : memref<1x100xi32, #tpu.memory_space<vmem>> -> memref<1x100xi32, #tpu.memory_space<vmem>>
    %dma_wait3A_126 = tpu.memref_squeeze %dma_wait3A_125 : memref<1x100xi32, #tpu.memory_space<vmem>> -> memref<100xi32, #tpu.memory_space<vmem>>
    %dma_wait3A_127 = arith.constant 0 : i32
    %dma_wait3A_128 = arith.constant 0 : i32
    %dma_wait3A_129 = tpu.memref_slice %arg5[%dma_wait3A_122, %dma_wait3A_127, %dma_wait3A_128] : memref<2048x104x128xf32, #tpu.memory_space<hbm>> -> memref<1x104x128xf32, #tpu.memory_space<hbm>>
    %dma_wait3A_130 = tpu.memref_squeeze %dma_wait3A_129 : memref<1x104x128xf32, #tpu.memory_space<hbm>> -> memref<104x128xf32, #tpu.memory_space<hbm>>
    %dma_wait3A_131 = arith.constant 0 : i32
    %dma_wait3A_132 = arith.constant 0 : i32
    %dma_wait3A_133 = tpu.memref_slice %dma_wait3A_130[%dma_wait3A_131, %dma_wait3A_132] : memref<104x128xf32, #tpu.memory_space<hbm>> -> memref<104x128xf32, #tpu.memory_space<hbm>>
    tpu.wait_indirect_dma semaphore(%arg18 : memref<!tpu.dma_semaphore, #tpu.memory_space<semaphore_mem>>) src(%arg10 : memref<100x128xf32, #tpu.memory_space<vmem>>) dst(%dma_wait3A_133 : memref<104x128xf32, #tpu.memory_space<hbm>>)
    %dma_wait3A_134 = arith.constant 0 : i32
    %dma_wait3A_135 = arith.constant 0 : i32
    %dma_wait3A_136 = arith.constant 0 : i32
    %dma_wait3A_137 = tpu.memref_slice %arg7[%dma_wait3A_135, %dma_wait3A_136] : memref<1x100xi32, #tpu.memory_space<vmem>> -> memref<1x100xi32, #tpu.memory_space<vmem>>
    %dma_wait3A_138 = tpu.memref_squeeze %dma_wait3A_137 : memref<1x100xi32, #tpu.memory_space<vmem>> -> memref<100xi32, #tpu.memory_space<vmem>>
    %dma_wait3A_139 = arith.constant 0 : i32
    %dma_wait3A_140 = arith.constant 0 : i32
    %dma_wait3A_141 = tpu.memref_slice %arg5[%dma_wait3A_134, %dma_wait3A_139, %dma_wait3A_140] : memref<2048x104x128xf32, #tpu.memory_space<hbm>> -> memref<1x104x128xf32, #tpu.memory_space<hbm>>
    %dma_wait3A_142 = tpu.memref_squeeze %dma_wait3A_141 : memref<1x104x128xf32, #tpu.memory_space<hbm>> -> memref<104x128xf32, #tpu.memory_space<hbm>>
    %dma_wait3A_143 = arith.constant 0 : i32
    %dma_wait3A_144 = arith.constant 0 : i32
    %dma_wait3A_145 = tpu.memref_slice %dma_wait3A_142[%dma_wait3A_143, %dma_wait3A_144] : memref<104x128xf32, #tpu.memory_space<hbm>> -> memref<104x128xf32, #tpu.memory_space<hbm>>
    tpu.wait_indirect_dma semaphore(%arg19 : memref<!tpu.dma_semaphore, #tpu.memory_space<semaphore_mem>>) src(%arg11 : memref<100x128xf32, #tpu.memory_space<vmem>>) dst(%dma_wait3A_145 : memref<104x128xf32, #tpu.memory_space<hbm>>)
    %dma_wait3A_146 = arith.constant 0 : i32
    %dma_wait3A_147 = arith.constant 0 : i32
    %dma_wait3A_148 = arith.constant 0 : i32
    %dma_wait3A_149 = tpu.memref_slice %arg7[%dma_wait3A_147, %dma_wait3A_148] : memref<1x100xi32, #tpu.memory_space<vmem>> -> memref<1x100xi32, #tpu.memory_space<vmem>>
    %dma_wait3A_150 = tpu.memref_squeeze %dma_wait3A_149 : memref<1x100xi32, #tpu.memory_space<vmem>> -> memref<100xi32, #tpu.memory_space<vmem>>
    %dma_wait3A_151 = arith.constant 0 : i32
    %dma_wait3A_152 = arith.constant 0 : i32
    %dma_wait3A_153 = tpu.memref_slice %arg5[%dma_wait3A_146, %dma_wait3A_151, %dma_wait3A_152] : memref<2048x104x128xf32, #tpu.memory_space<hbm>> -> memref<1x104x128xf32, #tpu.memory_space<hbm>>
    %dma_wait3A_154 = tpu.memref_squeeze %dma_wait3A_153 : memref<1x104x128xf32, #tpu.memory_space<hbm>> -> memref<104x128xf32, #tpu.memory_space<hbm>>
    %dma_wait3A_155 = arith.constant 0 : i32
    %dma_wait3A_156 = arith.constant 0 : i32
    %dma_wait3A_157 = tpu.memref_slice %dma_wait3A_154[%dma_wait3A_155, %dma_wait3A_156] : memref<104x128xf32, #tpu.memory_space<hbm>> -> memref<104x128xf32, #tpu.memory_space<hbm>>
    tpu.wait_indirect_dma semaphore(%arg20 : memref<!tpu.dma_semaphore, #tpu.memory_space<semaphore_mem>>) src(%arg12 : memref<100x128xf32, #tpu.memory_space<vmem>>) dst(%dma_wait3A_157 : memref<104x128xf32, #tpu.memory_space<hbm>>)
    %dma_wait3A_158 = arith.constant 0 : i32
    %dma_wait3A_159 = arith.constant 0 : i32
    %dma_wait3A_160 = arith.constant 0 : i32
    %dma_wait3A_161 = tpu.memref_slice %arg7[%dma_wait3A_159, %dma_wait3A_160] : memref<1x100xi32, #tpu.memory_space<vmem>> -> memref<1x100xi32, #tpu.memory_space<vmem>>
    %dma_wait3A_162 = tpu.memref_squeeze %dma_wait3A_161 : memref<1x100xi32, #tpu.memory_space<vmem>> -> memref<100xi32, #tpu.memory_space<vmem>>
    %dma_wait3A_163 = arith.constant 0 : i32
    %dma_wait3A_164 = arith.constant 0 : i32
    %dma_wait3A_165 = tpu.memref_slice %arg5[%dma_wait3A_158, %dma_wait3A_163, %dma_wait3A_164] : memref<2048x104x128xf32, #tpu.memory_space<hbm>> -> memref<1x104x128xf32, #tpu.memory_space<hbm>>
    %dma_wait3A_166 = tpu.memref_squeeze %dma_wait3A_165 : memref<1x104x128xf32, #tpu.memory_space<hbm>> -> memref<104x128xf32, #tpu.memory_space<hbm>>
    %dma_wait3A_167 = arith.constant 0 : i32
    %dma_wait3A_168 = arith.constant 0 : i32
    %dma_wait3A_169 = tpu.memref_slice %dma_wait3A_166[%dma_wait3A_167, %dma_wait3A_168] : memref<104x128xf32, #tpu.memory_space<hbm>> -> memref<104x128xf32, #tpu.memory_space<hbm>>
    tpu.wait_indirect_dma semaphore(%arg21 : memref<!tpu.dma_semaphore, #tpu.memory_space<semaphore_mem>>) src(%arg13 : memref<100x128xf32, #tpu.memory_space<vmem>>) dst(%dma_wait3A_169 : memref<104x128xf32, #tpu.memory_space<hbm>>)
    return
  }
}

#map = affine_map<(d0, d1) -> (0, 0, 0)>
#map1 = affine_map<(d0, d1) -> (0, 0)>
module attributes {stable_mosaic.version = 14 : i64} {
  func.func @_body(%arg0: i32, %arg1: i32, %arg2: memref<32x64x100xi32, #tpu.memory_space<hbm>>, %arg3: memref<238x128xf32, #tpu.memory_space<hbm>>, %arg4: memref<1x100xi32, #tpu.memory_space<hbm>>, %arg5: memref<2048x104x128xf32, #tpu.memory_space<hbm>>, %arg6: memref<64x100xi32, #tpu.memory_space<vmem>>, %arg7: memref<1x100xi32, #tpu.memory_space<vmem>>, %arg8: memref<238x128xf32, #tpu.memory_space<vmem>>, %arg9: memref<238x128xf32, #tpu.memory_space<vmem_shared>>, %arg10: memref<100x128xf32, #tpu.memory_space<vmem>>, %arg11: memref<100x128xf32, #tpu.memory_space<vmem>>, %arg12: memref<100x128xf32, #tpu.memory_space<vmem>>, %arg13: memref<100x128xf32, #tpu.memory_space<vmem>>, %arg14: memref<!tpu.dma_semaphore, #tpu.memory_space<semaphore_mem>>, %arg15: memref<!tpu.dma_semaphore, #tpu.memory_space<semaphore_mem>>, %arg16: memref<!tpu.dma_semaphore, #tpu.memory_space<semaphore_mem>>, %arg17: memref<!tpu.dma_semaphore, #tpu.memory_space<semaphore_mem>>, %arg18: memref<!tpu.dma_semaphore, #tpu.memory_space<semaphore_mem>>, %arg19: memref<!tpu.dma_semaphore, #tpu.memory_space<semaphore_mem>>, %arg20: memref<!tpu.dma_semaphore, #tpu.memory_space<semaphore_mem>>, %arg21: memref<!tpu.dma_semaphore, #tpu.memory_space<semaphore_mem>>) attributes {dimension_semantics = [#tpu.dimension_semantics<core_parallel>, #tpu.dimension_semantics<subcore_parallel>], iteration_bounds = array<i64: 2, 16>, scalar_prefetch = 0 : i64, scratch_operands = 16 : i64, tpu.core_type = #tpu.core_type<sc_vector_subcore>, window_params = [{transform_indices = #map}, {transform_indices = #map1}, {transform_indices = #map1}, {transform_indices = #map}]} {
    %mul3A = arith.constant 2 : i32
    %mul3A_0 = arith.muli %arg1, %mul3A : i32
    %add3A = arith.addi %mul3A_0, %arg0 : i32
    %eq3A = arith.constant 0 : i32
    %eq3A_1 = arith.cmpi eq, %arg1, %eq3A : i32
    %convert_element_type3A = arith.extui %eq3A_1 : i1 to i32
    %cond3A = arith.constant 0 : i32
    %cond3A_2 = arith.cmpi ne, %convert_element_type3A, %cond3A : i32
    scf.if %cond3A_2 {
      "tpu.region"() ({
        %run_scoped3A = tpu.sem_alloc : memref<!tpu.dma_semaphore, #tpu.memory_space<semaphore_mem>>
        tpu.enqueue_dma source(%arg3 : memref<238x128xf32, #tpu.memory_space<hbm>>) target(%arg8 : memref<238x128xf32, #tpu.memory_space<vmem>>) target_semaphore(%run_scoped3A : memref<!tpu.dma_semaphore, #tpu.memory_space<semaphore_mem>>)
        tpu.wait_dma2 semaphore(%run_scoped3A : memref<!tpu.dma_semaphore, #tpu.memory_space<semaphore_mem>>) src(%arg3 : memref<238x128xf32, #tpu.memory_space<hbm>>) dst(%arg8 : memref<238x128xf32, #tpu.memory_space<vmem>>)
        tpu.yield
      }) : () -> ()
      "tpu.region"() ({
        %run_scoped3A = tpu.sem_alloc : memref<!tpu.dma_semaphore, #tpu.memory_space<semaphore_mem>>
        tpu.enqueue_dma source(%arg8 : memref<238x128xf32, #tpu.memory_space<vmem>>) target(%arg9 : memref<238x128xf32, #tpu.memory_space<vmem_shared>>) target_semaphore(%run_scoped3A : memref<!tpu.dma_semaphore, #tpu.memory_space<semaphore_mem>>)
        tpu.wait_dma2 semaphore(%run_scoped3A : memref<!tpu.dma_semaphore, #tpu.memory_space<semaphore_mem>>) src(%arg8 : memref<238x128xf32, #tpu.memory_space<vmem>>) dst(%arg9 : memref<238x128xf32, #tpu.memory_space<vmem_shared>>)
        tpu.yield
      }) : () -> ()
    } else {
    }
    "tpu.region"() ({
      %run_scoped3A = tpu.sem_alloc : memref<!tpu.dma_semaphore, #tpu.memory_space<semaphore_mem>>
      %dma_start3A_170 = arith.constant 0 : i32
      %dma_start3A_171 = arith.constant 0 : i32
      %dma_start3A_172 = tpu.memref_slice %arg2[%add3A, %dma_start3A_170, %dma_start3A_171] : memref<32x64x100xi32, #tpu.memory_space<hbm>> -> memref<1x64x100xi32, #tpu.memory_space<hbm>>
      %dma_start3A_173 = tpu.memref_squeeze %dma_start3A_172 : memref<1x64x100xi32, #tpu.memory_space<hbm>> -> memref<64x100xi32, #tpu.memory_space<hbm>>
      %dma_start3A_174 = arith.constant 0 : i32
      %dma_start3A_175 = arith.constant 0 : i32
      %dma_start3A_176 = tpu.memref_slice %arg2[%add3A, %dma_start3A_174, %dma_start3A_175] : memref<32x64x100xi32, #tpu.memory_space<hbm>> -> memref<1x64x100xi32, #tpu.memory_space<hbm>>
      %dma_start3A_177 = tpu.memref_squeeze %dma_start3A_176 : memref<1x64x100xi32, #tpu.memory_space<hbm>> -> memref<64x100xi32, #tpu.memory_space<hbm>>
      tpu.enqueue_dma source(%dma_start3A_177 : memref<64x100xi32, #tpu.memory_space<hbm>>) target(%arg6 : memref<64x100xi32, #tpu.memory_space<vmem>>) target_semaphore(%run_scoped3A : memref<!tpu.dma_semaphore, #tpu.memory_space<semaphore_mem>>)
      %dma_wait3A_178 = arith.constant 0 : i32
      %dma_wait3A_179 = arith.constant 0 : i32
      %dma_wait3A_180 = tpu.memref_slice %arg2[%add3A, %dma_wait3A_178, %dma_wait3A_179] : memref<32x64x100xi32, #tpu.memory_space<hbm>> -> memref<1x64x100xi32, #tpu.memory_space<hbm>>
      %dma_wait3A_181 = tpu.memref_squeeze %dma_wait3A_180 : memref<1x64x100xi32, #tpu.memory_space<hbm>> -> memref<64x100xi32, #tpu.memory_space<hbm>>
      %dma_wait3A_182 = arith.constant 0 : i32
      %dma_wait3A_183 = arith.constant 0 : i32
      %dma_wait3A_184 = tpu.memref_slice %arg2[%add3A, %dma_wait3A_182, %dma_wait3A_183] : memref<32x64x100xi32, #tpu.memory_space<hbm>> -> memref<1x64x100xi32, #tpu.memory_space<hbm>>
      %dma_wait3A_185 = tpu.memref_squeeze %dma_wait3A_184 : memref<1x64x100xi32, #tpu.memory_space<hbm>> -> memref<64x100xi32, #tpu.memory_space<hbm>>
      tpu.wait_dma2 semaphore(%run_scoped3A : memref<!tpu.dma_semaphore, #tpu.memory_space<semaphore_mem>>) src(%dma_wait3A_185 : memref<64x100xi32, #tpu.memory_space<hbm>>) dst(%arg6 : memref<64x100xi32, #tpu.memory_space<vmem>>)
      tpu.yield
    }) : () -> ()
    "tpu.region"() ({
      %run_scoped3A = tpu.sem_alloc : memref<!tpu.dma_semaphore, #tpu.memory_space<semaphore_mem>>
      tpu.enqueue_dma source(%arg4 : memref<1x100xi32, #tpu.memory_space<hbm>>) target(%arg7 : memref<1x100xi32, #tpu.memory_space<vmem>>) target_semaphore(%run_scoped3A : memref<!tpu.dma_semaphore, #tpu.memory_space<semaphore_mem>>)
      tpu.wait_dma2 semaphore(%run_scoped3A : memref<!tpu.dma_semaphore, #tpu.memory_space<semaphore_mem>>) src(%arg4 : memref<1x100xi32, #tpu.memory_space<hbm>>) dst(%arg7 : memref<1x100xi32, #tpu.memory_space<vmem>>)
      tpu.yield
    }) : () -> ()
    %barrier3A = arith.constant 0 : index
    tpu.barrier barrier_id(%barrier3A)
    %dma_start3A = arith.constant 0 : i32
    %dma_start3A_3 = arith.constant 0 : i32
    %dma_start3A_4 = tpu.memref_slice %arg6[%dma_start3A, %dma_start3A_3] : memref<64x100xi32, #tpu.memory_space<vmem>> -> memref<1x100xi32, #tpu.memory_space<vmem>>
    %dma_start3A_5 = tpu.memref_squeeze %dma_start3A_4 : memref<1x100xi32, #tpu.memory_space<vmem>> -> memref<100xi32, #tpu.memory_space<vmem>>
    %dma_start3A_6 = arith.constant 0 : i32
    %dma_start3A_7 = arith.constant 0 : i32
    %dma_start3A_8 = tpu.memref_slice %arg9[%dma_start3A_6, %dma_start3A_7] : memref<238x128xf32, #tpu.memory_space<vmem_shared>> -> memref<238x128xf32, #tpu.memory_space<vmem_shared>>
    tpu.enqueue_indirect_dma source(%dma_start3A_8 : memref<238x128xf32, #tpu.memory_space<vmem_shared>>) target(%arg10 : memref<100x128xf32, #tpu.memory_space<vmem>>) offsets(%dma_start3A_5 : memref<100xi32, #tpu.memory_space<vmem>>) semaphore(%arg14 : memref<!tpu.dma_semaphore, #tpu.memory_space<semaphore_mem>>)
    %dma_start3A_9 = arith.constant 1 : i32
    %dma_start3A_10 = arith.constant 0 : i32
    %dma_start3A_11 = tpu.memref_slice %arg6[%dma_start3A_9, %dma_start3A_10] : memref<64x100xi32, #tpu.memory_space<vmem>> -> memref<1x100xi32, #tpu.memory_space<vmem>>
    %dma_start3A_12 = tpu.memref_squeeze %dma_start3A_11 : memref<1x100xi32, #tpu.memory_space<vmem>> -> memref<100xi32, #tpu.memory_space<vmem>>
    %dma_start3A_13 = arith.constant 0 : i32
    %dma_start3A_14 = arith.constant 0 : i32
    %dma_start3A_15 = tpu.memref_slice %arg9[%dma_start3A_13, %dma_start3A_14] : memref<238x128xf32, #tpu.memory_space<vmem_shared>> -> memref<238x128xf32, #tpu.memory_space<vmem_shared>>
    tpu.enqueue_indirect_dma source(%dma_start3A_15 : memref<238x128xf32, #tpu.memory_space<vmem_shared>>) target(%arg11 : memref<100x128xf32, #tpu.memory_space<vmem>>) offsets(%dma_start3A_12 : memref<100xi32, #tpu.memory_space<vmem>>) semaphore(%arg15 : memref<!tpu.dma_semaphore, #tpu.memory_space<semaphore_mem>>)
    %dma_start3A_16 = arith.constant 2 : i32
    %dma_start3A_17 = arith.constant 0 : i32
    %dma_start3A_18 = tpu.memref_slice %arg6[%dma_start3A_16, %dma_start3A_17] : memref<64x100xi32, #tpu.memory_space<vmem>> -> memref<1x100xi32, #tpu.memory_space<vmem>>
    %dma_start3A_19 = tpu.memref_squeeze %dma_start3A_18 : memref<1x100xi32, #tpu.memory_space<vmem>> -> memref<100xi32, #tpu.memory_space<vmem>>
    %dma_start3A_20 = arith.constant 0 : i32
    %dma_start3A_21 = arith.constant 0 : i32
    %dma_start3A_22 = tpu.memref_slice %arg9[%dma_start3A_20, %dma_start3A_21] : memref<238x128xf32, #tpu.memory_space<vmem_shared>> -> memref<238x128xf32, #tpu.memory_space<vmem_shared>>
    tpu.enqueue_indirect_dma source(%dma_start3A_22 : memref<238x128xf32, #tpu.memory_space<vmem_shared>>) target(%arg12 : memref<100x128xf32, #tpu.memory_space<vmem>>) offsets(%dma_start3A_19 : memref<100xi32, #tpu.memory_space<vmem>>) semaphore(%arg16 : memref<!tpu.dma_semaphore, #tpu.memory_space<semaphore_mem>>)
    %dma_start3A_23 = arith.constant 3 : i32
    %dma_start3A_24 = arith.constant 0 : i32
    %dma_start3A_25 = tpu.memref_slice %arg6[%dma_start3A_23, %dma_start3A_24] : memref<64x100xi32, #tpu.memory_space<vmem>> -> memref<1x100xi32, #tpu.memory_space<vmem>>
    %dma_start3A_26 = tpu.memref_squeeze %dma_start3A_25 : memref<1x100xi32, #tpu.memory_space<vmem>> -> memref<100xi32, #tpu.memory_space<vmem>>
    %dma_start3A_27 = arith.constant 0 : i32
    %dma_start3A_28 = arith.constant 0 : i32
    %dma_start3A_29 = tpu.memref_slice %arg9[%dma_start3A_27, %dma_start3A_28] : memref<238x128xf32, #tpu.memory_space<vmem_shared>> -> memref<238x128xf32, #tpu.memory_space<vmem_shared>>
    tpu.enqueue_indirect_dma source(%dma_start3A_29 : memref<238x128xf32, #tpu.memory_space<vmem_shared>>) target(%arg13 : memref<100x128xf32, #tpu.memory_space<vmem>>) offsets(%dma_start3A_26 : memref<100xi32, #tpu.memory_space<vmem>>) semaphore(%arg17 : memref<!tpu.dma_semaphore, #tpu.memory_space<semaphore_mem>>)
    %scan3A = arith.constant 0 : i32
    %scan3A_30 = arith.constant 0 : i32
    %scan3A_31 = arith.constant 15 : i32
    %scan3A_32 = arith.addi %scan3A_30, %scan3A_31 : i32
    %scan3A_33 = arith.constant 1 : i32
    scf.for %scan3A_170 = %scan3A_30 to %scan3A_32 step %scan3A_33  : i32 {
      %mul3A_171 = arith.constant 4 : i32
      %mul3A_172 = arith.muli %mul3A_171, %scan3A_170 : i32
      %dma_wait3A_173 = arith.constant 0 : i32
      %dma_wait3A_174 = arith.constant 0 : i32
      %dma_wait3A_175 = tpu.memref_slice %arg6[%dma_wait3A_173, %dma_wait3A_174] : memref<64x100xi32, #tpu.memory_space<vmem>> -> memref<1x100xi32, #tpu.memory_space<vmem>>
      %dma_wait3A_176 = tpu.memref_squeeze %dma_wait3A_175 : memref<1x100xi32, #tpu.memory_space<vmem>> -> memref<100xi32, #tpu.memory_space<vmem>>
      %dma_wait3A_177 = arith.constant 0 : i32
      %dma_wait3A_178 = arith.constant 0 : i32
      %dma_wait3A_179 = tpu.memref_slice %arg9[%dma_wait3A_177, %dma_wait3A_178] : memref<238x128xf32, #tpu.memory_space<vmem_shared>> -> memref<238x128xf32, #tpu.memory_space<vmem_shared>>
      tpu.wait_indirect_dma semaphore(%arg14 : memref<!tpu.dma_semaphore, #tpu.memory_space<semaphore_mem>>) src(%dma_wait3A_179 : memref<238x128xf32, #tpu.memory_space<vmem_shared>>) dst(%arg10 : memref<100x128xf32, #tpu.memory_space<vmem>>)
      %add3A_180 = arith.constant 0 : i32
      %add3A_181 = arith.addi %mul3A_172, %add3A_180 : i32
      %mul3A_182 = arith.constant 64 : i32
      %mul3A_183 = arith.muli %add3A, %mul3A_182 : i32
      %add3A_184 = arith.addi %mul3A_183, %add3A_181 : i32
      %dma_start3A_185 = arith.constant 0 : i32
      %dma_start3A_186 = arith.constant 0 : i32
      %dma_start3A_187 = tpu.memref_slice %arg7[%dma_start3A_185, %dma_start3A_186] : memref<1x100xi32, #tpu.memory_space<vmem>> -> memref<1x100xi32, #tpu.memory_space<vmem>>
      %dma_start3A_188 = tpu.memref_squeeze %dma_start3A_187 : memref<1x100xi32, #tpu.memory_space<vmem>> -> memref<100xi32, #tpu.memory_space<vmem>>
      %dma_start3A_189 = arith.constant 0 : i32
      %dma_start3A_190 = arith.constant 0 : i32
      %dma_start3A_191 = tpu.memref_slice %arg5[%add3A_184, %dma_start3A_189, %dma_start3A_190] : memref<2048x104x128xf32, #tpu.memory_space<hbm>> -> memref<1x104x128xf32, #tpu.memory_space<hbm>>
      %dma_start3A_192 = tpu.memref_squeeze %dma_start3A_191 : memref<1x104x128xf32, #tpu.memory_space<hbm>> -> memref<104x128xf32, #tpu.memory_space<hbm>>
      %dma_start3A_193 = arith.constant 0 : i32
      %dma_start3A_194 = arith.constant 0 : i32
      %dma_start3A_195 = tpu.memref_slice %dma_start3A_192[%dma_start3A_193, %dma_start3A_194] : memref<104x128xf32, #tpu.memory_space<hbm>> -> memref<104x128xf32, #tpu.memory_space<hbm>>
      tpu.enqueue_indirect_dma source(%arg10 : memref<100x128xf32, #tpu.memory_space<vmem>>) target(%dma_start3A_195 : memref<104x128xf32, #tpu.memory_space<hbm>>) offsets(%dma_start3A_188 : memref<100xi32, #tpu.memory_space<vmem>>) semaphore(%arg18 : memref<!tpu.dma_semaphore, #tpu.memory_space<semaphore_mem>>)
      %dma_wait3A_196 = arith.constant 0 : i32
      %dma_wait3A_197 = arith.constant 0 : i32
      %dma_wait3A_198 = tpu.memref_slice %arg6[%dma_wait3A_196, %dma_wait3A_197] : memref<64x100xi32, #tpu.memory_space<vmem>> -> memref<1x100xi32, #tpu.memory_space<vmem>>
      %dma_wait3A_199 = tpu.memref_squeeze %dma_wait3A_198 : memref<1x100xi32, #tpu.memory_space<vmem>> -> memref<100xi32, #tpu.memory_space<vmem>>
      %dma_wait3A_200 = arith.constant 0 : i32
      %dma_wait3A_201 = arith.constant 0 : i32
      %dma_wait3A_202 = tpu.memref_slice %arg9[%dma_wait3A_200, %dma_wait3A_201] : memref<238x128xf32, #tpu.memory_space<vmem_shared>> -> memref<238x128xf32, #tpu.memory_space<vmem_shared>>
      tpu.wait_indirect_dma semaphore(%arg15 : memref<!tpu.dma_semaphore, #tpu.memory_space<semaphore_mem>>) src(%dma_wait3A_202 : memref<238x128xf32, #tpu.memory_space<vmem_shared>>) dst(%arg11 : memref<100x128xf32, #tpu.memory_space<vmem>>)
      %add3A_203 = arith.constant 1 : i32
      %add3A_204 = arith.addi %mul3A_172, %add3A_203 : i32
      %mul3A_205 = arith.constant 64 : i32
      %mul3A_206 = arith.muli %add3A, %mul3A_205 : i32
      %add3A_207 = arith.addi %mul3A_206, %add3A_204 : i32
      %dma_start3A_208 = arith.constant 0 : i32
      %dma_start3A_209 = arith.constant 0 : i32
      %dma_start3A_210 = tpu.memref_slice %arg7[%dma_start3A_208, %dma_start3A_209] : memref<1x100xi32, #tpu.memory_space<vmem>> -> memref<1x100xi32, #tpu.memory_space<vmem>>
      %dma_start3A_211 = tpu.memref_squeeze %dma_start3A_210 : memref<1x100xi32, #tpu.memory_space<vmem>> -> memref<100xi32, #tpu.memory_space<vmem>>
      %dma_start3A_212 = arith.constant 0 : i32
      %dma_start3A_213 = arith.constant 0 : i32
      %dma_start3A_214 = tpu.memref_slice %arg5[%add3A_207, %dma_start3A_212, %dma_start3A_213] : memref<2048x104x128xf32, #tpu.memory_space<hbm>> -> memref<1x104x128xf32, #tpu.memory_space<hbm>>
      %dma_start3A_215 = tpu.memref_squeeze %dma_start3A_214 : memref<1x104x128xf32, #tpu.memory_space<hbm>> -> memref<104x128xf32, #tpu.memory_space<hbm>>
      %dma_start3A_216 = arith.constant 0 : i32
      %dma_start3A_217 = arith.constant 0 : i32
      %dma_start3A_218 = tpu.memref_slice %dma_start3A_215[%dma_start3A_216, %dma_start3A_217] : memref<104x128xf32, #tpu.memory_space<hbm>> -> memref<104x128xf32, #tpu.memory_space<hbm>>
      tpu.enqueue_indirect_dma source(%arg11 : memref<100x128xf32, #tpu.memory_space<vmem>>) target(%dma_start3A_218 : memref<104x128xf32, #tpu.memory_space<hbm>>) offsets(%dma_start3A_211 : memref<100xi32, #tpu.memory_space<vmem>>) semaphore(%arg19 : memref<!tpu.dma_semaphore, #tpu.memory_space<semaphore_mem>>)
      %dma_wait3A_219 = arith.constant 0 : i32
      %dma_wait3A_220 = arith.constant 0 : i32
      %dma_wait3A_221 = tpu.memref_slice %arg6[%dma_wait3A_219, %dma_wait3A_220] : memref<64x100xi32, #tpu.memory_space<vmem>> -> memref<1x100xi32, #tpu.memory_space<vmem>>
      %dma_wait3A_222 = tpu.memref_squeeze %dma_wait3A_221 : memref<1x100xi32, #tpu.memory_space<vmem>> -> memref<100xi32, #tpu.memory_space<vmem>>
      %dma_wait3A_223 = arith.constant 0 : i32
      %dma_wait3A_224 = arith.constant 0 : i32
      %dma_wait3A_225 = tpu.memref_slice %arg9[%dma_wait3A_223, %dma_wait3A_224] : memref<238x128xf32, #tpu.memory_space<vmem_shared>> -> memref<238x128xf32, #tpu.memory_space<vmem_shared>>
      tpu.wait_indirect_dma semaphore(%arg16 : memref<!tpu.dma_semaphore, #tpu.memory_space<semaphore_mem>>) src(%dma_wait3A_225 : memref<238x128xf32, #tpu.memory_space<vmem_shared>>) dst(%arg12 : memref<100x128xf32, #tpu.memory_space<vmem>>)
      %add3A_226 = arith.constant 2 : i32
      %add3A_227 = arith.addi %mul3A_172, %add3A_226 : i32
      %mul3A_228 = arith.constant 64 : i32
      %mul3A_229 = arith.muli %add3A, %mul3A_228 : i32
      %add3A_230 = arith.addi %mul3A_229, %add3A_227 : i32
      %dma_start3A_231 = arith.constant 0 : i32
      %dma_start3A_232 = arith.constant 0 : i32
      %dma_start3A_233 = tpu.memref_slice %arg7[%dma_start3A_231, %dma_start3A_232] : memref<1x100xi32, #tpu.memory_space<vmem>> -> memref<1x100xi32, #tpu.memory_space<vmem>>
      %dma_start3A_234 = tpu.memref_squeeze %dma_start3A_233 : memref<1x100xi32, #tpu.memory_space<vmem>> -> memref<100xi32, #tpu.memory_space<vmem>>
      %dma_start3A_235 = arith.constant 0 : i32
      %dma_start3A_236 = arith.constant 0 : i32
      %dma_start3A_237 = tpu.memref_slice %arg5[%add3A_230, %dma_start3A_235, %dma_start3A_236] : memref<2048x104x128xf32, #tpu.memory_space<hbm>> -> memref<1x104x128xf32, #tpu.memory_space<hbm>>
      %dma_start3A_238 = tpu.memref_squeeze %dma_start3A_237 : memref<1x104x128xf32, #tpu.memory_space<hbm>> -> memref<104x128xf32, #tpu.memory_space<hbm>>
      %dma_start3A_239 = arith.constant 0 : i32
      %dma_start3A_240 = arith.constant 0 : i32
      %dma_start3A_241 = tpu.memref_slice %dma_start3A_238[%dma_start3A_239, %dma_start3A_240] : memref<104x128xf32, #tpu.memory_space<hbm>> -> memref<104x128xf32, #tpu.memory_space<hbm>>
      tpu.enqueue_indirect_dma source(%arg12 : memref<100x128xf32, #tpu.memory_space<vmem>>) target(%dma_start3A_241 : memref<104x128xf32, #tpu.memory_space<hbm>>) offsets(%dma_start3A_234 : memref<100xi32, #tpu.memory_space<vmem>>) semaphore(%arg20 : memref<!tpu.dma_semaphore, #tpu.memory_space<semaphore_mem>>)
      %dma_wait3A_242 = arith.constant 0 : i32
      %dma_wait3A_243 = arith.constant 0 : i32
      %dma_wait3A_244 = tpu.memref_slice %arg6[%dma_wait3A_242, %dma_wait3A_243] : memref<64x100xi32, #tpu.memory_space<vmem>> -> memref<1x100xi32, #tpu.memory_space<vmem>>
      %dma_wait3A_245 = tpu.memref_squeeze %dma_wait3A_244 : memref<1x100xi32, #tpu.memory_space<vmem>> -> memref<100xi32, #tpu.memory_space<vmem>>
      %dma_wait3A_246 = arith.constant 0 : i32
      %dma_wait3A_247 = arith.constant 0 : i32
      %dma_wait3A_248 = tpu.memref_slice %arg9[%dma_wait3A_246, %dma_wait3A_247] : memref<238x128xf32, #tpu.memory_space<vmem_shared>> -> memref<238x128xf32, #tpu.memory_space<vmem_shared>>
      tpu.wait_indirect_dma semaphore(%arg17 : memref<!tpu.dma_semaphore, #tpu.memory_space<semaphore_mem>>) src(%dma_wait3A_248 : memref<238x128xf32, #tpu.memory_space<vmem_shared>>) dst(%arg13 : memref<100x128xf32, #tpu.memory_space<vmem>>)
      %add3A_249 = arith.constant 3 : i32
      %add3A_250 = arith.addi %mul3A_172, %add3A_249 : i32
      %mul3A_251 = arith.constant 64 : i32
      %mul3A_252 = arith.muli %add3A, %mul3A_251 : i32
      %add3A_253 = arith.addi %mul3A_252, %add3A_250 : i32
      %dma_start3A_254 = arith.constant 0 : i32
      %dma_start3A_255 = arith.constant 0 : i32
      %dma_start3A_256 = tpu.memref_slice %arg7[%dma_start3A_254, %dma_start3A_255] : memref<1x100xi32, #tpu.memory_space<vmem>> -> memref<1x100xi32, #tpu.memory_space<vmem>>
      %dma_start3A_257 = tpu.memref_squeeze %dma_start3A_256 : memref<1x100xi32, #tpu.memory_space<vmem>> -> memref<100xi32, #tpu.memory_space<vmem>>
      %dma_start3A_258 = arith.constant 0 : i32
      %dma_start3A_259 = arith.constant 0 : i32
      %dma_start3A_260 = tpu.memref_slice %arg5[%add3A_253, %dma_start3A_258, %dma_start3A_259] : memref<2048x104x128xf32, #tpu.memory_space<hbm>> -> memref<1x104x128xf32, #tpu.memory_space<hbm>>
      %dma_start3A_261 = tpu.memref_squeeze %dma_start3A_260 : memref<1x104x128xf32, #tpu.memory_space<hbm>> -> memref<104x128xf32, #tpu.memory_space<hbm>>
      %dma_start3A_262 = arith.constant 0 : i32
      %dma_start3A_263 = arith.constant 0 : i32
      %dma_start3A_264 = tpu.memref_slice %dma_start3A_261[%dma_start3A_262, %dma_start3A_263] : memref<104x128xf32, #tpu.memory_space<hbm>> -> memref<104x128xf32, #tpu.memory_space<hbm>>
      tpu.enqueue_indirect_dma source(%arg13 : memref<100x128xf32, #tpu.memory_space<vmem>>) target(%dma_start3A_264 : memref<104x128xf32, #tpu.memory_space<hbm>>) offsets(%dma_start3A_257 : memref<100xi32, #tpu.memory_space<vmem>>) semaphore(%arg21 : memref<!tpu.dma_semaphore, #tpu.memory_space<semaphore_mem>>)
      %dma_wait3A_265 = arith.constant 0 : i32
      %dma_wait3A_266 = arith.constant 0 : i32
      %dma_wait3A_267 = arith.constant 0 : i32
      %dma_wait3A_268 = tpu.memref_slice %arg7[%dma_wait3A_266, %dma_wait3A_267] : memref<1x100xi32, #tpu.memory_space<vmem>> -> memref<1x100xi32, #tpu.memory_space<vmem>>
      %dma_wait3A_269 = tpu.memref_squeeze %dma_wait3A_268 : memref<1x100xi32, #tpu.memory_space<vmem>> -> memref<100xi32, #tpu.memory_space<vmem>>
      %dma_wait3A_270 = arith.constant 0 : i32
      %dma_wait3A_271 = arith.constant 0 : i32
      %dma_wait3A_272 = tpu.memref_slice %arg5[%dma_wait3A_265, %dma_wait3A_270, %dma_wait3A_271] : memref<2048x104x128xf32, #tpu.memory_space<hbm>> -> memref<1x104x128xf32, #tpu.memory_space<hbm>>
      %dma_wait3A_273 = tpu.memref_squeeze %dma_wait3A_272 : memref<1x104x128xf32, #tpu.memory_space<hbm>> -> memref<104x128xf32, #tpu.memory_space<hbm>>
      %dma_wait3A_274 = arith.constant 0 : i32
      %dma_wait3A_275 = arith.constant 0 : i32
      %dma_wait3A_276 = tpu.memref_slice %dma_wait3A_273[%dma_wait3A_274, %dma_wait3A_275] : memref<104x128xf32, #tpu.memory_space<hbm>> -> memref<104x128xf32, #tpu.memory_space<hbm>>
      tpu.wait_indirect_dma semaphore(%arg18 : memref<!tpu.dma_semaphore, #tpu.memory_space<semaphore_mem>>) src(%arg10 : memref<100x128xf32, #tpu.memory_space<vmem>>) dst(%dma_wait3A_276 : memref<104x128xf32, #tpu.memory_space<hbm>>)
      %add3A_277 = arith.constant 4 : i32
      %add3A_278 = arith.addi %mul3A_172, %add3A_277 : i32
      %add3A_279 = arith.constant 0 : i32
      %add3A_280 = arith.addi %add3A_278, %add3A_279 : i32
      %dma_start3A_281 = arith.constant 0 : i32
      %dma_start3A_282 = tpu.memref_slice %arg6[%add3A_280, %dma_start3A_281] : memref<64x100xi32, #tpu.memory_space<vmem>> -> memref<1x100xi32, #tpu.memory_space<vmem>>
      %dma_start3A_283 = tpu.memref_squeeze %dma_start3A_282 : memref<1x100xi32, #tpu.memory_space<vmem>> -> memref<100xi32, #tpu.memory_space<vmem>>
      %dma_start3A_284 = arith.constant 0 : i32
      %dma_start3A_285 = arith.constant 0 : i32
      %dma_start3A_286 = tpu.memref_slice %arg9[%dma_start3A_284, %dma_start3A_285] : memref<238x128xf32, #tpu.memory_space<vmem_shared>> -> memref<238x128xf32, #tpu.memory_space<vmem_shared>>
      tpu.enqueue_indirect_dma source(%dma_start3A_286 : memref<238x128xf32, #tpu.memory_space<vmem_shared>>) target(%arg10 : memref<100x128xf32, #tpu.memory_space<vmem>>) offsets(%dma_start3A_283 : memref<100xi32, #tpu.memory_space<vmem>>) semaphore(%arg14 : memref<!tpu.dma_semaphore, #tpu.memory_space<semaphore_mem>>)
      %dma_wait3A_287 = arith.constant 0 : i32
      %dma_wait3A_288 = arith.constant 0 : i32
      %dma_wait3A_289 = arith.constant 0 : i32
      %dma_wait3A_290 = tpu.memref_slice %arg7[%dma_wait3A_288, %dma_wait3A_289] : memref<1x100xi32, #tpu.memory_space<vmem>> -> memref<1x100xi32, #tpu.memory_space<vmem>>
      %dma_wait3A_291 = tpu.memref_squeeze %dma_wait3A_290 : memref<1x100xi32, #tpu.memory_space<vmem>> -> memref<100xi32, #tpu.memory_space<vmem>>
      %dma_wait3A_292 = arith.constant 0 : i32
      %dma_wait3A_293 = arith.constant 0 : i32
      %dma_wait3A_294 = tpu.memref_slice %arg5[%dma_wait3A_287, %dma_wait3A_292, %dma_wait3A_293] : memref<2048x104x128xf32, #tpu.memory_space<hbm>> -> memref<1x104x128xf32, #tpu.memory_space<hbm>>
      %dma_wait3A_295 = tpu.memref_squeeze %dma_wait3A_294 : memref<1x104x128xf32, #tpu.memory_space<hbm>> -> memref<104x128xf32, #tpu.memory_space<hbm>>
      %dma_wait3A_296 = arith.constant 0 : i32
      %dma_wait3A_297 = arith.constant 0 : i32
      %dma_wait3A_298 = tpu.memref_slice %dma_wait3A_295[%dma_wait3A_296, %dma_wait3A_297] : memref<104x128xf32, #tpu.memory_space<hbm>> -> memref<104x128xf32, #tpu.memory_space<hbm>>
      tpu.wait_indirect_dma semaphore(%arg19 : memref<!tpu.dma_semaphore, #tpu.memory_space<semaphore_mem>>) src(%arg11 : memref<100x128xf32, #tpu.memory_space<vmem>>) dst(%dma_wait3A_298 : memref<104x128xf32, #tpu.memory_space<hbm>>)
      %add3A_299 = arith.constant 4 : i32
      %add3A_300 = arith.addi %mul3A_172, %add3A_299 : i32
      %add3A_301 = arith.constant 1 : i32
      %add3A_302 = arith.addi %add3A_300, %add3A_301 : i32
      %dma_start3A_303 = arith.constant 0 : i32
      %dma_start3A_304 = tpu.memref_slice %arg6[%add3A_302, %dma_start3A_303] : memref<64x100xi32, #tpu.memory_space<vmem>> -> memref<1x100xi32, #tpu.memory_space<vmem>>
      %dma_start3A_305 = tpu.memref_squeeze %dma_start3A_304 : memref<1x100xi32, #tpu.memory_space<vmem>> -> memref<100xi32, #tpu.memory_space<vmem>>
      %dma_start3A_306 = arith.constant 0 : i32
      %dma_start3A_307 = arith.constant 0 : i32
      %dma_start3A_308 = tpu.memref_slice %arg9[%dma_start3A_306, %dma_start3A_307] : memref<238x128xf32, #tpu.memory_space<vmem_shared>> -> memref<238x128xf32, #tpu.memory_space<vmem_shared>>
      tpu.enqueue_indirect_dma source(%dma_start3A_308 : memref<238x128xf32, #tpu.memory_space<vmem_shared>>) target(%arg11 : memref<100x128xf32, #tpu.memory_space<vmem>>) offsets(%dma_start3A_305 : memref<100xi32, #tpu.memory_space<vmem>>) semaphore(%arg15 : memref<!tpu.dma_semaphore, #tpu.memory_space<semaphore_mem>>)
      %dma_wait3A_309 = arith.constant 0 : i32
      %dma_wait3A_310 = arith.constant 0 : i32
      %dma_wait3A_311 = arith.constant 0 : i32
      %dma_wait3A_312 = tpu.memref_slice %arg7[%dma_wait3A_310, %dma_wait3A_311] : memref<1x100xi32, #tpu.memory_space<vmem>> -> memref<1x100xi32, #tpu.memory_space<vmem>>
      %dma_wait3A_313 = tpu.memref_squeeze %dma_wait3A_312 : memref<1x100xi32, #tpu.memory_space<vmem>> -> memref<100xi32, #tpu.memory_space<vmem>>
      %dma_wait3A_314 = arith.constant 0 : i32
      %dma_wait3A_315 = arith.constant 0 : i32
      %dma_wait3A_316 = tpu.memref_slice %arg5[%dma_wait3A_309, %dma_wait3A_314, %dma_wait3A_315] : memref<2048x104x128xf32, #tpu.memory_space<hbm>> -> memref<1x104x128xf32, #tpu.memory_space<hbm>>
      %dma_wait3A_317 = tpu.memref_squeeze %dma_wait3A_316 : memref<1x104x128xf32, #tpu.memory_space<hbm>> -> memref<104x128xf32, #tpu.memory_space<hbm>>
      %dma_wait3A_318 = arith.constant 0 : i32
      %dma_wait3A_319 = arith.constant 0 : i32
      %dma_wait3A_320 = tpu.memref_slice %dma_wait3A_317[%dma_wait3A_318, %dma_wait3A_319] : memref<104x128xf32, #tpu.memory_space<hbm>> -> memref<104x128xf32, #tpu.memory_space<hbm>>
      tpu.wait_indirect_dma semaphore(%arg20 : memref<!tpu.dma_semaphore, #tpu.memory_space<semaphore_mem>>) src(%arg12 : memref<100x128xf32, #tpu.memory_space<vmem>>) dst(%dma_wait3A_320 : memref<104x128xf32, #tpu.memory_space<hbm>>)
      %add3A_321 = arith.constant 4 : i32
      %add3A_322 = arith.addi %mul3A_172, %add3A_321 : i32
      %add3A_323 = arith.constant 2 : i32
      %add3A_324 = arith.addi %add3A_322, %add3A_323 : i32
      %dma_start3A_325 = arith.constant 0 : i32
      %dma_start3A_326 = tpu.memref_slice %arg6[%add3A_324, %dma_start3A_325] : memref<64x100xi32, #tpu.memory_space<vmem>> -> memref<1x100xi32, #tpu.memory_space<vmem>>
      %dma_start3A_327 = tpu.memref_squeeze %dma_start3A_326 : memref<1x100xi32, #tpu.memory_space<vmem>> -> memref<100xi32, #tpu.memory_space<vmem>>
      %dma_start3A_328 = arith.constant 0 : i32
      %dma_start3A_329 = arith.constant 0 : i32
      %dma_start3A_330 = tpu.memref_slice %arg9[%dma_start3A_328, %dma_start3A_329] : memref<238x128xf32, #tpu.memory_space<vmem_shared>> -> memref<238x128xf32, #tpu.memory_space<vmem_shared>>
      tpu.enqueue_indirect_dma source(%dma_start3A_330 : memref<238x128xf32, #tpu.memory_space<vmem_shared>>) target(%arg12 : memref<100x128xf32, #tpu.memory_space<vmem>>) offsets(%dma_start3A_327 : memref<100xi32, #tpu.memory_space<vmem>>) semaphore(%arg16 : memref<!tpu.dma_semaphore, #tpu.memory_space<semaphore_mem>>)
      %dma_wait3A_331 = arith.constant 0 : i32
      %dma_wait3A_332 = arith.constant 0 : i32
      %dma_wait3A_333 = arith.constant 0 : i32
      %dma_wait3A_334 = tpu.memref_slice %arg7[%dma_wait3A_332, %dma_wait3A_333] : memref<1x100xi32, #tpu.memory_space<vmem>> -> memref<1x100xi32, #tpu.memory_space<vmem>>
      %dma_wait3A_335 = tpu.memref_squeeze %dma_wait3A_334 : memref<1x100xi32, #tpu.memory_space<vmem>> -> memref<100xi32, #tpu.memory_space<vmem>>
      %dma_wait3A_336 = arith.constant 0 : i32
      %dma_wait3A_337 = arith.constant 0 : i32
      %dma_wait3A_338 = tpu.memref_slice %arg5[%dma_wait3A_331, %dma_wait3A_336, %dma_wait3A_337] : memref<2048x104x128xf32, #tpu.memory_space<hbm>> -> memref<1x104x128xf32, #tpu.memory_space<hbm>>
      %dma_wait3A_339 = tpu.memref_squeeze %dma_wait3A_338 : memref<1x104x128xf32, #tpu.memory_space<hbm>> -> memref<104x128xf32, #tpu.memory_space<hbm>>
      %dma_wait3A_340 = arith.constant 0 : i32
      %dma_wait3A_341 = arith.constant 0 : i32
      %dma_wait3A_342 = tpu.memref_slice %dma_wait3A_339[%dma_wait3A_340, %dma_wait3A_341] : memref<104x128xf32, #tpu.memory_space<hbm>> -> memref<104x128xf32, #tpu.memory_space<hbm>>
      tpu.wait_indirect_dma semaphore(%arg21 : memref<!tpu.dma_semaphore, #tpu.memory_space<semaphore_mem>>) src(%arg13 : memref<100x128xf32, #tpu.memory_space<vmem>>) dst(%dma_wait3A_342 : memref<104x128xf32, #tpu.memory_space<hbm>>)
      %add3A_343 = arith.constant 4 : i32
      %add3A_344 = arith.addi %mul3A_172, %add3A_343 : i32
      %add3A_345 = arith.constant 3 : i32
      %add3A_346 = arith.addi %add3A_344, %add3A_345 : i32
      %dma_start3A_347 = arith.constant 0 : i32
      %dma_start3A_348 = tpu.memref_slice %arg6[%add3A_346, %dma_start3A_347] : memref<64x100xi32, #tpu.memory_space<vmem>> -> memref<1x100xi32, #tpu.memory_space<vmem>>
      %dma_start3A_349 = tpu.memref_squeeze %dma_start3A_348 : memref<1x100xi32, #tpu.memory_space<vmem>> -> memref<100xi32, #tpu.memory_space<vmem>>
      %dma_start3A_350 = arith.constant 0 : i32
      %dma_start3A_351 = arith.constant 0 : i32
      %dma_start3A_352 = tpu.memref_slice %arg9[%dma_start3A_350, %dma_start3A_351] : memref<238x128xf32, #tpu.memory_space<vmem_shared>> -> memref<238x128xf32, #tpu.memory_space<vmem_shared>>
      tpu.enqueue_indirect_dma source(%dma_start3A_352 : memref<238x128xf32, #tpu.memory_space<vmem_shared>>) target(%arg13 : memref<100x128xf32, #tpu.memory_space<vmem>>) offsets(%dma_start3A_349 : memref<100xi32, #tpu.memory_space<vmem>>) semaphore(%arg17 : memref<!tpu.dma_semaphore, #tpu.memory_space<semaphore_mem>>)
    }
    %scan3A_34 = arith.constant 15 : i32
    %dma_wait3A = arith.constant 0 : i32
    %dma_wait3A_35 = arith.constant 0 : i32
    %dma_wait3A_36 = tpu.memref_slice %arg6[%dma_wait3A, %dma_wait3A_35] : memref<64x100xi32, #tpu.memory_space<vmem>> -> memref<1x100xi32, #tpu.memory_space<vmem>>
    %dma_wait3A_37 = tpu.memref_squeeze %dma_wait3A_36 : memref<1x100xi32, #tpu.memory_space<vmem>> -> memref<100xi32, #tpu.memory_space<vmem>>
    %dma_wait3A_38 = arith.constant 0 : i32
    %dma_wait3A_39 = arith.constant 0 : i32
    %dma_wait3A_40 = tpu.memref_slice %arg9[%dma_wait3A_38, %dma_wait3A_39] : memref<238x128xf32, #tpu.memory_space<vmem_shared>> -> memref<238x128xf32, #tpu.memory_space<vmem_shared>>
    tpu.wait_indirect_dma semaphore(%arg14 : memref<!tpu.dma_semaphore, #tpu.memory_space<semaphore_mem>>) src(%dma_wait3A_40 : memref<238x128xf32, #tpu.memory_space<vmem_shared>>) dst(%arg10 : memref<100x128xf32, #tpu.memory_space<vmem>>)
    %mul3A_41 = arith.constant 64 : i32
    %mul3A_42 = arith.muli %add3A, %mul3A_41 : i32
    %add3A_43 = arith.constant 60 : i32
    %add3A_44 = arith.addi %mul3A_42, %add3A_43 : i32
    %dma_start3A_45 = arith.constant 0 : i32
    %dma_start3A_46 = arith.constant 0 : i32
    %dma_start3A_47 = tpu.memref_slice %arg7[%dma_start3A_45, %dma_start3A_46] : memref<1x100xi32, #tpu.memory_space<vmem>> -> memref<1x100xi32, #tpu.memory_space<vmem>>
    %dma_start3A_48 = tpu.memref_squeeze %dma_start3A_47 : memref<1x100xi32, #tpu.memory_space<vmem>> -> memref<100xi32, #tpu.memory_space<vmem>>
    %dma_start3A_49 = arith.constant 0 : i32
    %dma_start3A_50 = arith.constant 0 : i32
    %dma_start3A_51 = tpu.memref_slice %arg5[%add3A_44, %dma_start3A_49, %dma_start3A_50] : memref<2048x104x128xf32, #tpu.memory_space<hbm>> -> memref<1x104x128xf32, #tpu.memory_space<hbm>>
    %dma_start3A_52 = tpu.memref_squeeze %dma_start3A_51 : memref<1x104x128xf32, #tpu.memory_space<hbm>> -> memref<104x128xf32, #tpu.memory_space<hbm>>
    %dma_start3A_53 = arith.constant 0 : i32
    %dma_start3A_54 = arith.constant 0 : i32
    %dma_start3A_55 = tpu.memref_slice %dma_start3A_52[%dma_start3A_53, %dma_start3A_54] : memref<104x128xf32, #tpu.memory_space<hbm>> -> memref<104x128xf32, #tpu.memory_space<hbm>>
    tpu.enqueue_indirect_dma source(%arg10 : memref<100x128xf32, #tpu.memory_space<vmem>>) target(%dma_start3A_55 : memref<104x128xf32, #tpu.memory_space<hbm>>) offsets(%dma_start3A_48 : memref<100xi32, #tpu.memory_space<vmem>>) semaphore(%arg18 : memref<!tpu.dma_semaphore, #tpu.memory_space<semaphore_mem>>)
    %dma_wait3A_56 = arith.constant 0 : i32
    %dma_wait3A_57 = arith.constant 0 : i32
    %dma_wait3A_58 = tpu.memref_slice %arg6[%dma_wait3A_56, %dma_wait3A_57] : memref<64x100xi32, #tpu.memory_space<vmem>> -> memref<1x100xi32, #tpu.memory_space<vmem>>
    %dma_wait3A_59 = tpu.memref_squeeze %dma_wait3A_58 : memref<1x100xi32, #tpu.memory_space<vmem>> -> memref<100xi32, #tpu.memory_space<vmem>>
    %dma_wait3A_60 = arith.constant 0 : i32
    %dma_wait3A_61 = arith.constant 0 : i32
    %dma_wait3A_62 = tpu.memref_slice %arg9[%dma_wait3A_60, %dma_wait3A_61] : memref<238x128xf32, #tpu.memory_space<vmem_shared>> -> memref<238x128xf32, #tpu.memory_space<vmem_shared>>
    tpu.wait_indirect_dma semaphore(%arg15 : memref<!tpu.dma_semaphore, #tpu.memory_space<semaphore_mem>>) src(%dma_wait3A_62 : memref<238x128xf32, #tpu.memory_space<vmem_shared>>) dst(%arg11 : memref<100x128xf32, #tpu.memory_space<vmem>>)
    %mul3A_63 = arith.constant 64 : i32
    %mul3A_64 = arith.muli %add3A, %mul3A_63 : i32
    %add3A_65 = arith.constant 61 : i32
    %add3A_66 = arith.addi %mul3A_64, %add3A_65 : i32
    %dma_start3A_67 = arith.constant 0 : i32
    %dma_start3A_68 = arith.constant 0 : i32
    %dma_start3A_69 = tpu.memref_slice %arg7[%dma_start3A_67, %dma_start3A_68] : memref<1x100xi32, #tpu.memory_space<vmem>> -> memref<1x100xi32, #tpu.memory_space<vmem>>
    %dma_start3A_70 = tpu.memref_squeeze %dma_start3A_69 : memref<1x100xi32, #tpu.memory_space<vmem>> -> memref<100xi32, #tpu.memory_space<vmem>>
    %dma_start3A_71 = arith.constant 0 : i32
    %dma_start3A_72 = arith.constant 0 : i32
    %dma_start3A_73 = tpu.memref_slice %arg5[%add3A_66, %dma_start3A_71, %dma_start3A_72] : memref<2048x104x128xf32, #tpu.memory_space<hbm>> -> memref<1x104x128xf32, #tpu.memory_space<hbm>>
    %dma_start3A_74 = tpu.memref_squeeze %dma_start3A_73 : memref<1x104x128xf32, #tpu.memory_space<hbm>> -> memref<104x128xf32, #tpu.memory_space<hbm>>
    %dma_start3A_75 = arith.constant 0 : i32
    %dma_start3A_76 = arith.constant 0 : i32
    %dma_start3A_77 = tpu.memref_slice %dma_start3A_74[%dma_start3A_75, %dma_start3A_76] : memref<104x128xf32, #tpu.memory_space<hbm>> -> memref<104x128xf32, #tpu.memory_space<hbm>>
    tpu.enqueue_indirect_dma source(%arg11 : memref<100x128xf32, #tpu.memory_space<vmem>>) target(%dma_start3A_77 : memref<104x128xf32, #tpu.memory_space<hbm>>) offsets(%dma_start3A_70 : memref<100xi32, #tpu.memory_space<vmem>>) semaphore(%arg19 : memref<!tpu.dma_semaphore, #tpu.memory_space<semaphore_mem>>)
    %dma_wait3A_78 = arith.constant 0 : i32
    %dma_wait3A_79 = arith.constant 0 : i32
    %dma_wait3A_80 = tpu.memref_slice %arg6[%dma_wait3A_78, %dma_wait3A_79] : memref<64x100xi32, #tpu.memory_space<vmem>> -> memref<1x100xi32, #tpu.memory_space<vmem>>
    %dma_wait3A_81 = tpu.memref_squeeze %dma_wait3A_80 : memref<1x100xi32, #tpu.memory_space<vmem>> -> memref<100xi32, #tpu.memory_space<vmem>>
    %dma_wait3A_82 = arith.constant 0 : i32
    %dma_wait3A_83 = arith.constant 0 : i32
    %dma_wait3A_84 = tpu.memref_slice %arg9[%dma_wait3A_82, %dma_wait3A_83] : memref<238x128xf32, #tpu.memory_space<vmem_shared>> -> memref<238x128xf32, #tpu.memory_space<vmem_shared>>
    tpu.wait_indirect_dma semaphore(%arg16 : memref<!tpu.dma_semaphore, #tpu.memory_space<semaphore_mem>>) src(%dma_wait3A_84 : memref<238x128xf32, #tpu.memory_space<vmem_shared>>) dst(%arg12 : memref<100x128xf32, #tpu.memory_space<vmem>>)
    %mul3A_85 = arith.constant 64 : i32
    %mul3A_86 = arith.muli %add3A, %mul3A_85 : i32
    %add3A_87 = arith.constant 62 : i32
    %add3A_88 = arith.addi %mul3A_86, %add3A_87 : i32
    %dma_start3A_89 = arith.constant 0 : i32
    %dma_start3A_90 = arith.constant 0 : i32
    %dma_start3A_91 = tpu.memref_slice %arg7[%dma_start3A_89, %dma_start3A_90] : memref<1x100xi32, #tpu.memory_space<vmem>> -> memref<1x100xi32, #tpu.memory_space<vmem>>
    %dma_start3A_92 = tpu.memref_squeeze %dma_start3A_91 : memref<1x100xi32, #tpu.memory_space<vmem>> -> memref<100xi32, #tpu.memory_space<vmem>>
    %dma_start3A_93 = arith.constant 0 : i32
    %dma_start3A_94 = arith.constant 0 : i32
    %dma_start3A_95 = tpu.memref_slice %arg5[%add3A_88, %dma_start3A_93, %dma_start3A_94] : memref<2048x104x128xf32, #tpu.memory_space<hbm>> -> memref<1x104x128xf32, #tpu.memory_space<hbm>>
    %dma_start3A_96 = tpu.memref_squeeze %dma_start3A_95 : memref<1x104x128xf32, #tpu.memory_space<hbm>> -> memref<104x128xf32, #tpu.memory_space<hbm>>
    %dma_start3A_97 = arith.constant 0 : i32
    %dma_start3A_98 = arith.constant 0 : i32
    %dma_start3A_99 = tpu.memref_slice %dma_start3A_96[%dma_start3A_97, %dma_start3A_98] : memref<104x128xf32, #tpu.memory_space<hbm>> -> memref<104x128xf32, #tpu.memory_space<hbm>>
    tpu.enqueue_indirect_dma source(%arg12 : memref<100x128xf32, #tpu.memory_space<vmem>>) target(%dma_start3A_99 : memref<104x128xf32, #tpu.memory_space<hbm>>) offsets(%dma_start3A_92 : memref<100xi32, #tpu.memory_space<vmem>>) semaphore(%arg20 : memref<!tpu.dma_semaphore, #tpu.memory_space<semaphore_mem>>)
    %dma_wait3A_100 = arith.constant 0 : i32
    %dma_wait3A_101 = arith.constant 0 : i32
    %dma_wait3A_102 = tpu.memref_slice %arg6[%dma_wait3A_100, %dma_wait3A_101] : memref<64x100xi32, #tpu.memory_space<vmem>> -> memref<1x100xi32, #tpu.memory_space<vmem>>
    %dma_wait3A_103 = tpu.memref_squeeze %dma_wait3A_102 : memref<1x100xi32, #tpu.memory_space<vmem>> -> memref<100xi32, #tpu.memory_space<vmem>>
    %dma_wait3A_104 = arith.constant 0 : i32
    %dma_wait3A_105 = arith.constant 0 : i32
    %dma_wait3A_106 = tpu.memref_slice %arg9[%dma_wait3A_104, %dma_wait3A_105] : memref<238x128xf32, #tpu.memory_space<vmem_shared>> -> memref<238x128xf32, #tpu.memory_space<vmem_shared>>
    tpu.wait_indirect_dma semaphore(%arg17 : memref<!tpu.dma_semaphore, #tpu.memory_space<semaphore_mem>>) src(%dma_wait3A_106 : memref<238x128xf32, #tpu.memory_space<vmem_shared>>) dst(%arg13 : memref<100x128xf32, #tpu.memory_space<vmem>>)
    %mul3A_107 = arith.constant 64 : i32
    %mul3A_108 = arith.muli %add3A, %mul3A_107 : i32
    %add3A_109 = arith.constant 63 : i32
    %add3A_110 = arith.addi %mul3A_108, %add3A_109 : i32
    %dma_start3A_111 = arith.constant 0 : i32
    %dma_start3A_112 = arith.constant 0 : i32
    %dma_start3A_113 = tpu.memref_slice %arg7[%dma_start3A_111, %dma_start3A_112] : memref<1x100xi32, #tpu.memory_space<vmem>> -> memref<1x100xi32, #tpu.memory_space<vmem>>
    %dma_start3A_114 = tpu.memref_squeeze %dma_start3A_113 : memref<1x100xi32, #tpu.memory_space<vmem>> -> memref<100xi32, #tpu.memory_space<vmem>>
    %dma_start3A_115 = arith.constant 0 : i32
    %dma_start3A_116 = arith.constant 0 : i32
    %dma_start3A_117 = tpu.memref_slice %arg5[%add3A_110, %dma_start3A_115, %dma_start3A_116] : memref<2048x104x128xf32, #tpu.memory_space<hbm>> -> memref<1x104x128xf32, #tpu.memory_space<hbm>>
    %dma_start3A_118 = tpu.memref_squeeze %dma_start3A_117 : memref<1x104x128xf32, #tpu.memory_space<hbm>> -> memref<104x128xf32, #tpu.memory_space<hbm>>
    %dma_start3A_119 = arith.constant 0 : i32
    %dma_start3A_120 = arith.constant 0 : i32
    %dma_start3A_121 = tpu.memref_slice %dma_start3A_118[%dma_start3A_119, %dma_start3A_120] : memref<104x128xf32, #tpu.memory_space<hbm>> -> memref<104x128xf32, #tpu.memory_space<hbm>>
    tpu.enqueue_indirect_dma source(%arg13 : memref<100x128xf32, #tpu.memory_space<vmem>>) target(%dma_start3A_121 : memref<104x128xf32, #tpu.memory_space<hbm>>) offsets(%dma_start3A_114 : memref<100xi32, #tpu.memory_space<vmem>>) semaphore(%arg21 : memref<!tpu.dma_semaphore, #tpu.memory_space<semaphore_mem>>)
    %dma_wait3A_122 = arith.constant 0 : i32
    %dma_wait3A_123 = arith.constant 0 : i32
    %dma_wait3A_124 = arith.constant 0 : i32
    %dma_wait3A_125 = tpu.memref_slice %arg7[%dma_wait3A_123, %dma_wait3A_124] : memref<1x100xi32, #tpu.memory_space<vmem>> -> memref<1x100xi32, #tpu.memory_space<vmem>>
    %dma_wait3A_126 = tpu.memref_squeeze %dma_wait3A_125 : memref<1x100xi32, #tpu.memory_space<vmem>> -> memref<100xi32, #tpu.memory_space<vmem>>
    %dma_wait3A_127 = arith.constant 0 : i32
    %dma_wait3A_128 = arith.constant 0 : i32
    %dma_wait3A_129 = tpu.memref_slice %arg5[%dma_wait3A_122, %dma_wait3A_127, %dma_wait3A_128] : memref<2048x104x128xf32, #tpu.memory_space<hbm>> -> memref<1x104x128xf32, #tpu.memory_space<hbm>>
    %dma_wait3A_130 = tpu.memref_squeeze %dma_wait3A_129 : memref<1x104x128xf32, #tpu.memory_space<hbm>> -> memref<104x128xf32, #tpu.memory_space<hbm>>
    %dma_wait3A_131 = arith.constant 0 : i32
    %dma_wait3A_132 = arith.constant 0 : i32
    %dma_wait3A_133 = tpu.memref_slice %dma_wait3A_130[%dma_wait3A_131, %dma_wait3A_132] : memref<104x128xf32, #tpu.memory_space<hbm>> -> memref<104x128xf32, #tpu.memory_space<hbm>>
    tpu.wait_indirect_dma semaphore(%arg18 : memref<!tpu.dma_semaphore, #tpu.memory_space<semaphore_mem>>) src(%arg10 : memref<100x128xf32, #tpu.memory_space<vmem>>) dst(%dma_wait3A_133 : memref<104x128xf32, #tpu.memory_space<hbm>>)
    %dma_wait3A_134 = arith.constant 0 : i32
    %dma_wait3A_135 = arith.constant 0 : i32
    %dma_wait3A_136 = arith.constant 0 : i32
    %dma_wait3A_137 = tpu.memref_slice %arg7[%dma_wait3A_135, %dma_wait3A_136] : memref<1x100xi32, #tpu.memory_space<vmem>> -> memref<1x100xi32, #tpu.memory_space<vmem>>
    %dma_wait3A_138 = tpu.memref_squeeze %dma_wait3A_137 : memref<1x100xi32, #tpu.memory_space<vmem>> -> memref<100xi32, #tpu.memory_space<vmem>>
    %dma_wait3A_139 = arith.constant 0 : i32
    %dma_wait3A_140 = arith.constant 0 : i32
    %dma_wait3A_141 = tpu.memref_slice %arg5[%dma_wait3A_134, %dma_wait3A_139, %dma_wait3A_140] : memref<2048x104x128xf32, #tpu.memory_space<hbm>> -> memref<1x104x128xf32, #tpu.memory_space<hbm>>
    %dma_wait3A_142 = tpu.memref_squeeze %dma_wait3A_141 : memref<1x104x128xf32, #tpu.memory_space<hbm>> -> memref<104x128xf32, #tpu.memory_space<hbm>>
    %dma_wait3A_143 = arith.constant 0 : i32
    %dma_wait3A_144 = arith.constant 0 : i32
    %dma_wait3A_145 = tpu.memref_slice %dma_wait3A_142[%dma_wait3A_143, %dma_wait3A_144] : memref<104x128xf32, #tpu.memory_space<hbm>> -> memref<104x128xf32, #tpu.memory_space<hbm>>
    tpu.wait_indirect_dma semaphore(%arg19 : memref<!tpu.dma_semaphore, #tpu.memory_space<semaphore_mem>>) src(%arg11 : memref<100x128xf32, #tpu.memory_space<vmem>>) dst(%dma_wait3A_145 : memref<104x128xf32, #tpu.memory_space<hbm>>)
    %dma_wait3A_146 = arith.constant 0 : i32
    %dma_wait3A_147 = arith.constant 0 : i32
    %dma_wait3A_148 = arith.constant 0 : i32
    %dma_wait3A_149 = tpu.memref_slice %arg7[%dma_wait3A_147, %dma_wait3A_148] : memref<1x100xi32, #tpu.memory_space<vmem>> -> memref<1x100xi32, #tpu.memory_space<vmem>>
    %dma_wait3A_150 = tpu.memref_squeeze %dma_wait3A_149 : memref<1x100xi32, #tpu.memory_space<vmem>> -> memref<100xi32, #tpu.memory_space<vmem>>
    %dma_wait3A_151 = arith.constant 0 : i32
    %dma_wait3A_152 = arith.constant 0 : i32
    %dma_wait3A_153 = tpu.memref_slice %arg5[%dma_wait3A_146, %dma_wait3A_151, %dma_wait3A_152] : memref<2048x104x128xf32, #tpu.memory_space<hbm>> -> memref<1x104x128xf32, #tpu.memory_space<hbm>>
    %dma_wait3A_154 = tpu.memref_squeeze %dma_wait3A_153 : memref<1x104x128xf32, #tpu.memory_space<hbm>> -> memref<104x128xf32, #tpu.memory_space<hbm>>
    %dma_wait3A_155 = arith.constant 0 : i32
    %dma_wait3A_156 = arith.constant 0 : i32
    %dma_wait3A_157 = tpu.memref_slice %dma_wait3A_154[%dma_wait3A_155, %dma_wait3A_156] : memref<104x128xf32, #tpu.memory_space<hbm>> -> memref<104x128xf32, #tpu.memory_space<hbm>>
    tpu.wait_indirect_dma semaphore(%arg20 : memref<!tpu.dma_semaphore, #tpu.memory_space<semaphore_mem>>) src(%arg12 : memref<100x128xf32, #tpu.memory_space<vmem>>) dst(%dma_wait3A_157 : memref<104x128xf32, #tpu.memory_space<hbm>>)
    %dma_wait3A_158 = arith.constant 0 : i32
    %dma_wait3A_159 = arith.constant 0 : i32
    %dma_wait3A_160 = arith.constant 0 : i32
    %dma_wait3A_161 = tpu.memref_slice %arg7[%dma_wait3A_159, %dma_wait3A_160] : memref<1x100xi32, #tpu.memory_space<vmem>> -> memref<1x100xi32, #tpu.memory_space<vmem>>
    %dma_wait3A_162 = tpu.memref_squeeze %dma_wait3A_161 : memref<1x100xi32, #tpu.memory_space<vmem>> -> memref<100xi32, #tpu.memory_space<vmem>>
    %dma_wait3A_163 = arith.constant 0 : i32
    %dma_wait3A_164 = arith.constant 0 : i32
    %dma_wait3A_165 = tpu.memref_slice %arg5[%dma_wait3A_158, %dma_wait3A_163, %dma_wait3A_164] : memref<2048x104x128xf32, #tpu.memory_space<hbm>> -> memref<1x104x128xf32, #tpu.memory_space<hbm>>
    %dma_wait3A_166 = tpu.memref_squeeze %dma_wait3A_165 : memref<1x104x128xf32, #tpu.memory_space<hbm>> -> memref<104x128xf32, #tpu.memory_space<hbm>>
    %dma_wait3A_167 = arith.constant 0 : i32
    %dma_wait3A_168 = arith.constant 0 : i32
    %dma_wait3A_169 = tpu.memref_slice %dma_wait3A_166[%dma_wait3A_167, %dma_wait3A_168] : memref<104x128xf32, #tpu.memory_space<hbm>> -> memref<104x128xf32, #tpu.memory_space<hbm>>
    tpu.wait_indirect_dma semaphore(%arg21 : memref<!tpu.dma_semaphore, #tpu.memory_space<semaphore_mem>>) src(%arg13 : memref<100x128xf32, #tpu.memory_space<vmem>>) dst(%dma_wait3A_169 : memref<104x128xf32, #tpu.memory_space<hbm>>)
    return
  }
}

module attributes {stable_mosaic.version = 14 : i64} {
  func.func @body_b(%arg0: i32, %arg1: memref<128x104x128xf32, #tpu.memory_space<vmem>>, %arg2: memref<50x200x4096xf32, #tpu.memory_space<any>>, %arg3: memref<50x200x128xf32, #tpu.memory_space<vmem>>) attributes {dimension_semantics = [#tpu.dimension_semantics<arbitrary>], iteration_bounds = array<i64: 16>, scalar_prefetch = 0 : i64, scratch_operands = 0 : i64, tpu.core_type = #tpu.core_type<tc>, window_params = [{transform_indices = @transform_0, window_bounds = array<i64: 128, 104, 128>}, {}, {transform_indices = @transform_2, window_bounds = array<i64: 50, 200, 128>}]} {
    %get3A = arith.constant 0 : index
    %get3A_0 = arith.constant 0 : index
    %get3A_1 = arith.constant 0 : index
    %get3A_2 = vector.load %arg1[%get3A, %get3A_0, %get3A_1] : memref<128x104x128xf32, #tpu.memory_space<vmem>>, vector<128x1x128xf32>
    %get3A_3 = vector.shape_cast %get3A_2 : vector<128x1x128xf32> to vector<128x128xf32>
    %transpose3A = tpu.transpose %get3A_3, [1, 0] : vector<128x128xf32> -> vector<128x128xf32>
    %swap3A = arith.constant 0 : index
    %swap3A_4 = arith.constant 0 : index
    %swap3A_5 = arith.constant 0 : index
    %swap3A_6 = vector.load %arg3[%swap3A, %swap3A_4, %swap3A_5] : memref<50x200x128xf32, #tpu.memory_space<vmem>>, vector<1x128x128xf32>
    %swap3A_7 = vector.shape_cast %swap3A_6 : vector<1x128x128xf32> to vector<128x128xf32>
    %swap3A_8 = vector.shape_cast %transpose3A : vector<128x128xf32> to vector<1x128x128xf32>
    tpu.vector_store %arg3[%swap3A, %swap3A_4, %swap3A_5], %swap3A_8 {strides = array<i32>} : memref<50x200x128xf32, #tpu.memory_space<vmem>>, vector<1x128x128xf32>,
    %get3A_9 = arith.constant 0 : index
    %get3A_10 = arith.constant 8 : index
    %get3A_11 = arith.constant 0 : index
    %get3A_12 = vector.load %arg1[%get3A_9, %get3A_10, %get3A_11] : memref<128x104x128xf32, #tpu.memory_space<vmem>>, vector<128x1x128xf32>
    %get3A_13 = vector.shape_cast %get3A_12 : vector<128x1x128xf32> to vector<128x128xf32>
    %transpose3A_14 = tpu.transpose %get3A_13, [1, 0] : vector<128x128xf32> -> vector<128x128xf32>
    %slice3A = vector.extract_strided_slice %transpose3A_14 {offsets = [0, 0], sizes = [72, 128], strides = [1, 1]} : vector<128x128xf32> to vector<72x128xf32>
    %swap3A_15 = arith.constant 0 : index
    %swap3A_16 = arith.constant 128 : index
    %swap3A_17 = arith.constant 0 : index
    %swap3A_18 = vector.load %arg3[%swap3A_15, %swap3A_16, %swap3A_17] : memref<50x200x128xf32, #tpu.memory_space<vmem>>, vector<1x72x128xf32>
    %swap3A_19 = vector.shape_cast %swap3A_18 : vector<1x72x128xf32> to vector<72x128xf32>
    %swap3A_20 = vector.shape_cast %slice3A : vector<72x128xf32> to vector<1x72x128xf32>
    tpu.vector_store %arg3[%swap3A_15, %swap3A_16, %swap3A_17], %swap3A_20 {strides = array<i32>} : memref<50x200x128xf32, #tpu.memory_space<vmem>>, vector<1x72x128xf32>,
    %get3A_21 = arith.constant 0 : index
    %get3A_22 = arith.constant 1 : index
    %get3A_23 = arith.constant 0 : index
    %get3A_24 = vector.load %arg1[%get3A_21, %get3A_22, %get3A_23] : memref<128x104x128xf32, #tpu.memory_space<vmem>>, vector<128x1x128xf32>
    %get3A_25 = vector.shape_cast %get3A_24 : vector<128x1x128xf32> to vector<128x128xf32>
    %transpose3A_26 = tpu.transpose %get3A_25, [1, 0] : vector<128x128xf32> -> vector<128x128xf32>
    %swap3A_27 = arith.constant 1 : index
    %swap3A_28 = arith.constant 0 : index
    %swap3A_29 = arith.constant 0 : index
    %swap3A_30 = vector.load %arg3[%swap3A_27, %swap3A_28, %swap3A_29] : memref<50x200x128xf32, #tpu.memory_space<vmem>>, vector<1x128x128xf32>
    %swap3A_31 = vector.shape_cast %swap3A_30 : vector<1x128x128xf32> to vector<128x128xf32>
    %swap3A_32 = vector.shape_cast %transpose3A_26 : vector<128x128xf32> to vector<1x128x128xf32>
    tpu.vector_store %arg3[%swap3A_27, %swap3A_28, %swap3A_29], %swap3A_32 {strides = array<i32>} : memref<50x200x128xf32, #tpu.memory_space<vmem>>, vector<1x128x128xf32>,
    %get3A_33 = arith.constant 0 : index
    %get3A_34 = arith.constant 9 : index
    %get3A_35 = arith.constant 0 : index
    %get3A_36 = vector.load %arg1[%get3A_33, %get3A_34, %get3A_35] : memref<128x104x128xf32, #tpu.memory_space<vmem>>, vector<128x1x128xf32>
    %get3A_37 = vector.shape_cast %get3A_36 : vector<128x1x128xf32> to vector<128x128xf32>
    %transpose3A_38 = tpu.transpose %get3A_37, [1, 0] : vector<128x128xf32> -> vector<128x128xf32>
    %slice3A_39 = vector.extract_strided_slice %transpose3A_38 {offsets = [0, 0], sizes = [72, 128], strides = [1, 1]} : vector<128x128xf32> to vector<72x128xf32>
    %swap3A_40 = arith.constant 1 : index
    %swap3A_41 = arith.constant 128 : index
    %swap3A_42 = arith.constant 0 : index
    %swap3A_43 = vector.load %arg3[%swap3A_40, %swap3A_41, %swap3A_42] : memref<50x200x128xf32, #tpu.memory_space<vmem>>, vector<1x72x128xf32>
    %swap3A_44 = vector.shape_cast %swap3A_43 : vector<1x72x128xf32> to vector<72x128xf32>
    %swap3A_45 = vector.shape_cast %slice3A_39 : vector<72x128xf32> to vector<1x72x128xf32>
    tpu.vector_store %arg3[%swap3A_40, %swap3A_41, %swap3A_42], %swap3A_45 {strides = array<i32>} : memref<50x200x128xf32, #tpu.memory_space<vmem>>, vector<1x72x128xf32>,
    %get3A_46 = arith.constant 0 : index
    %get3A_47 = arith.constant 2 : index
    %get3A_48 = arith.constant 0 : index
    %get3A_49 = vector.load %arg1[%get3A_46, %get3A_47, %get3A_48] : memref<128x104x128xf32, #tpu.memory_space<vmem>>, vector<128x1x128xf32>
    %get3A_50 = vector.shape_cast %get3A_49 : vector<128x1x128xf32> to vector<128x128xf32>
    %transpose3A_51 = tpu.transpose %get3A_50, [1, 0] : vector<128x128xf32> -> vector<128x128xf32>
    %swap3A_52 = arith.constant 2 : index
    %swap3A_53 = arith.constant 0 : index
    %swap3A_54 = arith.constant 0 : index
    %swap3A_55 = vector.load %arg3[%swap3A_52, %swap3A_53, %swap3A_54] : memref<50x200x128xf32, #tpu.memory_space<vmem>>, vector<1x128x128xf32>
    %swap3A_56 = vector.shape_cast %swap3A_55 : vector<1x128x128xf32> to vector<128x128xf32>
    %swap3A_57 = vector.shape_cast %transpose3A_51 : vector<128x128xf32> to vector<1x128x128xf32>
    tpu.vector_store %arg3[%swap3A_52, %swap3A_53, %swap3A_54], %swap3A_57 {strides = array<i32>} : memref<50x200x128xf32, #tpu.memory_space<vmem>>, vector<1x128x128xf32>,
    %get3A_58 = arith.constant 0 : index
    %get3A_59 = arith.constant 10 : index
    %get3A_60 = arith.constant 0 : index
    %get3A_61 = vector.load %arg1[%get3A_58, %get3A_59, %get3A_60] : memref<128x104x128xf32, #tpu.memory_space<vmem>>, vector<128x1x128xf32>
    %get3A_62 = vector.shape_cast %get3A_61 : vector<128x1x128xf32> to vector<128x128xf32>
    %transpose3A_63 = tpu.transpose %get3A_62, [1, 0] : vector<128x128xf32> -> vector<128x128xf32>
    %slice3A_64 = vector.extract_strided_slice %transpose3A_63 {offsets = [0, 0], sizes = [72, 128], strides = [1, 1]} : vector<128x128xf32> to vector<72x128xf32>
    %swap3A_65 = arith.constant 2 : index
    %swap3A_66 = arith.constant 128 : index
    %swap3A_67 = arith.constant 0 : index
    %swap3A_68 = vector.load %arg3[%swap3A_65, %swap3A_66, %swap3A_67] : memref<50x200x128xf32, #tpu.memory_space<vmem>>, vector<1x72x128xf32>
    %swap3A_69 = vector.shape_cast %swap3A_68 : vector<1x72x128xf32> to vector<72x128xf32>
    %swap3A_70 = vector.shape_cast %slice3A_64 : vector<72x128xf32> to vector<1x72x128xf32>
    tpu.vector_store %arg3[%swap3A_65, %swap3A_66, %swap3A_67], %swap3A_70 {strides = array<i32>} : memref<50x200x128xf32, #tpu.memory_space<vmem>>, vector<1x72x128xf32>,
    %get3A_71 = arith.constant 0 : index
    %get3A_72 = arith.constant 3 : index
    %get3A_73 = arith.constant 0 : index
    %get3A_74 = vector.load %arg1[%get3A_71, %get3A_72, %get3A_73] : memref<128x104x128xf32, #tpu.memory_space<vmem>>, vector<128x1x128xf32>
    %get3A_75 = vector.shape_cast %get3A_74 : vector<128x1x128xf32> to vector<128x128xf32>
    %transpose3A_76 = tpu.transpose %get3A_75, [1, 0] : vector<128x128xf32> -> vector<128x128xf32>
    %swap3A_77 = arith.constant 3 : index
    %swap3A_78 = arith.constant 0 : index
    %swap3A_79 = arith.constant 0 : index
    %swap3A_80 = vector.load %arg3[%swap3A_77, %swap3A_78, %swap3A_79] : memref<50x200x128xf32, #tpu.memory_space<vmem>>, vector<1x128x128xf32>
    %swap3A_81 = vector.shape_cast %swap3A_80 : vector<1x128x128xf32> to vector<128x128xf32>
    %swap3A_82 = vector.shape_cast %transpose3A_76 : vector<128x128xf32> to vector<1x128x128xf32>
    tpu.vector_store %arg3[%swap3A_77, %swap3A_78, %swap3A_79], %swap3A_82 {strides = array<i32>} : memref<50x200x128xf32, #tpu.memory_space<vmem>>, vector<1x128x128xf32>,
    %get3A_83 = arith.constant 0 : index
    %get3A_84 = arith.constant 11 : index
    %get3A_85 = arith.constant 0 : index
    %get3A_86 = vector.load %arg1[%get3A_83, %get3A_84, %get3A_85] : memref<128x104x128xf32, #tpu.memory_space<vmem>>, vector<128x1x128xf32>
    %get3A_87 = vector.shape_cast %get3A_86 : vector<128x1x128xf32> to vector<128x128xf32>
    %transpose3A_88 = tpu.transpose %get3A_87, [1, 0] : vector<128x128xf32> -> vector<128x128xf32>
    %slice3A_89 = vector.extract_strided_slice %transpose3A_88 {offsets = [0, 0], sizes = [72, 128], strides = [1, 1]} : vector<128x128xf32> to vector<72x128xf32>
    %swap3A_90 = arith.constant 3 : index
    %swap3A_91 = arith.constant 128 : index
    %swap3A_92 = arith.constant 0 : index
    %swap3A_93 = vector.load %arg3[%swap3A_90, %swap3A_91, %swap3A_92] : memref<50x200x128xf32, #tpu.memory_space<vmem>>, vector<1x72x128xf32>
    %swap3A_94 = vector.shape_cast %swap3A_93 : vector<1x72x128xf32> to vector<72x128xf32>
    %swap3A_95 = vector.shape_cast %slice3A_89 : vector<72x128xf32> to vector<1x72x128xf32>
    tpu.vector_store %arg3[%swap3A_90, %swap3A_91, %swap3A_92], %swap3A_95 {strides = array<i32>} : memref<50x200x128xf32, #tpu.memory_space<vmem>>, vector<1x72x128xf32>,
    %get3A_96 = arith.constant 0 : index
    %get3A_97 = arith.constant 4 : index
    %get3A_98 = arith.constant 0 : index
    %get3A_99 = vector.load %arg1[%get3A_96, %get3A_97, %get3A_98] : memref<128x104x128xf32, #tpu.memory_space<vmem>>, vector<128x1x128xf32>
    %get3A_100 = vector.shape_cast %get3A_99 : vector<128x1x128xf32> to vector<128x128xf32>
    %transpose3A_101 = tpu.transpose %get3A_100, [1, 0] : vector<128x128xf32> -> vector<128x128xf32>
    %swap3A_102 = arith.constant 4 : index
    %swap3A_103 = arith.constant 0 : index
    %swap3A_104 = arith.constant 0 : index
    %swap3A_105 = vector.load %arg3[%swap3A_102, %swap3A_103, %swap3A_104] : memref<50x200x128xf32, #tpu.memory_space<vmem>>, vector<1x128x128xf32>
    %swap3A_106 = vector.shape_cast %swap3A_105 : vector<1x128x128xf32> to vector<128x128xf32>
    %swap3A_107 = vector.shape_cast %transpose3A_101 : vector<128x128xf32> to vector<1x128x128xf32>
    tpu.vector_store %arg3[%swap3A_102, %swap3A_103, %swap3A_104], %swap3A_107 {strides = array<i32>} : memref<50x200x128xf32, #tpu.memory_space<vmem>>, vector<1x128x128xf32>,
    %get3A_108 = arith.constant 0 : index
    %get3A_109 = arith.constant 12 : index
    %get3A_110 = arith.constant 0 : index
    %get3A_111 = vector.load %arg1[%get3A_108, %get3A_109, %get3A_110] : memref<128x104x128xf32, #tpu.memory_space<vmem>>, vector<128x1x128xf32>
    %get3A_112 = vector.shape_cast %get3A_111 : vector<128x1x128xf32> to vector<128x128xf32>
    %transpose3A_113 = tpu.transpose %get3A_112, [1, 0] : vector<128x128xf32> -> vector<128x128xf32>
    %slice3A_114 = vector.extract_strided_slice %transpose3A_113 {offsets = [0, 0], sizes = [72, 128], strides = [1, 1]} : vector<128x128xf32> to vector<72x128xf32>
    %swap3A_115 = arith.constant 4 : index
    %swap3A_116 = arith.constant 128 : index
    %swap3A_117 = arith.constant 0 : index
    %swap3A_118 = vector.load %arg3[%swap3A_115, %swap3A_116, %swap3A_117] : memref<50x200x128xf32, #tpu.memory_space<vmem>>, vector<1x72x128xf32>
    %swap3A_119 = vector.shape_cast %swap3A_118 : vector<1x72x128xf32> to vector<72x128xf32>
    %swap3A_120 = vector.shape_cast %slice3A_114 : vector<72x128xf32> to vector<1x72x128xf32>
    tpu.vector_store %arg3[%swap3A_115, %swap3A_116, %swap3A_117], %swap3A_120 {strides = array<i32>} : memref<50x200x128xf32, #tpu.memory_space<vmem>>, vector<1x72x128xf32>,
    %get3A_121 = arith.constant 0 : index
    %get3A_122 = arith.constant 5 : index
    %get3A_123 = arith.constant 0 : index
    %get3A_124 = vector.load %arg1[%get3A_121, %get3A_122, %get3A_123] : memref<128x104x128xf32, #tpu.memory_space<vmem>>, vector<128x1x128xf32>
    %get3A_125 = vector.shape_cast %get3A_124 : vector<128x1x128xf32> to vector<128x128xf32>
    %transpose3A_126 = tpu.transpose %get3A_125, [1, 0] : vector<128x128xf32> -> vector<128x128xf32>
    %swap3A_127 = arith.constant 5 : index
    %swap3A_128 = arith.constant 0 : index
    %swap3A_129 = arith.constant 0 : index
    %swap3A_130 = vector.load %arg3[%swap3A_127, %swap3A_128, %swap3A_129] : memref<50x200x128xf32, #tpu.memory_space<vmem>>, vector<1x128x128xf32>
    %swap3A_131 = vector.shape_cast %swap3A_130 : vector<1x128x128xf32> to vector<128x128xf32>
    %swap3A_132 = vector.shape_cast %transpose3A_126 : vector<128x128xf32> to vector<1x128x128xf32>
    tpu.vector_store %arg3[%swap3A_127, %swap3A_128, %swap3A_129], %swap3A_132 {strides = array<i32>} : memref<50x200x128xf32, #tpu.memory_space<vmem>>, vector<1x128x128xf32>,
    %get3A_133 = arith.constant 0 : index
    %get3A_134 = arith.constant 13 : index
    %get3A_135 = arith.constant 0 : index
    %get3A_136 = vector.load %arg1[%get3A_133, %get3A_134, %get3A_135] : memref<128x104x128xf32, #tpu.memory_space<vmem>>, vector<128x1x128xf32>
    %get3A_137 = vector.shape_cast %get3A_136 : vector<128x1x128xf32> to vector<128x128xf32>
    %transpose3A_138 = tpu.transpose %get3A_137, [1, 0] : vector<128x128xf32> -> vector<128x128xf32>
    %slice3A_139 = vector.extract_strided_slice %transpose3A_138 {offsets = [0, 0], sizes = [72, 128], strides = [1, 1]} : vector<128x128xf32> to vector<72x128xf32>
    %swap3A_140 = arith.constant 5 : index
    %swap3A_141 = arith.constant 128 : index
    %swap3A_142 = arith.constant 0 : index
    %swap3A_143 = vector.load %arg3[%swap3A_140, %swap3A_141, %swap3A_142] : memref<50x200x128xf32, #tpu.memory_space<vmem>>, vector<1x72x128xf32>
    %swap3A_144 = vector.shape_cast %swap3A_143 : vector<1x72x128xf32> to vector<72x128xf32>
    %swap3A_145 = vector.shape_cast %slice3A_139 : vector<72x128xf32> to vector<1x72x128xf32>
    tpu.vector_store %arg3[%swap3A_140, %swap3A_141, %swap3A_142], %swap3A_145 {strides = array<i32>} : memref<50x200x128xf32, #tpu.memory_space<vmem>>, vector<1x72x128xf32>,
    %get3A_146 = arith.constant 0 : index
    %get3A_147 = arith.constant 6 : index
    %get3A_148 = arith.constant 0 : index
    %get3A_149 = vector.load %arg1[%get3A_146, %get3A_147, %get3A_148] : memref<128x104x128xf32, #tpu.memory_space<vmem>>, vector<128x1x128xf32>
    %get3A_150 = vector.shape_cast %get3A_149 : vector<128x1x128xf32> to vector<128x128xf32>
    %transpose3A_151 = tpu.transpose %get3A_150, [1, 0] : vector<128x128xf32> -> vector<128x128xf32>
    %swap3A_152 = arith.constant 6 : index
    %swap3A_153 = arith.constant 0 : index
    %swap3A_154 = arith.constant 0 : index
    %swap3A_155 = vector.load %arg3[%swap3A_152, %swap3A_153, %swap3A_154] : memref<50x200x128xf32, #tpu.memory_space<vmem>>, vector<1x128x128xf32>
    %swap3A_156 = vector.shape_cast %swap3A_155 : vector<1x128x128xf32> to vector<128x128xf32>
    %swap3A_157 = vector.shape_cast %transpose3A_151 : vector<128x128xf32> to vector<1x128x128xf32>
    tpu.vector_store %arg3[%swap3A_152, %swap3A_153, %swap3A_154], %swap3A_157 {strides = array<i32>} : memref<50x200x128xf32, #tpu.memory_space<vmem>>, vector<1x128x128xf32>,
    %get3A_158 = arith.constant 0 : index
    %get3A_159 = arith.constant 14 : index
    %get3A_160 = arith.constant 0 : index
    %get3A_161 = vector.load %arg1[%get3A_158, %get3A_159, %get3A_160] : memref<128x104x128xf32, #tpu.memory_space<vmem>>, vector<128x1x128xf32>
    %get3A_162 = vector.shape_cast %get3A_161 : vector<128x1x128xf32> to vector<128x128xf32>
    %transpose3A_163 = tpu.transpose %get3A_162, [1, 0] : vector<128x128xf32> -> vector<128x128xf32>
    %slice3A_164 = vector.extract_strided_slice %transpose3A_163 {offsets = [0, 0], sizes = [72, 128], strides = [1, 1]} : vector<128x128xf32> to vector<72x128xf32>
    %swap3A_165 = arith.constant 6 : index
    %swap3A_166 = arith.constant 128 : index
    %swap3A_167 = arith.constant 0 : index
    %swap3A_168 = vector.load %arg3[%swap3A_165, %swap3A_166, %swap3A_167] : memref<50x200x128xf32, #tpu.memory_space<vmem>>, vector<1x72x128xf32>
    %swap3A_169 = vector.shape_cast %swap3A_168 : vector<1x72x128xf32> to vector<72x128xf32>
    %swap3A_170 = vector.shape_cast %slice3A_164 : vector<72x128xf32> to vector<1x72x128xf32>
    tpu.vector_store %arg3[%swap3A_165, %swap3A_166, %swap3A_167], %swap3A_170 {strides = array<i32>} : memref<50x200x128xf32, #tpu.memory_space<vmem>>, vector<1x72x128xf32>,
    %get3A_171 = arith.constant 0 : index
    %get3A_172 = arith.constant 7 : index
    %get3A_173 = arith.constant 0 : index
    %get3A_174 = vector.load %arg1[%get3A_171, %get3A_172, %get3A_173] : memref<128x104x128xf32, #tpu.memory_space<vmem>>, vector<128x1x128xf32>
    %get3A_175 = vector.shape_cast %get3A_174 : vector<128x1x128xf32> to vector<128x128xf32>
    %transpose3A_176 = tpu.transpose %get3A_175, [1, 0] : vector<128x128xf32> -> vector<128x128xf32>
    %swap3A_177 = arith.constant 7 : index
    %swap3A_178 = arith.constant 0 : index
    %swap3A_179 = arith.constant 0 : index
    %swap3A_180 = vector.load %arg3[%swap3A_177, %swap3A_178, %swap3A_179] : memref<50x200x128xf32, #tpu.memory_space<vmem>>, vector<1x128x128xf32>
    %swap3A_181 = vector.shape_cast %swap3A_180 : vector<1x128x128xf32> to vector<128x128xf32>
    %swap3A_182 = vector.shape_cast %transpose3A_176 : vector<128x128xf32> to vector<1x128x128xf32>
    tpu.vector_store %arg3[%swap3A_177, %swap3A_178, %swap3A_179], %swap3A_182 {strides = array<i32>} : memref<50x200x128xf32, #tpu.memory_space<vmem>>, vector<1x128x128xf32>,
    %get3A_183 = arith.constant 0 : index
    %get3A_184 = arith.constant 15 : index
    %get3A_185 = arith.constant 0 : index
    %get3A_186 = vector.load %arg1[%get3A_183, %get3A_184, %get3A_185] : memref<128x104x128xf32, #tpu.memory_space<vmem>>, vector<128x1x128xf32>
    %get3A_187 = vector.shape_cast %get3A_186 : vector<128x1x128xf32> to vector<128x128xf32>
    %transpose3A_188 = tpu.transpose %get3A_187, [1, 0] : vector<128x128xf32> -> vector<128x128xf32>
    %slice3A_189 = vector.extract_strided_slice %transpose3A_188 {offsets = [0, 0], sizes = [72, 128], strides = [1, 1]} : vector<128x128xf32> to vector<72x128xf32>
    %swap3A_190 = arith.constant 7 : index
    %swap3A_191 = arith.constant 128 : index
    %swap3A_192 = arith.constant 0 : index
    %swap3A_193 = vector.load %arg3[%swap3A_190, %swap3A_191, %swap3A_192] : memref<50x200x128xf32, #tpu.memory_space<vmem>>, vector<1x72x128xf32>
    %swap3A_194 = vector.shape_cast %swap3A_193 : vector<1x72x128xf32> to vector<72x128xf32>
    %swap3A_195 = vector.shape_cast %slice3A_189 : vector<72x128xf32> to vector<1x72x128xf32>
    tpu.vector_store %arg3[%swap3A_190, %swap3A_191, %swap3A_192], %swap3A_195 {strides = array<i32>} : memref<50x200x128xf32, #tpu.memory_space<vmem>>, vector<1x72x128xf32>,
    %get3A_196 = arith.constant 0 : index
    %get3A_197 = arith.constant 16 : index
    %get3A_198 = arith.constant 0 : index
    %get3A_199 = vector.load %arg1[%get3A_196, %get3A_197, %get3A_198] : memref<128x104x128xf32, #tpu.memory_space<vmem>>, vector<128x1x128xf32>
    %get3A_200 = vector.shape_cast %get3A_199 : vector<128x1x128xf32> to vector<128x128xf32>
    %transpose3A_201 = tpu.transpose %get3A_200, [1, 0] : vector<128x128xf32> -> vector<128x128xf32>
    %swap3A_202 = arith.constant 8 : index
    %swap3A_203 = arith.constant 0 : index
    %swap3A_204 = arith.constant 0 : index
    %swap3A_205 = vector.load %arg3[%swap3A_202, %swap3A_203, %swap3A_204] : memref<50x200x128xf32, #tpu.memory_space<vmem>>, vector<1x128x128xf32>
    %swap3A_206 = vector.shape_cast %swap3A_205 : vector<1x128x128xf32> to vector<128x128xf32>
    %swap3A_207 = vector.shape_cast %transpose3A_201 : vector<128x128xf32> to vector<1x128x128xf32>
    tpu.vector_store %arg3[%swap3A_202, %swap3A_203, %swap3A_204], %swap3A_207 {strides = array<i32>} : memref<50x200x128xf32, #tpu.memory_space<vmem>>, vector<1x128x128xf32>,
    %get3A_208 = arith.constant 0 : index
    %get3A_209 = arith.constant 24 : index
    %get3A_210 = arith.constant 0 : index
    %get3A_211 = vector.load %arg1[%get3A_208, %get3A_209, %get3A_210] : memref<128x104x128xf32, #tpu.memory_space<vmem>>, vector<128x1x128xf32>
    %get3A_212 = vector.shape_cast %get3A_211 : vector<128x1x128xf32> to vector<128x128xf32>
    %transpose3A_213 = tpu.transpose %get3A_212, [1, 0] : vector<128x128xf32> -> vector<128x128xf32>
    %slice3A_214 = vector.extract_strided_slice %transpose3A_213 {offsets = [0, 0], sizes = [72, 128], strides = [1, 1]} : vector<128x128xf32> to vector<72x128xf32>
    %swap3A_215 = arith.constant 8 : index
    %swap3A_216 = arith.constant 128 : index
    %swap3A_217 = arith.constant 0 : index
    %swap3A_218 = vector.load %arg3[%swap3A_215, %swap3A_216, %swap3A_217] : memref<50x200x128xf32, #tpu.memory_space<vmem>>, vector<1x72x128xf32>
    %swap3A_219 = vector.shape_cast %swap3A_218 : vector<1x72x128xf32> to vector<72x128xf32>
    %swap3A_220 = vector.shape_cast %slice3A_214 : vector<72x128xf32> to vector<1x72x128xf32>
    tpu.vector_store %arg3[%swap3A_215, %swap3A_216, %swap3A_217], %swap3A_220 {strides = array<i32>} : memref<50x200x128xf32, #tpu.memory_space<vmem>>, vector<1x72x128xf32>,
    %get3A_221 = arith.constant 0 : index
    %get3A_222 = arith.constant 17 : index
    %get3A_223 = arith.constant 0 : index
    %get3A_224 = vector.load %arg1[%get3A_221, %get3A_222, %get3A_223] : memref<128x104x128xf32, #tpu.memory_space<vmem>>, vector<128x1x128xf32>
    %get3A_225 = vector.shape_cast %get3A_224 : vector<128x1x128xf32> to vector<128x128xf32>
    %transpose3A_226 = tpu.transpose %get3A_225, [1, 0] : vector<128x128xf32> -> vector<128x128xf32>
    %swap3A_227 = arith.constant 9 : index
    %swap3A_228 = arith.constant 0 : index
    %swap3A_229 = arith.constant 0 : index
    %swap3A_230 = vector.load %arg3[%swap3A_227, %swap3A_228, %swap3A_229] : memref<50x200x128xf32, #tpu.memory_space<vmem>>, vector<1x128x128xf32>
    %swap3A_231 = vector.shape_cast %swap3A_230 : vector<1x128x128xf32> to vector<128x128xf32>
    %swap3A_232 = vector.shape_cast %transpose3A_226 : vector<128x128xf32> to vector<1x128x128xf32>
    tpu.vector_store %arg3[%swap3A_227, %swap3A_228, %swap3A_229], %swap3A_232 {strides = array<i32>} : memref<50x200x128xf32, #tpu.memory_space<vmem>>, vector<1x128x128xf32>,
    %get3A_233 = arith.constant 0 : index
    %get3A_234 = arith.constant 25 : index
    %get3A_235 = arith.constant 0 : index
    %get3A_236 = vector.load %arg1[%get3A_233, %get3A_234, %get3A_235] : memref<128x104x128xf32, #tpu.memory_space<vmem>>, vector<128x1x128xf32>
    %get3A_237 = vector.shape_cast %get3A_236 : vector<128x1x128xf32> to vector<128x128xf32>
    %transpose3A_238 = tpu.transpose %get3A_237, [1, 0] : vector<128x128xf32> -> vector<128x128xf32>
    %slice3A_239 = vector.extract_strided_slice %transpose3A_238 {offsets = [0, 0], sizes = [72, 128], strides = [1, 1]} : vector<128x128xf32> to vector<72x128xf32>
    %swap3A_240 = arith.constant 9 : index
    %swap3A_241 = arith.constant 128 : index
    %swap3A_242 = arith.constant 0 : index
    %swap3A_243 = vector.load %arg3[%swap3A_240, %swap3A_241, %swap3A_242] : memref<50x200x128xf32, #tpu.memory_space<vmem>>, vector<1x72x128xf32>
    %swap3A_244 = vector.shape_cast %swap3A_243 : vector<1x72x128xf32> to vector<72x128xf32>
    %swap3A_245 = vector.shape_cast %slice3A_239 : vector<72x128xf32> to vector<1x72x128xf32>
    tpu.vector_store %arg3[%swap3A_240, %swap3A_241, %swap3A_242], %swap3A_245 {strides = array<i32>} : memref<50x200x128xf32, #tpu.memory_space<vmem>>, vector<1x72x128xf32>,
    %get3A_246 = arith.constant 0 : index
    %get3A_247 = arith.constant 18 : index
    %get3A_248 = arith.constant 0 : index
    %get3A_249 = vector.load %arg1[%get3A_246, %get3A_247, %get3A_248] : memref<128x104x128xf32, #tpu.memory_space<vmem>>, vector<128x1x128xf32>
    %get3A_250 = vector.shape_cast %get3A_249 : vector<128x1x128xf32> to vector<128x128xf32>
    %transpose3A_251 = tpu.transpose %get3A_250, [1, 0] : vector<128x128xf32> -> vector<128x128xf32>
    %swap3A_252 = arith.constant 10 : index
    %swap3A_253 = arith.constant 0 : index
    %swap3A_254 = arith.constant 0 : index
    %swap3A_255 = vector.load %arg3[%swap3A_252, %swap3A_253, %swap3A_254] : memref<50x200x128xf32, #tpu.memory_space<vmem>>, vector<1x128x128xf32>
    %swap3A_256 = vector.shape_cast %swap3A_255 : vector<1x128x128xf32> to vector<128x128xf32>
    %swap3A_257 = vector.shape_cast %transpose3A_251 : vector<128x128xf32> to vector<1x128x128xf32>
    tpu.vector_store %arg3[%swap3A_252, %swap3A_253, %swap3A_254], %swap3A_257 {strides = array<i32>} : memref<50x200x128xf32, #tpu.memory_space<vmem>>, vector<1x128x128xf32>,
    %get3A_258 = arith.constant 0 : index
    %get3A_259 = arith.constant 26 : index
    %get3A_260 = arith.constant 0 : index
    %get3A_261 = vector.load %arg1[%get3A_258, %get3A_259, %get3A_260] : memref<128x104x128xf32, #tpu.memory_space<vmem>>, vector<128x1x128xf32>
    %get3A_262 = vector.shape_cast %get3A_261 : vector<128x1x128xf32> to vector<128x128xf32>
    %transpose3A_263 = tpu.transpose %get3A_262, [1, 0] : vector<128x128xf32> -> vector<128x128xf32>
    %slice3A_264 = vector.extract_strided_slice %transpose3A_263 {offsets = [0, 0], sizes = [72, 128], strides = [1, 1]} : vector<128x128xf32> to vector<72x128xf32>
    %swap3A_265 = arith.constant 10 : index
    %swap3A_266 = arith.constant 128 : index
    %swap3A_267 = arith.constant 0 : index
    %swap3A_268 = vector.load %arg3[%swap3A_265, %swap3A_266, %swap3A_267] : memref<50x200x128xf32, #tpu.memory_space<vmem>>, vector<1x72x128xf32>
    %swap3A_269 = vector.shape_cast %swap3A_268 : vector<1x72x128xf32> to vector<72x128xf32>
    %swap3A_270 = vector.shape_cast %slice3A_264 : vector<72x128xf32> to vector<1x72x128xf32>
    tpu.vector_store %arg3[%swap3A_265, %swap3A_266, %swap3A_267], %swap3A_270 {strides = array<i32>} : memref<50x200x128xf32, #tpu.memory_space<vmem>>, vector<1x72x128xf32>,
    %get3A_271 = arith.constant 0 : index
    %get3A_272 = arith.constant 19 : index
    %get3A_273 = arith.constant 0 : index
    %get3A_274 = vector.load %arg1[%get3A_271, %get3A_272, %get3A_273] : memref<128x104x128xf32, #tpu.memory_space<vmem>>, vector<128x1x128xf32>
    %get3A_275 = vector.shape_cast %get3A_274 : vector<128x1x128xf32> to vector<128x128xf32>
    %transpose3A_276 = tpu.transpose %get3A_275, [1, 0] : vector<128x128xf32> -> vector<128x128xf32>
    %swap3A_277 = arith.constant 11 : index
    %swap3A_278 = arith.constant 0 : index
    %swap3A_279 = arith.constant 0 : index
    %swap3A_280 = vector.load %arg3[%swap3A_277, %swap3A_278, %swap3A_279] : memref<50x200x128xf32, #tpu.memory_space<vmem>>, vector<1x128x128xf32>
    %swap3A_281 = vector.shape_cast %swap3A_280 : vector<1x128x128xf32> to vector<128x128xf32>
    %swap3A_282 = vector.shape_cast %transpose3A_276 : vector<128x128xf32> to vector<1x128x128xf32>
    tpu.vector_store %arg3[%swap3A_277, %swap3A_278, %swap3A_279], %swap3A_282 {strides = array<i32>} : memref<50x200x128xf32, #tpu.memory_space<vmem>>, vector<1x128x128xf32>,
    %get3A_283 = arith.constant 0 : index
    %get3A_284 = arith.constant 27 : index
    %get3A_285 = arith.constant 0 : index
    %get3A_286 = vector.load %arg1[%get3A_283, %get3A_284, %get3A_285] : memref<128x104x128xf32, #tpu.memory_space<vmem>>, vector<128x1x128xf32>
    %get3A_287 = vector.shape_cast %get3A_286 : vector<128x1x128xf32> to vector<128x128xf32>
    %transpose3A_288 = tpu.transpose %get3A_287, [1, 0] : vector<128x128xf32> -> vector<128x128xf32>
    %slice3A_289 = vector.extract_strided_slice %transpose3A_288 {offsets = [0, 0], sizes = [72, 128], strides = [1, 1]} : vector<128x128xf32> to vector<72x128xf32>
    %swap3A_290 = arith.constant 11 : index
    %swap3A_291 = arith.constant 128 : index
    %swap3A_292 = arith.constant 0 : index
    %swap3A_293 = vector.load %arg3[%swap3A_290, %swap3A_291, %swap3A_292] : memref<50x200x128xf32, #tpu.memory_space<vmem>>, vector<1x72x128xf32>
    %swap3A_294 = vector.shape_cast %swap3A_293 : vector<1x72x128xf32> to vector<72x128xf32>
    %swap3A_295 = vector.shape_cast %slice3A_289 : vector<72x128xf32> to vector<1x72x128xf32>
    tpu.vector_store %arg3[%swap3A_290, %swap3A_291, %swap3A_292], %swap3A_295 {strides = array<i32>} : memref<50x200x128xf32, #tpu.memory_space<vmem>>, vector<1x72x128xf32>,
    %get3A_296 = arith.constant 0 : index
    %get3A_297 = arith.constant 20 : index
    %get3A_298 = arith.constant 0 : index
    %get3A_299 = vector.load %arg1[%get3A_296, %get3A_297, %get3A_298] : memref<128x104x128xf32, #tpu.memory_space<vmem>>, vector<128x1x128xf32>
    %get3A_300 = vector.shape_cast %get3A_299 : vector<128x1x128xf32> to vector<128x128xf32>
    %transpose3A_301 = tpu.transpose %get3A_300, [1, 0] : vector<128x128xf32> -> vector<128x128xf32>
    %swap3A_302 = arith.constant 12 : index
    %swap3A_303 = arith.constant 0 : index
    %swap3A_304 = arith.constant 0 : index
    %swap3A_305 = vector.load %arg3[%swap3A_302, %swap3A_303, %swap3A_304] : memref<50x200x128xf32, #tpu.memory_space<vmem>>, vector<1x128x128xf32>
    %swap3A_306 = vector.shape_cast %swap3A_305 : vector<1x128x128xf32> to vector<128x128xf32>
    %swap3A_307 = vector.shape_cast %transpose3A_301 : vector<128x128xf32> to vector<1x128x128xf32>
    tpu.vector_store %arg3[%swap3A_302, %swap3A_303, %swap3A_304], %swap3A_307 {strides = array<i32>} : memref<50x200x128xf32, #tpu.memory_space<vmem>>, vector<1x128x128xf32>,
    %get3A_308 = arith.constant 0 : index
    %get3A_309 = arith.constant 28 : index
    %get3A_310 = arith.constant 0 : index
    %get3A_311 = vector.load %arg1[%get3A_308, %get3A_309, %get3A_310] : memref<128x104x128xf32, #tpu.memory_space<vmem>>, vector<128x1x128xf32>
    %get3A_312 = vector.shape_cast %get3A_311 : vector<128x1x128xf32> to vector<128x128xf32>
    %transpose3A_313 = tpu.transpose %get3A_312, [1, 0] : vector<128x128xf32> -> vector<128x128xf32>
    %slice3A_314 = vector.extract_strided_slice %transpose3A_313 {offsets = [0, 0], sizes = [72, 128], strides = [1, 1]} : vector<128x128xf32> to vector<72x128xf32>
    %swap3A_315 = arith.constant 12 : index
    %swap3A_316 = arith.constant 128 : index
    %swap3A_317 = arith.constant 0 : index
    %swap3A_318 = vector.load %arg3[%swap3A_315, %swap3A_316, %swap3A_317] : memref<50x200x128xf32, #tpu.memory_space<vmem>>, vector<1x72x128xf32>
    %swap3A_319 = vector.shape_cast %swap3A_318 : vector<1x72x128xf32> to vector<72x128xf32>
    %swap3A_320 = vector.shape_cast %slice3A_314 : vector<72x128xf32> to vector<1x72x128xf32>
    tpu.vector_store %arg3[%swap3A_315, %swap3A_316, %swap3A_317], %swap3A_320 {strides = array<i32>} : memref<50x200x128xf32, #tpu.memory_space<vmem>>, vector<1x72x128xf32>,
    %get3A_321 = arith.constant 0 : index
    %get3A_322 = arith.constant 21 : index
    %get3A_323 = arith.constant 0 : index
    %get3A_324 = vector.load %arg1[%get3A_321, %get3A_322, %get3A_323] : memref<128x104x128xf32, #tpu.memory_space<vmem>>, vector<128x1x128xf32>
    %get3A_325 = vector.shape_cast %get3A_324 : vector<128x1x128xf32> to vector<128x128xf32>
    %transpose3A_326 = tpu.transpose %get3A_325, [1, 0] : vector<128x128xf32> -> vector<128x128xf32>
    %swap3A_327 = arith.constant 13 : index
    %swap3A_328 = arith.constant 0 : index
    %swap3A_329 = arith.constant 0 : index
    %swap3A_330 = vector.load %arg3[%swap3A_327, %swap3A_328, %swap3A_329] : memref<50x200x128xf32, #tpu.memory_space<vmem>>, vector<1x128x128xf32>
    %swap3A_331 = vector.shape_cast %swap3A_330 : vector<1x128x128xf32> to vector<128x128xf32>
    %swap3A_332 = vector.shape_cast %transpose3A_326 : vector<128x128xf32> to vector<1x128x128xf32>
    tpu.vector_store %arg3[%swap3A_327, %swap3A_328, %swap3A_329], %swap3A_332 {strides = array<i32>} : memref<50x200x128xf32, #tpu.memory_space<vmem>>, vector<1x128x128xf32>,
    %get3A_333 = arith.constant 0 : index
    %get3A_334 = arith.constant 29 : index
    %get3A_335 = arith.constant 0 : index
    %get3A_336 = vector.load %arg1[%get3A_333, %get3A_334, %get3A_335] : memref<128x104x128xf32, #tpu.memory_space<vmem>>, vector<128x1x128xf32>
    %get3A_337 = vector.shape_cast %get3A_336 : vector<128x1x128xf32> to vector<128x128xf32>
    %transpose3A_338 = tpu.transpose %get3A_337, [1, 0] : vector<128x128xf32> -> vector<128x128xf32>
    %slice3A_339 = vector.extract_strided_slice %transpose3A_338 {offsets = [0, 0], sizes = [72, 128], strides = [1, 1]} : vector<128x128xf32> to vector<72x128xf32>
    %swap3A_340 = arith.constant 13 : index
    %swap3A_341 = arith.constant 128 : index
    %swap3A_342 = arith.constant 0 : index
    %swap3A_343 = vector.load %arg3[%swap3A_340, %swap3A_341, %swap3A_342] : memref<50x200x128xf32, #tpu.memory_space<vmem>>, vector<1x72x128xf32>
    %swap3A_344 = vector.shape_cast %swap3A_343 : vector<1x72x128xf32> to vector<72x128xf32>
    %swap3A_345 = vector.shape_cast %slice3A_339 : vector<72x128xf32> to vector<1x72x128xf32>
    tpu.vector_store %arg3[%swap3A_340, %swap3A_341, %swap3A_342], %swap3A_345 {strides = array<i32>} : memref<50x200x128xf32, #tpu.memory_space<vmem>>, vector<1x72x128xf32>,
    %get3A_346 = arith.constant 0 : index
    %get3A_347 = arith.constant 22 : index
    %get3A_348 = arith.constant 0 : index
    %get3A_349 = vector.load %arg1[%get3A_346, %get3A_347, %get3A_348] : memref<128x104x128xf32, #tpu.memory_space<vmem>>, vector<128x1x128xf32>
    %get3A_350 = vector.shape_cast %get3A_349 : vector<128x1x128xf32> to vector<128x128xf32>
    %transpose3A_351 = tpu.transpose %get3A_350, [1, 0] : vector<128x128xf32> -> vector<128x128xf32>
    %swap3A_352 = arith.constant 14 : index
    %swap3A_353 = arith.constant 0 : index
    %swap3A_354 = arith.constant 0 : index
    %swap3A_355 = vector.load %arg3[%swap3A_352, %swap3A_353, %swap3A_354] : memref<50x200x128xf32, #tpu.memory_space<vmem>>, vector<1x128x128xf32>
    %swap3A_356 = vector.shape_cast %swap3A_355 : vector<1x128x128xf32> to vector<128x128xf32>
    %swap3A_357 = vector.shape_cast %transpose3A_351 : vector<128x128xf32> to vector<1x128x128xf32>
    tpu.vector_store %arg3[%swap3A_352, %swap3A_353, %swap3A_354], %swap3A_357 {strides = array<i32>} : memref<50x200x128xf32, #tpu.memory_space<vmem>>, vector<1x128x128xf32>,
    %get3A_358 = arith.constant 0 : index
    %get3A_359 = arith.constant 30 : index
    %get3A_360 = arith.constant 0 : index
    %get3A_361 = vector.load %arg1[%get3A_358, %get3A_359, %get3A_360] : memref<128x104x128xf32, #tpu.memory_space<vmem>>, vector<128x1x128xf32>
    %get3A_362 = vector.shape_cast %get3A_361 : vector<128x1x128xf32> to vector<128x128xf32>
    %transpose3A_363 = tpu.transpose %get3A_362, [1, 0] : vector<128x128xf32> -> vector<128x128xf32>
    %slice3A_364 = vector.extract_strided_slice %transpose3A_363 {offsets = [0, 0], sizes = [72, 128], strides = [1, 1]} : vector<128x128xf32> to vector<72x128xf32>
    %swap3A_365 = arith.constant 14 : index
    %swap3A_366 = arith.constant 128 : index
    %swap3A_367 = arith.constant 0 : index
    %swap3A_368 = vector.load %arg3[%swap3A_365, %swap3A_366, %swap3A_367] : memref<50x200x128xf32, #tpu.memory_space<vmem>>, vector<1x72x128xf32>
    %swap3A_369 = vector.shape_cast %swap3A_368 : vector<1x72x128xf32> to vector<72x128xf32>
    %swap3A_370 = vector.shape_cast %slice3A_364 : vector<72x128xf32> to vector<1x72x128xf32>
    tpu.vector_store %arg3[%swap3A_365, %swap3A_366, %swap3A_367], %swap3A_370 {strides = array<i32>} : memref<50x200x128xf32, #tpu.memory_space<vmem>>, vector<1x72x128xf32>,
    %get3A_371 = arith.constant 0 : index
    %get3A_372 = arith.constant 23 : index
    %get3A_373 = arith.constant 0 : index
    %get3A_374 = vector.load %arg1[%get3A_371, %get3A_372, %get3A_373] : memref<128x104x128xf32, #tpu.memory_space<vmem>>, vector<128x1x128xf32>
    %get3A_375 = vector.shape_cast %get3A_374 : vector<128x1x128xf32> to vector<128x128xf32>
    %transpose3A_376 = tpu.transpose %get3A_375, [1, 0] : vector<128x128xf32> -> vector<128x128xf32>
    %swap3A_377 = arith.constant 15 : index
    %swap3A_378 = arith.constant 0 : index
    %swap3A_379 = arith.constant 0 : index
    %swap3A_380 = vector.load %arg3[%swap3A_377, %swap3A_378, %swap3A_379] : memref<50x200x128xf32, #tpu.memory_space<vmem>>, vector<1x128x128xf32>
    %swap3A_381 = vector.shape_cast %swap3A_380 : vector<1x128x128xf32> to vector<128x128xf32>
    %swap3A_382 = vector.shape_cast %transpose3A_376 : vector<128x128xf32> to vector<1x128x128xf32>
    tpu.vector_store %arg3[%swap3A_377, %swap3A_378, %swap3A_379], %swap3A_382 {strides = array<i32>} : memref<50x200x128xf32, #tpu.memory_space<vmem>>, vector<1x128x128xf32>,
    %get3A_383 = arith.constant 0 : index
    %get3A_384 = arith.constant 31 : index
    %get3A_385 = arith.constant 0 : index
    %get3A_386 = vector.load %arg1[%get3A_383, %get3A_384, %get3A_385] : memref<128x104x128xf32, #tpu.memory_space<vmem>>, vector<128x1x128xf32>
    %get3A_387 = vector.shape_cast %get3A_386 : vector<128x1x128xf32> to vector<128x128xf32>
    %transpose3A_388 = tpu.transpose %get3A_387, [1, 0] : vector<128x128xf32> -> vector<128x128xf32>
    %slice3A_389 = vector.extract_strided_slice %transpose3A_388 {offsets = [0, 0], sizes = [72, 128], strides = [1, 1]} : vector<128x128xf32> to vector<72x128xf32>
    %swap3A_390 = arith.constant 15 : index
    %swap3A_391 = arith.constant 128 : index
    %swap3A_392 = arith.constant 0 : index
    %swap3A_393 = vector.load %arg3[%swap3A_390, %swap3A_391, %swap3A_392] : memref<50x200x128xf32, #tpu.memory_space<vmem>>, vector<1x72x128xf32>
    %swap3A_394 = vector.shape_cast %swap3A_393 : vector<1x72x128xf32> to vector<72x128xf32>
    %swap3A_395 = vector.shape_cast %slice3A_389 : vector<72x128xf32> to vector<1x72x128xf32>
    tpu.vector_store %arg3[%swap3A_390, %swap3A_391, %swap3A_392], %swap3A_395 {strides = array<i32>} : memref<50x200x128xf32, #tpu.memory_space<vmem>>, vector<1x72x128xf32>,
    %get3A_396 = arith.constant 0 : index
    %get3A_397 = arith.constant 32 : index
    %get3A_398 = arith.constant 0 : index
    %get3A_399 = vector.load %arg1[%get3A_396, %get3A_397, %get3A_398] : memref<128x104x128xf32, #tpu.memory_space<vmem>>, vector<128x1x128xf32>
    %get3A_400 = vector.shape_cast %get3A_399 : vector<128x1x128xf32> to vector<128x128xf32>
    %transpose3A_401 = tpu.transpose %get3A_400, [1, 0] : vector<128x128xf32> -> vector<128x128xf32>
    %swap3A_402 = arith.constant 16 : index
    %swap3A_403 = arith.constant 0 : index
    %swap3A_404 = arith.constant 0 : index
    %swap3A_405 = vector.load %arg3[%swap3A_402, %swap3A_403, %swap3A_404] : memref<50x200x128xf32, #tpu.memory_space<vmem>>, vector<1x128x128xf32>
    %swap3A_406 = vector.shape_cast %swap3A_405 : vector<1x128x128xf32> to vector<128x128xf32>
    %swap3A_407 = vector.shape_cast %transpose3A_401 : vector<128x128xf32> to vector<1x128x128xf32>
    tpu.vector_store %arg3[%swap3A_402, %swap3A_403, %swap3A_404], %swap3A_407 {strides = array<i32>} : memref<50x200x128xf32, #tpu.memory_space<vmem>>, vector<1x128x128xf32>,
    %get3A_408 = arith.constant 0 : index
    %get3A_409 = arith.constant 40 : index
    %get3A_410 = arith.constant 0 : index
    %get3A_411 = vector.load %arg1[%get3A_408, %get3A_409, %get3A_410] : memref<128x104x128xf32, #tpu.memory_space<vmem>>, vector<128x1x128xf32>
    %get3A_412 = vector.shape_cast %get3A_411 : vector<128x1x128xf32> to vector<128x128xf32>
    %transpose3A_413 = tpu.transpose %get3A_412, [1, 0] : vector<128x128xf32> -> vector<128x128xf32>
    %slice3A_414 = vector.extract_strided_slice %transpose3A_413 {offsets = [0, 0], sizes = [72, 128], strides = [1, 1]} : vector<128x128xf32> to vector<72x128xf32>
    %swap3A_415 = arith.constant 16 : index
    %swap3A_416 = arith.constant 128 : index
    %swap3A_417 = arith.constant 0 : index
    %swap3A_418 = vector.load %arg3[%swap3A_415, %swap3A_416, %swap3A_417] : memref<50x200x128xf32, #tpu.memory_space<vmem>>, vector<1x72x128xf32>
    %swap3A_419 = vector.shape_cast %swap3A_418 : vector<1x72x128xf32> to vector<72x128xf32>
    %swap3A_420 = vector.shape_cast %slice3A_414 : vector<72x128xf32> to vector<1x72x128xf32>
    tpu.vector_store %arg3[%swap3A_415, %swap3A_416, %swap3A_417], %swap3A_420 {strides = array<i32>} : memref<50x200x128xf32, #tpu.memory_space<vmem>>, vector<1x72x128xf32>,
    %get3A_421 = arith.constant 0 : index
    %get3A_422 = arith.constant 33 : index
    %get3A_423 = arith.constant 0 : index
    %get3A_424 = vector.load %arg1[%get3A_421, %get3A_422, %get3A_423] : memref<128x104x128xf32, #tpu.memory_space<vmem>>, vector<128x1x128xf32>
    %get3A_425 = vector.shape_cast %get3A_424 : vector<128x1x128xf32> to vector<128x128xf32>
    %transpose3A_426 = tpu.transpose %get3A_425, [1, 0] : vector<128x128xf32> -> vector<128x128xf32>
    %swap3A_427 = arith.constant 17 : index
    %swap3A_428 = arith.constant 0 : index
    %swap3A_429 = arith.constant 0 : index
    %swap3A_430 = vector.load %arg3[%swap3A_427, %swap3A_428, %swap3A_429] : memref<50x200x128xf32, #tpu.memory_space<vmem>>, vector<1x128x128xf32>
    %swap3A_431 = vector.shape_cast %swap3A_430 : vector<1x128x128xf32> to vector<128x128xf32>
    %swap3A_432 = vector.shape_cast %transpose3A_426 : vector<128x128xf32> to vector<1x128x128xf32>
    tpu.vector_store %arg3[%swap3A_427, %swap3A_428, %swap3A_429], %swap3A_432 {strides = array<i32>} : memref<50x200x128xf32, #tpu.memory_space<vmem>>, vector<1x128x128xf32>,
    %get3A_433 = arith.constant 0 : index
    %get3A_434 = arith.constant 41 : index
    %get3A_435 = arith.constant 0 : index
    %get3A_436 = vector.load %arg1[%get3A_433, %get3A_434, %get3A_435] : memref<128x104x128xf32, #tpu.memory_space<vmem>>, vector<128x1x128xf32>
    %get3A_437 = vector.shape_cast %get3A_436 : vector<128x1x128xf32> to vector<128x128xf32>
    %transpose3A_438 = tpu.transpose %get3A_437, [1, 0] : vector<128x128xf32> -> vector<128x128xf32>
    %slice3A_439 = vector.extract_strided_slice %transpose3A_438 {offsets = [0, 0], sizes = [72, 128], strides = [1, 1]} : vector<128x128xf32> to vector<72x128xf32>
    %swap3A_440 = arith.constant 17 : index
    %swap3A_441 = arith.constant 128 : index
    %swap3A_442 = arith.constant 0 : index
    %swap3A_443 = vector.load %arg3[%swap3A_440, %swap3A_441, %swap3A_442] : memref<50x200x128xf32, #tpu.memory_space<vmem>>, vector<1x72x128xf32>
    %swap3A_444 = vector.shape_cast %swap3A_443 : vector<1x72x128xf32> to vector<72x128xf32>
    %swap3A_445 = vector.shape_cast %slice3A_439 : vector<72x128xf32> to vector<1x72x128xf32>
    tpu.vector_store %arg3[%swap3A_440, %swap3A_441, %swap3A_442], %swap3A_445 {strides = array<i32>} : memref<50x200x128xf32, #tpu.memory_space<vmem>>, vector<1x72x128xf32>,
    %get3A_446 = arith.constant 0 : index
    %get3A_447 = arith.constant 34 : index
    %get3A_448 = arith.constant 0 : index
    %get3A_449 = vector.load %arg1[%get3A_446, %get3A_447, %get3A_448] : memref<128x104x128xf32, #tpu.memory_space<vmem>>, vector<128x1x128xf32>
    %get3A_450 = vector.shape_cast %get3A_449 : vector<128x1x128xf32> to vector<128x128xf32>
    %transpose3A_451 = tpu.transpose %get3A_450, [1, 0] : vector<128x128xf32> -> vector<128x128xf32>
    %swap3A_452 = arith.constant 18 : index
    %swap3A_453 = arith.constant 0 : index
    %swap3A_454 = arith.constant 0 : index
    %swap3A_455 = vector.load %arg3[%swap3A_452, %swap3A_453, %swap3A_454] : memref<50x200x128xf32, #tpu.memory_space<vmem>>, vector<1x128x128xf32>
    %swap3A_456 = vector.shape_cast %swap3A_455 : vector<1x128x128xf32> to vector<128x128xf32>
    %swap3A_457 = vector.shape_cast %transpose3A_451 : vector<128x128xf32> to vector<1x128x128xf32>
    tpu.vector_store %arg3[%swap3A_452, %swap3A_453, %swap3A_454], %swap3A_457 {strides = array<i32>} : memref<50x200x128xf32, #tpu.memory_space<vmem>>, vector<1x128x128xf32>,
    %get3A_458 = arith.constant 0 : index
    %get3A_459 = arith.constant 42 : index
    %get3A_460 = arith.constant 0 : index
    %get3A_461 = vector.load %arg1[%get3A_458, %get3A_459, %get3A_460] : memref<128x104x128xf32, #tpu.memory_space<vmem>>, vector<128x1x128xf32>
    %get3A_462 = vector.shape_cast %get3A_461 : vector<128x1x128xf32> to vector<128x128xf32>
    %transpose3A_463 = tpu.transpose %get3A_462, [1, 0] : vector<128x128xf32> -> vector<128x128xf32>
    %slice3A_464 = vector.extract_strided_slice %transpose3A_463 {offsets = [0, 0], sizes = [72, 128], strides = [1, 1]} : vector<128x128xf32> to vector<72x128xf32>
    %swap3A_465 = arith.constant 18 : index
    %swap3A_466 = arith.constant 128 : index
    %swap3A_467 = arith.constant 0 : index
    %swap3A_468 = vector.load %arg3[%swap3A_465, %swap3A_466, %swap3A_467] : memref<50x200x128xf32, #tpu.memory_space<vmem>>, vector<1x72x128xf32>
    %swap3A_469 = vector.shape_cast %swap3A_468 : vector<1x72x128xf32> to vector<72x128xf32>
    %swap3A_470 = vector.shape_cast %slice3A_464 : vector<72x128xf32> to vector<1x72x128xf32>
    tpu.vector_store %arg3[%swap3A_465, %swap3A_466, %swap3A_467], %swap3A_470 {strides = array<i32>} : memref<50x200x128xf32, #tpu.memory_space<vmem>>, vector<1x72x128xf32>,
    %get3A_471 = arith.constant 0 : index
    %get3A_472 = arith.constant 35 : index
    %get3A_473 = arith.constant 0 : index
    %get3A_474 = vector.load %arg1[%get3A_471, %get3A_472, %get3A_473] : memref<128x104x128xf32, #tpu.memory_space<vmem>>, vector<128x1x128xf32>
    %get3A_475 = vector.shape_cast %get3A_474 : vector<128x1x128xf32> to vector<128x128xf32>
    %transpose3A_476 = tpu.transpose %get3A_475, [1, 0] : vector<128x128xf32> -> vector<128x128xf32>
    %swap3A_477 = arith.constant 19 : index
    %swap3A_478 = arith.constant 0 : index
    %swap3A_479 = arith.constant 0 : index
    %swap3A_480 = vector.load %arg3[%swap3A_477, %swap3A_478, %swap3A_479] : memref<50x200x128xf32, #tpu.memory_space<vmem>>, vector<1x128x128xf32>
    %swap3A_481 = vector.shape_cast %swap3A_480 : vector<1x128x128xf32> to vector<128x128xf32>
    %swap3A_482 = vector.shape_cast %transpose3A_476 : vector<128x128xf32> to vector<1x128x128xf32>
    tpu.vector_store %arg3[%swap3A_477, %swap3A_478, %swap3A_479], %swap3A_482 {strides = array<i32>} : memref<50x200x128xf32, #tpu.memory_space<vmem>>, vector<1x128x128xf32>,
    %get3A_483 = arith.constant 0 : index
    %get3A_484 = arith.constant 43 : index
    %get3A_485 = arith.constant 0 : index
    %get3A_486 = vector.load %arg1[%get3A_483, %get3A_484, %get3A_485] : memref<128x104x128xf32, #tpu.memory_space<vmem>>, vector<128x1x128xf32>
    %get3A_487 = vector.shape_cast %get3A_486 : vector<128x1x128xf32> to vector<128x128xf32>
    %transpose3A_488 = tpu.transpose %get3A_487, [1, 0] : vector<128x128xf32> -> vector<128x128xf32>
    %slice3A_489 = vector.extract_strided_slice %transpose3A_488 {offsets = [0, 0], sizes = [72, 128], strides = [1, 1]} : vector<128x128xf32> to vector<72x128xf32>
    %swap3A_490 = arith.constant 19 : index
    %swap3A_491 = arith.constant 128 : index
    %swap3A_492 = arith.constant 0 : index
    %swap3A_493 = vector.load %arg3[%swap3A_490, %swap3A_491, %swap3A_492] : memref<50x200x128xf32, #tpu.memory_space<vmem>>, vector<1x72x128xf32>
    %swap3A_494 = vector.shape_cast %swap3A_493 : vector<1x72x128xf32> to vector<72x128xf32>
    %swap3A_495 = vector.shape_cast %slice3A_489 : vector<72x128xf32> to vector<1x72x128xf32>
    tpu.vector_store %arg3[%swap3A_490, %swap3A_491, %swap3A_492], %swap3A_495 {strides = array<i32>} : memref<50x200x128xf32, #tpu.memory_space<vmem>>, vector<1x72x128xf32>,
    %get3A_496 = arith.constant 0 : index
    %get3A_497 = arith.constant 36 : index
    %get3A_498 = arith.constant 0 : index
    %get3A_499 = vector.load %arg1[%get3A_496, %get3A_497, %get3A_498] : memref<128x104x128xf32, #tpu.memory_space<vmem>>, vector<128x1x128xf32>
    %get3A_500 = vector.shape_cast %get3A_499 : vector<128x1x128xf32> to vector<128x128xf32>
    %transpose3A_501 = tpu.transpose %get3A_500, [1, 0] : vector<128x128xf32> -> vector<128x128xf32>
    %swap3A_502 = arith.constant 20 : index
    %swap3A_503 = arith.constant 0 : index
    %swap3A_504 = arith.constant 0 : index
    %swap3A_505 = vector.load %arg3[%swap3A_502, %swap3A_503, %swap3A_504] : memref<50x200x128xf32, #tpu.memory_space<vmem>>, vector<1x128x128xf32>
    %swap3A_506 = vector.shape_cast %swap3A_505 : vector<1x128x128xf32> to vector<128x128xf32>
    %swap3A_507 = vector.shape_cast %transpose3A_501 : vector<128x128xf32> to vector<1x128x128xf32>
    tpu.vector_store %arg3[%swap3A_502, %swap3A_503, %swap3A_504], %swap3A_507 {strides = array<i32>} : memref<50x200x128xf32, #tpu.memory_space<vmem>>, vector<1x128x128xf32>,
    %get3A_508 = arith.constant 0 : index
    %get3A_509 = arith.constant 44 : index
    %get3A_510 = arith.constant 0 : index
    %get3A_511 = vector.load %arg1[%get3A_508, %get3A_509, %get3A_510] : memref<128x104x128xf32, #tpu.memory_space<vmem>>, vector<128x1x128xf32>
    %get3A_512 = vector.shape_cast %get3A_511 : vector<128x1x128xf32> to vector<128x128xf32>
    %transpose3A_513 = tpu.transpose %get3A_512, [1, 0] : vector<128x128xf32> -> vector<128x128xf32>
    %slice3A_514 = vector.extract_strided_slice %transpose3A_513 {offsets = [0, 0], sizes = [72, 128], strides = [1, 1]} : vector<128x128xf32> to vector<72x128xf32>
    %swap3A_515 = arith.constant 20 : index
    %swap3A_516 = arith.constant 128 : index
    %swap3A_517 = arith.constant 0 : index
    %swap3A_518 = vector.load %arg3[%swap3A_515, %swap3A_516, %swap3A_517] : memref<50x200x128xf32, #tpu.memory_space<vmem>>, vector<1x72x128xf32>
    %swap3A_519 = vector.shape_cast %swap3A_518 : vector<1x72x128xf32> to vector<72x128xf32>
    %swap3A_520 = vector.shape_cast %slice3A_514 : vector<72x128xf32> to vector<1x72x128xf32>
    tpu.vector_store %arg3[%swap3A_515, %swap3A_516, %swap3A_517], %swap3A_520 {strides = array<i32>} : memref<50x200x128xf32, #tpu.memory_space<vmem>>, vector<1x72x128xf32>,
    %get3A_521 = arith.constant 0 : index
    %get3A_522 = arith.constant 37 : index
    %get3A_523 = arith.constant 0 : index
    %get3A_524 = vector.load %arg1[%get3A_521, %get3A_522, %get3A_523] : memref<128x104x128xf32, #tpu.memory_space<vmem>>, vector<128x1x128xf32>
    %get3A_525 = vector.shape_cast %get3A_524 : vector<128x1x128xf32> to vector<128x128xf32>
    %transpose3A_526 = tpu.transpose %get3A_525, [1, 0] : vector<128x128xf32> -> vector<128x128xf32>
    %swap3A_527 = arith.constant 21 : index
    %swap3A_528 = arith.constant 0 : index
    %swap3A_529 = arith.constant 0 : index
    %swap3A_530 = vector.load %arg3[%swap3A_527, %swap3A_528, %swap3A_529] : memref<50x200x128xf32, #tpu.memory_space<vmem>>, vector<1x128x128xf32>
    %swap3A_531 = vector.shape_cast %swap3A_530 : vector<1x128x128xf32> to vector<128x128xf32>
    %swap3A_532 = vector.shape_cast %transpose3A_526 : vector<128x128xf32> to vector<1x128x128xf32>
    tpu.vector_store %arg3[%swap3A_527, %swap3A_528, %swap3A_529], %swap3A_532 {strides = array<i32>} : memref<50x200x128xf32, #tpu.memory_space<vmem>>, vector<1x128x128xf32>,
    %get3A_533 = arith.constant 0 : index
    %get3A_534 = arith.constant 45 : index
    %get3A_535 = arith.constant 0 : index
    %get3A_536 = vector.load %arg1[%get3A_533, %get3A_534, %get3A_535] : memref<128x104x128xf32, #tpu.memory_space<vmem>>, vector<128x1x128xf32>
    %get3A_537 = vector.shape_cast %get3A_536 : vector<128x1x128xf32> to vector<128x128xf32>
    %transpose3A_538 = tpu.transpose %get3A_537, [1, 0] : vector<128x128xf32> -> vector<128x128xf32>
    %slice3A_539 = vector.extract_strided_slice %transpose3A_538 {offsets = [0, 0], sizes = [72, 128], strides = [1, 1]} : vector<128x128xf32> to vector<72x128xf32>
    %swap3A_540 = arith.constant 21 : index
    %swap3A_541 = arith.constant 128 : index
    %swap3A_542 = arith.constant 0 : index
    %swap3A_543 = vector.load %arg3[%swap3A_540, %swap3A_541, %swap3A_542] : memref<50x200x128xf32, #tpu.memory_space<vmem>>, vector<1x72x128xf32>
    %swap3A_544 = vector.shape_cast %swap3A_543 : vector<1x72x128xf32> to vector<72x128xf32>
    %swap3A_545 = vector.shape_cast %slice3A_539 : vector<72x128xf32> to vector<1x72x128xf32>
    tpu.vector_store %arg3[%swap3A_540, %swap3A_541, %swap3A_542], %swap3A_545 {strides = array<i32>} : memref<50x200x128xf32, #tpu.memory_space<vmem>>, vector<1x72x128xf32>,
    %get3A_546 = arith.constant 0 : index
    %get3A_547 = arith.constant 38 : index
    %get3A_548 = arith.constant 0 : index
    %get3A_549 = vector.load %arg1[%get3A_546, %get3A_547, %get3A_548] : memref<128x104x128xf32, #tpu.memory_space<vmem>>, vector<128x1x128xf32>
    %get3A_550 = vector.shape_cast %get3A_549 : vector<128x1x128xf32> to vector<128x128xf32>
    %transpose3A_551 = tpu.transpose %get3A_550, [1, 0] : vector<128x128xf32> -> vector<128x128xf32>
    %swap3A_552 = arith.constant 22 : index
    %swap3A_553 = arith.constant 0 : index
    %swap3A_554 = arith.constant 0 : index
    %swap3A_555 = vector.load %arg3[%swap3A_552, %swap3A_553, %swap3A_554] : memref<50x200x128xf32, #tpu.memory_space<vmem>>, vector<1x128x128xf32>
    %swap3A_556 = vector.shape_cast %swap3A_555 : vector<1x128x128xf32> to vector<128x128xf32>
    %swap3A_557 = vector.shape_cast %transpose3A_551 : vector<128x128xf32> to vector<1x128x128xf32>
    tpu.vector_store %arg3[%swap3A_552, %swap3A_553, %swap3A_554], %swap3A_557 {strides = array<i32>} : memref<50x200x128xf32, #tpu.memory_space<vmem>>, vector<1x128x128xf32>,
    %get3A_558 = arith.constant 0 : index
    %get3A_559 = arith.constant 46 : index
    %get3A_560 = arith.constant 0 : index
    %get3A_561 = vector.load %arg1[%get3A_558, %get3A_559, %get3A_560] : memref<128x104x128xf32, #tpu.memory_space<vmem>>, vector<128x1x128xf32>
    %get3A_562 = vector.shape_cast %get3A_561 : vector<128x1x128xf32> to vector<128x128xf32>
    %transpose3A_563 = tpu.transpose %get3A_562, [1, 0] : vector<128x128xf32> -> vector<128x128xf32>
    %slice3A_564 = vector.extract_strided_slice %transpose3A_563 {offsets = [0, 0], sizes = [72, 128], strides = [1, 1]} : vector<128x128xf32> to vector<72x128xf32>
    %swap3A_565 = arith.constant 22 : index
    %swap3A_566 = arith.constant 128 : index
    %swap3A_567 = arith.constant 0 : index
    %swap3A_568 = vector.load %arg3[%swap3A_565, %swap3A_566, %swap3A_567] : memref<50x200x128xf32, #tpu.memory_space<vmem>>, vector<1x72x128xf32>
    %swap3A_569 = vector.shape_cast %swap3A_568 : vector<1x72x128xf32> to vector<72x128xf32>
    %swap3A_570 = vector.shape_cast %slice3A_564 : vector<72x128xf32> to vector<1x72x128xf32>
    tpu.vector_store %arg3[%swap3A_565, %swap3A_566, %swap3A_567], %swap3A_570 {strides = array<i32>} : memref<50x200x128xf32, #tpu.memory_space<vmem>>, vector<1x72x128xf32>,
    %get3A_571 = arith.constant 0 : index
    %get3A_572 = arith.constant 39 : index
    %get3A_573 = arith.constant 0 : index
    %get3A_574 = vector.load %arg1[%get3A_571, %get3A_572, %get3A_573] : memref<128x104x128xf32, #tpu.memory_space<vmem>>, vector<128x1x128xf32>
    %get3A_575 = vector.shape_cast %get3A_574 : vector<128x1x128xf32> to vector<128x128xf32>
    %transpose3A_576 = tpu.transpose %get3A_575, [1, 0] : vector<128x128xf32> -> vector<128x128xf32>
    %swap3A_577 = arith.constant 23 : index
    %swap3A_578 = arith.constant 0 : index
    %swap3A_579 = arith.constant 0 : index
    %swap3A_580 = vector.load %arg3[%swap3A_577, %swap3A_578, %swap3A_579] : memref<50x200x128xf32, #tpu.memory_space<vmem>>, vector<1x128x128xf32>
    %swap3A_581 = vector.shape_cast %swap3A_580 : vector<1x128x128xf32> to vector<128x128xf32>
    %swap3A_582 = vector.shape_cast %transpose3A_576 : vector<128x128xf32> to vector<1x128x128xf32>
    tpu.vector_store %arg3[%swap3A_577, %swap3A_578, %swap3A_579], %swap3A_582 {strides = array<i32>} : memref<50x200x128xf32, #tpu.memory_space<vmem>>, vector<1x128x128xf32>,
    %get3A_583 = arith.constant 0 : index
    %get3A_584 = arith.constant 47 : index
    %get3A_585 = arith.constant 0 : index
    %get3A_586 = vector.load %arg1[%get3A_583, %get3A_584, %get3A_585] : memref<128x104x128xf32, #tpu.memory_space<vmem>>, vector<128x1x128xf32>
    %get3A_587 = vector.shape_cast %get3A_586 : vector<128x1x128xf32> to vector<128x128xf32>
    %transpose3A_588 = tpu.transpose %get3A_587, [1, 0] : vector<128x128xf32> -> vector<128x128xf32>
    %slice3A_589 = vector.extract_strided_slice %transpose3A_588 {offsets = [0, 0], sizes = [72, 128], strides = [1, 1]} : vector<128x128xf32> to vector<72x128xf32>
    %swap3A_590 = arith.constant 23 : index
    %swap3A_591 = arith.constant 128 : index
    %swap3A_592 = arith.constant 0 : index
    %swap3A_593 = vector.load %arg3[%swap3A_590, %swap3A_591, %swap3A_592] : memref<50x200x128xf32, #tpu.memory_space<vmem>>, vector<1x72x128xf32>
    %swap3A_594 = vector.shape_cast %swap3A_593 : vector<1x72x128xf32> to vector<72x128xf32>
    %swap3A_595 = vector.shape_cast %slice3A_589 : vector<72x128xf32> to vector<1x72x128xf32>
    tpu.vector_store %arg3[%swap3A_590, %swap3A_591, %swap3A_592], %swap3A_595 {strides = array<i32>} : memref<50x200x128xf32, #tpu.memory_space<vmem>>, vector<1x72x128xf32>,
    %get3A_596 = arith.constant 0 : index
    %get3A_597 = arith.constant 48 : index
    %get3A_598 = arith.constant 0 : index
    %get3A_599 = vector.load %arg1[%get3A_596, %get3A_597, %get3A_598] : memref<128x104x128xf32, #tpu.memory_space<vmem>>, vector<128x1x128xf32>
    %get3A_600 = vector.shape_cast %get3A_599 : vector<128x1x128xf32> to vector<128x128xf32>
    %transpose3A_601 = tpu.transpose %get3A_600, [1, 0] : vector<128x128xf32> -> vector<128x128xf32>
    %swap3A_602 = arith.constant 24 : index
    %swap3A_603 = arith.constant 0 : index
    %swap3A_604 = arith.constant 0 : index
    %swap3A_605 = vector.load %arg3[%swap3A_602, %swap3A_603, %swap3A_604] : memref<50x200x128xf32, #tpu.memory_space<vmem>>, vector<1x128x128xf32>
    %swap3A_606 = vector.shape_cast %swap3A_605 : vector<1x128x128xf32> to vector<128x128xf32>
    %swap3A_607 = vector.shape_cast %transpose3A_601 : vector<128x128xf32> to vector<1x128x128xf32>
    tpu.vector_store %arg3[%swap3A_602, %swap3A_603, %swap3A_604], %swap3A_607 {strides = array<i32>} : memref<50x200x128xf32, #tpu.memory_space<vmem>>, vector<1x128x128xf32>,
    %get3A_608 = arith.constant 0 : index
    %get3A_609 = arith.constant 56 : index
    %get3A_610 = arith.constant 0 : index
    %get3A_611 = vector.load %arg1[%get3A_608, %get3A_609, %get3A_610] : memref<128x104x128xf32, #tpu.memory_space<vmem>>, vector<128x1x128xf32>
    %get3A_612 = vector.shape_cast %get3A_611 : vector<128x1x128xf32> to vector<128x128xf32>
    %transpose3A_613 = tpu.transpose %get3A_612, [1, 0] : vector<128x128xf32> -> vector<128x128xf32>
    %slice3A_614 = vector.extract_strided_slice %transpose3A_613 {offsets = [0, 0], sizes = [72, 128], strides = [1, 1]} : vector<128x128xf32> to vector<72x128xf32>
    %swap3A_615 = arith.constant 24 : index
    %swap3A_616 = arith.constant 128 : index
    %swap3A_617 = arith.constant 0 : index
    %swap3A_618 = vector.load %arg3[%swap3A_615, %swap3A_616, %swap3A_617] : memref<50x200x128xf32, #tpu.memory_space<vmem>>, vector<1x72x128xf32>
    %swap3A_619 = vector.shape_cast %swap3A_618 : vector<1x72x128xf32> to vector<72x128xf32>
    %swap3A_620 = vector.shape_cast %slice3A_614 : vector<72x128xf32> to vector<1x72x128xf32>
    tpu.vector_store %arg3[%swap3A_615, %swap3A_616, %swap3A_617], %swap3A_620 {strides = array<i32>} : memref<50x200x128xf32, #tpu.memory_space<vmem>>, vector<1x72x128xf32>,
    %get3A_621 = arith.constant 0 : index
    %get3A_622 = arith.constant 49 : index
    %get3A_623 = arith.constant 0 : index
    %get3A_624 = vector.load %arg1[%get3A_621, %get3A_622, %get3A_623] : memref<128x104x128xf32, #tpu.memory_space<vmem>>, vector<128x1x128xf32>
    %get3A_625 = vector.shape_cast %get3A_624 : vector<128x1x128xf32> to vector<128x128xf32>
    %transpose3A_626 = tpu.transpose %get3A_625, [1, 0] : vector<128x128xf32> -> vector<128x128xf32>
    %swap3A_627 = arith.constant 25 : index
    %swap3A_628 = arith.constant 0 : index
    %swap3A_629 = arith.constant 0 : index
    %swap3A_630 = vector.load %arg3[%swap3A_627, %swap3A_628, %swap3A_629] : memref<50x200x128xf32, #tpu.memory_space<vmem>>, vector<1x128x128xf32>
    %swap3A_631 = vector.shape_cast %swap3A_630 : vector<1x128x128xf32> to vector<128x128xf32>
    %swap3A_632 = vector.shape_cast %transpose3A_626 : vector<128x128xf32> to vector<1x128x128xf32>
    tpu.vector_store %arg3[%swap3A_627, %swap3A_628, %swap3A_629], %swap3A_632 {strides = array<i32>} : memref<50x200x128xf32, #tpu.memory_space<vmem>>, vector<1x128x128xf32>,
    %get3A_633 = arith.constant 0 : index
    %get3A_634 = arith.constant 57 : index
    %get3A_635 = arith.constant 0 : index
    %get3A_636 = vector.load %arg1[%get3A_633, %get3A_634, %get3A_635] : memref<128x104x128xf32, #tpu.memory_space<vmem>>, vector<128x1x128xf32>
    %get3A_637 = vector.shape_cast %get3A_636 : vector<128x1x128xf32> to vector<128x128xf32>
    %transpose3A_638 = tpu.transpose %get3A_637, [1, 0] : vector<128x128xf32> -> vector<128x128xf32>
    %slice3A_639 = vector.extract_strided_slice %transpose3A_638 {offsets = [0, 0], sizes = [72, 128], strides = [1, 1]} : vector<128x128xf32> to vector<72x128xf32>
    %swap3A_640 = arith.constant 25 : index
    %swap3A_641 = arith.constant 128 : index
    %swap3A_642 = arith.constant 0 : index
    %swap3A_643 = vector.load %arg3[%swap3A_640, %swap3A_641, %swap3A_642] : memref<50x200x128xf32, #tpu.memory_space<vmem>>, vector<1x72x128xf32>
    %swap3A_644 = vector.shape_cast %swap3A_643 : vector<1x72x128xf32> to vector<72x128xf32>
    %swap3A_645 = vector.shape_cast %slice3A_639 : vector<72x128xf32> to vector<1x72x128xf32>
    tpu.vector_store %arg3[%swap3A_640, %swap3A_641, %swap3A_642], %swap3A_645 {strides = array<i32>} : memref<50x200x128xf32, #tpu.memory_space<vmem>>, vector<1x72x128xf32>,
    %get3A_646 = arith.constant 0 : index
    %get3A_647 = arith.constant 50 : index
    %get3A_648 = arith.constant 0 : index
    %get3A_649 = vector.load %arg1[%get3A_646, %get3A_647, %get3A_648] : memref<128x104x128xf32, #tpu.memory_space<vmem>>, vector<128x1x128xf32>
    %get3A_650 = vector.shape_cast %get3A_649 : vector<128x1x128xf32> to vector<128x128xf32>
    %transpose3A_651 = tpu.transpose %get3A_650, [1, 0] : vector<128x128xf32> -> vector<128x128xf32>
    %swap3A_652 = arith.constant 26 : index
    %swap3A_653 = arith.constant 0 : index
    %swap3A_654 = arith.constant 0 : index
    %swap3A_655 = vector.load %arg3[%swap3A_652, %swap3A_653, %swap3A_654] : memref<50x200x128xf32, #tpu.memory_space<vmem>>, vector<1x128x128xf32>
    %swap3A_656 = vector.shape_cast %swap3A_655 : vector<1x128x128xf32> to vector<128x128xf32>
    %swap3A_657 = vector.shape_cast %transpose3A_651 : vector<128x128xf32> to vector<1x128x128xf32>
    tpu.vector_store %arg3[%swap3A_652, %swap3A_653, %swap3A_654], %swap3A_657 {strides = array<i32>} : memref<50x200x128xf32, #tpu.memory_space<vmem>>, vector<1x128x128xf32>,
    %get3A_658 = arith.constant 0 : index
    %get3A_659 = arith.constant 58 : index
    %get3A_660 = arith.constant 0 : index
    %get3A_661 = vector.load %arg1[%get3A_658, %get3A_659, %get3A_660] : memref<128x104x128xf32, #tpu.memory_space<vmem>>, vector<128x1x128xf32>
    %get3A_662 = vector.shape_cast %get3A_661 : vector<128x1x128xf32> to vector<128x128xf32>
    %transpose3A_663 = tpu.transpose %get3A_662, [1, 0] : vector<128x128xf32> -> vector<128x128xf32>
    %slice3A_664 = vector.extract_strided_slice %transpose3A_663 {offsets = [0, 0], sizes = [72, 128], strides = [1, 1]} : vector<128x128xf32> to vector<72x128xf32>
    %swap3A_665 = arith.constant 26 : index
    %swap3A_666 = arith.constant 128 : index
    %swap3A_667 = arith.constant 0 : index
    %swap3A_668 = vector.load %arg3[%swap3A_665, %swap3A_666, %swap3A_667] : memref<50x200x128xf32, #tpu.memory_space<vmem>>, vector<1x72x128xf32>
    %swap3A_669 = vector.shape_cast %swap3A_668 : vector<1x72x128xf32> to vector<72x128xf32>
    %swap3A_670 = vector.shape_cast %slice3A_664 : vector<72x128xf32> to vector<1x72x128xf32>
    tpu.vector_store %arg3[%swap3A_665, %swap3A_666, %swap3A_667], %swap3A_670 {strides = array<i32>} : memref<50x200x128xf32, #tpu.memory_space<vmem>>, vector<1x72x128xf32>,
    %get3A_671 = arith.constant 0 : index
    %get3A_672 = arith.constant 51 : index
    %get3A_673 = arith.constant 0 : index
    %get3A_674 = vector.load %arg1[%get3A_671, %get3A_672, %get3A_673] : memref<128x104x128xf32, #tpu.memory_space<vmem>>, vector<128x1x128xf32>
    %get3A_675 = vector.shape_cast %get3A_674 : vector<128x1x128xf32> to vector<128x128xf32>
    %transpose3A_676 = tpu.transpose %get3A_675, [1, 0] : vector<128x128xf32> -> vector<128x128xf32>
    %swap3A_677 = arith.constant 27 : index
    %swap3A_678 = arith.constant 0 : index
    %swap3A_679 = arith.constant 0 : index
    %swap3A_680 = vector.load %arg3[%swap3A_677, %swap3A_678, %swap3A_679] : memref<50x200x128xf32, #tpu.memory_space<vmem>>, vector<1x128x128xf32>
    %swap3A_681 = vector.shape_cast %swap3A_680 : vector<1x128x128xf32> to vector<128x128xf32>
    %swap3A_682 = vector.shape_cast %transpose3A_676 : vector<128x128xf32> to vector<1x128x128xf32>
    tpu.vector_store %arg3[%swap3A_677, %swap3A_678, %swap3A_679], %swap3A_682 {strides = array<i32>} : memref<50x200x128xf32, #tpu.memory_space<vmem>>, vector<1x128x128xf32>,
    %get3A_683 = arith.constant 0 : index
    %get3A_684 = arith.constant 59 : index
    %get3A_685 = arith.constant 0 : index
    %get3A_686 = vector.load %arg1[%get3A_683, %get3A_684, %get3A_685] : memref<128x104x128xf32, #tpu.memory_space<vmem>>, vector<128x1x128xf32>
    %get3A_687 = vector.shape_cast %get3A_686 : vector<128x1x128xf32> to vector<128x128xf32>
    %transpose3A_688 = tpu.transpose %get3A_687, [1, 0] : vector<128x128xf32> -> vector<128x128xf32>
    %slice3A_689 = vector.extract_strided_slice %transpose3A_688 {offsets = [0, 0], sizes = [72, 128], strides = [1, 1]} : vector<128x128xf32> to vector<72x128xf32>
    %swap3A_690 = arith.constant 27 : index
    %swap3A_691 = arith.constant 128 : index
    %swap3A_692 = arith.constant 0 : index
    %swap3A_693 = vector.load %arg3[%swap3A_690, %swap3A_691, %swap3A_692] : memref<50x200x128xf32, #tpu.memory_space<vmem>>, vector<1x72x128xf32>
    %swap3A_694 = vector.shape_cast %swap3A_693 : vector<1x72x128xf32> to vector<72x128xf32>
    %swap3A_695 = vector.shape_cast %slice3A_689 : vector<72x128xf32> to vector<1x72x128xf32>
    tpu.vector_store %arg3[%swap3A_690, %swap3A_691, %swap3A_692], %swap3A_695 {strides = array<i32>} : memref<50x200x128xf32, #tpu.memory_space<vmem>>, vector<1x72x128xf32>,
    %get3A_696 = arith.constant 0 : index
    %get3A_697 = arith.constant 52 : index
    %get3A_698 = arith.constant 0 : index
    %get3A_699 = vector.load %arg1[%get3A_696, %get3A_697, %get3A_698] : memref<128x104x128xf32, #tpu.memory_space<vmem>>, vector<128x1x128xf32>
    %get3A_700 = vector.shape_cast %get3A_699 : vector<128x1x128xf32> to vector<128x128xf32>
    %transpose3A_701 = tpu.transpose %get3A_700, [1, 0] : vector<128x128xf32> -> vector<128x128xf32>
    %swap3A_702 = arith.constant 28 : index
    %swap3A_703 = arith.constant 0 : index
    %swap3A_704 = arith.constant 0 : index
    %swap3A_705 = vector.load %arg3[%swap3A_702, %swap3A_703, %swap3A_704] : memref<50x200x128xf32, #tpu.memory_space<vmem>>, vector<1x128x128xf32>
    %swap3A_706 = vector.shape_cast %swap3A_705 : vector<1x128x128xf32> to vector<128x128xf32>
    %swap3A_707 = vector.shape_cast %transpose3A_701 : vector<128x128xf32> to vector<1x128x128xf32>
    tpu.vector_store %arg3[%swap3A_702, %swap3A_703, %swap3A_704], %swap3A_707 {strides = array<i32>} : memref<50x200x128xf32, #tpu.memory_space<vmem>>, vector<1x128x128xf32>,
    %get3A_708 = arith.constant 0 : index
    %get3A_709 = arith.constant 60 : index
    %get3A_710 = arith.constant 0 : index
    %get3A_711 = vector.load %arg1[%get3A_708, %get3A_709, %get3A_710] : memref<128x104x128xf32, #tpu.memory_space<vmem>>, vector<128x1x128xf32>
    %get3A_712 = vector.shape_cast %get3A_711 : vector<128x1x128xf32> to vector<128x128xf32>
    %transpose3A_713 = tpu.transpose %get3A_712, [1, 0] : vector<128x128xf32> -> vector<128x128xf32>
    %slice3A_714 = vector.extract_strided_slice %transpose3A_713 {offsets = [0, 0], sizes = [72, 128], strides = [1, 1]} : vector<128x128xf32> to vector<72x128xf32>
    %swap3A_715 = arith.constant 28 : index
    %swap3A_716 = arith.constant 128 : index
    %swap3A_717 = arith.constant 0 : index
    %swap3A_718 = vector.load %arg3[%swap3A_715, %swap3A_716, %swap3A_717] : memref<50x200x128xf32, #tpu.memory_space<vmem>>, vector<1x72x128xf32>
    %swap3A_719 = vector.shape_cast %swap3A_718 : vector<1x72x128xf32> to vector<72x128xf32>
    %swap3A_720 = vector.shape_cast %slice3A_714 : vector<72x128xf32> to vector<1x72x128xf32>
    tpu.vector_store %arg3[%swap3A_715, %swap3A_716, %swap3A_717], %swap3A_720 {strides = array<i32>} : memref<50x200x128xf32, #tpu.memory_space<vmem>>, vector<1x72x128xf32>,
    %get3A_721 = arith.constant 0 : index
    %get3A_722 = arith.constant 53 : index
    %get3A_723 = arith.constant 0 : index
    %get3A_724 = vector.load %arg1[%get3A_721, %get3A_722, %get3A_723] : memref<128x104x128xf32, #tpu.memory_space<vmem>>, vector<128x1x128xf32>
    %get3A_725 = vector.shape_cast %get3A_724 : vector<128x1x128xf32> to vector<128x128xf32>
    %transpose3A_726 = tpu.transpose %get3A_725, [1, 0] : vector<128x128xf32> -> vector<128x128xf32>
    %swap3A_727 = arith.constant 29 : index
    %swap3A_728 = arith.constant 0 : index
    %swap3A_729 = arith.constant 0 : index
    %swap3A_730 = vector.load %arg3[%swap3A_727, %swap3A_728, %swap3A_729] : memref<50x200x128xf32, #tpu.memory_space<vmem>>, vector<1x128x128xf32>
    %swap3A_731 = vector.shape_cast %swap3A_730 : vector<1x128x128xf32> to vector<128x128xf32>
    %swap3A_732 = vector.shape_cast %transpose3A_726 : vector<128x128xf32> to vector<1x128x128xf32>
    tpu.vector_store %arg3[%swap3A_727, %swap3A_728, %swap3A_729], %swap3A_732 {strides = array<i32>} : memref<50x200x128xf32, #tpu.memory_space<vmem>>, vector<1x128x128xf32>,
    %get3A_733 = arith.constant 0 : index
    %get3A_734 = arith.constant 61 : index
    %get3A_735 = arith.constant 0 : index
    %get3A_736 = vector.load %arg1[%get3A_733, %get3A_734, %get3A_735] : memref<128x104x128xf32, #tpu.memory_space<vmem>>, vector<128x1x128xf32>
    %get3A_737 = vector.shape_cast %get3A_736 : vector<128x1x128xf32> to vector<128x128xf32>
    %transpose3A_738 = tpu.transpose %get3A_737, [1, 0] : vector<128x128xf32> -> vector<128x128xf32>
    %slice3A_739 = vector.extract_strided_slice %transpose3A_738 {offsets = [0, 0], sizes = [72, 128], strides = [1, 1]} : vector<128x128xf32> to vector<72x128xf32>
    %swap3A_740 = arith.constant 29 : index
    %swap3A_741 = arith.constant 128 : index
    %swap3A_742 = arith.constant 0 : index
    %swap3A_743 = vector.load %arg3[%swap3A_740, %swap3A_741, %swap3A_742] : memref<50x200x128xf32, #tpu.memory_space<vmem>>, vector<1x72x128xf32>
    %swap3A_744 = vector.shape_cast %swap3A_743 : vector<1x72x128xf32> to vector<72x128xf32>
    %swap3A_745 = vector.shape_cast %slice3A_739 : vector<72x128xf32> to vector<1x72x128xf32>
    tpu.vector_store %arg3[%swap3A_740, %swap3A_741, %swap3A_742], %swap3A_745 {strides = array<i32>} : memref<50x200x128xf32, #tpu.memory_space<vmem>>, vector<1x72x128xf32>,
    %get3A_746 = arith.constant 0 : index
    %get3A_747 = arith.constant 54 : index
    %get3A_748 = arith.constant 0 : index
    %get3A_749 = vector.load %arg1[%get3A_746, %get3A_747, %get3A_748] : memref<128x104x128xf32, #tpu.memory_space<vmem>>, vector<128x1x128xf32>
    %get3A_750 = vector.shape_cast %get3A_749 : vector<128x1x128xf32> to vector<128x128xf32>
    %transpose3A_751 = tpu.transpose %get3A_750, [1, 0] : vector<128x128xf32> -> vector<128x128xf32>
    %swap3A_752 = arith.constant 30 : index
    %swap3A_753 = arith.constant 0 : index
    %swap3A_754 = arith.constant 0 : index
    %swap3A_755 = vector.load %arg3[%swap3A_752, %swap3A_753, %swap3A_754] : memref<50x200x128xf32, #tpu.memory_space<vmem>>, vector<1x128x128xf32>
    %swap3A_756 = vector.shape_cast %swap3A_755 : vector<1x128x128xf32> to vector<128x128xf32>
    %swap3A_757 = vector.shape_cast %transpose3A_751 : vector<128x128xf32> to vector<1x128x128xf32>
    tpu.vector_store %arg3[%swap3A_752, %swap3A_753, %swap3A_754], %swap3A_757 {strides = array<i32>} : memref<50x200x128xf32, #tpu.memory_space<vmem>>, vector<1x128x128xf32>,
    %get3A_758 = arith.constant 0 : index
    %get3A_759 = arith.constant 62 : index
    %get3A_760 = arith.constant 0 : index
    %get3A_761 = vector.load %arg1[%get3A_758, %get3A_759, %get3A_760] : memref<128x104x128xf32, #tpu.memory_space<vmem>>, vector<128x1x128xf32>
    %get3A_762 = vector.shape_cast %get3A_761 : vector<128x1x128xf32> to vector<128x128xf32>
    %transpose3A_763 = tpu.transpose %get3A_762, [1, 0] : vector<128x128xf32> -> vector<128x128xf32>
    %slice3A_764 = vector.extract_strided_slice %transpose3A_763 {offsets = [0, 0], sizes = [72, 128], strides = [1, 1]} : vector<128x128xf32> to vector<72x128xf32>
    %swap3A_765 = arith.constant 30 : index
    %swap3A_766 = arith.constant 128 : index
    %swap3A_767 = arith.constant 0 : index
    %swap3A_768 = vector.load %arg3[%swap3A_765, %swap3A_766, %swap3A_767] : memref<50x200x128xf32, #tpu.memory_space<vmem>>, vector<1x72x128xf32>
    %swap3A_769 = vector.shape_cast %swap3A_768 : vector<1x72x128xf32> to vector<72x128xf32>
    %swap3A_770 = vector.shape_cast %slice3A_764 : vector<72x128xf32> to vector<1x72x128xf32>
    tpu.vector_store %arg3[%swap3A_765, %swap3A_766, %swap3A_767], %swap3A_770 {strides = array<i32>} : memref<50x200x128xf32, #tpu.memory_space<vmem>>, vector<1x72x128xf32>,
    %get3A_771 = arith.constant 0 : index
    %get3A_772 = arith.constant 55 : index
    %get3A_773 = arith.constant 0 : index
    %get3A_774 = vector.load %arg1[%get3A_771, %get3A_772, %get3A_773] : memref<128x104x128xf32, #tpu.memory_space<vmem>>, vector<128x1x128xf32>
    %get3A_775 = vector.shape_cast %get3A_774 : vector<128x1x128xf32> to vector<128x128xf32>
    %transpose3A_776 = tpu.transpose %get3A_775, [1, 0] : vector<128x128xf32> -> vector<128x128xf32>
    %swap3A_777 = arith.constant 31 : index
    %swap3A_778 = arith.constant 0 : index
    %swap3A_779 = arith.constant 0 : index
    %swap3A_780 = vector.load %arg3[%swap3A_777, %swap3A_778, %swap3A_779] : memref<50x200x128xf32, #tpu.memory_space<vmem>>, vector<1x128x128xf32>
    %swap3A_781 = vector.shape_cast %swap3A_780 : vector<1x128x128xf32> to vector<128x128xf32>
    %swap3A_782 = vector.shape_cast %transpose3A_776 : vector<128x128xf32> to vector<1x128x128xf32>
    tpu.vector_store %arg3[%swap3A_777, %swap3A_778, %swap3A_779], %swap3A_782 {strides = array<i32>} : memref<50x200x128xf32, #tpu.memory_space<vmem>>, vector<1x128x128xf32>,
    %get3A_783 = arith.constant 0 : index
    %get3A_784 = arith.constant 63 : index
    %get3A_785 = arith.constant 0 : index
    %get3A_786 = vector.load %arg1[%get3A_783, %get3A_784, %get3A_785] : memref<128x104x128xf32, #tpu.memory_space<vmem>>, vector<128x1x128xf32>
    %get3A_787 = vector.shape_cast %get3A_786 : vector<128x1x128xf32> to vector<128x128xf32>
    %transpose3A_788 = tpu.transpose %get3A_787, [1, 0] : vector<128x128xf32> -> vector<128x128xf32>
    %slice3A_789 = vector.extract_strided_slice %transpose3A_788 {offsets = [0, 0], sizes = [72, 128], strides = [1, 1]} : vector<128x128xf32> to vector<72x128xf32>
    %swap3A_790 = arith.constant 31 : index
    %swap3A_791 = arith.constant 128 : index
    %swap3A_792 = arith.constant 0 : index
    %swap3A_793 = vector.load %arg3[%swap3A_790, %swap3A_791, %swap3A_792] : memref<50x200x128xf32, #tpu.memory_space<vmem>>, vector<1x72x128xf32>
    %swap3A_794 = vector.shape_cast %swap3A_793 : vector<1x72x128xf32> to vector<72x128xf32>
    %swap3A_795 = vector.shape_cast %slice3A_789 : vector<72x128xf32> to vector<1x72x128xf32>
    tpu.vector_store %arg3[%swap3A_790, %swap3A_791, %swap3A_792], %swap3A_795 {strides = array<i32>} : memref<50x200x128xf32, #tpu.memory_space<vmem>>, vector<1x72x128xf32>,
    %get3A_796 = arith.constant 0 : index
    %get3A_797 = arith.constant 64 : index
    %get3A_798 = arith.constant 0 : index
    %get3A_799 = vector.load %arg1[%get3A_796, %get3A_797, %get3A_798] : memref<128x104x128xf32, #tpu.memory_space<vmem>>, vector<128x1x128xf32>
    %get3A_800 = vector.shape_cast %get3A_799 : vector<128x1x128xf32> to vector<128x128xf32>
    %transpose3A_801 = tpu.transpose %get3A_800, [1, 0] : vector<128x128xf32> -> vector<128x128xf32>
    %swap3A_802 = arith.constant 32 : index
    %swap3A_803 = arith.constant 0 : index
    %swap3A_804 = arith.constant 0 : index
    %swap3A_805 = vector.load %arg3[%swap3A_802, %swap3A_803, %swap3A_804] : memref<50x200x128xf32, #tpu.memory_space<vmem>>, vector<1x128x128xf32>
    %swap3A_806 = vector.shape_cast %swap3A_805 : vector<1x128x128xf32> to vector<128x128xf32>
    %swap3A_807 = vector.shape_cast %transpose3A_801 : vector<128x128xf32> to vector<1x128x128xf32>
    tpu.vector_store %arg3[%swap3A_802, %swap3A_803, %swap3A_804], %swap3A_807 {strides = array<i32>} : memref<50x200x128xf32, #tpu.memory_space<vmem>>, vector<1x128x128xf32>,
    %get3A_808 = arith.constant 0 : index
    %get3A_809 = arith.constant 72 : index
    %get3A_810 = arith.constant 0 : index
    %get3A_811 = vector.load %arg1[%get3A_808, %get3A_809, %get3A_810] : memref<128x104x128xf32, #tpu.memory_space<vmem>>, vector<128x1x128xf32>
    %get3A_812 = vector.shape_cast %get3A_811 : vector<128x1x128xf32> to vector<128x128xf32>
    %transpose3A_813 = tpu.transpose %get3A_812, [1, 0] : vector<128x128xf32> -> vector<128x128xf32>
    %slice3A_814 = vector.extract_strided_slice %transpose3A_813 {offsets = [0, 0], sizes = [72, 128], strides = [1, 1]} : vector<128x128xf32> to vector<72x128xf32>
    %swap3A_815 = arith.constant 32 : index
    %swap3A_816 = arith.constant 128 : index
    %swap3A_817 = arith.constant 0 : index
    %swap3A_818 = vector.load %arg3[%swap3A_815, %swap3A_816, %swap3A_817] : memref<50x200x128xf32, #tpu.memory_space<vmem>>, vector<1x72x128xf32>
    %swap3A_819 = vector.shape_cast %swap3A_818 : vector<1x72x128xf32> to vector<72x128xf32>
    %swap3A_820 = vector.shape_cast %slice3A_814 : vector<72x128xf32> to vector<1x72x128xf32>
    tpu.vector_store %arg3[%swap3A_815, %swap3A_816, %swap3A_817], %swap3A_820 {strides = array<i32>} : memref<50x200x128xf32, #tpu.memory_space<vmem>>, vector<1x72x128xf32>,
    %get3A_821 = arith.constant 0 : index
    %get3A_822 = arith.constant 65 : index
    %get3A_823 = arith.constant 0 : index
    %get3A_824 = vector.load %arg1[%get3A_821, %get3A_822, %get3A_823] : memref<128x104x128xf32, #tpu.memory_space<vmem>>, vector<128x1x128xf32>
    %get3A_825 = vector.shape_cast %get3A_824 : vector<128x1x128xf32> to vector<128x128xf32>
    %transpose3A_826 = tpu.transpose %get3A_825, [1, 0] : vector<128x128xf32> -> vector<128x128xf32>
    %swap3A_827 = arith.constant 33 : index
    %swap3A_828 = arith.constant 0 : index
    %swap3A_829 = arith.constant 0 : index
    %swap3A_830 = vector.load %arg3[%swap3A_827, %swap3A_828, %swap3A_829] : memref<50x200x128xf32, #tpu.memory_space<vmem>>, vector<1x128x128xf32>
    %swap3A_831 = vector.shape_cast %swap3A_830 : vector<1x128x128xf32> to vector<128x128xf32>
    %swap3A_832 = vector.shape_cast %transpose3A_826 : vector<128x128xf32> to vector<1x128x128xf32>
    tpu.vector_store %arg3[%swap3A_827, %swap3A_828, %swap3A_829], %swap3A_832 {strides = array<i32>} : memref<50x200x128xf32, #tpu.memory_space<vmem>>, vector<1x128x128xf32>,
    %get3A_833 = arith.constant 0 : index
    %get3A_834 = arith.constant 73 : index
    %get3A_835 = arith.constant 0 : index
    %get3A_836 = vector.load %arg1[%get3A_833, %get3A_834, %get3A_835] : memref<128x104x128xf32, #tpu.memory_space<vmem>>, vector<128x1x128xf32>
    %get3A_837 = vector.shape_cast %get3A_836 : vector<128x1x128xf32> to vector<128x128xf32>
    %transpose3A_838 = tpu.transpose %get3A_837, [1, 0] : vector<128x128xf32> -> vector<128x128xf32>
    %slice3A_839 = vector.extract_strided_slice %transpose3A_838 {offsets = [0, 0], sizes = [72, 128], strides = [1, 1]} : vector<128x128xf32> to vector<72x128xf32>
    %swap3A_840 = arith.constant 33 : index
    %swap3A_841 = arith.constant 128 : index
    %swap3A_842 = arith.constant 0 : index
    %swap3A_843 = vector.load %arg3[%swap3A_840, %swap3A_841, %swap3A_842] : memref<50x200x128xf32, #tpu.memory_space<vmem>>, vector<1x72x128xf32>
    %swap3A_844 = vector.shape_cast %swap3A_843 : vector<1x72x128xf32> to vector<72x128xf32>
    %swap3A_845 = vector.shape_cast %slice3A_839 : vector<72x128xf32> to vector<1x72x128xf32>
    tpu.vector_store %arg3[%swap3A_840, %swap3A_841, %swap3A_842], %swap3A_845 {strides = array<i32>} : memref<50x200x128xf32, #tpu.memory_space<vmem>>, vector<1x72x128xf32>,
    %get3A_846 = arith.constant 0 : index
    %get3A_847 = arith.constant 66 : index
    %get3A_848 = arith.constant 0 : index
    %get3A_849 = vector.load %arg1[%get3A_846, %get3A_847, %get3A_848] : memref<128x104x128xf32, #tpu.memory_space<vmem>>, vector<128x1x128xf32>
    %get3A_850 = vector.shape_cast %get3A_849 : vector<128x1x128xf32> to vector<128x128xf32>
    %transpose3A_851 = tpu.transpose %get3A_850, [1, 0] : vector<128x128xf32> -> vector<128x128xf32>
    %swap3A_852 = arith.constant 34 : index
    %swap3A_853 = arith.constant 0 : index
    %swap3A_854 = arith.constant 0 : index
    %swap3A_855 = vector.load %arg3[%swap3A_852, %swap3A_853, %swap3A_854] : memref<50x200x128xf32, #tpu.memory_space<vmem>>, vector<1x128x128xf32>
    %swap3A_856 = vector.shape_cast %swap3A_855 : vector<1x128x128xf32> to vector<128x128xf32>
    %swap3A_857 = vector.shape_cast %transpose3A_851 : vector<128x128xf32> to vector<1x128x128xf32>
    tpu.vector_store %arg3[%swap3A_852, %swap3A_853, %swap3A_854], %swap3A_857 {strides = array<i32>} : memref<50x200x128xf32, #tpu.memory_space<vmem>>, vector<1x128x128xf32>,
    %get3A_858 = arith.constant 0 : index
    %get3A_859 = arith.constant 74 : index
    %get3A_860 = arith.constant 0 : index
    %get3A_861 = vector.load %arg1[%get3A_858, %get3A_859, %get3A_860] : memref<128x104x128xf32, #tpu.memory_space<vmem>>, vector<128x1x128xf32>
    %get3A_862 = vector.shape_cast %get3A_861 : vector<128x1x128xf32> to vector<128x128xf32>
    %transpose3A_863 = tpu.transpose %get3A_862, [1, 0] : vector<128x128xf32> -> vector<128x128xf32>
    %slice3A_864 = vector.extract_strided_slice %transpose3A_863 {offsets = [0, 0], sizes = [72, 128], strides = [1, 1]} : vector<128x128xf32> to vector<72x128xf32>
    %swap3A_865 = arith.constant 34 : index
    %swap3A_866 = arith.constant 128 : index
    %swap3A_867 = arith.constant 0 : index
    %swap3A_868 = vector.load %arg3[%swap3A_865, %swap3A_866, %swap3A_867] : memref<50x200x128xf32, #tpu.memory_space<vmem>>, vector<1x72x128xf32>
    %swap3A_869 = vector.shape_cast %swap3A_868 : vector<1x72x128xf32> to vector<72x128xf32>
    %swap3A_870 = vector.shape_cast %slice3A_864 : vector<72x128xf32> to vector<1x72x128xf32>
    tpu.vector_store %arg3[%swap3A_865, %swap3A_866, %swap3A_867], %swap3A_870 {strides = array<i32>} : memref<50x200x128xf32, #tpu.memory_space<vmem>>, vector<1x72x128xf32>,
    %get3A_871 = arith.constant 0 : index
    %get3A_872 = arith.constant 67 : index
    %get3A_873 = arith.constant 0 : index
    %get3A_874 = vector.load %arg1[%get3A_871, %get3A_872, %get3A_873] : memref<128x104x128xf32, #tpu.memory_space<vmem>>, vector<128x1x128xf32>
    %get3A_875 = vector.shape_cast %get3A_874 : vector<128x1x128xf32> to vector<128x128xf32>
    %transpose3A_876 = tpu.transpose %get3A_875, [1, 0] : vector<128x128xf32> -> vector<128x128xf32>
    %swap3A_877 = arith.constant 35 : index
    %swap3A_878 = arith.constant 0 : index
    %swap3A_879 = arith.constant 0 : index
    %swap3A_880 = vector.load %arg3[%swap3A_877, %swap3A_878, %swap3A_879] : memref<50x200x128xf32, #tpu.memory_space<vmem>>, vector<1x128x128xf32>
    %swap3A_881 = vector.shape_cast %swap3A_880 : vector<1x128x128xf32> to vector<128x128xf32>
    %swap3A_882 = vector.shape_cast %transpose3A_876 : vector<128x128xf32> to vector<1x128x128xf32>
    tpu.vector_store %arg3[%swap3A_877, %swap3A_878, %swap3A_879], %swap3A_882 {strides = array<i32>} : memref<50x200x128xf32, #tpu.memory_space<vmem>>, vector<1x128x128xf32>,
    %get3A_883 = arith.constant 0 : index
    %get3A_884 = arith.constant 75 : index
    %get3A_885 = arith.constant 0 : index
    %get3A_886 = vector.load %arg1[%get3A_883, %get3A_884, %get3A_885] : memref<128x104x128xf32, #tpu.memory_space<vmem>>, vector<128x1x128xf32>
    %get3A_887 = vector.shape_cast %get3A_886 : vector<128x1x128xf32> to vector<128x128xf32>
    %transpose3A_888 = tpu.transpose %get3A_887, [1, 0] : vector<128x128xf32> -> vector<128x128xf32>
    %slice3A_889 = vector.extract_strided_slice %transpose3A_888 {offsets = [0, 0], sizes = [72, 128], strides = [1, 1]} : vector<128x128xf32> to vector<72x128xf32>
    %swap3A_890 = arith.constant 35 : index
    %swap3A_891 = arith.constant 128 : index
    %swap3A_892 = arith.constant 0 : index
    %swap3A_893 = vector.load %arg3[%swap3A_890, %swap3A_891, %swap3A_892] : memref<50x200x128xf32, #tpu.memory_space<vmem>>, vector<1x72x128xf32>
    %swap3A_894 = vector.shape_cast %swap3A_893 : vector<1x72x128xf32> to vector<72x128xf32>
    %swap3A_895 = vector.shape_cast %slice3A_889 : vector<72x128xf32> to vector<1x72x128xf32>
    tpu.vector_store %arg3[%swap3A_890, %swap3A_891, %swap3A_892], %swap3A_895 {strides = array<i32>} : memref<50x200x128xf32, #tpu.memory_space<vmem>>, vector<1x72x128xf32>,
    %get3A_896 = arith.constant 0 : index
    %get3A_897 = arith.constant 68 : index
    %get3A_898 = arith.constant 0 : index
    %get3A_899 = vector.load %arg1[%get3A_896, %get3A_897, %get3A_898] : memref<128x104x128xf32, #tpu.memory_space<vmem>>, vector<128x1x128xf32>
    %get3A_900 = vector.shape_cast %get3A_899 : vector<128x1x128xf32> to vector<128x128xf32>
    %transpose3A_901 = tpu.transpose %get3A_900, [1, 0] : vector<128x128xf32> -> vector<128x128xf32>
    %swap3A_902 = arith.constant 36 : index
    %swap3A_903 = arith.constant 0 : index
    %swap3A_904 = arith.constant 0 : index
    %swap3A_905 = vector.load %arg3[%swap3A_902, %swap3A_903, %swap3A_904] : memref<50x200x128xf32, #tpu.memory_space<vmem>>, vector<1x128x128xf32>
    %swap3A_906 = vector.shape_cast %swap3A_905 : vector<1x128x128xf32> to vector<128x128xf32>
    %swap3A_907 = vector.shape_cast %transpose3A_901 : vector<128x128xf32> to vector<1x128x128xf32>
    tpu.vector_store %arg3[%swap3A_902, %swap3A_903, %swap3A_904], %swap3A_907 {strides = array<i32>} : memref<50x200x128xf32, #tpu.memory_space<vmem>>, vector<1x128x128xf32>,
    %get3A_908 = arith.constant 0 : index
    %get3A_909 = arith.constant 76 : index
    %get3A_910 = arith.constant 0 : index
    %get3A_911 = vector.load %arg1[%get3A_908, %get3A_909, %get3A_910] : memref<128x104x128xf32, #tpu.memory_space<vmem>>, vector<128x1x128xf32>
    %get3A_912 = vector.shape_cast %get3A_911 : vector<128x1x128xf32> to vector<128x128xf32>
    %transpose3A_913 = tpu.transpose %get3A_912, [1, 0] : vector<128x128xf32> -> vector<128x128xf32>
    %slice3A_914 = vector.extract_strided_slice %transpose3A_913 {offsets = [0, 0], sizes = [72, 128], strides = [1, 1]} : vector<128x128xf32> to vector<72x128xf32>
    %swap3A_915 = arith.constant 36 : index
    %swap3A_916 = arith.constant 128 : index
    %swap3A_917 = arith.constant 0 : index
    %swap3A_918 = vector.load %arg3[%swap3A_915, %swap3A_916, %swap3A_917] : memref<50x200x128xf32, #tpu.memory_space<vmem>>, vector<1x72x128xf32>
    %swap3A_919 = vector.shape_cast %swap3A_918 : vector<1x72x128xf32> to vector<72x128xf32>
    %swap3A_920 = vector.shape_cast %slice3A_914 : vector<72x128xf32> to vector<1x72x128xf32>
    tpu.vector_store %arg3[%swap3A_915, %swap3A_916, %swap3A_917], %swap3A_920 {strides = array<i32>} : memref<50x200x128xf32, #tpu.memory_space<vmem>>, vector<1x72x128xf32>,
    %get3A_921 = arith.constant 0 : index
    %get3A_922 = arith.constant 69 : index
    %get3A_923 = arith.constant 0 : index
    %get3A_924 = vector.load %arg1[%get3A_921, %get3A_922, %get3A_923] : memref<128x104x128xf32, #tpu.memory_space<vmem>>, vector<128x1x128xf32>
    %get3A_925 = vector.shape_cast %get3A_924 : vector<128x1x128xf32> to vector<128x128xf32>
    %transpose3A_926 = tpu.transpose %get3A_925, [1, 0] : vector<128x128xf32> -> vector<128x128xf32>
    %swap3A_927 = arith.constant 37 : index
    %swap3A_928 = arith.constant 0 : index
    %swap3A_929 = arith.constant 0 : index
    %swap3A_930 = vector.load %arg3[%swap3A_927, %swap3A_928, %swap3A_929] : memref<50x200x128xf32, #tpu.memory_space<vmem>>, vector<1x128x128xf32>
    %swap3A_931 = vector.shape_cast %swap3A_930 : vector<1x128x128xf32> to vector<128x128xf32>
    %swap3A_932 = vector.shape_cast %transpose3A_926 : vector<128x128xf32> to vector<1x128x128xf32>
    tpu.vector_store %arg3[%swap3A_927, %swap3A_928, %swap3A_929], %swap3A_932 {strides = array<i32>} : memref<50x200x128xf32, #tpu.memory_space<vmem>>, vector<1x128x128xf32>,
    %get3A_933 = arith.constant 0 : index
    %get3A_934 = arith.constant 77 : index
    %get3A_935 = arith.constant 0 : index
    %get3A_936 = vector.load %arg1[%get3A_933, %get3A_934, %get3A_935] : memref<128x104x128xf32, #tpu.memory_space<vmem>>, vector<128x1x128xf32>
    %get3A_937 = vector.shape_cast %get3A_936 : vector<128x1x128xf32> to vector<128x128xf32>
    %transpose3A_938 = tpu.transpose %get3A_937, [1, 0] : vector<128x128xf32> -> vector<128x128xf32>
    %slice3A_939 = vector.extract_strided_slice %transpose3A_938 {offsets = [0, 0], sizes = [72, 128], strides = [1, 1]} : vector<128x128xf32> to vector<72x128xf32>
    %swap3A_940 = arith.constant 37 : index
    %swap3A_941 = arith.constant 128 : index
    %swap3A_942 = arith.constant 0 : index
    %swap3A_943 = vector.load %arg3[%swap3A_940, %swap3A_941, %swap3A_942] : memref<50x200x128xf32, #tpu.memory_space<vmem>>, vector<1x72x128xf32>
    %swap3A_944 = vector.shape_cast %swap3A_943 : vector<1x72x128xf32> to vector<72x128xf32>
    %swap3A_945 = vector.shape_cast %slice3A_939 : vector<72x128xf32> to vector<1x72x128xf32>
    tpu.vector_store %arg3[%swap3A_940, %swap3A_941, %swap3A_942], %swap3A_945 {strides = array<i32>} : memref<50x200x128xf32, #tpu.memory_space<vmem>>, vector<1x72x128xf32>,
    %get3A_946 = arith.constant 0 : index
    %get3A_947 = arith.constant 70 : index
    %get3A_948 = arith.constant 0 : index
    %get3A_949 = vector.load %arg1[%get3A_946, %get3A_947, %get3A_948] : memref<128x104x128xf32, #tpu.memory_space<vmem>>, vector<128x1x128xf32>
    %get3A_950 = vector.shape_cast %get3A_949 : vector<128x1x128xf32> to vector<128x128xf32>
    %transpose3A_951 = tpu.transpose %get3A_950, [1, 0] : vector<128x128xf32> -> vector<128x128xf32>
    %swap3A_952 = arith.constant 38 : index
    %swap3A_953 = arith.constant 0 : index
    %swap3A_954 = arith.constant 0 : index
    %swap3A_955 = vector.load %arg3[%swap3A_952, %swap3A_953, %swap3A_954] : memref<50x200x128xf32, #tpu.memory_space<vmem>>, vector<1x128x128xf32>
    %swap3A_956 = vector.shape_cast %swap3A_955 : vector<1x128x128xf32> to vector<128x128xf32>
    %swap3A_957 = vector.shape_cast %transpose3A_951 : vector<128x128xf32> to vector<1x128x128xf32>
    tpu.vector_store %arg3[%swap3A_952, %swap3A_953, %swap3A_954], %swap3A_957 {strides = array<i32>} : memref<50x200x128xf32, #tpu.memory_space<vmem>>, vector<1x128x128xf32>,
    %get3A_958 = arith.constant 0 : index
    %get3A_959 = arith.constant 78 : index
    %get3A_960 = arith.constant 0 : index
    %get3A_961 = vector.load %arg1[%get3A_958, %get3A_959, %get3A_960] : memref<128x104x128xf32, #tpu.memory_space<vmem>>, vector<128x1x128xf32>
    %get3A_962 = vector.shape_cast %get3A_961 : vector<128x1x128xf32> to vector<128x128xf32>
    %transpose3A_963 = tpu.transpose %get3A_962, [1, 0] : vector<128x128xf32> -> vector<128x128xf32>
    %slice3A_964 = vector.extract_strided_slice %transpose3A_963 {offsets = [0, 0], sizes = [72, 128], strides = [1, 1]} : vector<128x128xf32> to vector<72x128xf32>
    %swap3A_965 = arith.constant 38 : index
    %swap3A_966 = arith.constant 128 : index
    %swap3A_967 = arith.constant 0 : index
    %swap3A_968 = vector.load %arg3[%swap3A_965, %swap3A_966, %swap3A_967] : memref<50x200x128xf32, #tpu.memory_space<vmem>>, vector<1x72x128xf32>
    %swap3A_969 = vector.shape_cast %swap3A_968 : vector<1x72x128xf32> to vector<72x128xf32>
    %swap3A_970 = vector.shape_cast %slice3A_964 : vector<72x128xf32> to vector<1x72x128xf32>
    tpu.vector_store %arg3[%swap3A_965, %swap3A_966, %swap3A_967], %swap3A_970 {strides = array<i32>} : memref<50x200x128xf32, #tpu.memory_space<vmem>>, vector<1x72x128xf32>,
    %get3A_971 = arith.constant 0 : index
    %get3A_972 = arith.constant 71 : index
    %get3A_973 = arith.constant 0 : index
    %get3A_974 = vector.load %arg1[%get3A_971, %get3A_972, %get3A_973] : memref<128x104x128xf32, #tpu.memory_space<vmem>>, vector<128x1x128xf32>
    %get3A_975 = vector.shape_cast %get3A_974 : vector<128x1x128xf32> to vector<128x128xf32>
    %transpose3A_976 = tpu.transpose %get3A_975, [1, 0] : vector<128x128xf32> -> vector<128x128xf32>
    %swap3A_977 = arith.constant 39 : index
    %swap3A_978 = arith.constant 0 : index
    %swap3A_979 = arith.constant 0 : index
    %swap3A_980 = vector.load %arg3[%swap3A_977, %swap3A_978, %swap3A_979] : memref<50x200x128xf32, #tpu.memory_space<vmem>>, vector<1x128x128xf32>
    %swap3A_981 = vector.shape_cast %swap3A_980 : vector<1x128x128xf32> to vector<128x128xf32>
    %swap3A_982 = vector.shape_cast %transpose3A_976 : vector<128x128xf32> to vector<1x128x128xf32>
    tpu.vector_store %arg3[%swap3A_977, %swap3A_978, %swap3A_979], %swap3A_982 {strides = array<i32>} : memref<50x200x128xf32, #tpu.memory_space<vmem>>, vector<1x128x128xf32>,
    %get3A_983 = arith.constant 0 : index
    %get3A_984 = arith.constant 79 : index
    %get3A_985 = arith.constant 0 : index
    %get3A_986 = vector.load %arg1[%get3A_983, %get3A_984, %get3A_985] : memref<128x104x128xf32, #tpu.memory_space<vmem>>, vector<128x1x128xf32>
    %get3A_987 = vector.shape_cast %get3A_986 : vector<128x1x128xf32> to vector<128x128xf32>
    %transpose3A_988 = tpu.transpose %get3A_987, [1, 0] : vector<128x128xf32> -> vector<128x128xf32>
    %slice3A_989 = vector.extract_strided_slice %transpose3A_988 {offsets = [0, 0], sizes = [72, 128], strides = [1, 1]} : vector<128x128xf32> to vector<72x128xf32>
    %swap3A_990 = arith.constant 39 : index
    %swap3A_991 = arith.constant 128 : index
    %swap3A_992 = arith.constant 0 : index
    %swap3A_993 = vector.load %arg3[%swap3A_990, %swap3A_991, %swap3A_992] : memref<50x200x128xf32, #tpu.memory_space<vmem>>, vector<1x72x128xf32>
    %swap3A_994 = vector.shape_cast %swap3A_993 : vector<1x72x128xf32> to vector<72x128xf32>
    %swap3A_995 = vector.shape_cast %slice3A_989 : vector<72x128xf32> to vector<1x72x128xf32>
    tpu.vector_store %arg3[%swap3A_990, %swap3A_991, %swap3A_992], %swap3A_995 {strides = array<i32>} : memref<50x200x128xf32, #tpu.memory_space<vmem>>, vector<1x72x128xf32>,
    %get3A_996 = arith.constant 0 : index
    %get3A_997 = arith.constant 80 : index
    %get3A_998 = arith.constant 0 : index
    %get3A_999 = vector.load %arg1[%get3A_996, %get3A_997, %get3A_998] : memref<128x104x128xf32, #tpu.memory_space<vmem>>, vector<128x1x128xf32>
    %get3A_1000 = vector.shape_cast %get3A_999 : vector<128x1x128xf32> to vector<128x128xf32>
    %transpose3A_1001 = tpu.transpose %get3A_1000, [1, 0] : vector<128x128xf32> -> vector<128x128xf32>
    %swap3A_1002 = arith.constant 40 : index
    %swap3A_1003 = arith.constant 0 : index
    %swap3A_1004 = arith.constant 0 : index
    %swap3A_1005 = vector.load %arg3[%swap3A_1002, %swap3A_1003, %swap3A_1004] : memref<50x200x128xf32, #tpu.memory_space<vmem>>, vector<1x128x128xf32>
    %swap3A_1006 = vector.shape_cast %swap3A_1005 : vector<1x128x128xf32> to vector<128x128xf32>
    %swap3A_1007 = vector.shape_cast %transpose3A_1001 : vector<128x128xf32> to vector<1x128x128xf32>
    tpu.vector_store %arg3[%swap3A_1002, %swap3A_1003, %swap3A_1004], %swap3A_1007 {strides = array<i32>} : memref<50x200x128xf32, #tpu.memory_space<vmem>>, vector<1x128x128xf32>,
    %get3A_1008 = arith.constant 0 : index
    %get3A_1009 = arith.constant 88 : index
    %get3A_1010 = arith.constant 0 : index
    %get3A_1011 = vector.load %arg1[%get3A_1008, %get3A_1009, %get3A_1010] : memref<128x104x128xf32, #tpu.memory_space<vmem>>, vector<128x1x128xf32>
    %get3A_1012 = vector.shape_cast %get3A_1011 : vector<128x1x128xf32> to vector<128x128xf32>
    %transpose3A_1013 = tpu.transpose %get3A_1012, [1, 0] : vector<128x128xf32> -> vector<128x128xf32>
    %slice3A_1014 = vector.extract_strided_slice %transpose3A_1013 {offsets = [0, 0], sizes = [72, 128], strides = [1, 1]} : vector<128x128xf32> to vector<72x128xf32>
    %swap3A_1015 = arith.constant 40 : index
    %swap3A_1016 = arith.constant 128 : index
    %swap3A_1017 = arith.constant 0 : index
    %swap3A_1018 = vector.load %arg3[%swap3A_1015, %swap3A_1016, %swap3A_1017] : memref<50x200x128xf32, #tpu.memory_space<vmem>>, vector<1x72x128xf32>
    %swap3A_1019 = vector.shape_cast %swap3A_1018 : vector<1x72x128xf32> to vector<72x128xf32>
    %swap3A_1020 = vector.shape_cast %slice3A_1014 : vector<72x128xf32> to vector<1x72x128xf32>
    tpu.vector_store %arg3[%swap3A_1015, %swap3A_1016, %swap3A_1017], %swap3A_1020 {strides = array<i32>} : memref<50x200x128xf32, #tpu.memory_space<vmem>>, vector<1x72x128xf32>,
    %get3A_1021 = arith.constant 0 : index
    %get3A_1022 = arith.constant 81 : index
    %get3A_1023 = arith.constant 0 : index
    %get3A_1024 = vector.load %arg1[%get3A_1021, %get3A_1022, %get3A_1023] : memref<128x104x128xf32, #tpu.memory_space<vmem>>, vector<128x1x128xf32>
    %get3A_1025 = vector.shape_cast %get3A_1024 : vector<128x1x128xf32> to vector<128x128xf32>
    %transpose3A_1026 = tpu.transpose %get3A_1025, [1, 0] : vector<128x128xf32> -> vector<128x128xf32>
    %swap3A_1027 = arith.constant 41 : index
    %swap3A_1028 = arith.constant 0 : index
    %swap3A_1029 = arith.constant 0 : index
    %swap3A_1030 = vector.load %arg3[%swap3A_1027, %swap3A_1028, %swap3A_1029] : memref<50x200x128xf32, #tpu.memory_space<vmem>>, vector<1x128x128xf32>
    %swap3A_1031 = vector.shape_cast %swap3A_1030 : vector<1x128x128xf32> to vector<128x128xf32>
    %swap3A_1032 = vector.shape_cast %transpose3A_1026 : vector<128x128xf32> to vector<1x128x128xf32>
    tpu.vector_store %arg3[%swap3A_1027, %swap3A_1028, %swap3A_1029], %swap3A_1032 {strides = array<i32>} : memref<50x200x128xf32, #tpu.memory_space<vmem>>, vector<1x128x128xf32>,
    %get3A_1033 = arith.constant 0 : index
    %get3A_1034 = arith.constant 89 : index
    %get3A_1035 = arith.constant 0 : index
    %get3A_1036 = vector.load %arg1[%get3A_1033, %get3A_1034, %get3A_1035] : memref<128x104x128xf32, #tpu.memory_space<vmem>>, vector<128x1x128xf32>
    %get3A_1037 = vector.shape_cast %get3A_1036 : vector<128x1x128xf32> to vector<128x128xf32>
    %transpose3A_1038 = tpu.transpose %get3A_1037, [1, 0] : vector<128x128xf32> -> vector<128x128xf32>
    %slice3A_1039 = vector.extract_strided_slice %transpose3A_1038 {offsets = [0, 0], sizes = [72, 128], strides = [1, 1]} : vector<128x128xf32> to vector<72x128xf32>
    %swap3A_1040 = arith.constant 41 : index
    %swap3A_1041 = arith.constant 128 : index
    %swap3A_1042 = arith.constant 0 : index
    %swap3A_1043 = vector.load %arg3[%swap3A_1040, %swap3A_1041, %swap3A_1042] : memref<50x200x128xf32, #tpu.memory_space<vmem>>, vector<1x72x128xf32>
    %swap3A_1044 = vector.shape_cast %swap3A_1043 : vector<1x72x128xf32> to vector<72x128xf32>
    %swap3A_1045 = vector.shape_cast %slice3A_1039 : vector<72x128xf32> to vector<1x72x128xf32>
    tpu.vector_store %arg3[%swap3A_1040, %swap3A_1041, %swap3A_1042], %swap3A_1045 {strides = array<i32>} : memref<50x200x128xf32, #tpu.memory_space<vmem>>, vector<1x72x128xf32>,
    %get3A_1046 = arith.constant 0 : index
    %get3A_1047 = arith.constant 82 : index
    %get3A_1048 = arith.constant 0 : index
    %get3A_1049 = vector.load %arg1[%get3A_1046, %get3A_1047, %get3A_1048] : memref<128x104x128xf32, #tpu.memory_space<vmem>>, vector<128x1x128xf32>
    %get3A_1050 = vector.shape_cast %get3A_1049 : vector<128x1x128xf32> to vector<128x128xf32>
    %transpose3A_1051 = tpu.transpose %get3A_1050, [1, 0] : vector<128x128xf32> -> vector<128x128xf32>
    %swap3A_1052 = arith.constant 42 : index
    %swap3A_1053 = arith.constant 0 : index
    %swap3A_1054 = arith.constant 0 : index
    %swap3A_1055 = vector.load %arg3[%swap3A_1052, %swap3A_1053, %swap3A_1054] : memref<50x200x128xf32, #tpu.memory_space<vmem>>, vector<1x128x128xf32>
    %swap3A_1056 = vector.shape_cast %swap3A_1055 : vector<1x128x128xf32> to vector<128x128xf32>
    %swap3A_1057 = vector.shape_cast %transpose3A_1051 : vector<128x128xf32> to vector<1x128x128xf32>
    tpu.vector_store %arg3[%swap3A_1052, %swap3A_1053, %swap3A_1054], %swap3A_1057 {strides = array<i32>} : memref<50x200x128xf32, #tpu.memory_space<vmem>>, vector<1x128x128xf32>,
    %get3A_1058 = arith.constant 0 : index
    %get3A_1059 = arith.constant 90 : index
    %get3A_1060 = arith.constant 0 : index
    %get3A_1061 = vector.load %arg1[%get3A_1058, %get3A_1059, %get3A_1060] : memref<128x104x128xf32, #tpu.memory_space<vmem>>, vector<128x1x128xf32>
    %get3A_1062 = vector.shape_cast %get3A_1061 : vector<128x1x128xf32> to vector<128x128xf32>
    %transpose3A_1063 = tpu.transpose %get3A_1062, [1, 0] : vector<128x128xf32> -> vector<128x128xf32>
    %slice3A_1064 = vector.extract_strided_slice %transpose3A_1063 {offsets = [0, 0], sizes = [72, 128], strides = [1, 1]} : vector<128x128xf32> to vector<72x128xf32>
    %swap3A_1065 = arith.constant 42 : index
    %swap3A_1066 = arith.constant 128 : index
    %swap3A_1067 = arith.constant 0 : index
    %swap3A_1068 = vector.load %arg3[%swap3A_1065, %swap3A_1066, %swap3A_1067] : memref<50x200x128xf32, #tpu.memory_space<vmem>>, vector<1x72x128xf32>
    %swap3A_1069 = vector.shape_cast %swap3A_1068 : vector<1x72x128xf32> to vector<72x128xf32>
    %swap3A_1070 = vector.shape_cast %slice3A_1064 : vector<72x128xf32> to vector<1x72x128xf32>
    tpu.vector_store %arg3[%swap3A_1065, %swap3A_1066, %swap3A_1067], %swap3A_1070 {strides = array<i32>} : memref<50x200x128xf32, #tpu.memory_space<vmem>>, vector<1x72x128xf32>,
    %get3A_1071 = arith.constant 0 : index
    %get3A_1072 = arith.constant 83 : index
    %get3A_1073 = arith.constant 0 : index
    %get3A_1074 = vector.load %arg1[%get3A_1071, %get3A_1072, %get3A_1073] : memref<128x104x128xf32, #tpu.memory_space<vmem>>, vector<128x1x128xf32>
    %get3A_1075 = vector.shape_cast %get3A_1074 : vector<128x1x128xf32> to vector<128x128xf32>
    %transpose3A_1076 = tpu.transpose %get3A_1075, [1, 0] : vector<128x128xf32> -> vector<128x128xf32>
    %swap3A_1077 = arith.constant 43 : index
    %swap3A_1078 = arith.constant 0 : index
    %swap3A_1079 = arith.constant 0 : index
    %swap3A_1080 = vector.load %arg3[%swap3A_1077, %swap3A_1078, %swap3A_1079] : memref<50x200x128xf32, #tpu.memory_space<vmem>>, vector<1x128x128xf32>
    %swap3A_1081 = vector.shape_cast %swap3A_1080 : vector<1x128x128xf32> to vector<128x128xf32>
    %swap3A_1082 = vector.shape_cast %transpose3A_1076 : vector<128x128xf32> to vector<1x128x128xf32>
    tpu.vector_store %arg3[%swap3A_1077, %swap3A_1078, %swap3A_1079], %swap3A_1082 {strides = array<i32>} : memref<50x200x128xf32, #tpu.memory_space<vmem>>, vector<1x128x128xf32>,
    %get3A_1083 = arith.constant 0 : index
    %get3A_1084 = arith.constant 91 : index
    %get3A_1085 = arith.constant 0 : index
    %get3A_1086 = vector.load %arg1[%get3A_1083, %get3A_1084, %get3A_1085] : memref<128x104x128xf32, #tpu.memory_space<vmem>>, vector<128x1x128xf32>
    %get3A_1087 = vector.shape_cast %get3A_1086 : vector<128x1x128xf32> to vector<128x128xf32>
    %transpose3A_1088 = tpu.transpose %get3A_1087, [1, 0] : vector<128x128xf32> -> vector<128x128xf32>
    %slice3A_1089 = vector.extract_strided_slice %transpose3A_1088 {offsets = [0, 0], sizes = [72, 128], strides = [1, 1]} : vector<128x128xf32> to vector<72x128xf32>
    %swap3A_1090 = arith.constant 43 : index
    %swap3A_1091 = arith.constant 128 : index
    %swap3A_1092 = arith.constant 0 : index
    %swap3A_1093 = vector.load %arg3[%swap3A_1090, %swap3A_1091, %swap3A_1092] : memref<50x200x128xf32, #tpu.memory_space<vmem>>, vector<1x72x128xf32>
    %swap3A_1094 = vector.shape_cast %swap3A_1093 : vector<1x72x128xf32> to vector<72x128xf32>
    %swap3A_1095 = vector.shape_cast %slice3A_1089 : vector<72x128xf32> to vector<1x72x128xf32>
    tpu.vector_store %arg3[%swap3A_1090, %swap3A_1091, %swap3A_1092], %swap3A_1095 {strides = array<i32>} : memref<50x200x128xf32, #tpu.memory_space<vmem>>, vector<1x72x128xf32>,
    %get3A_1096 = arith.constant 0 : index
    %get3A_1097 = arith.constant 84 : index
    %get3A_1098 = arith.constant 0 : index
    %get3A_1099 = vector.load %arg1[%get3A_1096, %get3A_1097, %get3A_1098] : memref<128x104x128xf32, #tpu.memory_space<vmem>>, vector<128x1x128xf32>
    %get3A_1100 = vector.shape_cast %get3A_1099 : vector<128x1x128xf32> to vector<128x128xf32>
    %transpose3A_1101 = tpu.transpose %get3A_1100, [1, 0] : vector<128x128xf32> -> vector<128x128xf32>
    %swap3A_1102 = arith.constant 44 : index
    %swap3A_1103 = arith.constant 0 : index
    %swap3A_1104 = arith.constant 0 : index
    %swap3A_1105 = vector.load %arg3[%swap3A_1102, %swap3A_1103, %swap3A_1104] : memref<50x200x128xf32, #tpu.memory_space<vmem>>, vector<1x128x128xf32>
    %swap3A_1106 = vector.shape_cast %swap3A_1105 : vector<1x128x128xf32> to vector<128x128xf32>
    %swap3A_1107 = vector.shape_cast %transpose3A_1101 : vector<128x128xf32> to vector<1x128x128xf32>
    tpu.vector_store %arg3[%swap3A_1102, %swap3A_1103, %swap3A_1104], %swap3A_1107 {strides = array<i32>} : memref<50x200x128xf32, #tpu.memory_space<vmem>>, vector<1x128x128xf32>,
    %get3A_1108 = arith.constant 0 : index
    %get3A_1109 = arith.constant 92 : index
    %get3A_1110 = arith.constant 0 : index
    %get3A_1111 = vector.load %arg1[%get3A_1108, %get3A_1109, %get3A_1110] : memref<128x104x128xf32, #tpu.memory_space<vmem>>, vector<128x1x128xf32>
    %get3A_1112 = vector.shape_cast %get3A_1111 : vector<128x1x128xf32> to vector<128x128xf32>
    %transpose3A_1113 = tpu.transpose %get3A_1112, [1, 0] : vector<128x128xf32> -> vector<128x128xf32>
    %slice3A_1114 = vector.extract_strided_slice %transpose3A_1113 {offsets = [0, 0], sizes = [72, 128], strides = [1, 1]} : vector<128x128xf32> to vector<72x128xf32>
    %swap3A_1115 = arith.constant 44 : index
    %swap3A_1116 = arith.constant 128 : index
    %swap3A_1117 = arith.constant 0 : index
    %swap3A_1118 = vector.load %arg3[%swap3A_1115, %swap3A_1116, %swap3A_1117] : memref<50x200x128xf32, #tpu.memory_space<vmem>>, vector<1x72x128xf32>
    %swap3A_1119 = vector.shape_cast %swap3A_1118 : vector<1x72x128xf32> to vector<72x128xf32>
    %swap3A_1120 = vector.shape_cast %slice3A_1114 : vector<72x128xf32> to vector<1x72x128xf32>
    tpu.vector_store %arg3[%swap3A_1115, %swap3A_1116, %swap3A_1117], %swap3A_1120 {strides = array<i32>} : memref<50x200x128xf32, #tpu.memory_space<vmem>>, vector<1x72x128xf32>,
    %get3A_1121 = arith.constant 0 : index
    %get3A_1122 = arith.constant 85 : index
    %get3A_1123 = arith.constant 0 : index
    %get3A_1124 = vector.load %arg1[%get3A_1121, %get3A_1122, %get3A_1123] : memref<128x104x128xf32, #tpu.memory_space<vmem>>, vector<128x1x128xf32>
    %get3A_1125 = vector.shape_cast %get3A_1124 : vector<128x1x128xf32> to vector<128x128xf32>
    %transpose3A_1126 = tpu.transpose %get3A_1125, [1, 0] : vector<128x128xf32> -> vector<128x128xf32>
    %swap3A_1127 = arith.constant 45 : index
    %swap3A_1128 = arith.constant 0 : index
    %swap3A_1129 = arith.constant 0 : index
    %swap3A_1130 = vector.load %arg3[%swap3A_1127, %swap3A_1128, %swap3A_1129] : memref<50x200x128xf32, #tpu.memory_space<vmem>>, vector<1x128x128xf32>
    %swap3A_1131 = vector.shape_cast %swap3A_1130 : vector<1x128x128xf32> to vector<128x128xf32>
    %swap3A_1132 = vector.shape_cast %transpose3A_1126 : vector<128x128xf32> to vector<1x128x128xf32>
    tpu.vector_store %arg3[%swap3A_1127, %swap3A_1128, %swap3A_1129], %swap3A_1132 {strides = array<i32>} : memref<50x200x128xf32, #tpu.memory_space<vmem>>, vector<1x128x128xf32>,
    %get3A_1133 = arith.constant 0 : index
    %get3A_1134 = arith.constant 93 : index
    %get3A_1135 = arith.constant 0 : index
    %get3A_1136 = vector.load %arg1[%get3A_1133, %get3A_1134, %get3A_1135] : memref<128x104x128xf32, #tpu.memory_space<vmem>>, vector<128x1x128xf32>
    %get3A_1137 = vector.shape_cast %get3A_1136 : vector<128x1x128xf32> to vector<128x128xf32>
    %transpose3A_1138 = tpu.transpose %get3A_1137, [1, 0] : vector<128x128xf32> -> vector<128x128xf32>
    %slice3A_1139 = vector.extract_strided_slice %transpose3A_1138 {offsets = [0, 0], sizes = [72, 128], strides = [1, 1]} : vector<128x128xf32> to vector<72x128xf32>
    %swap3A_1140 = arith.constant 45 : index
    %swap3A_1141 = arith.constant 128 : index
    %swap3A_1142 = arith.constant 0 : index
    %swap3A_1143 = vector.load %arg3[%swap3A_1140, %swap3A_1141, %swap3A_1142] : memref<50x200x128xf32, #tpu.memory_space<vmem>>, vector<1x72x128xf32>
    %swap3A_1144 = vector.shape_cast %swap3A_1143 : vector<1x72x128xf32> to vector<72x128xf32>
    %swap3A_1145 = vector.shape_cast %slice3A_1139 : vector<72x128xf32> to vector<1x72x128xf32>
    tpu.vector_store %arg3[%swap3A_1140, %swap3A_1141, %swap3A_1142], %swap3A_1145 {strides = array<i32>} : memref<50x200x128xf32, #tpu.memory_space<vmem>>, vector<1x72x128xf32>,
    %get3A_1146 = arith.constant 0 : index
    %get3A_1147 = arith.constant 86 : index
    %get3A_1148 = arith.constant 0 : index
    %get3A_1149 = vector.load %arg1[%get3A_1146, %get3A_1147, %get3A_1148] : memref<128x104x128xf32, #tpu.memory_space<vmem>>, vector<128x1x128xf32>
    %get3A_1150 = vector.shape_cast %get3A_1149 : vector<128x1x128xf32> to vector<128x128xf32>
    %transpose3A_1151 = tpu.transpose %get3A_1150, [1, 0] : vector<128x128xf32> -> vector<128x128xf32>
    %swap3A_1152 = arith.constant 46 : index
    %swap3A_1153 = arith.constant 0 : index
    %swap3A_1154 = arith.constant 0 : index
    %swap3A_1155 = vector.load %arg3[%swap3A_1152, %swap3A_1153, %swap3A_1154] : memref<50x200x128xf32, #tpu.memory_space<vmem>>, vector<1x128x128xf32>
    %swap3A_1156 = vector.shape_cast %swap3A_1155 : vector<1x128x128xf32> to vector<128x128xf32>
    %swap3A_1157 = vector.shape_cast %transpose3A_1151 : vector<128x128xf32> to vector<1x128x128xf32>
    tpu.vector_store %arg3[%swap3A_1152, %swap3A_1153, %swap3A_1154], %swap3A_1157 {strides = array<i32>} : memref<50x200x128xf32, #tpu.memory_space<vmem>>, vector<1x128x128xf32>,
    %get3A_1158 = arith.constant 0 : index
    %get3A_1159 = arith.constant 94 : index
    %get3A_1160 = arith.constant 0 : index
    %get3A_1161 = vector.load %arg1[%get3A_1158, %get3A_1159, %get3A_1160] : memref<128x104x128xf32, #tpu.memory_space<vmem>>, vector<128x1x128xf32>
    %get3A_1162 = vector.shape_cast %get3A_1161 : vector<128x1x128xf32> to vector<128x128xf32>
    %transpose3A_1163 = tpu.transpose %get3A_1162, [1, 0] : vector<128x128xf32> -> vector<128x128xf32>
    %slice3A_1164 = vector.extract_strided_slice %transpose3A_1163 {offsets = [0, 0], sizes = [72, 128], strides = [1, 1]} : vector<128x128xf32> to vector<72x128xf32>
    %swap3A_1165 = arith.constant 46 : index
    %swap3A_1166 = arith.constant 128 : index
    %swap3A_1167 = arith.constant 0 : index
    %swap3A_1168 = vector.load %arg3[%swap3A_1165, %swap3A_1166, %swap3A_1167] : memref<50x200x128xf32, #tpu.memory_space<vmem>>, vector<1x72x128xf32>
    %swap3A_1169 = vector.shape_cast %swap3A_1168 : vector<1x72x128xf32> to vector<72x128xf32>
    %swap3A_1170 = vector.shape_cast %slice3A_1164 : vector<72x128xf32> to vector<1x72x128xf32>
    tpu.vector_store %arg3[%swap3A_1165, %swap3A_1166, %swap3A_1167], %swap3A_1170 {strides = array<i32>} : memref<50x200x128xf32, #tpu.memory_space<vmem>>, vector<1x72x128xf32>,
    %get3A_1171 = arith.constant 0 : index
    %get3A_1172 = arith.constant 87 : index
    %get3A_1173 = arith.constant 0 : index
    %get3A_1174 = vector.load %arg1[%get3A_1171, %get3A_1172, %get3A_1173] : memref<128x104x128xf32, #tpu.memory_space<vmem>>, vector<128x1x128xf32>
    %get3A_1175 = vector.shape_cast %get3A_1174 : vector<128x1x128xf32> to vector<128x128xf32>
    %transpose3A_1176 = tpu.transpose %get3A_1175, [1, 0] : vector<128x128xf32> -> vector<128x128xf32>
    %swap3A_1177 = arith.constant 47 : index
    %swap3A_1178 = arith.constant 0 : index
    %swap3A_1179 = arith.constant 0 : index
    %swap3A_1180 = vector.load %arg3[%swap3A_1177, %swap3A_1178, %swap3A_1179] : memref<50x200x128xf32, #tpu.memory_space<vmem>>, vector<1x128x128xf32>
    %swap3A_1181 = vector.shape_cast %swap3A_1180 : vector<1x128x128xf32> to vector<128x128xf32>
    %swap3A_1182 = vector.shape_cast %transpose3A_1176 : vector<128x128xf32> to vector<1x128x128xf32>
    tpu.vector_store %arg3[%swap3A_1177, %swap3A_1178, %swap3A_1179], %swap3A_1182 {strides = array<i32>} : memref<50x200x128xf32, #tpu.memory_space<vmem>>, vector<1x128x128xf32>,
    %get3A_1183 = arith.constant 0 : index
    %get3A_1184 = arith.constant 95 : index
    %get3A_1185 = arith.constant 0 : index
    %get3A_1186 = vector.load %arg1[%get3A_1183, %get3A_1184, %get3A_1185] : memref<128x104x128xf32, #tpu.memory_space<vmem>>, vector<128x1x128xf32>
    %get3A_1187 = vector.shape_cast %get3A_1186 : vector<128x1x128xf32> to vector<128x128xf32>
    %transpose3A_1188 = tpu.transpose %get3A_1187, [1, 0] : vector<128x128xf32> -> vector<128x128xf32>
    %slice3A_1189 = vector.extract_strided_slice %transpose3A_1188 {offsets = [0, 0], sizes = [72, 128], strides = [1, 1]} : vector<128x128xf32> to vector<72x128xf32>
    %swap3A_1190 = arith.constant 47 : index
    %swap3A_1191 = arith.constant 128 : index
    %swap3A_1192 = arith.constant 0 : index
    %swap3A_1193 = vector.load %arg3[%swap3A_1190, %swap3A_1191, %swap3A_1192] : memref<50x200x128xf32, #tpu.memory_space<vmem>>, vector<1x72x128xf32>
    %swap3A_1194 = vector.shape_cast %swap3A_1193 : vector<1x72x128xf32> to vector<72x128xf32>
    %swap3A_1195 = vector.shape_cast %slice3A_1189 : vector<72x128xf32> to vector<1x72x128xf32>
    tpu.vector_store %arg3[%swap3A_1190, %swap3A_1191, %swap3A_1192], %swap3A_1195 {strides = array<i32>} : memref<50x200x128xf32, #tpu.memory_space<vmem>>, vector<1x72x128xf32>,
    %get3A_1196 = arith.constant 0 : index
    %get3A_1197 = arith.constant 96 : index
    %get3A_1198 = arith.constant 0 : index
    %get3A_1199 = vector.load %arg1[%get3A_1196, %get3A_1197, %get3A_1198] : memref<128x104x128xf32, #tpu.memory_space<vmem>>, vector<128x1x128xf32>
    %get3A_1200 = vector.shape_cast %get3A_1199 : vector<128x1x128xf32> to vector<128x128xf32>
    %transpose3A_1201 = tpu.transpose %get3A_1200, [1, 0] : vector<128x128xf32> -> vector<128x128xf32>
    %swap3A_1202 = arith.constant 48 : index
    %swap3A_1203 = arith.constant 0 : index
    %swap3A_1204 = arith.constant 0 : index
    %swap3A_1205 = vector.load %arg3[%swap3A_1202, %swap3A_1203, %swap3A_1204] : memref<50x200x128xf32, #tpu.memory_space<vmem>>, vector<1x128x128xf32>
    %swap3A_1206 = vector.shape_cast %swap3A_1205 : vector<1x128x128xf32> to vector<128x128xf32>
    %swap3A_1207 = vector.shape_cast %transpose3A_1201 : vector<128x128xf32> to vector<1x128x128xf32>
    tpu.vector_store %arg3[%swap3A_1202, %swap3A_1203, %swap3A_1204], %swap3A_1207 {strides = array<i32>} : memref<50x200x128xf32, #tpu.memory_space<vmem>>, vector<1x128x128xf32>,
    %get3A_1208 = arith.constant 0 : index
    %get3A_1209 = arith.constant 98 : index
    %get3A_1210 = arith.constant 0 : index
    %get3A_1211 = vector.load %arg1[%get3A_1208, %get3A_1209, %get3A_1210] : memref<128x104x128xf32, #tpu.memory_space<vmem>>, vector<128x1x128xf32>
    %get3A_1212 = vector.shape_cast %get3A_1211 : vector<128x1x128xf32> to vector<128x128xf32>
    %transpose3A_1213 = tpu.transpose %get3A_1212, [1, 0] : vector<128x128xf32> -> vector<128x128xf32>
    %slice3A_1214 = vector.extract_strided_slice %transpose3A_1213 {offsets = [0, 0], sizes = [72, 128], strides = [1, 1]} : vector<128x128xf32> to vector<72x128xf32>
    %swap3A_1215 = arith.constant 48 : index
    %swap3A_1216 = arith.constant 128 : index
    %swap3A_1217 = arith.constant 0 : index
    %swap3A_1218 = vector.load %arg3[%swap3A_1215, %swap3A_1216, %swap3A_1217] : memref<50x200x128xf32, #tpu.memory_space<vmem>>, vector<1x72x128xf32>
    %swap3A_1219 = vector.shape_cast %swap3A_1218 : vector<1x72x128xf32> to vector<72x128xf32>
    %swap3A_1220 = vector.shape_cast %slice3A_1214 : vector<72x128xf32> to vector<1x72x128xf32>
    tpu.vector_store %arg3[%swap3A_1215, %swap3A_1216, %swap3A_1217], %swap3A_1220 {strides = array<i32>} : memref<50x200x128xf32, #tpu.memory_space<vmem>>, vector<1x72x128xf32>,
    %get3A_1221 = arith.constant 0 : index
    %get3A_1222 = arith.constant 97 : index
    %get3A_1223 = arith.constant 0 : index
    %get3A_1224 = vector.load %arg1[%get3A_1221, %get3A_1222, %get3A_1223] : memref<128x104x128xf32, #tpu.memory_space<vmem>>, vector<128x1x128xf32>
    %get3A_1225 = vector.shape_cast %get3A_1224 : vector<128x1x128xf32> to vector<128x128xf32>
    %transpose3A_1226 = tpu.transpose %get3A_1225, [1, 0] : vector<128x128xf32> -> vector<128x128xf32>
    %swap3A_1227 = arith.constant 49 : index
    %swap3A_1228 = arith.constant 0 : index
    %swap3A_1229 = arith.constant 0 : index
    %swap3A_1230 = vector.load %arg3[%swap3A_1227, %swap3A_1228, %swap3A_1229] : memref<50x200x128xf32, #tpu.memory_space<vmem>>, vector<1x128x128xf32>
    %swap3A_1231 = vector.shape_cast %swap3A_1230 : vector<1x128x128xf32> to vector<128x128xf32>
    %swap3A_1232 = vector.shape_cast %transpose3A_1226 : vector<128x128xf32> to vector<1x128x128xf32>
    tpu.vector_store %arg3[%swap3A_1227, %swap3A_1228, %swap3A_1229], %swap3A_1232 {strides = array<i32>} : memref<50x200x128xf32, #tpu.memory_space<vmem>>, vector<1x128x128xf32>,
    %get3A_1233 = arith.constant 0 : index
    %get3A_1234 = arith.constant 99 : index
    %get3A_1235 = arith.constant 0 : index
    %get3A_1236 = vector.load %arg1[%get3A_1233, %get3A_1234, %get3A_1235] : memref<128x104x128xf32, #tpu.memory_space<vmem>>, vector<128x1x128xf32>
    %get3A_1237 = vector.shape_cast %get3A_1236 : vector<128x1x128xf32> to vector<128x128xf32>
    %transpose3A_1238 = tpu.transpose %get3A_1237, [1, 0] : vector<128x128xf32> -> vector<128x128xf32>
    %slice3A_1239 = vector.extract_strided_slice %transpose3A_1238 {offsets = [0, 0], sizes = [72, 128], strides = [1, 1]} : vector<128x128xf32> to vector<72x128xf32>
    %swap3A_1240 = arith.constant 49 : index
    %swap3A_1241 = arith.constant 128 : index
    %swap3A_1242 = arith.constant 0 : index
    %swap3A_1243 = vector.load %arg3[%swap3A_1240, %swap3A_1241, %swap3A_1242] : memref<50x200x128xf32, #tpu.memory_space<vmem>>, vector<1x72x128xf32>
    %swap3A_1244 = vector.shape_cast %swap3A_1243 : vector<1x72x128xf32> to vector<72x128xf32>
    %swap3A_1245 = vector.shape_cast %slice3A_1239 : vector<72x128xf32> to vector<1x72x128xf32>
    tpu.vector_store %arg3[%swap3A_1240, %swap3A_1241, %swap3A_1242], %swap3A_1245 {strides = array<i32>} : memref<50x200x128xf32, #tpu.memory_space<vmem>>, vector<1x72x128xf32>,
    return
  }
  func.func @transform_0(%arg0: i32) -> (i32, i32, i32) {
    %c0_i32 = arith.constant 0 : i32
    %c0_i32_0 = arith.constant 0 : i32
    %c0_i32_1 = arith.constant 0 : i32
    return %arg0, %c0_i32, %c0_i32_0 : i32, i32, i32
  }
  func.func @transform_2(%arg0: i32) -> (i32, i32, i32) {
    %add3A = arith.constant 16 : i32
    %add3A_0 = arith.addi %arg0, %add3A : i32
    %c0_i32 = arith.constant 0 : i32
    %c0_i32_1 = arith.constant 0 : i32
    %c0_i32_2 = arith.constant 0 : i32
    return %c0_i32, %c0_i32_1, %add3A_0 : i32, i32, i32
  }
}

module attributes {stable_mosaic.version = 14 : i64} {
  func.func @_convert_body(%arg0: i32, %arg1: memref<128x104x128xf32, #tpu.memory_space<vmem>>, %arg2: memref<50x200x128xf32, #tpu.memory_space<vmem>>) attributes {dimension_semantics = [#tpu.dimension_semantics<arbitrary>], iteration_bounds = array<i64: 16>, scalar_prefetch = 0 : i64, scratch_operands = 0 : i64, tpu.core_type = #tpu.core_type<tc>, window_params = [{transform_indices = @transform_0, window_bounds = array<i64: 128, 104, 128>}, {transform_indices = @transform_1, window_bounds = array<i64: 50, 200, 128>}]} {
    %get3A = arith.constant 0 : index
    %get3A_0 = arith.constant 0 : index
    %get3A_1 = arith.constant 0 : index
    %get3A_2 = vector.load %arg1[%get3A, %get3A_0, %get3A_1] : memref<128x104x128xf32, #tpu.memory_space<vmem>>, vector<128x1x128xf32>
    %get3A_3 = vector.shape_cast %get3A_2 : vector<128x1x128xf32> to vector<128x128xf32>
    %transpose3A = tpu.transpose %get3A_3, [1, 0] : vector<128x128xf32> -> vector<128x128xf32>
    %swap3A = arith.constant 0 : index
    %swap3A_4 = arith.constant 0 : index
    %swap3A_5 = arith.constant 0 : index
    %swap3A_6 = vector.load %arg2[%swap3A, %swap3A_4, %swap3A_5] : memref<50x200x128xf32, #tpu.memory_space<vmem>>, vector<1x128x128xf32>
    %swap3A_7 = vector.shape_cast %swap3A_6 : vector<1x128x128xf32> to vector<128x128xf32>
    %swap3A_8 = vector.shape_cast %transpose3A : vector<128x128xf32> to vector<1x128x128xf32>
    tpu.vector_store %arg2[%swap3A, %swap3A_4, %swap3A_5], %swap3A_8 {strides = array<i32>} : memref<50x200x128xf32, #tpu.memory_space<vmem>>, vector<1x128x128xf32>,
    %get3A_9 = arith.constant 0 : index
    %get3A_10 = arith.constant 8 : index
    %get3A_11 = arith.constant 0 : index
    %get3A_12 = vector.load %arg1[%get3A_9, %get3A_10, %get3A_11] : memref<128x104x128xf32, #tpu.memory_space<vmem>>, vector<128x1x128xf32>
    %get3A_13 = vector.shape_cast %get3A_12 : vector<128x1x128xf32> to vector<128x128xf32>
    %transpose3A_14 = tpu.transpose %get3A_13, [1, 0] : vector<128x128xf32> -> vector<128x128xf32>
    %slice3A = vector.extract_strided_slice %transpose3A_14 {offsets = [0, 0], sizes = [72, 128], strides = [1, 1]} : vector<128x128xf32> to vector<72x128xf32>
    %swap3A_15 = arith.constant 0 : index
    %swap3A_16 = arith.constant 128 : index
    %swap3A_17 = arith.constant 0 : index
    %swap3A_18 = vector.load %arg2[%swap3A_15, %swap3A_16, %swap3A_17] : memref<50x200x128xf32, #tpu.memory_space<vmem>>, vector<1x72x128xf32>
    %swap3A_19 = vector.shape_cast %swap3A_18 : vector<1x72x128xf32> to vector<72x128xf32>
    %swap3A_20 = vector.shape_cast %slice3A : vector<72x128xf32> to vector<1x72x128xf32>
    tpu.vector_store %arg2[%swap3A_15, %swap3A_16, %swap3A_17], %swap3A_20 {strides = array<i32>} : memref<50x200x128xf32, #tpu.memory_space<vmem>>, vector<1x72x128xf32>,
    %get3A_21 = arith.constant 0 : index
    %get3A_22 = arith.constant 1 : index
    %get3A_23 = arith.constant 0 : index
    %get3A_24 = vector.load %arg1[%get3A_21, %get3A_22, %get3A_23] : memref<128x104x128xf32, #tpu.memory_space<vmem>>, vector<128x1x128xf32>
    %get3A_25 = vector.shape_cast %get3A_24 : vector<128x1x128xf32> to vector<128x128xf32>
    %transpose3A_26 = tpu.transpose %get3A_25, [1, 0] : vector<128x128xf32> -> vector<128x128xf32>
    %swap3A_27 = arith.constant 1 : index
    %swap3A_28 = arith.constant 0 : index
    %swap3A_29 = arith.constant 0 : index
    %swap3A_30 = vector.load %arg2[%swap3A_27, %swap3A_28, %swap3A_29] : memref<50x200x128xf32, #tpu.memory_space<vmem>>, vector<1x128x128xf32>
    %swap3A_31 = vector.shape_cast %swap3A_30 : vector<1x128x128xf32> to vector<128x128xf32>
    %swap3A_32 = vector.shape_cast %transpose3A_26 : vector<128x128xf32> to vector<1x128x128xf32>
    tpu.vector_store %arg2[%swap3A_27, %swap3A_28, %swap3A_29], %swap3A_32 {strides = array<i32>} : memref<50x200x128xf32, #tpu.memory_space<vmem>>, vector<1x128x128xf32>,
    %get3A_33 = arith.constant 0 : index
    %get3A_34 = arith.constant 9 : index
    %get3A_35 = arith.constant 0 : index
    %get3A_36 = vector.load %arg1[%get3A_33, %get3A_34, %get3A_35] : memref<128x104x128xf32, #tpu.memory_space<vmem>>, vector<128x1x128xf32>
    %get3A_37 = vector.shape_cast %get3A_36 : vector<128x1x128xf32> to vector<128x128xf32>
    %transpose3A_38 = tpu.transpose %get3A_37, [1, 0] : vector<128x128xf32> -> vector<128x128xf32>
    %slice3A_39 = vector.extract_strided_slice %transpose3A_38 {offsets = [0, 0], sizes = [72, 128], strides = [1, 1]} : vector<128x128xf32> to vector<72x128xf32>
    %swap3A_40 = arith.constant 1 : index
    %swap3A_41 = arith.constant 128 : index
    %swap3A_42 = arith.constant 0 : index
    %swap3A_43 = vector.load %arg2[%swap3A_40, %swap3A_41, %swap3A_42] : memref<50x200x128xf32, #tpu.memory_space<vmem>>, vector<1x72x128xf32>
    %swap3A_44 = vector.shape_cast %swap3A_43 : vector<1x72x128xf32> to vector<72x128xf32>
    %swap3A_45 = vector.shape_cast %slice3A_39 : vector<72x128xf32> to vector<1x72x128xf32>
    tpu.vector_store %arg2[%swap3A_40, %swap3A_41, %swap3A_42], %swap3A_45 {strides = array<i32>} : memref<50x200x128xf32, #tpu.memory_space<vmem>>, vector<1x72x128xf32>,
    %get3A_46 = arith.constant 0 : index
    %get3A_47 = arith.constant 2 : index
    %get3A_48 = arith.constant 0 : index
    %get3A_49 = vector.load %arg1[%get3A_46, %get3A_47, %get3A_48] : memref<128x104x128xf32, #tpu.memory_space<vmem>>, vector<128x1x128xf32>
    %get3A_50 = vector.shape_cast %get3A_49 : vector<128x1x128xf32> to vector<128x128xf32>
    %transpose3A_51 = tpu.transpose %get3A_50, [1, 0] : vector<128x128xf32> -> vector<128x128xf32>
    %swap3A_52 = arith.constant 2 : index
    %swap3A_53 = arith.constant 0 : index
    %swap3A_54 = arith.constant 0 : index
    %swap3A_55 = vector.load %arg2[%swap3A_52, %swap3A_53, %swap3A_54] : memref<50x200x128xf32, #tpu.memory_space<vmem>>, vector<1x128x128xf32>
    %swap3A_56 = vector.shape_cast %swap3A_55 : vector<1x128x128xf32> to vector<128x128xf32>
    %swap3A_57 = vector.shape_cast %transpose3A_51 : vector<128x128xf32> to vector<1x128x128xf32>
    tpu.vector_store %arg2[%swap3A_52, %swap3A_53, %swap3A_54], %swap3A_57 {strides = array<i32>} : memref<50x200x128xf32, #tpu.memory_space<vmem>>, vector<1x128x128xf32>,
    %get3A_58 = arith.constant 0 : index
    %get3A_59 = arith.constant 10 : index
    %get3A_60 = arith.constant 0 : index
    %get3A_61 = vector.load %arg1[%get3A_58, %get3A_59, %get3A_60] : memref<128x104x128xf32, #tpu.memory_space<vmem>>, vector<128x1x128xf32>
    %get3A_62 = vector.shape_cast %get3A_61 : vector<128x1x128xf32> to vector<128x128xf32>
    %transpose3A_63 = tpu.transpose %get3A_62, [1, 0] : vector<128x128xf32> -> vector<128x128xf32>
    %slice3A_64 = vector.extract_strided_slice %transpose3A_63 {offsets = [0, 0], sizes = [72, 128], strides = [1, 1]} : vector<128x128xf32> to vector<72x128xf32>
    %swap3A_65 = arith.constant 2 : index
    %swap3A_66 = arith.constant 128 : index
    %swap3A_67 = arith.constant 0 : index
    %swap3A_68 = vector.load %arg2[%swap3A_65, %swap3A_66, %swap3A_67] : memref<50x200x128xf32, #tpu.memory_space<vmem>>, vector<1x72x128xf32>
    %swap3A_69 = vector.shape_cast %swap3A_68 : vector<1x72x128xf32> to vector<72x128xf32>
    %swap3A_70 = vector.shape_cast %slice3A_64 : vector<72x128xf32> to vector<1x72x128xf32>
    tpu.vector_store %arg2[%swap3A_65, %swap3A_66, %swap3A_67], %swap3A_70 {strides = array<i32>} : memref<50x200x128xf32, #tpu.memory_space<vmem>>, vector<1x72x128xf32>,
    %get3A_71 = arith.constant 0 : index
    %get3A_72 = arith.constant 3 : index
    %get3A_73 = arith.constant 0 : index
    %get3A_74 = vector.load %arg1[%get3A_71, %get3A_72, %get3A_73] : memref<128x104x128xf32, #tpu.memory_space<vmem>>, vector<128x1x128xf32>
    %get3A_75 = vector.shape_cast %get3A_74 : vector<128x1x128xf32> to vector<128x128xf32>
    %transpose3A_76 = tpu.transpose %get3A_75, [1, 0] : vector<128x128xf32> -> vector<128x128xf32>
    %swap3A_77 = arith.constant 3 : index
    %swap3A_78 = arith.constant 0 : index
    %swap3A_79 = arith.constant 0 : index
    %swap3A_80 = vector.load %arg2[%swap3A_77, %swap3A_78, %swap3A_79] : memref<50x200x128xf32, #tpu.memory_space<vmem>>, vector<1x128x128xf32>
    %swap3A_81 = vector.shape_cast %swap3A_80 : vector<1x128x128xf32> to vector<128x128xf32>
    %swap3A_82 = vector.shape_cast %transpose3A_76 : vector<128x128xf32> to vector<1x128x128xf32>
    tpu.vector_store %arg2[%swap3A_77, %swap3A_78, %swap3A_79], %swap3A_82 {strides = array<i32>} : memref<50x200x128xf32, #tpu.memory_space<vmem>>, vector<1x128x128xf32>,
    %get3A_83 = arith.constant 0 : index
    %get3A_84 = arith.constant 11 : index
    %get3A_85 = arith.constant 0 : index
    %get3A_86 = vector.load %arg1[%get3A_83, %get3A_84, %get3A_85] : memref<128x104x128xf32, #tpu.memory_space<vmem>>, vector<128x1x128xf32>
    %get3A_87 = vector.shape_cast %get3A_86 : vector<128x1x128xf32> to vector<128x128xf32>
    %transpose3A_88 = tpu.transpose %get3A_87, [1, 0] : vector<128x128xf32> -> vector<128x128xf32>
    %slice3A_89 = vector.extract_strided_slice %transpose3A_88 {offsets = [0, 0], sizes = [72, 128], strides = [1, 1]} : vector<128x128xf32> to vector<72x128xf32>
    %swap3A_90 = arith.constant 3 : index
    %swap3A_91 = arith.constant 128 : index
    %swap3A_92 = arith.constant 0 : index
    %swap3A_93 = vector.load %arg2[%swap3A_90, %swap3A_91, %swap3A_92] : memref<50x200x128xf32, #tpu.memory_space<vmem>>, vector<1x72x128xf32>
    %swap3A_94 = vector.shape_cast %swap3A_93 : vector<1x72x128xf32> to vector<72x128xf32>
    %swap3A_95 = vector.shape_cast %slice3A_89 : vector<72x128xf32> to vector<1x72x128xf32>
    tpu.vector_store %arg2[%swap3A_90, %swap3A_91, %swap3A_92], %swap3A_95 {strides = array<i32>} : memref<50x200x128xf32, #tpu.memory_space<vmem>>, vector<1x72x128xf32>,
    %get3A_96 = arith.constant 0 : index
    %get3A_97 = arith.constant 4 : index
    %get3A_98 = arith.constant 0 : index
    %get3A_99 = vector.load %arg1[%get3A_96, %get3A_97, %get3A_98] : memref<128x104x128xf32, #tpu.memory_space<vmem>>, vector<128x1x128xf32>
    %get3A_100 = vector.shape_cast %get3A_99 : vector<128x1x128xf32> to vector<128x128xf32>
    %transpose3A_101 = tpu.transpose %get3A_100, [1, 0] : vector<128x128xf32> -> vector<128x128xf32>
    %swap3A_102 = arith.constant 4 : index
    %swap3A_103 = arith.constant 0 : index
    %swap3A_104 = arith.constant 0 : index
    %swap3A_105 = vector.load %arg2[%swap3A_102, %swap3A_103, %swap3A_104] : memref<50x200x128xf32, #tpu.memory_space<vmem>>, vector<1x128x128xf32>
    %swap3A_106 = vector.shape_cast %swap3A_105 : vector<1x128x128xf32> to vector<128x128xf32>
    %swap3A_107 = vector.shape_cast %transpose3A_101 : vector<128x128xf32> to vector<1x128x128xf32>
    tpu.vector_store %arg2[%swap3A_102, %swap3A_103, %swap3A_104], %swap3A_107 {strides = array<i32>} : memref<50x200x128xf32, #tpu.memory_space<vmem>>, vector<1x128x128xf32>,
    %get3A_108 = arith.constant 0 : index
    %get3A_109 = arith.constant 12 : index
    %get3A_110 = arith.constant 0 : index
    %get3A_111 = vector.load %arg1[%get3A_108, %get3A_109, %get3A_110] : memref<128x104x128xf32, #tpu.memory_space<vmem>>, vector<128x1x128xf32>
    %get3A_112 = vector.shape_cast %get3A_111 : vector<128x1x128xf32> to vector<128x128xf32>
    %transpose3A_113 = tpu.transpose %get3A_112, [1, 0] : vector<128x128xf32> -> vector<128x128xf32>
    %slice3A_114 = vector.extract_strided_slice %transpose3A_113 {offsets = [0, 0], sizes = [72, 128], strides = [1, 1]} : vector<128x128xf32> to vector<72x128xf32>
    %swap3A_115 = arith.constant 4 : index
    %swap3A_116 = arith.constant 128 : index
    %swap3A_117 = arith.constant 0 : index
    %swap3A_118 = vector.load %arg2[%swap3A_115, %swap3A_116, %swap3A_117] : memref<50x200x128xf32, #tpu.memory_space<vmem>>, vector<1x72x128xf32>
    %swap3A_119 = vector.shape_cast %swap3A_118 : vector<1x72x128xf32> to vector<72x128xf32>
    %swap3A_120 = vector.shape_cast %slice3A_114 : vector<72x128xf32> to vector<1x72x128xf32>
    tpu.vector_store %arg2[%swap3A_115, %swap3A_116, %swap3A_117], %swap3A_120 {strides = array<i32>} : memref<50x200x128xf32, #tpu.memory_space<vmem>>, vector<1x72x128xf32>,
    %get3A_121 = arith.constant 0 : index
    %get3A_122 = arith.constant 5 : index
    %get3A_123 = arith.constant 0 : index
    %get3A_124 = vector.load %arg1[%get3A_121, %get3A_122, %get3A_123] : memref<128x104x128xf32, #tpu.memory_space<vmem>>, vector<128x1x128xf32>
    %get3A_125 = vector.shape_cast %get3A_124 : vector<128x1x128xf32> to vector<128x128xf32>
    %transpose3A_126 = tpu.transpose %get3A_125, [1, 0] : vector<128x128xf32> -> vector<128x128xf32>
    %swap3A_127 = arith.constant 5 : index
    %swap3A_128 = arith.constant 0 : index
    %swap3A_129 = arith.constant 0 : index
    %swap3A_130 = vector.load %arg2[%swap3A_127, %swap3A_128, %swap3A_129] : memref<50x200x128xf32, #tpu.memory_space<vmem>>, vector<1x128x128xf32>
    %swap3A_131 = vector.shape_cast %swap3A_130 : vector<1x128x128xf32> to vector<128x128xf32>
    %swap3A_132 = vector.shape_cast %transpose3A_126 : vector<128x128xf32> to vector<1x128x128xf32>
    tpu.vector_store %arg2[%swap3A_127, %swap3A_128, %swap3A_129], %swap3A_132 {strides = array<i32>} : memref<50x200x128xf32, #tpu.memory_space<vmem>>, vector<1x128x128xf32>,
    %get3A_133 = arith.constant 0 : index
    %get3A_134 = arith.constant 13 : index
    %get3A_135 = arith.constant 0 : index
    %get3A_136 = vector.load %arg1[%get3A_133, %get3A_134, %get3A_135] : memref<128x104x128xf32, #tpu.memory_space<vmem>>, vector<128x1x128xf32>
    %get3A_137 = vector.shape_cast %get3A_136 : vector<128x1x128xf32> to vector<128x128xf32>
    %transpose3A_138 = tpu.transpose %get3A_137, [1, 0] : vector<128x128xf32> -> vector<128x128xf32>
    %slice3A_139 = vector.extract_strided_slice %transpose3A_138 {offsets = [0, 0], sizes = [72, 128], strides = [1, 1]} : vector<128x128xf32> to vector<72x128xf32>
    %swap3A_140 = arith.constant 5 : index
    %swap3A_141 = arith.constant 128 : index
    %swap3A_142 = arith.constant 0 : index
    %swap3A_143 = vector.load %arg2[%swap3A_140, %swap3A_141, %swap3A_142] : memref<50x200x128xf32, #tpu.memory_space<vmem>>, vector<1x72x128xf32>
    %swap3A_144 = vector.shape_cast %swap3A_143 : vector<1x72x128xf32> to vector<72x128xf32>
    %swap3A_145 = vector.shape_cast %slice3A_139 : vector<72x128xf32> to vector<1x72x128xf32>
    tpu.vector_store %arg2[%swap3A_140, %swap3A_141, %swap3A_142], %swap3A_145 {strides = array<i32>} : memref<50x200x128xf32, #tpu.memory_space<vmem>>, vector<1x72x128xf32>,
    %get3A_146 = arith.constant 0 : index
    %get3A_147 = arith.constant 6 : index
    %get3A_148 = arith.constant 0 : index
    %get3A_149 = vector.load %arg1[%get3A_146, %get3A_147, %get3A_148] : memref<128x104x128xf32, #tpu.memory_space<vmem>>, vector<128x1x128xf32>
    %get3A_150 = vector.shape_cast %get3A_149 : vector<128x1x128xf32> to vector<128x128xf32>
    %transpose3A_151 = tpu.transpose %get3A_150, [1, 0] : vector<128x128xf32> -> vector<128x128xf32>
    %swap3A_152 = arith.constant 6 : index
    %swap3A_153 = arith.constant 0 : index
    %swap3A_154 = arith.constant 0 : index
    %swap3A_155 = vector.load %arg2[%swap3A_152, %swap3A_153, %swap3A_154] : memref<50x200x128xf32, #tpu.memory_space<vmem>>, vector<1x128x128xf32>
    %swap3A_156 = vector.shape_cast %swap3A_155 : vector<1x128x128xf32> to vector<128x128xf32>
    %swap3A_157 = vector.shape_cast %transpose3A_151 : vector<128x128xf32> to vector<1x128x128xf32>
    tpu.vector_store %arg2[%swap3A_152, %swap3A_153, %swap3A_154], %swap3A_157 {strides = array<i32>} : memref<50x200x128xf32, #tpu.memory_space<vmem>>, vector<1x128x128xf32>,
    %get3A_158 = arith.constant 0 : index
    %get3A_159 = arith.constant 14 : index
    %get3A_160 = arith.constant 0 : index
    %get3A_161 = vector.load %arg1[%get3A_158, %get3A_159, %get3A_160] : memref<128x104x128xf32, #tpu.memory_space<vmem>>, vector<128x1x128xf32>
    %get3A_162 = vector.shape_cast %get3A_161 : vector<128x1x128xf32> to vector<128x128xf32>
    %transpose3A_163 = tpu.transpose %get3A_162, [1, 0] : vector<128x128xf32> -> vector<128x128xf32>
    %slice3A_164 = vector.extract_strided_slice %transpose3A_163 {offsets = [0, 0], sizes = [72, 128], strides = [1, 1]} : vector<128x128xf32> to vector<72x128xf32>
    %swap3A_165 = arith.constant 6 : index
    %swap3A_166 = arith.constant 128 : index
    %swap3A_167 = arith.constant 0 : index
    %swap3A_168 = vector.load %arg2[%swap3A_165, %swap3A_166, %swap3A_167] : memref<50x200x128xf32, #tpu.memory_space<vmem>>, vector<1x72x128xf32>
    %swap3A_169 = vector.shape_cast %swap3A_168 : vector<1x72x128xf32> to vector<72x128xf32>
    %swap3A_170 = vector.shape_cast %slice3A_164 : vector<72x128xf32> to vector<1x72x128xf32>
    tpu.vector_store %arg2[%swap3A_165, %swap3A_166, %swap3A_167], %swap3A_170 {strides = array<i32>} : memref<50x200x128xf32, #tpu.memory_space<vmem>>, vector<1x72x128xf32>,
    %get3A_171 = arith.constant 0 : index
    %get3A_172 = arith.constant 7 : index
    %get3A_173 = arith.constant 0 : index
    %get3A_174 = vector.load %arg1[%get3A_171, %get3A_172, %get3A_173] : memref<128x104x128xf32, #tpu.memory_space<vmem>>, vector<128x1x128xf32>
    %get3A_175 = vector.shape_cast %get3A_174 : vector<128x1x128xf32> to vector<128x128xf32>
    %transpose3A_176 = tpu.transpose %get3A_175, [1, 0] : vector<128x128xf32> -> vector<128x128xf32>
    %swap3A_177 = arith.constant 7 : index
    %swap3A_178 = arith.constant 0 : index
    %swap3A_179 = arith.constant 0 : index
    %swap3A_180 = vector.load %arg2[%swap3A_177, %swap3A_178, %swap3A_179] : memref<50x200x128xf32, #tpu.memory_space<vmem>>, vector<1x128x128xf32>
    %swap3A_181 = vector.shape_cast %swap3A_180 : vector<1x128x128xf32> to vector<128x128xf32>
    %swap3A_182 = vector.shape_cast %transpose3A_176 : vector<128x128xf32> to vector<1x128x128xf32>
    tpu.vector_store %arg2[%swap3A_177, %swap3A_178, %swap3A_179], %swap3A_182 {strides = array<i32>} : memref<50x200x128xf32, #tpu.memory_space<vmem>>, vector<1x128x128xf32>,
    %get3A_183 = arith.constant 0 : index
    %get3A_184 = arith.constant 15 : index
    %get3A_185 = arith.constant 0 : index
    %get3A_186 = vector.load %arg1[%get3A_183, %get3A_184, %get3A_185] : memref<128x104x128xf32, #tpu.memory_space<vmem>>, vector<128x1x128xf32>
    %get3A_187 = vector.shape_cast %get3A_186 : vector<128x1x128xf32> to vector<128x128xf32>
    %transpose3A_188 = tpu.transpose %get3A_187, [1, 0] : vector<128x128xf32> -> vector<128x128xf32>
    %slice3A_189 = vector.extract_strided_slice %transpose3A_188 {offsets = [0, 0], sizes = [72, 128], strides = [1, 1]} : vector<128x128xf32> to vector<72x128xf32>
    %swap3A_190 = arith.constant 7 : index
    %swap3A_191 = arith.constant 128 : index
    %swap3A_192 = arith.constant 0 : index
    %swap3A_193 = vector.load %arg2[%swap3A_190, %swap3A_191, %swap3A_192] : memref<50x200x128xf32, #tpu.memory_space<vmem>>, vector<1x72x128xf32>
    %swap3A_194 = vector.shape_cast %swap3A_193 : vector<1x72x128xf32> to vector<72x128xf32>
    %swap3A_195 = vector.shape_cast %slice3A_189 : vector<72x128xf32> to vector<1x72x128xf32>
    tpu.vector_store %arg2[%swap3A_190, %swap3A_191, %swap3A_192], %swap3A_195 {strides = array<i32>} : memref<50x200x128xf32, #tpu.memory_space<vmem>>, vector<1x72x128xf32>,
    %get3A_196 = arith.constant 0 : index
    %get3A_197 = arith.constant 16 : index
    %get3A_198 = arith.constant 0 : index
    %get3A_199 = vector.load %arg1[%get3A_196, %get3A_197, %get3A_198] : memref<128x104x128xf32, #tpu.memory_space<vmem>>, vector<128x1x128xf32>
    %get3A_200 = vector.shape_cast %get3A_199 : vector<128x1x128xf32> to vector<128x128xf32>
    %transpose3A_201 = tpu.transpose %get3A_200, [1, 0] : vector<128x128xf32> -> vector<128x128xf32>
    %swap3A_202 = arith.constant 8 : index
    %swap3A_203 = arith.constant 0 : index
    %swap3A_204 = arith.constant 0 : index
    %swap3A_205 = vector.load %arg2[%swap3A_202, %swap3A_203, %swap3A_204] : memref<50x200x128xf32, #tpu.memory_space<vmem>>, vector<1x128x128xf32>
    %swap3A_206 = vector.shape_cast %swap3A_205 : vector<1x128x128xf32> to vector<128x128xf32>
    %swap3A_207 = vector.shape_cast %transpose3A_201 : vector<128x128xf32> to vector<1x128x128xf32>
    tpu.vector_store %arg2[%swap3A_202, %swap3A_203, %swap3A_204], %swap3A_207 {strides = array<i32>} : memref<50x200x128xf32, #tpu.memory_space<vmem>>, vector<1x128x128xf32>,
    %get3A_208 = arith.constant 0 : index
    %get3A_209 = arith.constant 24 : index
    %get3A_210 = arith.constant 0 : index
    %get3A_211 = vector.load %arg1[%get3A_208, %get3A_209, %get3A_210] : memref<128x104x128xf32, #tpu.memory_space<vmem>>, vector<128x1x128xf32>
    %get3A_212 = vector.shape_cast %get3A_211 : vector<128x1x128xf32> to vector<128x128xf32>
    %transpose3A_213 = tpu.transpose %get3A_212, [1, 0] : vector<128x128xf32> -> vector<128x128xf32>
    %slice3A_214 = vector.extract_strided_slice %transpose3A_213 {offsets = [0, 0], sizes = [72, 128], strides = [1, 1]} : vector<128x128xf32> to vector<72x128xf32>
    %swap3A_215 = arith.constant 8 : index
    %swap3A_216 = arith.constant 128 : index
    %swap3A_217 = arith.constant 0 : index
    %swap3A_218 = vector.load %arg2[%swap3A_215, %swap3A_216, %swap3A_217] : memref<50x200x128xf32, #tpu.memory_space<vmem>>, vector<1x72x128xf32>
    %swap3A_219 = vector.shape_cast %swap3A_218 : vector<1x72x128xf32> to vector<72x128xf32>
    %swap3A_220 = vector.shape_cast %slice3A_214 : vector<72x128xf32> to vector<1x72x128xf32>
    tpu.vector_store %arg2[%swap3A_215, %swap3A_216, %swap3A_217], %swap3A_220 {strides = array<i32>} : memref<50x200x128xf32, #tpu.memory_space<vmem>>, vector<1x72x128xf32>,
    %get3A_221 = arith.constant 0 : index
    %get3A_222 = arith.constant 17 : index
    %get3A_223 = arith.constant 0 : index
    %get3A_224 = vector.load %arg1[%get3A_221, %get3A_222, %get3A_223] : memref<128x104x128xf32, #tpu.memory_space<vmem>>, vector<128x1x128xf32>
    %get3A_225 = vector.shape_cast %get3A_224 : vector<128x1x128xf32> to vector<128x128xf32>
    %transpose3A_226 = tpu.transpose %get3A_225, [1, 0] : vector<128x128xf32> -> vector<128x128xf32>
    %swap3A_227 = arith.constant 9 : index
    %swap3A_228 = arith.constant 0 : index
    %swap3A_229 = arith.constant 0 : index
    %swap3A_230 = vector.load %arg2[%swap3A_227, %swap3A_228, %swap3A_229] : memref<50x200x128xf32, #tpu.memory_space<vmem>>, vector<1x128x128xf32>
    %swap3A_231 = vector.shape_cast %swap3A_230 : vector<1x128x128xf32> to vector<128x128xf32>
    %swap3A_232 = vector.shape_cast %transpose3A_226 : vector<128x128xf32> to vector<1x128x128xf32>
    tpu.vector_store %arg2[%swap3A_227, %swap3A_228, %swap3A_229], %swap3A_232 {strides = array<i32>} : memref<50x200x128xf32, #tpu.memory_space<vmem>>, vector<1x128x128xf32>,
    %get3A_233 = arith.constant 0 : index
    %get3A_234 = arith.constant 25 : index
    %get3A_235 = arith.constant 0 : index
    %get3A_236 = vector.load %arg1[%get3A_233, %get3A_234, %get3A_235] : memref<128x104x128xf32, #tpu.memory_space<vmem>>, vector<128x1x128xf32>
    %get3A_237 = vector.shape_cast %get3A_236 : vector<128x1x128xf32> to vector<128x128xf32>
    %transpose3A_238 = tpu.transpose %get3A_237, [1, 0] : vector<128x128xf32> -> vector<128x128xf32>
    %slice3A_239 = vector.extract_strided_slice %transpose3A_238 {offsets = [0, 0], sizes = [72, 128], strides = [1, 1]} : vector<128x128xf32> to vector<72x128xf32>
    %swap3A_240 = arith.constant 9 : index
    %swap3A_241 = arith.constant 128 : index
    %swap3A_242 = arith.constant 0 : index
    %swap3A_243 = vector.load %arg2[%swap3A_240, %swap3A_241, %swap3A_242] : memref<50x200x128xf32, #tpu.memory_space<vmem>>, vector<1x72x128xf32>
    %swap3A_244 = vector.shape_cast %swap3A_243 : vector<1x72x128xf32> to vector<72x128xf32>
    %swap3A_245 = vector.shape_cast %slice3A_239 : vector<72x128xf32> to vector<1x72x128xf32>
    tpu.vector_store %arg2[%swap3A_240, %swap3A_241, %swap3A_242], %swap3A_245 {strides = array<i32>} : memref<50x200x128xf32, #tpu.memory_space<vmem>>, vector<1x72x128xf32>,
    %get3A_246 = arith.constant 0 : index
    %get3A_247 = arith.constant 18 : index
    %get3A_248 = arith.constant 0 : index
    %get3A_249 = vector.load %arg1[%get3A_246, %get3A_247, %get3A_248] : memref<128x104x128xf32, #tpu.memory_space<vmem>>, vector<128x1x128xf32>
    %get3A_250 = vector.shape_cast %get3A_249 : vector<128x1x128xf32> to vector<128x128xf32>
    %transpose3A_251 = tpu.transpose %get3A_250, [1, 0] : vector<128x128xf32> -> vector<128x128xf32>
    %swap3A_252 = arith.constant 10 : index
    %swap3A_253 = arith.constant 0 : index
    %swap3A_254 = arith.constant 0 : index
    %swap3A_255 = vector.load %arg2[%swap3A_252, %swap3A_253, %swap3A_254] : memref<50x200x128xf32, #tpu.memory_space<vmem>>, vector<1x128x128xf32>
    %swap3A_256 = vector.shape_cast %swap3A_255 : vector<1x128x128xf32> to vector<128x128xf32>
    %swap3A_257 = vector.shape_cast %transpose3A_251 : vector<128x128xf32> to vector<1x128x128xf32>
    tpu.vector_store %arg2[%swap3A_252, %swap3A_253, %swap3A_254], %swap3A_257 {strides = array<i32>} : memref<50x200x128xf32, #tpu.memory_space<vmem>>, vector<1x128x128xf32>,
    %get3A_258 = arith.constant 0 : index
    %get3A_259 = arith.constant 26 : index
    %get3A_260 = arith.constant 0 : index
    %get3A_261 = vector.load %arg1[%get3A_258, %get3A_259, %get3A_260] : memref<128x104x128xf32, #tpu.memory_space<vmem>>, vector<128x1x128xf32>
    %get3A_262 = vector.shape_cast %get3A_261 : vector<128x1x128xf32> to vector<128x128xf32>
    %transpose3A_263 = tpu.transpose %get3A_262, [1, 0] : vector<128x128xf32> -> vector<128x128xf32>
    %slice3A_264 = vector.extract_strided_slice %transpose3A_263 {offsets = [0, 0], sizes = [72, 128], strides = [1, 1]} : vector<128x128xf32> to vector<72x128xf32>
    %swap3A_265 = arith.constant 10 : index
    %swap3A_266 = arith.constant 128 : index
    %swap3A_267 = arith.constant 0 : index
    %swap3A_268 = vector.load %arg2[%swap3A_265, %swap3A_266, %swap3A_267] : memref<50x200x128xf32, #tpu.memory_space<vmem>>, vector<1x72x128xf32>
    %swap3A_269 = vector.shape_cast %swap3A_268 : vector<1x72x128xf32> to vector<72x128xf32>
    %swap3A_270 = vector.shape_cast %slice3A_264 : vector<72x128xf32> to vector<1x72x128xf32>
    tpu.vector_store %arg2[%swap3A_265, %swap3A_266, %swap3A_267], %swap3A_270 {strides = array<i32>} : memref<50x200x128xf32, #tpu.memory_space<vmem>>, vector<1x72x128xf32>,
    %get3A_271 = arith.constant 0 : index
    %get3A_272 = arith.constant 19 : index
    %get3A_273 = arith.constant 0 : index
    %get3A_274 = vector.load %arg1[%get3A_271, %get3A_272, %get3A_273] : memref<128x104x128xf32, #tpu.memory_space<vmem>>, vector<128x1x128xf32>
    %get3A_275 = vector.shape_cast %get3A_274 : vector<128x1x128xf32> to vector<128x128xf32>
    %transpose3A_276 = tpu.transpose %get3A_275, [1, 0] : vector<128x128xf32> -> vector<128x128xf32>
    %swap3A_277 = arith.constant 11 : index
    %swap3A_278 = arith.constant 0 : index
    %swap3A_279 = arith.constant 0 : index
    %swap3A_280 = vector.load %arg2[%swap3A_277, %swap3A_278, %swap3A_279] : memref<50x200x128xf32, #tpu.memory_space<vmem>>, vector<1x128x128xf32>
    %swap3A_281 = vector.shape_cast %swap3A_280 : vector<1x128x128xf32> to vector<128x128xf32>
    %swap3A_282 = vector.shape_cast %transpose3A_276 : vector<128x128xf32> to vector<1x128x128xf32>
    tpu.vector_store %arg2[%swap3A_277, %swap3A_278, %swap3A_279], %swap3A_282 {strides = array<i32>} : memref<50x200x128xf32, #tpu.memory_space<vmem>>, vector<1x128x128xf32>,
    %get3A_283 = arith.constant 0 : index
    %get3A_284 = arith.constant 27 : index
    %get3A_285 = arith.constant 0 : index
    %get3A_286 = vector.load %arg1[%get3A_283, %get3A_284, %get3A_285] : memref<128x104x128xf32, #tpu.memory_space<vmem>>, vector<128x1x128xf32>
    %get3A_287 = vector.shape_cast %get3A_286 : vector<128x1x128xf32> to vector<128x128xf32>
    %transpose3A_288 = tpu.transpose %get3A_287, [1, 0] : vector<128x128xf32> -> vector<128x128xf32>
    %slice3A_289 = vector.extract_strided_slice %transpose3A_288 {offsets = [0, 0], sizes = [72, 128], strides = [1, 1]} : vector<128x128xf32> to vector<72x128xf32>
    %swap3A_290 = arith.constant 11 : index
    %swap3A_291 = arith.constant 128 : index
    %swap3A_292 = arith.constant 0 : index
    %swap3A_293 = vector.load %arg2[%swap3A_290, %swap3A_291, %swap3A_292] : memref<50x200x128xf32, #tpu.memory_space<vmem>>, vector<1x72x128xf32>
    %swap3A_294 = vector.shape_cast %swap3A_293 : vector<1x72x128xf32> to vector<72x128xf32>
    %swap3A_295 = vector.shape_cast %slice3A_289 : vector<72x128xf32> to vector<1x72x128xf32>
    tpu.vector_store %arg2[%swap3A_290, %swap3A_291, %swap3A_292], %swap3A_295 {strides = array<i32>} : memref<50x200x128xf32, #tpu.memory_space<vmem>>, vector<1x72x128xf32>,
    %get3A_296 = arith.constant 0 : index
    %get3A_297 = arith.constant 20 : index
    %get3A_298 = arith.constant 0 : index
    %get3A_299 = vector.load %arg1[%get3A_296, %get3A_297, %get3A_298] : memref<128x104x128xf32, #tpu.memory_space<vmem>>, vector<128x1x128xf32>
    %get3A_300 = vector.shape_cast %get3A_299 : vector<128x1x128xf32> to vector<128x128xf32>
    %transpose3A_301 = tpu.transpose %get3A_300, [1, 0] : vector<128x128xf32> -> vector<128x128xf32>
    %swap3A_302 = arith.constant 12 : index
    %swap3A_303 = arith.constant 0 : index
    %swap3A_304 = arith.constant 0 : index
    %swap3A_305 = vector.load %arg2[%swap3A_302, %swap3A_303, %swap3A_304] : memref<50x200x128xf32, #tpu.memory_space<vmem>>, vector<1x128x128xf32>
    %swap3A_306 = vector.shape_cast %swap3A_305 : vector<1x128x128xf32> to vector<128x128xf32>
    %swap3A_307 = vector.shape_cast %transpose3A_301 : vector<128x128xf32> to vector<1x128x128xf32>
    tpu.vector_store %arg2[%swap3A_302, %swap3A_303, %swap3A_304], %swap3A_307 {strides = array<i32>} : memref<50x200x128xf32, #tpu.memory_space<vmem>>, vector<1x128x128xf32>,
    %get3A_308 = arith.constant 0 : index
    %get3A_309 = arith.constant 28 : index
    %get3A_310 = arith.constant 0 : index
    %get3A_311 = vector.load %arg1[%get3A_308, %get3A_309, %get3A_310] : memref<128x104x128xf32, #tpu.memory_space<vmem>>, vector<128x1x128xf32>
    %get3A_312 = vector.shape_cast %get3A_311 : vector<128x1x128xf32> to vector<128x128xf32>
    %transpose3A_313 = tpu.transpose %get3A_312, [1, 0] : vector<128x128xf32> -> vector<128x128xf32>
    %slice3A_314 = vector.extract_strided_slice %transpose3A_313 {offsets = [0, 0], sizes = [72, 128], strides = [1, 1]} : vector<128x128xf32> to vector<72x128xf32>
    %swap3A_315 = arith.constant 12 : index
    %swap3A_316 = arith.constant 128 : index
    %swap3A_317 = arith.constant 0 : index
    %swap3A_318 = vector.load %arg2[%swap3A_315, %swap3A_316, %swap3A_317] : memref<50x200x128xf32, #tpu.memory_space<vmem>>, vector<1x72x128xf32>
    %swap3A_319 = vector.shape_cast %swap3A_318 : vector<1x72x128xf32> to vector<72x128xf32>
    %swap3A_320 = vector.shape_cast %slice3A_314 : vector<72x128xf32> to vector<1x72x128xf32>
    tpu.vector_store %arg2[%swap3A_315, %swap3A_316, %swap3A_317], %swap3A_320 {strides = array<i32>} : memref<50x200x128xf32, #tpu.memory_space<vmem>>, vector<1x72x128xf32>,
    %get3A_321 = arith.constant 0 : index
    %get3A_322 = arith.constant 21 : index
    %get3A_323 = arith.constant 0 : index
    %get3A_324 = vector.load %arg1[%get3A_321, %get3A_322, %get3A_323] : memref<128x104x128xf32, #tpu.memory_space<vmem>>, vector<128x1x128xf32>
    %get3A_325 = vector.shape_cast %get3A_324 : vector<128x1x128xf32> to vector<128x128xf32>
    %transpose3A_326 = tpu.transpose %get3A_325, [1, 0] : vector<128x128xf32> -> vector<128x128xf32>
    %swap3A_327 = arith.constant 13 : index
    %swap3A_328 = arith.constant 0 : index
    %swap3A_329 = arith.constant 0 : index
    %swap3A_330 = vector.load %arg2[%swap3A_327, %swap3A_328, %swap3A_329] : memref<50x200x128xf32, #tpu.memory_space<vmem>>, vector<1x128x128xf32>
    %swap3A_331 = vector.shape_cast %swap3A_330 : vector<1x128x128xf32> to vector<128x128xf32>
    %swap3A_332 = vector.shape_cast %transpose3A_326 : vector<128x128xf32> to vector<1x128x128xf32>
    tpu.vector_store %arg2[%swap3A_327, %swap3A_328, %swap3A_329], %swap3A_332 {strides = array<i32>} : memref<50x200x128xf32, #tpu.memory_space<vmem>>, vector<1x128x128xf32>,
    %get3A_333 = arith.constant 0 : index
    %get3A_334 = arith.constant 29 : index
    %get3A_335 = arith.constant 0 : index
    %get3A_336 = vector.load %arg1[%get3A_333, %get3A_334, %get3A_335] : memref<128x104x128xf32, #tpu.memory_space<vmem>>, vector<128x1x128xf32>
    %get3A_337 = vector.shape_cast %get3A_336 : vector<128x1x128xf32> to vector<128x128xf32>
    %transpose3A_338 = tpu.transpose %get3A_337, [1, 0] : vector<128x128xf32> -> vector<128x128xf32>
    %slice3A_339 = vector.extract_strided_slice %transpose3A_338 {offsets = [0, 0], sizes = [72, 128], strides = [1, 1]} : vector<128x128xf32> to vector<72x128xf32>
    %swap3A_340 = arith.constant 13 : index
    %swap3A_341 = arith.constant 128 : index
    %swap3A_342 = arith.constant 0 : index
    %swap3A_343 = vector.load %arg2[%swap3A_340, %swap3A_341, %swap3A_342] : memref<50x200x128xf32, #tpu.memory_space<vmem>>, vector<1x72x128xf32>
    %swap3A_344 = vector.shape_cast %swap3A_343 : vector<1x72x128xf32> to vector<72x128xf32>
    %swap3A_345 = vector.shape_cast %slice3A_339 : vector<72x128xf32> to vector<1x72x128xf32>
    tpu.vector_store %arg2[%swap3A_340, %swap3A_341, %swap3A_342], %swap3A_345 {strides = array<i32>} : memref<50x200x128xf32, #tpu.memory_space<vmem>>, vector<1x72x128xf32>,
    %get3A_346 = arith.constant 0 : index
    %get3A_347 = arith.constant 22 : index
    %get3A_348 = arith.constant 0 : index
    %get3A_349 = vector.load %arg1[%get3A_346, %get3A_347, %get3A_348] : memref<128x104x128xf32, #tpu.memory_space<vmem>>, vector<128x1x128xf32>
    %get3A_350 = vector.shape_cast %get3A_349 : vector<128x1x128xf32> to vector<128x128xf32>
    %transpose3A_351 = tpu.transpose %get3A_350, [1, 0] : vector<128x128xf32> -> vector<128x128xf32>
    %swap3A_352 = arith.constant 14 : index
    %swap3A_353 = arith.constant 0 : index
    %swap3A_354 = arith.constant 0 : index
    %swap3A_355 = vector.load %arg2[%swap3A_352, %swap3A_353, %swap3A_354] : memref<50x200x128xf32, #tpu.memory_space<vmem>>, vector<1x128x128xf32>
    %swap3A_356 = vector.shape_cast %swap3A_355 : vector<1x128x128xf32> to vector<128x128xf32>
    %swap3A_357 = vector.shape_cast %transpose3A_351 : vector<128x128xf32> to vector<1x128x128xf32>
    tpu.vector_store %arg2[%swap3A_352, %swap3A_353, %swap3A_354], %swap3A_357 {strides = array<i32>} : memref<50x200x128xf32, #tpu.memory_space<vmem>>, vector<1x128x128xf32>,
    %get3A_358 = arith.constant 0 : index
    %get3A_359 = arith.constant 30 : index
    %get3A_360 = arith.constant 0 : index
    %get3A_361 = vector.load %arg1[%get3A_358, %get3A_359, %get3A_360] : memref<128x104x128xf32, #tpu.memory_space<vmem>>, vector<128x1x128xf32>
    %get3A_362 = vector.shape_cast %get3A_361 : vector<128x1x128xf32> to vector<128x128xf32>
    %transpose3A_363 = tpu.transpose %get3A_362, [1, 0] : vector<128x128xf32> -> vector<128x128xf32>
    %slice3A_364 = vector.extract_strided_slice %transpose3A_363 {offsets = [0, 0], sizes = [72, 128], strides = [1, 1]} : vector<128x128xf32> to vector<72x128xf32>
    %swap3A_365 = arith.constant 14 : index
    %swap3A_366 = arith.constant 128 : index
    %swap3A_367 = arith.constant 0 : index
    %swap3A_368 = vector.load %arg2[%swap3A_365, %swap3A_366, %swap3A_367] : memref<50x200x128xf32, #tpu.memory_space<vmem>>, vector<1x72x128xf32>
    %swap3A_369 = vector.shape_cast %swap3A_368 : vector<1x72x128xf32> to vector<72x128xf32>
    %swap3A_370 = vector.shape_cast %slice3A_364 : vector<72x128xf32> to vector<1x72x128xf32>
    tpu.vector_store %arg2[%swap3A_365, %swap3A_366, %swap3A_367], %swap3A_370 {strides = array<i32>} : memref<50x200x128xf32, #tpu.memory_space<vmem>>, vector<1x72x128xf32>,
    %get3A_371 = arith.constant 0 : index
    %get3A_372 = arith.constant 23 : index
    %get3A_373 = arith.constant 0 : index
    %get3A_374 = vector.load %arg1[%get3A_371, %get3A_372, %get3A_373] : memref<128x104x128xf32, #tpu.memory_space<vmem>>, vector<128x1x128xf32>
    %get3A_375 = vector.shape_cast %get3A_374 : vector<128x1x128xf32> to vector<128x128xf32>
    %transpose3A_376 = tpu.transpose %get3A_375, [1, 0] : vector<128x128xf32> -> vector<128x128xf32>
    %swap3A_377 = arith.constant 15 : index
    %swap3A_378 = arith.constant 0 : index
    %swap3A_379 = arith.constant 0 : index
    %swap3A_380 = vector.load %arg2[%swap3A_377, %swap3A_378, %swap3A_379] : memref<50x200x128xf32, #tpu.memory_space<vmem>>, vector<1x128x128xf32>
    %swap3A_381 = vector.shape_cast %swap3A_380 : vector<1x128x128xf32> to vector<128x128xf32>
    %swap3A_382 = vector.shape_cast %transpose3A_376 : vector<128x128xf32> to vector<1x128x128xf32>
    tpu.vector_store %arg2[%swap3A_377, %swap3A_378, %swap3A_379], %swap3A_382 {strides = array<i32>} : memref<50x200x128xf32, #tpu.memory_space<vmem>>, vector<1x128x128xf32>,
    %get3A_383 = arith.constant 0 : index
    %get3A_384 = arith.constant 31 : index
    %get3A_385 = arith.constant 0 : index
    %get3A_386 = vector.load %arg1[%get3A_383, %get3A_384, %get3A_385] : memref<128x104x128xf32, #tpu.memory_space<vmem>>, vector<128x1x128xf32>
    %get3A_387 = vector.shape_cast %get3A_386 : vector<128x1x128xf32> to vector<128x128xf32>
    %transpose3A_388 = tpu.transpose %get3A_387, [1, 0] : vector<128x128xf32> -> vector<128x128xf32>
    %slice3A_389 = vector.extract_strided_slice %transpose3A_388 {offsets = [0, 0], sizes = [72, 128], strides = [1, 1]} : vector<128x128xf32> to vector<72x128xf32>
    %swap3A_390 = arith.constant 15 : index
    %swap3A_391 = arith.constant 128 : index
    %swap3A_392 = arith.constant 0 : index
    %swap3A_393 = vector.load %arg2[%swap3A_390, %swap3A_391, %swap3A_392] : memref<50x200x128xf32, #tpu.memory_space<vmem>>, vector<1x72x128xf32>
    %swap3A_394 = vector.shape_cast %swap3A_393 : vector<1x72x128xf32> to vector<72x128xf32>
    %swap3A_395 = vector.shape_cast %slice3A_389 : vector<72x128xf32> to vector<1x72x128xf32>
    tpu.vector_store %arg2[%swap3A_390, %swap3A_391, %swap3A_392], %swap3A_395 {strides = array<i32>} : memref<50x200x128xf32, #tpu.memory_space<vmem>>, vector<1x72x128xf32>,
    %get3A_396 = arith.constant 0 : index
    %get3A_397 = arith.constant 32 : index
    %get3A_398 = arith.constant 0 : index
    %get3A_399 = vector.load %arg1[%get3A_396, %get3A_397, %get3A_398] : memref<128x104x128xf32, #tpu.memory_space<vmem>>, vector<128x1x128xf32>
    %get3A_400 = vector.shape_cast %get3A_399 : vector<128x1x128xf32> to vector<128x128xf32>
    %transpose3A_401 = tpu.transpose %get3A_400, [1, 0] : vector<128x128xf32> -> vector<128x128xf32>
    %swap3A_402 = arith.constant 16 : index
    %swap3A_403 = arith.constant 0 : index
    %swap3A_404 = arith.constant 0 : index
    %swap3A_405 = vector.load %arg2[%swap3A_402, %swap3A_403, %swap3A_404] : memref<50x200x128xf32, #tpu.memory_space<vmem>>, vector<1x128x128xf32>
    %swap3A_406 = vector.shape_cast %swap3A_405 : vector<1x128x128xf32> to vector<128x128xf32>
    %swap3A_407 = vector.shape_cast %transpose3A_401 : vector<128x128xf32> to vector<1x128x128xf32>
    tpu.vector_store %arg2[%swap3A_402, %swap3A_403, %swap3A_404], %swap3A_407 {strides = array<i32>} : memref<50x200x128xf32, #tpu.memory_space<vmem>>, vector<1x128x128xf32>,
    %get3A_408 = arith.constant 0 : index
    %get3A_409 = arith.constant 40 : index
    %get3A_410 = arith.constant 0 : index
    %get3A_411 = vector.load %arg1[%get3A_408, %get3A_409, %get3A_410] : memref<128x104x128xf32, #tpu.memory_space<vmem>>, vector<128x1x128xf32>
    %get3A_412 = vector.shape_cast %get3A_411 : vector<128x1x128xf32> to vector<128x128xf32>
    %transpose3A_413 = tpu.transpose %get3A_412, [1, 0] : vector<128x128xf32> -> vector<128x128xf32>
    %slice3A_414 = vector.extract_strided_slice %transpose3A_413 {offsets = [0, 0], sizes = [72, 128], strides = [1, 1]} : vector<128x128xf32> to vector<72x128xf32>
    %swap3A_415 = arith.constant 16 : index
    %swap3A_416 = arith.constant 128 : index
    %swap3A_417 = arith.constant 0 : index
    %swap3A_418 = vector.load %arg2[%swap3A_415, %swap3A_416, %swap3A_417] : memref<50x200x128xf32, #tpu.memory_space<vmem>>, vector<1x72x128xf32>
    %swap3A_419 = vector.shape_cast %swap3A_418 : vector<1x72x128xf32> to vector<72x128xf32>
    %swap3A_420 = vector.shape_cast %slice3A_414 : vector<72x128xf32> to vector<1x72x128xf32>
    tpu.vector_store %arg2[%swap3A_415, %swap3A_416, %swap3A_417], %swap3A_420 {strides = array<i32>} : memref<50x200x128xf32, #tpu.memory_space<vmem>>, vector<1x72x128xf32>,
    %get3A_421 = arith.constant 0 : index
    %get3A_422 = arith.constant 33 : index
    %get3A_423 = arith.constant 0 : index
    %get3A_424 = vector.load %arg1[%get3A_421, %get3A_422, %get3A_423] : memref<128x104x128xf32, #tpu.memory_space<vmem>>, vector<128x1x128xf32>
    %get3A_425 = vector.shape_cast %get3A_424 : vector<128x1x128xf32> to vector<128x128xf32>
    %transpose3A_426 = tpu.transpose %get3A_425, [1, 0] : vector<128x128xf32> -> vector<128x128xf32>
    %swap3A_427 = arith.constant 17 : index
    %swap3A_428 = arith.constant 0 : index
    %swap3A_429 = arith.constant 0 : index
    %swap3A_430 = vector.load %arg2[%swap3A_427, %swap3A_428, %swap3A_429] : memref<50x200x128xf32, #tpu.memory_space<vmem>>, vector<1x128x128xf32>
    %swap3A_431 = vector.shape_cast %swap3A_430 : vector<1x128x128xf32> to vector<128x128xf32>
    %swap3A_432 = vector.shape_cast %transpose3A_426 : vector<128x128xf32> to vector<1x128x128xf32>
    tpu.vector_store %arg2[%swap3A_427, %swap3A_428, %swap3A_429], %swap3A_432 {strides = array<i32>} : memref<50x200x128xf32, #tpu.memory_space<vmem>>, vector<1x128x128xf32>,
    %get3A_433 = arith.constant 0 : index
    %get3A_434 = arith.constant 41 : index
    %get3A_435 = arith.constant 0 : index
    %get3A_436 = vector.load %arg1[%get3A_433, %get3A_434, %get3A_435] : memref<128x104x128xf32, #tpu.memory_space<vmem>>, vector<128x1x128xf32>
    %get3A_437 = vector.shape_cast %get3A_436 : vector<128x1x128xf32> to vector<128x128xf32>
    %transpose3A_438 = tpu.transpose %get3A_437, [1, 0] : vector<128x128xf32> -> vector<128x128xf32>
    %slice3A_439 = vector.extract_strided_slice %transpose3A_438 {offsets = [0, 0], sizes = [72, 128], strides = [1, 1]} : vector<128x128xf32> to vector<72x128xf32>
    %swap3A_440 = arith.constant 17 : index
    %swap3A_441 = arith.constant 128 : index
    %swap3A_442 = arith.constant 0 : index
    %swap3A_443 = vector.load %arg2[%swap3A_440, %swap3A_441, %swap3A_442] : memref<50x200x128xf32, #tpu.memory_space<vmem>>, vector<1x72x128xf32>
    %swap3A_444 = vector.shape_cast %swap3A_443 : vector<1x72x128xf32> to vector<72x128xf32>
    %swap3A_445 = vector.shape_cast %slice3A_439 : vector<72x128xf32> to vector<1x72x128xf32>
    tpu.vector_store %arg2[%swap3A_440, %swap3A_441, %swap3A_442], %swap3A_445 {strides = array<i32>} : memref<50x200x128xf32, #tpu.memory_space<vmem>>, vector<1x72x128xf32>,
    %get3A_446 = arith.constant 0 : index
    %get3A_447 = arith.constant 34 : index
    %get3A_448 = arith.constant 0 : index
    %get3A_449 = vector.load %arg1[%get3A_446, %get3A_447, %get3A_448] : memref<128x104x128xf32, #tpu.memory_space<vmem>>, vector<128x1x128xf32>
    %get3A_450 = vector.shape_cast %get3A_449 : vector<128x1x128xf32> to vector<128x128xf32>
    %transpose3A_451 = tpu.transpose %get3A_450, [1, 0] : vector<128x128xf32> -> vector<128x128xf32>
    %swap3A_452 = arith.constant 18 : index
    %swap3A_453 = arith.constant 0 : index
    %swap3A_454 = arith.constant 0 : index
    %swap3A_455 = vector.load %arg2[%swap3A_452, %swap3A_453, %swap3A_454] : memref<50x200x128xf32, #tpu.memory_space<vmem>>, vector<1x128x128xf32>
    %swap3A_456 = vector.shape_cast %swap3A_455 : vector<1x128x128xf32> to vector<128x128xf32>
    %swap3A_457 = vector.shape_cast %transpose3A_451 : vector<128x128xf32> to vector<1x128x128xf32>
    tpu.vector_store %arg2[%swap3A_452, %swap3A_453, %swap3A_454], %swap3A_457 {strides = array<i32>} : memref<50x200x128xf32, #tpu.memory_space<vmem>>, vector<1x128x128xf32>,
    %get3A_458 = arith.constant 0 : index
    %get3A_459 = arith.constant 42 : index
    %get3A_460 = arith.constant 0 : index
    %get3A_461 = vector.load %arg1[%get3A_458, %get3A_459, %get3A_460] : memref<128x104x128xf32, #tpu.memory_space<vmem>>, vector<128x1x128xf32>
    %get3A_462 = vector.shape_cast %get3A_461 : vector<128x1x128xf32> to vector<128x128xf32>
    %transpose3A_463 = tpu.transpose %get3A_462, [1, 0] : vector<128x128xf32> -> vector<128x128xf32>
    %slice3A_464 = vector.extract_strided_slice %transpose3A_463 {offsets = [0, 0], sizes = [72, 128], strides = [1, 1]} : vector<128x128xf32> to vector<72x128xf32>
    %swap3A_465 = arith.constant 18 : index
    %swap3A_466 = arith.constant 128 : index
    %swap3A_467 = arith.constant 0 : index
    %swap3A_468 = vector.load %arg2[%swap3A_465, %swap3A_466, %swap3A_467] : memref<50x200x128xf32, #tpu.memory_space<vmem>>, vector<1x72x128xf32>
    %swap3A_469 = vector.shape_cast %swap3A_468 : vector<1x72x128xf32> to vector<72x128xf32>
    %swap3A_470 = vector.shape_cast %slice3A_464 : vector<72x128xf32> to vector<1x72x128xf32>
    tpu.vector_store %arg2[%swap3A_465, %swap3A_466, %swap3A_467], %swap3A_470 {strides = array<i32>} : memref<50x200x128xf32, #tpu.memory_space<vmem>>, vector<1x72x128xf32>,
    %get3A_471 = arith.constant 0 : index
    %get3A_472 = arith.constant 35 : index
    %get3A_473 = arith.constant 0 : index
    %get3A_474 = vector.load %arg1[%get3A_471, %get3A_472, %get3A_473] : memref<128x104x128xf32, #tpu.memory_space<vmem>>, vector<128x1x128xf32>
    %get3A_475 = vector.shape_cast %get3A_474 : vector<128x1x128xf32> to vector<128x128xf32>
    %transpose3A_476 = tpu.transpose %get3A_475, [1, 0] : vector<128x128xf32> -> vector<128x128xf32>
    %swap3A_477 = arith.constant 19 : index
    %swap3A_478 = arith.constant 0 : index
    %swap3A_479 = arith.constant 0 : index
    %swap3A_480 = vector.load %arg2[%swap3A_477, %swap3A_478, %swap3A_479] : memref<50x200x128xf32, #tpu.memory_space<vmem>>, vector<1x128x128xf32>
    %swap3A_481 = vector.shape_cast %swap3A_480 : vector<1x128x128xf32> to vector<128x128xf32>
    %swap3A_482 = vector.shape_cast %transpose3A_476 : vector<128x128xf32> to vector<1x128x128xf32>
    tpu.vector_store %arg2[%swap3A_477, %swap3A_478, %swap3A_479], %swap3A_482 {strides = array<i32>} : memref<50x200x128xf32, #tpu.memory_space<vmem>>, vector<1x128x128xf32>,
    %get3A_483 = arith.constant 0 : index
    %get3A_484 = arith.constant 43 : index
    %get3A_485 = arith.constant 0 : index
    %get3A_486 = vector.load %arg1[%get3A_483, %get3A_484, %get3A_485] : memref<128x104x128xf32, #tpu.memory_space<vmem>>, vector<128x1x128xf32>
    %get3A_487 = vector.shape_cast %get3A_486 : vector<128x1x128xf32> to vector<128x128xf32>
    %transpose3A_488 = tpu.transpose %get3A_487, [1, 0] : vector<128x128xf32> -> vector<128x128xf32>
    %slice3A_489 = vector.extract_strided_slice %transpose3A_488 {offsets = [0, 0], sizes = [72, 128], strides = [1, 1]} : vector<128x128xf32> to vector<72x128xf32>
    %swap3A_490 = arith.constant 19 : index
    %swap3A_491 = arith.constant 128 : index
    %swap3A_492 = arith.constant 0 : index
    %swap3A_493 = vector.load %arg2[%swap3A_490, %swap3A_491, %swap3A_492] : memref<50x200x128xf32, #tpu.memory_space<vmem>>, vector<1x72x128xf32>
    %swap3A_494 = vector.shape_cast %swap3A_493 : vector<1x72x128xf32> to vector<72x128xf32>
    %swap3A_495 = vector.shape_cast %slice3A_489 : vector<72x128xf32> to vector<1x72x128xf32>
    tpu.vector_store %arg2[%swap3A_490, %swap3A_491, %swap3A_492], %swap3A_495 {strides = array<i32>} : memref<50x200x128xf32, #tpu.memory_space<vmem>>, vector<1x72x128xf32>,
    %get3A_496 = arith.constant 0 : index
    %get3A_497 = arith.constant 36 : index
    %get3A_498 = arith.constant 0 : index
    %get3A_499 = vector.load %arg1[%get3A_496, %get3A_497, %get3A_498] : memref<128x104x128xf32, #tpu.memory_space<vmem>>, vector<128x1x128xf32>
    %get3A_500 = vector.shape_cast %get3A_499 : vector<128x1x128xf32> to vector<128x128xf32>
    %transpose3A_501 = tpu.transpose %get3A_500, [1, 0] : vector<128x128xf32> -> vector<128x128xf32>
    %swap3A_502 = arith.constant 20 : index
    %swap3A_503 = arith.constant 0 : index
    %swap3A_504 = arith.constant 0 : index
    %swap3A_505 = vector.load %arg2[%swap3A_502, %swap3A_503, %swap3A_504] : memref<50x200x128xf32, #tpu.memory_space<vmem>>, vector<1x128x128xf32>
    %swap3A_506 = vector.shape_cast %swap3A_505 : vector<1x128x128xf32> to vector<128x128xf32>
    %swap3A_507 = vector.shape_cast %transpose3A_501 : vector<128x128xf32> to vector<1x128x128xf32>
    tpu.vector_store %arg2[%swap3A_502, %swap3A_503, %swap3A_504], %swap3A_507 {strides = array<i32>} : memref<50x200x128xf32, #tpu.memory_space<vmem>>, vector<1x128x128xf32>,
    %get3A_508 = arith.constant 0 : index
    %get3A_509 = arith.constant 44 : index
    %get3A_510 = arith.constant 0 : index
    %get3A_511 = vector.load %arg1[%get3A_508, %get3A_509, %get3A_510] : memref<128x104x128xf32, #tpu.memory_space<vmem>>, vector<128x1x128xf32>
    %get3A_512 = vector.shape_cast %get3A_511 : vector<128x1x128xf32> to vector<128x128xf32>
    %transpose3A_513 = tpu.transpose %get3A_512, [1, 0] : vector<128x128xf32> -> vector<128x128xf32>
    %slice3A_514 = vector.extract_strided_slice %transpose3A_513 {offsets = [0, 0], sizes = [72, 128], strides = [1, 1]} : vector<128x128xf32> to vector<72x128xf32>
    %swap3A_515 = arith.constant 20 : index
    %swap3A_516 = arith.constant 128 : index
    %swap3A_517 = arith.constant 0 : index
    %swap3A_518 = vector.load %arg2[%swap3A_515, %swap3A_516, %swap3A_517] : memref<50x200x128xf32, #tpu.memory_space<vmem>>, vector<1x72x128xf32>
    %swap3A_519 = vector.shape_cast %swap3A_518 : vector<1x72x128xf32> to vector<72x128xf32>
    %swap3A_520 = vector.shape_cast %slice3A_514 : vector<72x128xf32> to vector<1x72x128xf32>
    tpu.vector_store %arg2[%swap3A_515, %swap3A_516, %swap3A_517], %swap3A_520 {strides = array<i32>} : memref<50x200x128xf32, #tpu.memory_space<vmem>>, vector<1x72x128xf32>,
    %get3A_521 = arith.constant 0 : index
    %get3A_522 = arith.constant 37 : index
    %get3A_523 = arith.constant 0 : index
    %get3A_524 = vector.load %arg1[%get3A_521, %get3A_522, %get3A_523] : memref<128x104x128xf32, #tpu.memory_space<vmem>>, vector<128x1x128xf32>
    %get3A_525 = vector.shape_cast %get3A_524 : vector<128x1x128xf32> to vector<128x128xf32>
    %transpose3A_526 = tpu.transpose %get3A_525, [1, 0] : vector<128x128xf32> -> vector<128x128xf32>
    %swap3A_527 = arith.constant 21 : index
    %swap3A_528 = arith.constant 0 : index
    %swap3A_529 = arith.constant 0 : index
    %swap3A_530 = vector.load %arg2[%swap3A_527, %swap3A_528, %swap3A_529] : memref<50x200x128xf32, #tpu.memory_space<vmem>>, vector<1x128x128xf32>
    %swap3A_531 = vector.shape_cast %swap3A_530 : vector<1x128x128xf32> to vector<128x128xf32>
    %swap3A_532 = vector.shape_cast %transpose3A_526 : vector<128x128xf32> to vector<1x128x128xf32>
    tpu.vector_store %arg2[%swap3A_527, %swap3A_528, %swap3A_529], %swap3A_532 {strides = array<i32>} : memref<50x200x128xf32, #tpu.memory_space<vmem>>, vector<1x128x128xf32>,
    %get3A_533 = arith.constant 0 : index
    %get3A_534 = arith.constant 45 : index
    %get3A_535 = arith.constant 0 : index
    %get3A_536 = vector.load %arg1[%get3A_533, %get3A_534, %get3A_535] : memref<128x104x128xf32, #tpu.memory_space<vmem>>, vector<128x1x128xf32>
    %get3A_537 = vector.shape_cast %get3A_536 : vector<128x1x128xf32> to vector<128x128xf32>
    %transpose3A_538 = tpu.transpose %get3A_537, [1, 0] : vector<128x128xf32> -> vector<128x128xf32>
    %slice3A_539 = vector.extract_strided_slice %transpose3A_538 {offsets = [0, 0], sizes = [72, 128], strides = [1, 1]} : vector<128x128xf32> to vector<72x128xf32>
    %swap3A_540 = arith.constant 21 : index
    %swap3A_541 = arith.constant 128 : index
    %swap3A_542 = arith.constant 0 : index
    %swap3A_543 = vector.load %arg2[%swap3A_540, %swap3A_541, %swap3A_542] : memref<50x200x128xf32, #tpu.memory_space<vmem>>, vector<1x72x128xf32>
    %swap3A_544 = vector.shape_cast %swap3A_543 : vector<1x72x128xf32> to vector<72x128xf32>
    %swap3A_545 = vector.shape_cast %slice3A_539 : vector<72x128xf32> to vector<1x72x128xf32>
    tpu.vector_store %arg2[%swap3A_540, %swap3A_541, %swap3A_542], %swap3A_545 {strides = array<i32>} : memref<50x200x128xf32, #tpu.memory_space<vmem>>, vector<1x72x128xf32>,
    %get3A_546 = arith.constant 0 : index
    %get3A_547 = arith.constant 38 : index
    %get3A_548 = arith.constant 0 : index
    %get3A_549 = vector.load %arg1[%get3A_546, %get3A_547, %get3A_548] : memref<128x104x128xf32, #tpu.memory_space<vmem>>, vector<128x1x128xf32>
    %get3A_550 = vector.shape_cast %get3A_549 : vector<128x1x128xf32> to vector<128x128xf32>
    %transpose3A_551 = tpu.transpose %get3A_550, [1, 0] : vector<128x128xf32> -> vector<128x128xf32>
    %swap3A_552 = arith.constant 22 : index
    %swap3A_553 = arith.constant 0 : index
    %swap3A_554 = arith.constant 0 : index
    %swap3A_555 = vector.load %arg2[%swap3A_552, %swap3A_553, %swap3A_554] : memref<50x200x128xf32, #tpu.memory_space<vmem>>, vector<1x128x128xf32>
    %swap3A_556 = vector.shape_cast %swap3A_555 : vector<1x128x128xf32> to vector<128x128xf32>
    %swap3A_557 = vector.shape_cast %transpose3A_551 : vector<128x128xf32> to vector<1x128x128xf32>
    tpu.vector_store %arg2[%swap3A_552, %swap3A_553, %swap3A_554], %swap3A_557 {strides = array<i32>} : memref<50x200x128xf32, #tpu.memory_space<vmem>>, vector<1x128x128xf32>,
    %get3A_558 = arith.constant 0 : index
    %get3A_559 = arith.constant 46 : index
    %get3A_560 = arith.constant 0 : index
    %get3A_561 = vector.load %arg1[%get3A_558, %get3A_559, %get3A_560] : memref<128x104x128xf32, #tpu.memory_space<vmem>>, vector<128x1x128xf32>
    %get3A_562 = vector.shape_cast %get3A_561 : vector<128x1x128xf32> to vector<128x128xf32>
    %transpose3A_563 = tpu.transpose %get3A_562, [1, 0] : vector<128x128xf32> -> vector<128x128xf32>
    %slice3A_564 = vector.extract_strided_slice %transpose3A_563 {offsets = [0, 0], sizes = [72, 128], strides = [1, 1]} : vector<128x128xf32> to vector<72x128xf32>
    %swap3A_565 = arith.constant 22 : index
    %swap3A_566 = arith.constant 128 : index
    %swap3A_567 = arith.constant 0 : index
    %swap3A_568 = vector.load %arg2[%swap3A_565, %swap3A_566, %swap3A_567] : memref<50x200x128xf32, #tpu.memory_space<vmem>>, vector<1x72x128xf32>
    %swap3A_569 = vector.shape_cast %swap3A_568 : vector<1x72x128xf32> to vector<72x128xf32>
    %swap3A_570 = vector.shape_cast %slice3A_564 : vector<72x128xf32> to vector<1x72x128xf32>
    tpu.vector_store %arg2[%swap3A_565, %swap3A_566, %swap3A_567], %swap3A_570 {strides = array<i32>} : memref<50x200x128xf32, #tpu.memory_space<vmem>>, vector<1x72x128xf32>,
    %get3A_571 = arith.constant 0 : index
    %get3A_572 = arith.constant 39 : index
    %get3A_573 = arith.constant 0 : index
    %get3A_574 = vector.load %arg1[%get3A_571, %get3A_572, %get3A_573] : memref<128x104x128xf32, #tpu.memory_space<vmem>>, vector<128x1x128xf32>
    %get3A_575 = vector.shape_cast %get3A_574 : vector<128x1x128xf32> to vector<128x128xf32>
    %transpose3A_576 = tpu.transpose %get3A_575, [1, 0] : vector<128x128xf32> -> vector<128x128xf32>
    %swap3A_577 = arith.constant 23 : index
    %swap3A_578 = arith.constant 0 : index
    %swap3A_579 = arith.constant 0 : index
    %swap3A_580 = vector.load %arg2[%swap3A_577, %swap3A_578, %swap3A_579] : memref<50x200x128xf32, #tpu.memory_space<vmem>>, vector<1x128x128xf32>
    %swap3A_581 = vector.shape_cast %swap3A_580 : vector<1x128x128xf32> to vector<128x128xf32>
    %swap3A_582 = vector.shape_cast %transpose3A_576 : vector<128x128xf32> to vector<1x128x128xf32>
    tpu.vector_store %arg2[%swap3A_577, %swap3A_578, %swap3A_579], %swap3A_582 {strides = array<i32>} : memref<50x200x128xf32, #tpu.memory_space<vmem>>, vector<1x128x128xf32>,
    %get3A_583 = arith.constant 0 : index
    %get3A_584 = arith.constant 47 : index
    %get3A_585 = arith.constant 0 : index
    %get3A_586 = vector.load %arg1[%get3A_583, %get3A_584, %get3A_585] : memref<128x104x128xf32, #tpu.memory_space<vmem>>, vector<128x1x128xf32>
    %get3A_587 = vector.shape_cast %get3A_586 : vector<128x1x128xf32> to vector<128x128xf32>
    %transpose3A_588 = tpu.transpose %get3A_587, [1, 0] : vector<128x128xf32> -> vector<128x128xf32>
    %slice3A_589 = vector.extract_strided_slice %transpose3A_588 {offsets = [0, 0], sizes = [72, 128], strides = [1, 1]} : vector<128x128xf32> to vector<72x128xf32>
    %swap3A_590 = arith.constant 23 : index
    %swap3A_591 = arith.constant 128 : index
    %swap3A_592 = arith.constant 0 : index
    %swap3A_593 = vector.load %arg2[%swap3A_590, %swap3A_591, %swap3A_592] : memref<50x200x128xf32, #tpu.memory_space<vmem>>, vector<1x72x128xf32>
    %swap3A_594 = vector.shape_cast %swap3A_593 : vector<1x72x128xf32> to vector<72x128xf32>
    %swap3A_595 = vector.shape_cast %slice3A_589 : vector<72x128xf32> to vector<1x72x128xf32>
    tpu.vector_store %arg2[%swap3A_590, %swap3A_591, %swap3A_592], %swap3A_595 {strides = array<i32>} : memref<50x200x128xf32, #tpu.memory_space<vmem>>, vector<1x72x128xf32>,
    %get3A_596 = arith.constant 0 : index
    %get3A_597 = arith.constant 48 : index
    %get3A_598 = arith.constant 0 : index
    %get3A_599 = vector.load %arg1[%get3A_596, %get3A_597, %get3A_598] : memref<128x104x128xf32, #tpu.memory_space<vmem>>, vector<128x1x128xf32>
    %get3A_600 = vector.shape_cast %get3A_599 : vector<128x1x128xf32> to vector<128x128xf32>
    %transpose3A_601 = tpu.transpose %get3A_600, [1, 0] : vector<128x128xf32> -> vector<128x128xf32>
    %swap3A_602 = arith.constant 24 : index
    %swap3A_603 = arith.constant 0 : index
    %swap3A_604 = arith.constant 0 : index
    %swap3A_605 = vector.load %arg2[%swap3A_602, %swap3A_603, %swap3A_604] : memref<50x200x128xf32, #tpu.memory_space<vmem>>, vector<1x128x128xf32>
    %swap3A_606 = vector.shape_cast %swap3A_605 : vector<1x128x128xf32> to vector<128x128xf32>
    %swap3A_607 = vector.shape_cast %transpose3A_601 : vector<128x128xf32> to vector<1x128x128xf32>
    tpu.vector_store %arg2[%swap3A_602, %swap3A_603, %swap3A_604], %swap3A_607 {strides = array<i32>} : memref<50x200x128xf32, #tpu.memory_space<vmem>>, vector<1x128x128xf32>,
    %get3A_608 = arith.constant 0 : index
    %get3A_609 = arith.constant 56 : index
    %get3A_610 = arith.constant 0 : index
    %get3A_611 = vector.load %arg1[%get3A_608, %get3A_609, %get3A_610] : memref<128x104x128xf32, #tpu.memory_space<vmem>>, vector<128x1x128xf32>
    %get3A_612 = vector.shape_cast %get3A_611 : vector<128x1x128xf32> to vector<128x128xf32>
    %transpose3A_613 = tpu.transpose %get3A_612, [1, 0] : vector<128x128xf32> -> vector<128x128xf32>
    %slice3A_614 = vector.extract_strided_slice %transpose3A_613 {offsets = [0, 0], sizes = [72, 128], strides = [1, 1]} : vector<128x128xf32> to vector<72x128xf32>
    %swap3A_615 = arith.constant 24 : index
    %swap3A_616 = arith.constant 128 : index
    %swap3A_617 = arith.constant 0 : index
    %swap3A_618 = vector.load %arg2[%swap3A_615, %swap3A_616, %swap3A_617] : memref<50x200x128xf32, #tpu.memory_space<vmem>>, vector<1x72x128xf32>
    %swap3A_619 = vector.shape_cast %swap3A_618 : vector<1x72x128xf32> to vector<72x128xf32>
    %swap3A_620 = vector.shape_cast %slice3A_614 : vector<72x128xf32> to vector<1x72x128xf32>
    tpu.vector_store %arg2[%swap3A_615, %swap3A_616, %swap3A_617], %swap3A_620 {strides = array<i32>} : memref<50x200x128xf32, #tpu.memory_space<vmem>>, vector<1x72x128xf32>,
    %get3A_621 = arith.constant 0 : index
    %get3A_622 = arith.constant 49 : index
    %get3A_623 = arith.constant 0 : index
    %get3A_624 = vector.load %arg1[%get3A_621, %get3A_622, %get3A_623] : memref<128x104x128xf32, #tpu.memory_space<vmem>>, vector<128x1x128xf32>
    %get3A_625 = vector.shape_cast %get3A_624 : vector<128x1x128xf32> to vector<128x128xf32>
    %transpose3A_626 = tpu.transpose %get3A_625, [1, 0] : vector<128x128xf32> -> vector<128x128xf32>
    %swap3A_627 = arith.constant 25 : index
    %swap3A_628 = arith.constant 0 : index
    %swap3A_629 = arith.constant 0 : index
    %swap3A_630 = vector.load %arg2[%swap3A_627, %swap3A_628, %swap3A_629] : memref<50x200x128xf32, #tpu.memory_space<vmem>>, vector<1x128x128xf32>
    %swap3A_631 = vector.shape_cast %swap3A_630 : vector<1x128x128xf32> to vector<128x128xf32>
    %swap3A_632 = vector.shape_cast %transpose3A_626 : vector<128x128xf32> to vector<1x128x128xf32>
    tpu.vector_store %arg2[%swap3A_627, %swap3A_628, %swap3A_629], %swap3A_632 {strides = array<i32>} : memref<50x200x128xf32, #tpu.memory_space<vmem>>, vector<1x128x128xf32>,
    %get3A_633 = arith.constant 0 : index
    %get3A_634 = arith.constant 57 : index
    %get3A_635 = arith.constant 0 : index
    %get3A_636 = vector.load %arg1[%get3A_633, %get3A_634, %get3A_635] : memref<128x104x128xf32, #tpu.memory_space<vmem>>, vector<128x1x128xf32>
    %get3A_637 = vector.shape_cast %get3A_636 : vector<128x1x128xf32> to vector<128x128xf32>
    %transpose3A_638 = tpu.transpose %get3A_637, [1, 0] : vector<128x128xf32> -> vector<128x128xf32>
    %slice3A_639 = vector.extract_strided_slice %transpose3A_638 {offsets = [0, 0], sizes = [72, 128], strides = [1, 1]} : vector<128x128xf32> to vector<72x128xf32>
    %swap3A_640 = arith.constant 25 : index
    %swap3A_641 = arith.constant 128 : index
    %swap3A_642 = arith.constant 0 : index
    %swap3A_643 = vector.load %arg2[%swap3A_640, %swap3A_641, %swap3A_642] : memref<50x200x128xf32, #tpu.memory_space<vmem>>, vector<1x72x128xf32>
    %swap3A_644 = vector.shape_cast %swap3A_643 : vector<1x72x128xf32> to vector<72x128xf32>
    %swap3A_645 = vector.shape_cast %slice3A_639 : vector<72x128xf32> to vector<1x72x128xf32>
    tpu.vector_store %arg2[%swap3A_640, %swap3A_641, %swap3A_642], %swap3A_645 {strides = array<i32>} : memref<50x200x128xf32, #tpu.memory_space<vmem>>, vector<1x72x128xf32>,
    %get3A_646 = arith.constant 0 : index
    %get3A_647 = arith.constant 50 : index
    %get3A_648 = arith.constant 0 : index
    %get3A_649 = vector.load %arg1[%get3A_646, %get3A_647, %get3A_648] : memref<128x104x128xf32, #tpu.memory_space<vmem>>, vector<128x1x128xf32>
    %get3A_650 = vector.shape_cast %get3A_649 : vector<128x1x128xf32> to vector<128x128xf32>
    %transpose3A_651 = tpu.transpose %get3A_650, [1, 0] : vector<128x128xf32> -> vector<128x128xf32>
    %swap3A_652 = arith.constant 26 : index
    %swap3A_653 = arith.constant 0 : index
    %swap3A_654 = arith.constant 0 : index
    %swap3A_655 = vector.load %arg2[%swap3A_652, %swap3A_653, %swap3A_654] : memref<50x200x128xf32, #tpu.memory_space<vmem>>, vector<1x128x128xf32>
    %swap3A_656 = vector.shape_cast %swap3A_655 : vector<1x128x128xf32> to vector<128x128xf32>
    %swap3A_657 = vector.shape_cast %transpose3A_651 : vector<128x128xf32> to vector<1x128x128xf32>
    tpu.vector_store %arg2[%swap3A_652, %swap3A_653, %swap3A_654], %swap3A_657 {strides = array<i32>} : memref<50x200x128xf32, #tpu.memory_space<vmem>>, vector<1x128x128xf32>,
    %get3A_658 = arith.constant 0 : index
    %get3A_659 = arith.constant 58 : index
    %get3A_660 = arith.constant 0 : index
    %get3A_661 = vector.load %arg1[%get3A_658, %get3A_659, %get3A_660] : memref<128x104x128xf32, #tpu.memory_space<vmem>>, vector<128x1x128xf32>
    %get3A_662 = vector.shape_cast %get3A_661 : vector<128x1x128xf32> to vector<128x128xf32>
    %transpose3A_663 = tpu.transpose %get3A_662, [1, 0] : vector<128x128xf32> -> vector<128x128xf32>
    %slice3A_664 = vector.extract_strided_slice %transpose3A_663 {offsets = [0, 0], sizes = [72, 128], strides = [1, 1]} : vector<128x128xf32> to vector<72x128xf32>
    %swap3A_665 = arith.constant 26 : index
    %swap3A_666 = arith.constant 128 : index
    %swap3A_667 = arith.constant 0 : index
    %swap3A_668 = vector.load %arg2[%swap3A_665, %swap3A_666, %swap3A_667] : memref<50x200x128xf32, #tpu.memory_space<vmem>>, vector<1x72x128xf32>
    %swap3A_669 = vector.shape_cast %swap3A_668 : vector<1x72x128xf32> to vector<72x128xf32>
    %swap3A_670 = vector.shape_cast %slice3A_664 : vector<72x128xf32> to vector<1x72x128xf32>
    tpu.vector_store %arg2[%swap3A_665, %swap3A_666, %swap3A_667], %swap3A_670 {strides = array<i32>} : memref<50x200x128xf32, #tpu.memory_space<vmem>>, vector<1x72x128xf32>,
    %get3A_671 = arith.constant 0 : index
    %get3A_672 = arith.constant 51 : index
    %get3A_673 = arith.constant 0 : index
    %get3A_674 = vector.load %arg1[%get3A_671, %get3A_672, %get3A_673] : memref<128x104x128xf32, #tpu.memory_space<vmem>>, vector<128x1x128xf32>
    %get3A_675 = vector.shape_cast %get3A_674 : vector<128x1x128xf32> to vector<128x128xf32>
    %transpose3A_676 = tpu.transpose %get3A_675, [1, 0] : vector<128x128xf32> -> vector<128x128xf32>
    %swap3A_677 = arith.constant 27 : index
    %swap3A_678 = arith.constant 0 : index
    %swap3A_679 = arith.constant 0 : index
    %swap3A_680 = vector.load %arg2[%swap3A_677, %swap3A_678, %swap3A_679] : memref<50x200x128xf32, #tpu.memory_space<vmem>>, vector<1x128x128xf32>
    %swap3A_681 = vector.shape_cast %swap3A_680 : vector<1x128x128xf32> to vector<128x128xf32>
    %swap3A_682 = vector.shape_cast %transpose3A_676 : vector<128x128xf32> to vector<1x128x128xf32>
    tpu.vector_store %arg2[%swap3A_677, %swap3A_678, %swap3A_679], %swap3A_682 {strides = array<i32>} : memref<50x200x128xf32, #tpu.memory_space<vmem>>, vector<1x128x128xf32>,
    %get3A_683 = arith.constant 0 : index
    %get3A_684 = arith.constant 59 : index
    %get3A_685 = arith.constant 0 : index
    %get3A_686 = vector.load %arg1[%get3A_683, %get3A_684, %get3A_685] : memref<128x104x128xf32, #tpu.memory_space<vmem>>, vector<128x1x128xf32>
    %get3A_687 = vector.shape_cast %get3A_686 : vector<128x1x128xf32> to vector<128x128xf32>
    %transpose3A_688 = tpu.transpose %get3A_687, [1, 0] : vector<128x128xf32> -> vector<128x128xf32>
    %slice3A_689 = vector.extract_strided_slice %transpose3A_688 {offsets = [0, 0], sizes = [72, 128], strides = [1, 1]} : vector<128x128xf32> to vector<72x128xf32>
    %swap3A_690 = arith.constant 27 : index
    %swap3A_691 = arith.constant 128 : index
    %swap3A_692 = arith.constant 0 : index
    %swap3A_693 = vector.load %arg2[%swap3A_690, %swap3A_691, %swap3A_692] : memref<50x200x128xf32, #tpu.memory_space<vmem>>, vector<1x72x128xf32>
    %swap3A_694 = vector.shape_cast %swap3A_693 : vector<1x72x128xf32> to vector<72x128xf32>
    %swap3A_695 = vector.shape_cast %slice3A_689 : vector<72x128xf32> to vector<1x72x128xf32>
    tpu.vector_store %arg2[%swap3A_690, %swap3A_691, %swap3A_692], %swap3A_695 {strides = array<i32>} : memref<50x200x128xf32, #tpu.memory_space<vmem>>, vector<1x72x128xf32>,
    %get3A_696 = arith.constant 0 : index
    %get3A_697 = arith.constant 52 : index
    %get3A_698 = arith.constant 0 : index
    %get3A_699 = vector.load %arg1[%get3A_696, %get3A_697, %get3A_698] : memref<128x104x128xf32, #tpu.memory_space<vmem>>, vector<128x1x128xf32>
    %get3A_700 = vector.shape_cast %get3A_699 : vector<128x1x128xf32> to vector<128x128xf32>
    %transpose3A_701 = tpu.transpose %get3A_700, [1, 0] : vector<128x128xf32> -> vector<128x128xf32>
    %swap3A_702 = arith.constant 28 : index
    %swap3A_703 = arith.constant 0 : index
    %swap3A_704 = arith.constant 0 : index
    %swap3A_705 = vector.load %arg2[%swap3A_702, %swap3A_703, %swap3A_704] : memref<50x200x128xf32, #tpu.memory_space<vmem>>, vector<1x128x128xf32>
    %swap3A_706 = vector.shape_cast %swap3A_705 : vector<1x128x128xf32> to vector<128x128xf32>
    %swap3A_707 = vector.shape_cast %transpose3A_701 : vector<128x128xf32> to vector<1x128x128xf32>
    tpu.vector_store %arg2[%swap3A_702, %swap3A_703, %swap3A_704], %swap3A_707 {strides = array<i32>} : memref<50x200x128xf32, #tpu.memory_space<vmem>>, vector<1x128x128xf32>,
    %get3A_708 = arith.constant 0 : index
    %get3A_709 = arith.constant 60 : index
    %get3A_710 = arith.constant 0 : index
    %get3A_711 = vector.load %arg1[%get3A_708, %get3A_709, %get3A_710] : memref<128x104x128xf32, #tpu.memory_space<vmem>>, vector<128x1x128xf32>
    %get3A_712 = vector.shape_cast %get3A_711 : vector<128x1x128xf32> to vector<128x128xf32>
    %transpose3A_713 = tpu.transpose %get3A_712, [1, 0] : vector<128x128xf32> -> vector<128x128xf32>
    %slice3A_714 = vector.extract_strided_slice %transpose3A_713 {offsets = [0, 0], sizes = [72, 128], strides = [1, 1]} : vector<128x128xf32> to vector<72x128xf32>
    %swap3A_715 = arith.constant 28 : index
    %swap3A_716 = arith.constant 128 : index
    %swap3A_717 = arith.constant 0 : index
    %swap3A_718 = vector.load %arg2[%swap3A_715, %swap3A_716, %swap3A_717] : memref<50x200x128xf32, #tpu.memory_space<vmem>>, vector<1x72x128xf32>
    %swap3A_719 = vector.shape_cast %swap3A_718 : vector<1x72x128xf32> to vector<72x128xf32>
    %swap3A_720 = vector.shape_cast %slice3A_714 : vector<72x128xf32> to vector<1x72x128xf32>
    tpu.vector_store %arg2[%swap3A_715, %swap3A_716, %swap3A_717], %swap3A_720 {strides = array<i32>} : memref<50x200x128xf32, #tpu.memory_space<vmem>>, vector<1x72x128xf32>,
    %get3A_721 = arith.constant 0 : index
    %get3A_722 = arith.constant 53 : index
    %get3A_723 = arith.constant 0 : index
    %get3A_724 = vector.load %arg1[%get3A_721, %get3A_722, %get3A_723] : memref<128x104x128xf32, #tpu.memory_space<vmem>>, vector<128x1x128xf32>
    %get3A_725 = vector.shape_cast %get3A_724 : vector<128x1x128xf32> to vector<128x128xf32>
    %transpose3A_726 = tpu.transpose %get3A_725, [1, 0] : vector<128x128xf32> -> vector<128x128xf32>
    %swap3A_727 = arith.constant 29 : index
    %swap3A_728 = arith.constant 0 : index
    %swap3A_729 = arith.constant 0 : index
    %swap3A_730 = vector.load %arg2[%swap3A_727, %swap3A_728, %swap3A_729] : memref<50x200x128xf32, #tpu.memory_space<vmem>>, vector<1x128x128xf32>
    %swap3A_731 = vector.shape_cast %swap3A_730 : vector<1x128x128xf32> to vector<128x128xf32>
    %swap3A_732 = vector.shape_cast %transpose3A_726 : vector<128x128xf32> to vector<1x128x128xf32>
    tpu.vector_store %arg2[%swap3A_727, %swap3A_728, %swap3A_729], %swap3A_732 {strides = array<i32>} : memref<50x200x128xf32, #tpu.memory_space<vmem>>, vector<1x128x128xf32>,
    %get3A_733 = arith.constant 0 : index
    %get3A_734 = arith.constant 61 : index
    %get3A_735 = arith.constant 0 : index
    %get3A_736 = vector.load %arg1[%get3A_733, %get3A_734, %get3A_735] : memref<128x104x128xf32, #tpu.memory_space<vmem>>, vector<128x1x128xf32>
    %get3A_737 = vector.shape_cast %get3A_736 : vector<128x1x128xf32> to vector<128x128xf32>
    %transpose3A_738 = tpu.transpose %get3A_737, [1, 0] : vector<128x128xf32> -> vector<128x128xf32>
    %slice3A_739 = vector.extract_strided_slice %transpose3A_738 {offsets = [0, 0], sizes = [72, 128], strides = [1, 1]} : vector<128x128xf32> to vector<72x128xf32>
    %swap3A_740 = arith.constant 29 : index
    %swap3A_741 = arith.constant 128 : index
    %swap3A_742 = arith.constant 0 : index
    %swap3A_743 = vector.load %arg2[%swap3A_740, %swap3A_741, %swap3A_742] : memref<50x200x128xf32, #tpu.memory_space<vmem>>, vector<1x72x128xf32>
    %swap3A_744 = vector.shape_cast %swap3A_743 : vector<1x72x128xf32> to vector<72x128xf32>
    %swap3A_745 = vector.shape_cast %slice3A_739 : vector<72x128xf32> to vector<1x72x128xf32>
    tpu.vector_store %arg2[%swap3A_740, %swap3A_741, %swap3A_742], %swap3A_745 {strides = array<i32>} : memref<50x200x128xf32, #tpu.memory_space<vmem>>, vector<1x72x128xf32>,
    %get3A_746 = arith.constant 0 : index
    %get3A_747 = arith.constant 54 : index
    %get3A_748 = arith.constant 0 : index
    %get3A_749 = vector.load %arg1[%get3A_746, %get3A_747, %get3A_748] : memref<128x104x128xf32, #tpu.memory_space<vmem>>, vector<128x1x128xf32>
    %get3A_750 = vector.shape_cast %get3A_749 : vector<128x1x128xf32> to vector<128x128xf32>
    %transpose3A_751 = tpu.transpose %get3A_750, [1, 0] : vector<128x128xf32> -> vector<128x128xf32>
    %swap3A_752 = arith.constant 30 : index
    %swap3A_753 = arith.constant 0 : index
    %swap3A_754 = arith.constant 0 : index
    %swap3A_755 = vector.load %arg2[%swap3A_752, %swap3A_753, %swap3A_754] : memref<50x200x128xf32, #tpu.memory_space<vmem>>, vector<1x128x128xf32>
    %swap3A_756 = vector.shape_cast %swap3A_755 : vector<1x128x128xf32> to vector<128x128xf32>
    %swap3A_757 = vector.shape_cast %transpose3A_751 : vector<128x128xf32> to vector<1x128x128xf32>
    tpu.vector_store %arg2[%swap3A_752, %swap3A_753, %swap3A_754], %swap3A_757 {strides = array<i32>} : memref<50x200x128xf32, #tpu.memory_space<vmem>>, vector<1x128x128xf32>,
    %get3A_758 = arith.constant 0 : index
    %get3A_759 = arith.constant 62 : index
    %get3A_760 = arith.constant 0 : index
    %get3A_761 = vector.load %arg1[%get3A_758, %get3A_759, %get3A_760] : memref<128x104x128xf32, #tpu.memory_space<vmem>>, vector<128x1x128xf32>
    %get3A_762 = vector.shape_cast %get3A_761 : vector<128x1x128xf32> to vector<128x128xf32>
    %transpose3A_763 = tpu.transpose %get3A_762, [1, 0] : vector<128x128xf32> -> vector<128x128xf32>
    %slice3A_764 = vector.extract_strided_slice %transpose3A_763 {offsets = [0, 0], sizes = [72, 128], strides = [1, 1]} : vector<128x128xf32> to vector<72x128xf32>
    %swap3A_765 = arith.constant 30 : index
    %swap3A_766 = arith.constant 128 : index
    %swap3A_767 = arith.constant 0 : index
    %swap3A_768 = vector.load %arg2[%swap3A_765, %swap3A_766, %swap3A_767] : memref<50x200x128xf32, #tpu.memory_space<vmem>>, vector<1x72x128xf32>
    %swap3A_769 = vector.shape_cast %swap3A_768 : vector<1x72x128xf32> to vector<72x128xf32>
    %swap3A_770 = vector.shape_cast %slice3A_764 : vector<72x128xf32> to vector<1x72x128xf32>
    tpu.vector_store %arg2[%swap3A_765, %swap3A_766, %swap3A_767], %swap3A_770 {strides = array<i32>} : memref<50x200x128xf32, #tpu.memory_space<vmem>>, vector<1x72x128xf32>,
    %get3A_771 = arith.constant 0 : index
    %get3A_772 = arith.constant 55 : index
    %get3A_773 = arith.constant 0 : index
    %get3A_774 = vector.load %arg1[%get3A_771, %get3A_772, %get3A_773] : memref<128x104x128xf32, #tpu.memory_space<vmem>>, vector<128x1x128xf32>
    %get3A_775 = vector.shape_cast %get3A_774 : vector<128x1x128xf32> to vector<128x128xf32>
    %transpose3A_776 = tpu.transpose %get3A_775, [1, 0] : vector<128x128xf32> -> vector<128x128xf32>
    %swap3A_777 = arith.constant 31 : index
    %swap3A_778 = arith.constant 0 : index
    %swap3A_779 = arith.constant 0 : index
    %swap3A_780 = vector.load %arg2[%swap3A_777, %swap3A_778, %swap3A_779] : memref<50x200x128xf32, #tpu.memory_space<vmem>>, vector<1x128x128xf32>
    %swap3A_781 = vector.shape_cast %swap3A_780 : vector<1x128x128xf32> to vector<128x128xf32>
    %swap3A_782 = vector.shape_cast %transpose3A_776 : vector<128x128xf32> to vector<1x128x128xf32>
    tpu.vector_store %arg2[%swap3A_777, %swap3A_778, %swap3A_779], %swap3A_782 {strides = array<i32>} : memref<50x200x128xf32, #tpu.memory_space<vmem>>, vector<1x128x128xf32>,
    %get3A_783 = arith.constant 0 : index
    %get3A_784 = arith.constant 63 : index
    %get3A_785 = arith.constant 0 : index
    %get3A_786 = vector.load %arg1[%get3A_783, %get3A_784, %get3A_785] : memref<128x104x128xf32, #tpu.memory_space<vmem>>, vector<128x1x128xf32>
    %get3A_787 = vector.shape_cast %get3A_786 : vector<128x1x128xf32> to vector<128x128xf32>
    %transpose3A_788 = tpu.transpose %get3A_787, [1, 0] : vector<128x128xf32> -> vector<128x128xf32>
    %slice3A_789 = vector.extract_strided_slice %transpose3A_788 {offsets = [0, 0], sizes = [72, 128], strides = [1, 1]} : vector<128x128xf32> to vector<72x128xf32>
    %swap3A_790 = arith.constant 31 : index
    %swap3A_791 = arith.constant 128 : index
    %swap3A_792 = arith.constant 0 : index
    %swap3A_793 = vector.load %arg2[%swap3A_790, %swap3A_791, %swap3A_792] : memref<50x200x128xf32, #tpu.memory_space<vmem>>, vector<1x72x128xf32>
    %swap3A_794 = vector.shape_cast %swap3A_793 : vector<1x72x128xf32> to vector<72x128xf32>
    %swap3A_795 = vector.shape_cast %slice3A_789 : vector<72x128xf32> to vector<1x72x128xf32>
    tpu.vector_store %arg2[%swap3A_790, %swap3A_791, %swap3A_792], %swap3A_795 {strides = array<i32>} : memref<50x200x128xf32, #tpu.memory_space<vmem>>, vector<1x72x128xf32>,
    %get3A_796 = arith.constant 0 : index
    %get3A_797 = arith.constant 64 : index
    %get3A_798 = arith.constant 0 : index
    %get3A_799 = vector.load %arg1[%get3A_796, %get3A_797, %get3A_798] : memref<128x104x128xf32, #tpu.memory_space<vmem>>, vector<128x1x128xf32>
    %get3A_800 = vector.shape_cast %get3A_799 : vector<128x1x128xf32> to vector<128x128xf32>
    %transpose3A_801 = tpu.transpose %get3A_800, [1, 0] : vector<128x128xf32> -> vector<128x128xf32>
    %swap3A_802 = arith.constant 32 : index
    %swap3A_803 = arith.constant 0 : index
    %swap3A_804 = arith.constant 0 : index
    %swap3A_805 = vector.load %arg2[%swap3A_802, %swap3A_803, %swap3A_804] : memref<50x200x128xf32, #tpu.memory_space<vmem>>, vector<1x128x128xf32>
    %swap3A_806 = vector.shape_cast %swap3A_805 : vector<1x128x128xf32> to vector<128x128xf32>
    %swap3A_807 = vector.shape_cast %transpose3A_801 : vector<128x128xf32> to vector<1x128x128xf32>
    tpu.vector_store %arg2[%swap3A_802, %swap3A_803, %swap3A_804], %swap3A_807 {strides = array<i32>} : memref<50x200x128xf32, #tpu.memory_space<vmem>>, vector<1x128x128xf32>,
    %get3A_808 = arith.constant 0 : index
    %get3A_809 = arith.constant 72 : index
    %get3A_810 = arith.constant 0 : index
    %get3A_811 = vector.load %arg1[%get3A_808, %get3A_809, %get3A_810] : memref<128x104x128xf32, #tpu.memory_space<vmem>>, vector<128x1x128xf32>
    %get3A_812 = vector.shape_cast %get3A_811 : vector<128x1x128xf32> to vector<128x128xf32>
    %transpose3A_813 = tpu.transpose %get3A_812, [1, 0] : vector<128x128xf32> -> vector<128x128xf32>
    %slice3A_814 = vector.extract_strided_slice %transpose3A_813 {offsets = [0, 0], sizes = [72, 128], strides = [1, 1]} : vector<128x128xf32> to vector<72x128xf32>
    %swap3A_815 = arith.constant 32 : index
    %swap3A_816 = arith.constant 128 : index
    %swap3A_817 = arith.constant 0 : index
    %swap3A_818 = vector.load %arg2[%swap3A_815, %swap3A_816, %swap3A_817] : memref<50x200x128xf32, #tpu.memory_space<vmem>>, vector<1x72x128xf32>
    %swap3A_819 = vector.shape_cast %swap3A_818 : vector<1x72x128xf32> to vector<72x128xf32>
    %swap3A_820 = vector.shape_cast %slice3A_814 : vector<72x128xf32> to vector<1x72x128xf32>
    tpu.vector_store %arg2[%swap3A_815, %swap3A_816, %swap3A_817], %swap3A_820 {strides = array<i32>} : memref<50x200x128xf32, #tpu.memory_space<vmem>>, vector<1x72x128xf32>,
    %get3A_821 = arith.constant 0 : index
    %get3A_822 = arith.constant 65 : index
    %get3A_823 = arith.constant 0 : index
    %get3A_824 = vector.load %arg1[%get3A_821, %get3A_822, %get3A_823] : memref<128x104x128xf32, #tpu.memory_space<vmem>>, vector<128x1x128xf32>
    %get3A_825 = vector.shape_cast %get3A_824 : vector<128x1x128xf32> to vector<128x128xf32>
    %transpose3A_826 = tpu.transpose %get3A_825, [1, 0] : vector<128x128xf32> -> vector<128x128xf32>
    %swap3A_827 = arith.constant 33 : index
    %swap3A_828 = arith.constant 0 : index
    %swap3A_829 = arith.constant 0 : index
    %swap3A_830 = vector.load %arg2[%swap3A_827, %swap3A_828, %swap3A_829] : memref<50x200x128xf32, #tpu.memory_space<vmem>>, vector<1x128x128xf32>
    %swap3A_831 = vector.shape_cast %swap3A_830 : vector<1x128x128xf32> to vector<128x128xf32>
    %swap3A_832 = vector.shape_cast %transpose3A_826 : vector<128x128xf32> to vector<1x128x128xf32>
    tpu.vector_store %arg2[%swap3A_827, %swap3A_828, %swap3A_829], %swap3A_832 {strides = array<i32>} : memref<50x200x128xf32, #tpu.memory_space<vmem>>, vector<1x128x128xf32>,
    %get3A_833 = arith.constant 0 : index
    %get3A_834 = arith.constant 73 : index
    %get3A_835 = arith.constant 0 : index
    %get3A_836 = vector.load %arg1[%get3A_833, %get3A_834, %get3A_835] : memref<128x104x128xf32, #tpu.memory_space<vmem>>, vector<128x1x128xf32>
    %get3A_837 = vector.shape_cast %get3A_836 : vector<128x1x128xf32> to vector<128x128xf32>
    %transpose3A_838 = tpu.transpose %get3A_837, [1, 0] : vector<128x128xf32> -> vector<128x128xf32>
    %slice3A_839 = vector.extract_strided_slice %transpose3A_838 {offsets = [0, 0], sizes = [72, 128], strides = [1, 1]} : vector<128x128xf32> to vector<72x128xf32>
    %swap3A_840 = arith.constant 33 : index
    %swap3A_841 = arith.constant 128 : index
    %swap3A_842 = arith.constant 0 : index
    %swap3A_843 = vector.load %arg2[%swap3A_840, %swap3A_841, %swap3A_842] : memref<50x200x128xf32, #tpu.memory_space<vmem>>, vector<1x72x128xf32>
    %swap3A_844 = vector.shape_cast %swap3A_843 : vector<1x72x128xf32> to vector<72x128xf32>
    %swap3A_845 = vector.shape_cast %slice3A_839 : vector<72x128xf32> to vector<1x72x128xf32>
    tpu.vector_store %arg2[%swap3A_840, %swap3A_841, %swap3A_842], %swap3A_845 {strides = array<i32>} : memref<50x200x128xf32, #tpu.memory_space<vmem>>, vector<1x72x128xf32>,
    %get3A_846 = arith.constant 0 : index
    %get3A_847 = arith.constant 66 : index
    %get3A_848 = arith.constant 0 : index
    %get3A_849 = vector.load %arg1[%get3A_846, %get3A_847, %get3A_848] : memref<128x104x128xf32, #tpu.memory_space<vmem>>, vector<128x1x128xf32>
    %get3A_850 = vector.shape_cast %get3A_849 : vector<128x1x128xf32> to vector<128x128xf32>
    %transpose3A_851 = tpu.transpose %get3A_850, [1, 0] : vector<128x128xf32> -> vector<128x128xf32>
    %swap3A_852 = arith.constant 34 : index
    %swap3A_853 = arith.constant 0 : index
    %swap3A_854 = arith.constant 0 : index
    %swap3A_855 = vector.load %arg2[%swap3A_852, %swap3A_853, %swap3A_854] : memref<50x200x128xf32, #tpu.memory_space<vmem>>, vector<1x128x128xf32>
    %swap3A_856 = vector.shape_cast %swap3A_855 : vector<1x128x128xf32> to vector<128x128xf32>
    %swap3A_857 = vector.shape_cast %transpose3A_851 : vector<128x128xf32> to vector<1x128x128xf32>
    tpu.vector_store %arg2[%swap3A_852, %swap3A_853, %swap3A_854], %swap3A_857 {strides = array<i32>} : memref<50x200x128xf32, #tpu.memory_space<vmem>>, vector<1x128x128xf32>,
    %get3A_858 = arith.constant 0 : index
    %get3A_859 = arith.constant 74 : index
    %get3A_860 = arith.constant 0 : index
    %get3A_861 = vector.load %arg1[%get3A_858, %get3A_859, %get3A_860] : memref<128x104x128xf32, #tpu.memory_space<vmem>>, vector<128x1x128xf32>
    %get3A_862 = vector.shape_cast %get3A_861 : vector<128x1x128xf32> to vector<128x128xf32>
    %transpose3A_863 = tpu.transpose %get3A_862, [1, 0] : vector<128x128xf32> -> vector<128x128xf32>
    %slice3A_864 = vector.extract_strided_slice %transpose3A_863 {offsets = [0, 0], sizes = [72, 128], strides = [1, 1]} : vector<128x128xf32> to vector<72x128xf32>
    %swap3A_865 = arith.constant 34 : index
    %swap3A_866 = arith.constant 128 : index
    %swap3A_867 = arith.constant 0 : index
    %swap3A_868 = vector.load %arg2[%swap3A_865, %swap3A_866, %swap3A_867] : memref<50x200x128xf32, #tpu.memory_space<vmem>>, vector<1x72x128xf32>
    %swap3A_869 = vector.shape_cast %swap3A_868 : vector<1x72x128xf32> to vector<72x128xf32>
    %swap3A_870 = vector.shape_cast %slice3A_864 : vector<72x128xf32> to vector<1x72x128xf32>
    tpu.vector_store %arg2[%swap3A_865, %swap3A_866, %swap3A_867], %swap3A_870 {strides = array<i32>} : memref<50x200x128xf32, #tpu.memory_space<vmem>>, vector<1x72x128xf32>,
    %get3A_871 = arith.constant 0 : index
    %get3A_872 = arith.constant 67 : index
    %get3A_873 = arith.constant 0 : index
    %get3A_874 = vector.load %arg1[%get3A_871, %get3A_872, %get3A_873] : memref<128x104x128xf32, #tpu.memory_space<vmem>>, vector<128x1x128xf32>
    %get3A_875 = vector.shape_cast %get3A_874 : vector<128x1x128xf32> to vector<128x128xf32>
    %transpose3A_876 = tpu.transpose %get3A_875, [1, 0] : vector<128x128xf32> -> vector<128x128xf32>
    %swap3A_877 = arith.constant 35 : index
    %swap3A_878 = arith.constant 0 : index
    %swap3A_879 = arith.constant 0 : index
    %swap3A_880 = vector.load %arg2[%swap3A_877, %swap3A_878, %swap3A_879] : memref<50x200x128xf32, #tpu.memory_space<vmem>>, vector<1x128x128xf32>
    %swap3A_881 = vector.shape_cast %swap3A_880 : vector<1x128x128xf32> to vector<128x128xf32>
    %swap3A_882 = vector.shape_cast %transpose3A_876 : vector<128x128xf32> to vector<1x128x128xf32>
    tpu.vector_store %arg2[%swap3A_877, %swap3A_878, %swap3A_879], %swap3A_882 {strides = array<i32>} : memref<50x200x128xf32, #tpu.memory_space<vmem>>, vector<1x128x128xf32>,
    %get3A_883 = arith.constant 0 : index
    %get3A_884 = arith.constant 75 : index
    %get3A_885 = arith.constant 0 : index
    %get3A_886 = vector.load %arg1[%get3A_883, %get3A_884, %get3A_885] : memref<128x104x128xf32, #tpu.memory_space<vmem>>, vector<128x1x128xf32>
    %get3A_887 = vector.shape_cast %get3A_886 : vector<128x1x128xf32> to vector<128x128xf32>
    %transpose3A_888 = tpu.transpose %get3A_887, [1, 0] : vector<128x128xf32> -> vector<128x128xf32>
    %slice3A_889 = vector.extract_strided_slice %transpose3A_888 {offsets = [0, 0], sizes = [72, 128], strides = [1, 1]} : vector<128x128xf32> to vector<72x128xf32>
    %swap3A_890 = arith.constant 35 : index
    %swap3A_891 = arith.constant 128 : index
    %swap3A_892 = arith.constant 0 : index
    %swap3A_893 = vector.load %arg2[%swap3A_890, %swap3A_891, %swap3A_892] : memref<50x200x128xf32, #tpu.memory_space<vmem>>, vector<1x72x128xf32>
    %swap3A_894 = vector.shape_cast %swap3A_893 : vector<1x72x128xf32> to vector<72x128xf32>
    %swap3A_895 = vector.shape_cast %slice3A_889 : vector<72x128xf32> to vector<1x72x128xf32>
    tpu.vector_store %arg2[%swap3A_890, %swap3A_891, %swap3A_892], %swap3A_895 {strides = array<i32>} : memref<50x200x128xf32, #tpu.memory_space<vmem>>, vector<1x72x128xf32>,
    %get3A_896 = arith.constant 0 : index
    %get3A_897 = arith.constant 68 : index
    %get3A_898 = arith.constant 0 : index
    %get3A_899 = vector.load %arg1[%get3A_896, %get3A_897, %get3A_898] : memref<128x104x128xf32, #tpu.memory_space<vmem>>, vector<128x1x128xf32>
    %get3A_900 = vector.shape_cast %get3A_899 : vector<128x1x128xf32> to vector<128x128xf32>
    %transpose3A_901 = tpu.transpose %get3A_900, [1, 0] : vector<128x128xf32> -> vector<128x128xf32>
    %swap3A_902 = arith.constant 36 : index
    %swap3A_903 = arith.constant 0 : index
    %swap3A_904 = arith.constant 0 : index
    %swap3A_905 = vector.load %arg2[%swap3A_902, %swap3A_903, %swap3A_904] : memref<50x200x128xf32, #tpu.memory_space<vmem>>, vector<1x128x128xf32>
    %swap3A_906 = vector.shape_cast %swap3A_905 : vector<1x128x128xf32> to vector<128x128xf32>
    %swap3A_907 = vector.shape_cast %transpose3A_901 : vector<128x128xf32> to vector<1x128x128xf32>
    tpu.vector_store %arg2[%swap3A_902, %swap3A_903, %swap3A_904], %swap3A_907 {strides = array<i32>} : memref<50x200x128xf32, #tpu.memory_space<vmem>>, vector<1x128x128xf32>,
    %get3A_908 = arith.constant 0 : index
    %get3A_909 = arith.constant 76 : index
    %get3A_910 = arith.constant 0 : index
    %get3A_911 = vector.load %arg1[%get3A_908, %get3A_909, %get3A_910] : memref<128x104x128xf32, #tpu.memory_space<vmem>>, vector<128x1x128xf32>
    %get3A_912 = vector.shape_cast %get3A_911 : vector<128x1x128xf32> to vector<128x128xf32>
    %transpose3A_913 = tpu.transpose %get3A_912, [1, 0] : vector<128x128xf32> -> vector<128x128xf32>
    %slice3A_914 = vector.extract_strided_slice %transpose3A_913 {offsets = [0, 0], sizes = [72, 128], strides = [1, 1]} : vector<128x128xf32> to vector<72x128xf32>
    %swap3A_915 = arith.constant 36 : index
    %swap3A_916 = arith.constant 128 : index
    %swap3A_917 = arith.constant 0 : index
    %swap3A_918 = vector.load %arg2[%swap3A_915, %swap3A_916, %swap3A_917] : memref<50x200x128xf32, #tpu.memory_space<vmem>>, vector<1x72x128xf32>
    %swap3A_919 = vector.shape_cast %swap3A_918 : vector<1x72x128xf32> to vector<72x128xf32>
    %swap3A_920 = vector.shape_cast %slice3A_914 : vector<72x128xf32> to vector<1x72x128xf32>
    tpu.vector_store %arg2[%swap3A_915, %swap3A_916, %swap3A_917], %swap3A_920 {strides = array<i32>} : memref<50x200x128xf32, #tpu.memory_space<vmem>>, vector<1x72x128xf32>,
    %get3A_921 = arith.constant 0 : index
    %get3A_922 = arith.constant 69 : index
    %get3A_923 = arith.constant 0 : index
    %get3A_924 = vector.load %arg1[%get3A_921, %get3A_922, %get3A_923] : memref<128x104x128xf32, #tpu.memory_space<vmem>>, vector<128x1x128xf32>
    %get3A_925 = vector.shape_cast %get3A_924 : vector<128x1x128xf32> to vector<128x128xf32>
    %transpose3A_926 = tpu.transpose %get3A_925, [1, 0] : vector<128x128xf32> -> vector<128x128xf32>
    %swap3A_927 = arith.constant 37 : index
    %swap3A_928 = arith.constant 0 : index
    %swap3A_929 = arith.constant 0 : index
    %swap3A_930 = vector.load %arg2[%swap3A_927, %swap3A_928, %swap3A_929] : memref<50x200x128xf32, #tpu.memory_space<vmem>>, vector<1x128x128xf32>
    %swap3A_931 = vector.shape_cast %swap3A_930 : vector<1x128x128xf32> to vector<128x128xf32>
    %swap3A_932 = vector.shape_cast %transpose3A_926 : vector<128x128xf32> to vector<1x128x128xf32>
    tpu.vector_store %arg2[%swap3A_927, %swap3A_928, %swap3A_929], %swap3A_932 {strides = array<i32>} : memref<50x200x128xf32, #tpu.memory_space<vmem>>, vector<1x128x128xf32>,
    %get3A_933 = arith.constant 0 : index
    %get3A_934 = arith.constant 77 : index
    %get3A_935 = arith.constant 0 : index
    %get3A_936 = vector.load %arg1[%get3A_933, %get3A_934, %get3A_935] : memref<128x104x128xf32, #tpu.memory_space<vmem>>, vector<128x1x128xf32>
    %get3A_937 = vector.shape_cast %get3A_936 : vector<128x1x128xf32> to vector<128x128xf32>
    %transpose3A_938 = tpu.transpose %get3A_937, [1, 0] : vector<128x128xf32> -> vector<128x128xf32>
    %slice3A_939 = vector.extract_strided_slice %transpose3A_938 {offsets = [0, 0], sizes = [72, 128], strides = [1, 1]} : vector<128x128xf32> to vector<72x128xf32>
    %swap3A_940 = arith.constant 37 : index
    %swap3A_941 = arith.constant 128 : index
    %swap3A_942 = arith.constant 0 : index
    %swap3A_943 = vector.load %arg2[%swap3A_940, %swap3A_941, %swap3A_942] : memref<50x200x128xf32, #tpu.memory_space<vmem>>, vector<1x72x128xf32>
    %swap3A_944 = vector.shape_cast %swap3A_943 : vector<1x72x128xf32> to vector<72x128xf32>
    %swap3A_945 = vector.shape_cast %slice3A_939 : vector<72x128xf32> to vector<1x72x128xf32>
    tpu.vector_store %arg2[%swap3A_940, %swap3A_941, %swap3A_942], %swap3A_945 {strides = array<i32>} : memref<50x200x128xf32, #tpu.memory_space<vmem>>, vector<1x72x128xf32>,
    %get3A_946 = arith.constant 0 : index
    %get3A_947 = arith.constant 70 : index
    %get3A_948 = arith.constant 0 : index
    %get3A_949 = vector.load %arg1[%get3A_946, %get3A_947, %get3A_948] : memref<128x104x128xf32, #tpu.memory_space<vmem>>, vector<128x1x128xf32>
    %get3A_950 = vector.shape_cast %get3A_949 : vector<128x1x128xf32> to vector<128x128xf32>
    %transpose3A_951 = tpu.transpose %get3A_950, [1, 0] : vector<128x128xf32> -> vector<128x128xf32>
    %swap3A_952 = arith.constant 38 : index
    %swap3A_953 = arith.constant 0 : index
    %swap3A_954 = arith.constant 0 : index
    %swap3A_955 = vector.load %arg2[%swap3A_952, %swap3A_953, %swap3A_954] : memref<50x200x128xf32, #tpu.memory_space<vmem>>, vector<1x128x128xf32>
    %swap3A_956 = vector.shape_cast %swap3A_955 : vector<1x128x128xf32> to vector<128x128xf32>
    %swap3A_957 = vector.shape_cast %transpose3A_951 : vector<128x128xf32> to vector<1x128x128xf32>
    tpu.vector_store %arg2[%swap3A_952, %swap3A_953, %swap3A_954], %swap3A_957 {strides = array<i32>} : memref<50x200x128xf32, #tpu.memory_space<vmem>>, vector<1x128x128xf32>,
    %get3A_958 = arith.constant 0 : index
    %get3A_959 = arith.constant 78 : index
    %get3A_960 = arith.constant 0 : index
    %get3A_961 = vector.load %arg1[%get3A_958, %get3A_959, %get3A_960] : memref<128x104x128xf32, #tpu.memory_space<vmem>>, vector<128x1x128xf32>
    %get3A_962 = vector.shape_cast %get3A_961 : vector<128x1x128xf32> to vector<128x128xf32>
    %transpose3A_963 = tpu.transpose %get3A_962, [1, 0] : vector<128x128xf32> -> vector<128x128xf32>
    %slice3A_964 = vector.extract_strided_slice %transpose3A_963 {offsets = [0, 0], sizes = [72, 128], strides = [1, 1]} : vector<128x128xf32> to vector<72x128xf32>
    %swap3A_965 = arith.constant 38 : index
    %swap3A_966 = arith.constant 128 : index
    %swap3A_967 = arith.constant 0 : index
    %swap3A_968 = vector.load %arg2[%swap3A_965, %swap3A_966, %swap3A_967] : memref<50x200x128xf32, #tpu.memory_space<vmem>>, vector<1x72x128xf32>
    %swap3A_969 = vector.shape_cast %swap3A_968 : vector<1x72x128xf32> to vector<72x128xf32>
    %swap3A_970 = vector.shape_cast %slice3A_964 : vector<72x128xf32> to vector<1x72x128xf32>
    tpu.vector_store %arg2[%swap3A_965, %swap3A_966, %swap3A_967], %swap3A_970 {strides = array<i32>} : memref<50x200x128xf32, #tpu.memory_space<vmem>>, vector<1x72x128xf32>,
    %get3A_971 = arith.constant 0 : index
    %get3A_972 = arith.constant 71 : index
    %get3A_973 = arith.constant 0 : index
    %get3A_974 = vector.load %arg1[%get3A_971, %get3A_972, %get3A_973] : memref<128x104x128xf32, #tpu.memory_space<vmem>>, vector<128x1x128xf32>
    %get3A_975 = vector.shape_cast %get3A_974 : vector<128x1x128xf32> to vector<128x128xf32>
    %transpose3A_976 = tpu.transpose %get3A_975, [1, 0] : vector<128x128xf32> -> vector<128x128xf32>
    %swap3A_977 = arith.constant 39 : index
    %swap3A_978 = arith.constant 0 : index
    %swap3A_979 = arith.constant 0 : index
    %swap3A_980 = vector.load %arg2[%swap3A_977, %swap3A_978, %swap3A_979] : memref<50x200x128xf32, #tpu.memory_space<vmem>>, vector<1x128x128xf32>
    %swap3A_981 = vector.shape_cast %swap3A_980 : vector<1x128x128xf32> to vector<128x128xf32>
    %swap3A_982 = vector.shape_cast %transpose3A_976 : vector<128x128xf32> to vector<1x128x128xf32>
    tpu.vector_store %arg2[%swap3A_977, %swap3A_978, %swap3A_979], %swap3A_982 {strides = array<i32>} : memref<50x200x128xf32, #tpu.memory_space<vmem>>, vector<1x128x128xf32>,
    %get3A_983 = arith.constant 0 : index
    %get3A_984 = arith.constant 79 : index
    %get3A_985 = arith.constant 0 : index
    %get3A_986 = vector.load %arg1[%get3A_983, %get3A_984, %get3A_985] : memref<128x104x128xf32, #tpu.memory_space<vmem>>, vector<128x1x128xf32>
    %get3A_987 = vector.shape_cast %get3A_986 : vector<128x1x128xf32> to vector<128x128xf32>
    %transpose3A_988 = tpu.transpose %get3A_987, [1, 0] : vector<128x128xf32> -> vector<128x128xf32>
    %slice3A_989 = vector.extract_strided_slice %transpose3A_988 {offsets = [0, 0], sizes = [72, 128], strides = [1, 1]} : vector<128x128xf32> to vector<72x128xf32>
    %swap3A_990 = arith.constant 39 : index
    %swap3A_991 = arith.constant 128 : index
    %swap3A_992 = arith.constant 0 : index
    %swap3A_993 = vector.load %arg2[%swap3A_990, %swap3A_991, %swap3A_992] : memref<50x200x128xf32, #tpu.memory_space<vmem>>, vector<1x72x128xf32>
    %swap3A_994 = vector.shape_cast %swap3A_993 : vector<1x72x128xf32> to vector<72x128xf32>
    %swap3A_995 = vector.shape_cast %slice3A_989 : vector<72x128xf32> to vector<1x72x128xf32>
    tpu.vector_store %arg2[%swap3A_990, %swap3A_991, %swap3A_992], %swap3A_995 {strides = array<i32>} : memref<50x200x128xf32, #tpu.memory_space<vmem>>, vector<1x72x128xf32>,
    %get3A_996 = arith.constant 0 : index
    %get3A_997 = arith.constant 80 : index
    %get3A_998 = arith.constant 0 : index
    %get3A_999 = vector.load %arg1[%get3A_996, %get3A_997, %get3A_998] : memref<128x104x128xf32, #tpu.memory_space<vmem>>, vector<128x1x128xf32>
    %get3A_1000 = vector.shape_cast %get3A_999 : vector<128x1x128xf32> to vector<128x128xf32>
    %transpose3A_1001 = tpu.transpose %get3A_1000, [1, 0] : vector<128x128xf32> -> vector<128x128xf32>
    %swap3A_1002 = arith.constant 40 : index
    %swap3A_1003 = arith.constant 0 : index
    %swap3A_1004 = arith.constant 0 : index
    %swap3A_1005 = vector.load %arg2[%swap3A_1002, %swap3A_1003, %swap3A_1004] : memref<50x200x128xf32, #tpu.memory_space<vmem>>, vector<1x128x128xf32>
    %swap3A_1006 = vector.shape_cast %swap3A_1005 : vector<1x128x128xf32> to vector<128x128xf32>
    %swap3A_1007 = vector.shape_cast %transpose3A_1001 : vector<128x128xf32> to vector<1x128x128xf32>
    tpu.vector_store %arg2[%swap3A_1002, %swap3A_1003, %swap3A_1004], %swap3A_1007 {strides = array<i32>} : memref<50x200x128xf32, #tpu.memory_space<vmem>>, vector<1x128x128xf32>,
    %get3A_1008 = arith.constant 0 : index
    %get3A_1009 = arith.constant 88 : index
    %get3A_1010 = arith.constant 0 : index
    %get3A_1011 = vector.load %arg1[%get3A_1008, %get3A_1009, %get3A_1010] : memref<128x104x128xf32, #tpu.memory_space<vmem>>, vector<128x1x128xf32>
    %get3A_1012 = vector.shape_cast %get3A_1011 : vector<128x1x128xf32> to vector<128x128xf32>
    %transpose3A_1013 = tpu.transpose %get3A_1012, [1, 0] : vector<128x128xf32> -> vector<128x128xf32>
    %slice3A_1014 = vector.extract_strided_slice %transpose3A_1013 {offsets = [0, 0], sizes = [72, 128], strides = [1, 1]} : vector<128x128xf32> to vector<72x128xf32>
    %swap3A_1015 = arith.constant 40 : index
    %swap3A_1016 = arith.constant 128 : index
    %swap3A_1017 = arith.constant 0 : index
    %swap3A_1018 = vector.load %arg2[%swap3A_1015, %swap3A_1016, %swap3A_1017] : memref<50x200x128xf32, #tpu.memory_space<vmem>>, vector<1x72x128xf32>
    %swap3A_1019 = vector.shape_cast %swap3A_1018 : vector<1x72x128xf32> to vector<72x128xf32>
    %swap3A_1020 = vector.shape_cast %slice3A_1014 : vector<72x128xf32> to vector<1x72x128xf32>
    tpu.vector_store %arg2[%swap3A_1015, %swap3A_1016, %swap3A_1017], %swap3A_1020 {strides = array<i32>} : memref<50x200x128xf32, #tpu.memory_space<vmem>>, vector<1x72x128xf32>,
    %get3A_1021 = arith.constant 0 : index
    %get3A_1022 = arith.constant 81 : index
    %get3A_1023 = arith.constant 0 : index
    %get3A_1024 = vector.load %arg1[%get3A_1021, %get3A_1022, %get3A_1023] : memref<128x104x128xf32, #tpu.memory_space<vmem>>, vector<128x1x128xf32>
    %get3A_1025 = vector.shape_cast %get3A_1024 : vector<128x1x128xf32> to vector<128x128xf32>
    %transpose3A_1026 = tpu.transpose %get3A_1025, [1, 0] : vector<128x128xf32> -> vector<128x128xf32>
    %swap3A_1027 = arith.constant 41 : index
    %swap3A_1028 = arith.constant 0 : index
    %swap3A_1029 = arith.constant 0 : index
    %swap3A_1030 = vector.load %arg2[%swap3A_1027, %swap3A_1028, %swap3A_1029] : memref<50x200x128xf32, #tpu.memory_space<vmem>>, vector<1x128x128xf32>
    %swap3A_1031 = vector.shape_cast %swap3A_1030 : vector<1x128x128xf32> to vector<128x128xf32>
    %swap3A_1032 = vector.shape_cast %transpose3A_1026 : vector<128x128xf32> to vector<1x128x128xf32>
    tpu.vector_store %arg2[%swap3A_1027, %swap3A_1028, %swap3A_1029], %swap3A_1032 {strides = array<i32>} : memref<50x200x128xf32, #tpu.memory_space<vmem>>, vector<1x128x128xf32>,
    %get3A_1033 = arith.constant 0 : index
    %get3A_1034 = arith.constant 89 : index
    %get3A_1035 = arith.constant 0 : index
    %get3A_1036 = vector.load %arg1[%get3A_1033, %get3A_1034, %get3A_1035] : memref<128x104x128xf32, #tpu.memory_space<vmem>>, vector<128x1x128xf32>
    %get3A_1037 = vector.shape_cast %get3A_1036 : vector<128x1x128xf32> to vector<128x128xf32>
    %transpose3A_1038 = tpu.transpose %get3A_1037, [1, 0] : vector<128x128xf32> -> vector<128x128xf32>
    %slice3A_1039 = vector.extract_strided_slice %transpose3A_1038 {offsets = [0, 0], sizes = [72, 128], strides = [1, 1]} : vector<128x128xf32> to vector<72x128xf32>
    %swap3A_1040 = arith.constant 41 : index
    %swap3A_1041 = arith.constant 128 : index
    %swap3A_1042 = arith.constant 0 : index
    %swap3A_1043 = vector.load %arg2[%swap3A_1040, %swap3A_1041, %swap3A_1042] : memref<50x200x128xf32, #tpu.memory_space<vmem>>, vector<1x72x128xf32>
    %swap3A_1044 = vector.shape_cast %swap3A_1043 : vector<1x72x128xf32> to vector<72x128xf32>
    %swap3A_1045 = vector.shape_cast %slice3A_1039 : vector<72x128xf32> to vector<1x72x128xf32>
    tpu.vector_store %arg2[%swap3A_1040, %swap3A_1041, %swap3A_1042], %swap3A_1045 {strides = array<i32>} : memref<50x200x128xf32, #tpu.memory_space<vmem>>, vector<1x72x128xf32>,
    %get3A_1046 = arith.constant 0 : index
    %get3A_1047 = arith.constant 82 : index
    %get3A_1048 = arith.constant 0 : index
    %get3A_1049 = vector.load %arg1[%get3A_1046, %get3A_1047, %get3A_1048] : memref<128x104x128xf32, #tpu.memory_space<vmem>>, vector<128x1x128xf32>
    %get3A_1050 = vector.shape_cast %get3A_1049 : vector<128x1x128xf32> to vector<128x128xf32>
    %transpose3A_1051 = tpu.transpose %get3A_1050, [1, 0] : vector<128x128xf32> -> vector<128x128xf32>
    %swap3A_1052 = arith.constant 42 : index
    %swap3A_1053 = arith.constant 0 : index
    %swap3A_1054 = arith.constant 0 : index
    %swap3A_1055 = vector.load %arg2[%swap3A_1052, %swap3A_1053, %swap3A_1054] : memref<50x200x128xf32, #tpu.memory_space<vmem>>, vector<1x128x128xf32>
    %swap3A_1056 = vector.shape_cast %swap3A_1055 : vector<1x128x128xf32> to vector<128x128xf32>
    %swap3A_1057 = vector.shape_cast %transpose3A_1051 : vector<128x128xf32> to vector<1x128x128xf32>
    tpu.vector_store %arg2[%swap3A_1052, %swap3A_1053, %swap3A_1054], %swap3A_1057 {strides = array<i32>} : memref<50x200x128xf32, #tpu.memory_space<vmem>>, vector<1x128x128xf32>,
    %get3A_1058 = arith.constant 0 : index
    %get3A_1059 = arith.constant 90 : index
    %get3A_1060 = arith.constant 0 : index
    %get3A_1061 = vector.load %arg1[%get3A_1058, %get3A_1059, %get3A_1060] : memref<128x104x128xf32, #tpu.memory_space<vmem>>, vector<128x1x128xf32>
    %get3A_1062 = vector.shape_cast %get3A_1061 : vector<128x1x128xf32> to vector<128x128xf32>
    %transpose3A_1063 = tpu.transpose %get3A_1062, [1, 0] : vector<128x128xf32> -> vector<128x128xf32>
    %slice3A_1064 = vector.extract_strided_slice %transpose3A_1063 {offsets = [0, 0], sizes = [72, 128], strides = [1, 1]} : vector<128x128xf32> to vector<72x128xf32>
    %swap3A_1065 = arith.constant 42 : index
    %swap3A_1066 = arith.constant 128 : index
    %swap3A_1067 = arith.constant 0 : index
    %swap3A_1068 = vector.load %arg2[%swap3A_1065, %swap3A_1066, %swap3A_1067] : memref<50x200x128xf32, #tpu.memory_space<vmem>>, vector<1x72x128xf32>
    %swap3A_1069 = vector.shape_cast %swap3A_1068 : vector<1x72x128xf32> to vector<72x128xf32>
    %swap3A_1070 = vector.shape_cast %slice3A_1064 : vector<72x128xf32> to vector<1x72x128xf32>
    tpu.vector_store %arg2[%swap3A_1065, %swap3A_1066, %swap3A_1067], %swap3A_1070 {strides = array<i32>} : memref<50x200x128xf32, #tpu.memory_space<vmem>>, vector<1x72x128xf32>,
    %get3A_1071 = arith.constant 0 : index
    %get3A_1072 = arith.constant 83 : index
    %get3A_1073 = arith.constant 0 : index
    %get3A_1074 = vector.load %arg1[%get3A_1071, %get3A_1072, %get3A_1073] : memref<128x104x128xf32, #tpu.memory_space<vmem>>, vector<128x1x128xf32>
    %get3A_1075 = vector.shape_cast %get3A_1074 : vector<128x1x128xf32> to vector<128x128xf32>
    %transpose3A_1076 = tpu.transpose %get3A_1075, [1, 0] : vector<128x128xf32> -> vector<128x128xf32>
    %swap3A_1077 = arith.constant 43 : index
    %swap3A_1078 = arith.constant 0 : index
    %swap3A_1079 = arith.constant 0 : index
    %swap3A_1080 = vector.load %arg2[%swap3A_1077, %swap3A_1078, %swap3A_1079] : memref<50x200x128xf32, #tpu.memory_space<vmem>>, vector<1x128x128xf32>
    %swap3A_1081 = vector.shape_cast %swap3A_1080 : vector<1x128x128xf32> to vector<128x128xf32>
    %swap3A_1082 = vector.shape_cast %transpose3A_1076 : vector<128x128xf32> to vector<1x128x128xf32>
    tpu.vector_store %arg2[%swap3A_1077, %swap3A_1078, %swap3A_1079], %swap3A_1082 {strides = array<i32>} : memref<50x200x128xf32, #tpu.memory_space<vmem>>, vector<1x128x128xf32>,
    %get3A_1083 = arith.constant 0 : index
    %get3A_1084 = arith.constant 91 : index
    %get3A_1085 = arith.constant 0 : index
    %get3A_1086 = vector.load %arg1[%get3A_1083, %get3A_1084, %get3A_1085] : memref<128x104x128xf32, #tpu.memory_space<vmem>>, vector<128x1x128xf32>
    %get3A_1087 = vector.shape_cast %get3A_1086 : vector<128x1x128xf32> to vector<128x128xf32>
    %transpose3A_1088 = tpu.transpose %get3A_1087, [1, 0] : vector<128x128xf32> -> vector<128x128xf32>
    %slice3A_1089 = vector.extract_strided_slice %transpose3A_1088 {offsets = [0, 0], sizes = [72, 128], strides = [1, 1]} : vector<128x128xf32> to vector<72x128xf32>
    %swap3A_1090 = arith.constant 43 : index
    %swap3A_1091 = arith.constant 128 : index
    %swap3A_1092 = arith.constant 0 : index
    %swap3A_1093 = vector.load %arg2[%swap3A_1090, %swap3A_1091, %swap3A_1092] : memref<50x200x128xf32, #tpu.memory_space<vmem>>, vector<1x72x128xf32>
    %swap3A_1094 = vector.shape_cast %swap3A_1093 : vector<1x72x128xf32> to vector<72x128xf32>
    %swap3A_1095 = vector.shape_cast %slice3A_1089 : vector<72x128xf32> to vector<1x72x128xf32>
    tpu.vector_store %arg2[%swap3A_1090, %swap3A_1091, %swap3A_1092], %swap3A_1095 {strides = array<i32>} : memref<50x200x128xf32, #tpu.memory_space<vmem>>, vector<1x72x128xf32>,
    %get3A_1096 = arith.constant 0 : index
    %get3A_1097 = arith.constant 84 : index
    %get3A_1098 = arith.constant 0 : index
    %get3A_1099 = vector.load %arg1[%get3A_1096, %get3A_1097, %get3A_1098] : memref<128x104x128xf32, #tpu.memory_space<vmem>>, vector<128x1x128xf32>
    %get3A_1100 = vector.shape_cast %get3A_1099 : vector<128x1x128xf32> to vector<128x128xf32>
    %transpose3A_1101 = tpu.transpose %get3A_1100, [1, 0] : vector<128x128xf32> -> vector<128x128xf32>
    %swap3A_1102 = arith.constant 44 : index
    %swap3A_1103 = arith.constant 0 : index
    %swap3A_1104 = arith.constant 0 : index
    %swap3A_1105 = vector.load %arg2[%swap3A_1102, %swap3A_1103, %swap3A_1104] : memref<50x200x128xf32, #tpu.memory_space<vmem>>, vector<1x128x128xf32>
    %swap3A_1106 = vector.shape_cast %swap3A_1105 : vector<1x128x128xf32> to vector<128x128xf32>
    %swap3A_1107 = vector.shape_cast %transpose3A_1101 : vector<128x128xf32> to vector<1x128x128xf32>
    tpu.vector_store %arg2[%swap3A_1102, %swap3A_1103, %swap3A_1104], %swap3A_1107 {strides = array<i32>} : memref<50x200x128xf32, #tpu.memory_space<vmem>>, vector<1x128x128xf32>,
    %get3A_1108 = arith.constant 0 : index
    %get3A_1109 = arith.constant 92 : index
    %get3A_1110 = arith.constant 0 : index
    %get3A_1111 = vector.load %arg1[%get3A_1108, %get3A_1109, %get3A_1110] : memref<128x104x128xf32, #tpu.memory_space<vmem>>, vector<128x1x128xf32>
    %get3A_1112 = vector.shape_cast %get3A_1111 : vector<128x1x128xf32> to vector<128x128xf32>
    %transpose3A_1113 = tpu.transpose %get3A_1112, [1, 0] : vector<128x128xf32> -> vector<128x128xf32>
    %slice3A_1114 = vector.extract_strided_slice %transpose3A_1113 {offsets = [0, 0], sizes = [72, 128], strides = [1, 1]} : vector<128x128xf32> to vector<72x128xf32>
    %swap3A_1115 = arith.constant 44 : index
    %swap3A_1116 = arith.constant 128 : index
    %swap3A_1117 = arith.constant 0 : index
    %swap3A_1118 = vector.load %arg2[%swap3A_1115, %swap3A_1116, %swap3A_1117] : memref<50x200x128xf32, #tpu.memory_space<vmem>>, vector<1x72x128xf32>
    %swap3A_1119 = vector.shape_cast %swap3A_1118 : vector<1x72x128xf32> to vector<72x128xf32>
    %swap3A_1120 = vector.shape_cast %slice3A_1114 : vector<72x128xf32> to vector<1x72x128xf32>
    tpu.vector_store %arg2[%swap3A_1115, %swap3A_1116, %swap3A_1117], %swap3A_1120 {strides = array<i32>} : memref<50x200x128xf32, #tpu.memory_space<vmem>>, vector<1x72x128xf32>,
    %get3A_1121 = arith.constant 0 : index
    %get3A_1122 = arith.constant 85 : index
    %get3A_1123 = arith.constant 0 : index
    %get3A_1124 = vector.load %arg1[%get3A_1121, %get3A_1122, %get3A_1123] : memref<128x104x128xf32, #tpu.memory_space<vmem>>, vector<128x1x128xf32>
    %get3A_1125 = vector.shape_cast %get3A_1124 : vector<128x1x128xf32> to vector<128x128xf32>
    %transpose3A_1126 = tpu.transpose %get3A_1125, [1, 0] : vector<128x128xf32> -> vector<128x128xf32>
    %swap3A_1127 = arith.constant 45 : index
    %swap3A_1128 = arith.constant 0 : index
    %swap3A_1129 = arith.constant 0 : index
    %swap3A_1130 = vector.load %arg2[%swap3A_1127, %swap3A_1128, %swap3A_1129] : memref<50x200x128xf32, #tpu.memory_space<vmem>>, vector<1x128x128xf32>
    %swap3A_1131 = vector.shape_cast %swap3A_1130 : vector<1x128x128xf32> to vector<128x128xf32>
    %swap3A_1132 = vector.shape_cast %transpose3A_1126 : vector<128x128xf32> to vector<1x128x128xf32>
    tpu.vector_store %arg2[%swap3A_1127, %swap3A_1128, %swap3A_1129], %swap3A_1132 {strides = array<i32>} : memref<50x200x128xf32, #tpu.memory_space<vmem>>, vector<1x128x128xf32>,
    %get3A_1133 = arith.constant 0 : index
    %get3A_1134 = arith.constant 93 : index
    %get3A_1135 = arith.constant 0 : index
    %get3A_1136 = vector.load %arg1[%get3A_1133, %get3A_1134, %get3A_1135] : memref<128x104x128xf32, #tpu.memory_space<vmem>>, vector<128x1x128xf32>
    %get3A_1137 = vector.shape_cast %get3A_1136 : vector<128x1x128xf32> to vector<128x128xf32>
    %transpose3A_1138 = tpu.transpose %get3A_1137, [1, 0] : vector<128x128xf32> -> vector<128x128xf32>
    %slice3A_1139 = vector.extract_strided_slice %transpose3A_1138 {offsets = [0, 0], sizes = [72, 128], strides = [1, 1]} : vector<128x128xf32> to vector<72x128xf32>
    %swap3A_1140 = arith.constant 45 : index
    %swap3A_1141 = arith.constant 128 : index
    %swap3A_1142 = arith.constant 0 : index
    %swap3A_1143 = vector.load %arg2[%swap3A_1140, %swap3A_1141, %swap3A_1142] : memref<50x200x128xf32, #tpu.memory_space<vmem>>, vector<1x72x128xf32>
    %swap3A_1144 = vector.shape_cast %swap3A_1143 : vector<1x72x128xf32> to vector<72x128xf32>
    %swap3A_1145 = vector.shape_cast %slice3A_1139 : vector<72x128xf32> to vector<1x72x128xf32>
    tpu.vector_store %arg2[%swap3A_1140, %swap3A_1141, %swap3A_1142], %swap3A_1145 {strides = array<i32>} : memref<50x200x128xf32, #tpu.memory_space<vmem>>, vector<1x72x128xf32>,
    %get3A_1146 = arith.constant 0 : index
    %get3A_1147 = arith.constant 86 : index
    %get3A_1148 = arith.constant 0 : index
    %get3A_1149 = vector.load %arg1[%get3A_1146, %get3A_1147, %get3A_1148] : memref<128x104x128xf32, #tpu.memory_space<vmem>>, vector<128x1x128xf32>
    %get3A_1150 = vector.shape_cast %get3A_1149 : vector<128x1x128xf32> to vector<128x128xf32>
    %transpose3A_1151 = tpu.transpose %get3A_1150, [1, 0] : vector<128x128xf32> -> vector<128x128xf32>
    %swap3A_1152 = arith.constant 46 : index
    %swap3A_1153 = arith.constant 0 : index
    %swap3A_1154 = arith.constant 0 : index
    %swap3A_1155 = vector.load %arg2[%swap3A_1152, %swap3A_1153, %swap3A_1154] : memref<50x200x128xf32, #tpu.memory_space<vmem>>, vector<1x128x128xf32>
    %swap3A_1156 = vector.shape_cast %swap3A_1155 : vector<1x128x128xf32> to vector<128x128xf32>
    %swap3A_1157 = vector.shape_cast %transpose3A_1151 : vector<128x128xf32> to vector<1x128x128xf32>
    tpu.vector_store %arg2[%swap3A_1152, %swap3A_1153, %swap3A_1154], %swap3A_1157 {strides = array<i32>} : memref<50x200x128xf32, #tpu.memory_space<vmem>>, vector<1x128x128xf32>,
    %get3A_1158 = arith.constant 0 : index
    %get3A_1159 = arith.constant 94 : index
    %get3A_1160 = arith.constant 0 : index
    %get3A_1161 = vector.load %arg1[%get3A_1158, %get3A_1159, %get3A_1160] : memref<128x104x128xf32, #tpu.memory_space<vmem>>, vector<128x1x128xf32>
    %get3A_1162 = vector.shape_cast %get3A_1161 : vector<128x1x128xf32> to vector<128x128xf32>
    %transpose3A_1163 = tpu.transpose %get3A_1162, [1, 0] : vector<128x128xf32> -> vector<128x128xf32>
    %slice3A_1164 = vector.extract_strided_slice %transpose3A_1163 {offsets = [0, 0], sizes = [72, 128], strides = [1, 1]} : vector<128x128xf32> to vector<72x128xf32>
    %swap3A_1165 = arith.constant 46 : index
    %swap3A_1166 = arith.constant 128 : index
    %swap3A_1167 = arith.constant 0 : index
    %swap3A_1168 = vector.load %arg2[%swap3A_1165, %swap3A_1166, %swap3A_1167] : memref<50x200x128xf32, #tpu.memory_space<vmem>>, vector<1x72x128xf32>
    %swap3A_1169 = vector.shape_cast %swap3A_1168 : vector<1x72x128xf32> to vector<72x128xf32>
    %swap3A_1170 = vector.shape_cast %slice3A_1164 : vector<72x128xf32> to vector<1x72x128xf32>
    tpu.vector_store %arg2[%swap3A_1165, %swap3A_1166, %swap3A_1167], %swap3A_1170 {strides = array<i32>} : memref<50x200x128xf32, #tpu.memory_space<vmem>>, vector<1x72x128xf32>,
    %get3A_1171 = arith.constant 0 : index
    %get3A_1172 = arith.constant 87 : index
    %get3A_1173 = arith.constant 0 : index
    %get3A_1174 = vector.load %arg1[%get3A_1171, %get3A_1172, %get3A_1173] : memref<128x104x128xf32, #tpu.memory_space<vmem>>, vector<128x1x128xf32>
    %get3A_1175 = vector.shape_cast %get3A_1174 : vector<128x1x128xf32> to vector<128x128xf32>
    %transpose3A_1176 = tpu.transpose %get3A_1175, [1, 0] : vector<128x128xf32> -> vector<128x128xf32>
    %swap3A_1177 = arith.constant 47 : index
    %swap3A_1178 = arith.constant 0 : index
    %swap3A_1179 = arith.constant 0 : index
    %swap3A_1180 = vector.load %arg2[%swap3A_1177, %swap3A_1178, %swap3A_1179] : memref<50x200x128xf32, #tpu.memory_space<vmem>>, vector<1x128x128xf32>
    %swap3A_1181 = vector.shape_cast %swap3A_1180 : vector<1x128x128xf32> to vector<128x128xf32>
    %swap3A_1182 = vector.shape_cast %transpose3A_1176 : vector<128x128xf32> to vector<1x128x128xf32>
    tpu.vector_store %arg2[%swap3A_1177, %swap3A_1178, %swap3A_1179], %swap3A_1182 {strides = array<i32>} : memref<50x200x128xf32, #tpu.memory_space<vmem>>, vector<1x128x128xf32>,
    %get3A_1183 = arith.constant 0 : index
    %get3A_1184 = arith.constant 95 : index
    %get3A_1185 = arith.constant 0 : index
    %get3A_1186 = vector.load %arg1[%get3A_1183, %get3A_1184, %get3A_1185] : memref<128x104x128xf32, #tpu.memory_space<vmem>>, vector<128x1x128xf32>
    %get3A_1187 = vector.shape_cast %get3A_1186 : vector<128x1x128xf32> to vector<128x128xf32>
    %transpose3A_1188 = tpu.transpose %get3A_1187, [1, 0] : vector<128x128xf32> -> vector<128x128xf32>
    %slice3A_1189 = vector.extract_strided_slice %transpose3A_1188 {offsets = [0, 0], sizes = [72, 128], strides = [1, 1]} : vector<128x128xf32> to vector<72x128xf32>
    %swap3A_1190 = arith.constant 47 : index
    %swap3A_1191 = arith.constant 128 : index
    %swap3A_1192 = arith.constant 0 : index
    %swap3A_1193 = vector.load %arg2[%swap3A_1190, %swap3A_1191, %swap3A_1192] : memref<50x200x128xf32, #tpu.memory_space<vmem>>, vector<1x72x128xf32>
    %swap3A_1194 = vector.shape_cast %swap3A_1193 : vector<1x72x128xf32> to vector<72x128xf32>
    %swap3A_1195 = vector.shape_cast %slice3A_1189 : vector<72x128xf32> to vector<1x72x128xf32>
    tpu.vector_store %arg2[%swap3A_1190, %swap3A_1191, %swap3A_1192], %swap3A_1195 {strides = array<i32>} : memref<50x200x128xf32, #tpu.memory_space<vmem>>, vector<1x72x128xf32>,
    %get3A_1196 = arith.constant 0 : index
    %get3A_1197 = arith.constant 96 : index
    %get3A_1198 = arith.constant 0 : index
    %get3A_1199 = vector.load %arg1[%get3A_1196, %get3A_1197, %get3A_1198] : memref<128x104x128xf32, #tpu.memory_space<vmem>>, vector<128x1x128xf32>
    %get3A_1200 = vector.shape_cast %get3A_1199 : vector<128x1x128xf32> to vector<128x128xf32>
    %transpose3A_1201 = tpu.transpose %get3A_1200, [1, 0] : vector<128x128xf32> -> vector<128x128xf32>
    %swap3A_1202 = arith.constant 48 : index
    %swap3A_1203 = arith.constant 0 : index
    %swap3A_1204 = arith.constant 0 : index
    %swap3A_1205 = vector.load %arg2[%swap3A_1202, %swap3A_1203, %swap3A_1204] : memref<50x200x128xf32, #tpu.memory_space<vmem>>, vector<1x128x128xf32>
    %swap3A_1206 = vector.shape_cast %swap3A_1205 : vector<1x128x128xf32> to vector<128x128xf32>
    %swap3A_1207 = vector.shape_cast %transpose3A_1201 : vector<128x128xf32> to vector<1x128x128xf32>
    tpu.vector_store %arg2[%swap3A_1202, %swap3A_1203, %swap3A_1204], %swap3A_1207 {strides = array<i32>} : memref<50x200x128xf32, #tpu.memory_space<vmem>>, vector<1x128x128xf32>,
    %get3A_1208 = arith.constant 0 : index
    %get3A_1209 = arith.constant 98 : index
    %get3A_1210 = arith.constant 0 : index
    %get3A_1211 = vector.load %arg1[%get3A_1208, %get3A_1209, %get3A_1210] : memref<128x104x128xf32, #tpu.memory_space<vmem>>, vector<128x1x128xf32>
    %get3A_1212 = vector.shape_cast %get3A_1211 : vector<128x1x128xf32> to vector<128x128xf32>
    %transpose3A_1213 = tpu.transpose %get3A_1212, [1, 0] : vector<128x128xf32> -> vector<128x128xf32>
    %slice3A_1214 = vector.extract_strided_slice %transpose3A_1213 {offsets = [0, 0], sizes = [72, 128], strides = [1, 1]} : vector<128x128xf32> to vector<72x128xf32>
    %swap3A_1215 = arith.constant 48 : index
    %swap3A_1216 = arith.constant 128 : index
    %swap3A_1217 = arith.constant 0 : index
    %swap3A_1218 = vector.load %arg2[%swap3A_1215, %swap3A_1216, %swap3A_1217] : memref<50x200x128xf32, #tpu.memory_space<vmem>>, vector<1x72x128xf32>
    %swap3A_1219 = vector.shape_cast %swap3A_1218 : vector<1x72x128xf32> to vector<72x128xf32>
    %swap3A_1220 = vector.shape_cast %slice3A_1214 : vector<72x128xf32> to vector<1x72x128xf32>
    tpu.vector_store %arg2[%swap3A_1215, %swap3A_1216, %swap3A_1217], %swap3A_1220 {strides = array<i32>} : memref<50x200x128xf32, #tpu.memory_space<vmem>>, vector<1x72x128xf32>,
    %get3A_1221 = arith.constant 0 : index
    %get3A_1222 = arith.constant 97 : index
    %get3A_1223 = arith.constant 0 : index
    %get3A_1224 = vector.load %arg1[%get3A_1221, %get3A_1222, %get3A_1223] : memref<128x104x128xf32, #tpu.memory_space<vmem>>, vector<128x1x128xf32>
    %get3A_1225 = vector.shape_cast %get3A_1224 : vector<128x1x128xf32> to vector<128x128xf32>
    %transpose3A_1226 = tpu.transpose %get3A_1225, [1, 0] : vector<128x128xf32> -> vector<128x128xf32>
    %swap3A_1227 = arith.constant 49 : index
    %swap3A_1228 = arith.constant 0 : index
    %swap3A_1229 = arith.constant 0 : index
    %swap3A_1230 = vector.load %arg2[%swap3A_1227, %swap3A_1228, %swap3A_1229] : memref<50x200x128xf32, #tpu.memory_space<vmem>>, vector<1x128x128xf32>
    %swap3A_1231 = vector.shape_cast %swap3A_1230 : vector<1x128x128xf32> to vector<128x128xf32>
    %swap3A_1232 = vector.shape_cast %transpose3A_1226 : vector<128x128xf32> to vector<1x128x128xf32>
    tpu.vector_store %arg2[%swap3A_1227, %swap3A_1228, %swap3A_1229], %swap3A_1232 {strides = array<i32>} : memref<50x200x128xf32, #tpu.memory_space<vmem>>, vector<1x128x128xf32>,
    %get3A_1233 = arith.constant 0 : index
    %get3A_1234 = arith.constant 99 : index
    %get3A_1235 = arith.constant 0 : index
    %get3A_1236 = vector.load %arg1[%get3A_1233, %get3A_1234, %get3A_1235] : memref<128x104x128xf32, #tpu.memory_space<vmem>>, vector<128x1x128xf32>
    %get3A_1237 = vector.shape_cast %get3A_1236 : vector<128x1x128xf32> to vector<128x128xf32>
    %transpose3A_1238 = tpu.transpose %get3A_1237, [1, 0] : vector<128x128xf32> -> vector<128x128xf32>
    %slice3A_1239 = vector.extract_strided_slice %transpose3A_1238 {offsets = [0, 0], sizes = [72, 128], strides = [1, 1]} : vector<128x128xf32> to vector<72x128xf32>
    %swap3A_1240 = arith.constant 49 : index
    %swap3A_1241 = arith.constant 128 : index
    %swap3A_1242 = arith.constant 0 : index
    %swap3A_1243 = vector.load %arg2[%swap3A_1240, %swap3A_1241, %swap3A_1242] : memref<50x200x128xf32, #tpu.memory_space<vmem>>, vector<1x72x128xf32>
    %swap3A_1244 = vector.shape_cast %swap3A_1243 : vector<1x72x128xf32> to vector<72x128xf32>
    %swap3A_1245 = vector.shape_cast %slice3A_1239 : vector<72x128xf32> to vector<1x72x128xf32>
    tpu.vector_store %arg2[%swap3A_1240, %swap3A_1241, %swap3A_1242], %swap3A_1245 {strides = array<i32>} : memref<50x200x128xf32, #tpu.memory_space<vmem>>, vector<1x72x128xf32>,
    return
  }
  func.func @transform_0(%arg0: i32) -> (i32, i32, i32) {
    %c0_i32 = arith.constant 0 : i32
    %c0_i32_0 = arith.constant 0 : i32
    %c0_i32_1 = arith.constant 0 : i32
    return %arg0, %c0_i32, %c0_i32_0 : i32, i32, i32
  }
  func.func @transform_1(%arg0: i32) -> (i32, i32, i32) {
    %c0_i32 = arith.constant 0 : i32
    %c0_i32_0 = arith.constant 0 : i32
    %c0_i32_1 = arith.constant 0 : i32
    return %c0_i32, %c0_i32_0, %arg0 : i32, i32, i32
  }
}

</mosaic_0001>

<sc_bundles>
// kernel: kernel.6.cloned.1.call-start
scs
__scs_entry_jumppad:
0x0: {  	(pc) =	sbr.rel $0x88, $3  }
0x1: {  	(tag) =	ssettag $0x0;
	lr =	simm.s32 $0x1  }
0x2: {  	[smem:$0x3F9F] =	sst lr;
	_ =	strace $0xD0000000  }
0x3: {  	_ = 	snop  }
0x4: {  	_ = 	snop  }
0x5: {  	_ = 	snop  }
0x6: {  	_ = 	snop  }
0x7: {  	_ = 	snop  }
__scs_overlays_trampoline_lowered:
0x8: {  	[smem:$0x3FAE] =	sst s0  }
0x9: {  	[smem:$0x3FAF] =	sst s1  }
0xa: {  	[smem:$0x3FB0] =	sst s2  }
0xb: {  	[smem:$0x3FB1] =	sst s3  }
0xc: {  	[smem:$0x3FB2] =	sst s4  }
0xd: {  	[smem:$0x3FB3] =	sst s5  }
0xe: {  	[smem:$0x3FB4] =	sst s6  }
0xf: {  	[smem:$0x3FB5] =	sst s7  }
0x10: {  	[smem:$0x3FB6] =	sst s8  }
0x11: {  	[smem:$0x3FB7] =	sst s9;
	s0 =	simm.s32 @!p0 $0x0  }
0x12: {  	s1 =	sld [smem:$0x3F9D];
	s0 =	simm.s32 @p0 $0x1  }
0x13: {  	[smem:$0x3FB8] =	sst s0;
	s0 =	simm.s32 @!p1 $0x0  }
0x14: {  	s2 =	sld [smem:$0x3F9C];
	s0 =	simm.s32 @p1 $0x1  }
0x15: {  	[smem:$0x3FB9] =	sst s0;
	s0 =	simm.s32 @!p2 $0x0  }
0x16: {  	s3 =	sld [smem:$0x3FDB];
	s0 =	simm.s32 @p2 $0x1  }
0x17: {  	s4 =	simm.s32 $0x1BF5;
	[smem:$0x3FBB] =	sst s0  }
0x18: {  	s0 =	sld [smem:$0x3F9E];
	_ =	swait.ge [sflag:s4], $0x0  }
0x19: {  	s7 =	sld [smem:$0x3F9F]  }
0x1a: {  	s8 =	sadd.s32 $0xFFFFE003, lr  }
0x1b: {  	s9 =	sadd.s32 $0xFFFFFEF7, lr;
	s5 =	simm.s32 $0xFFFFFFFF;
	p2 =	slt.u32 s8, $0xFFFFF086  }
0x1c: {  	p1 =	slt.u32 s9, $0xF7A;
	s5 =	simm.s32 @!p2 $0x0  }
0x1d: {  	s5 =	simm.s32 @p1 $0x1;
	p0 =	seq.s32 s7, s2  }
0x1e: {  	s7 =	smul.u32 @!p0 $0xF7A, s2;
	p2 =	seq.s32 @!p0 s5, $0x0  }
0x1f: {  	s9 =	smul.u32 $0xF7A, s1;
	s8 =	simm.s32 @!p0 $0x1BF5;
	p2 =	por !p2, p0  }
0x20: {  	[sflag:s8] =	ssyncset.s32 @!p0 $0xFFFFF086;
	s6 =	sadd.s32 @!p0 s3, s7;
	s7 =	simm.s32 @!p0 $0x108  }
0x21: {  	s3 =	sadd.s32 s3, s9;
	s6 =	sadd.s32 @!p0 $0x88, s6;
	s7 =	simm.s32 @p2 $0x1082  }
0x22: {  	[simem:s7], [sflag:s8] =	dma.local @!p0 [hbm:s6], $0xF7A  }
0x23: {  	s9 =	sor.u32 $0xD0000000, s2;
	s6 =	simm.s32 $0x108;
	_ =	swait.ge @!p0 [sflag:s8], $0x0  }
0x24: {  	s3 =	sadd.s32 $0x88, s3;
	s6 =	simm.s32 @!p1 $0x1082;
	[sflag:s4] =	ssyncset.s32 $0xFFFFF086  }
0x25: {  	[simem:s6], [sflag:s4] =	dma.local [hbm:s3], $0xF7A  }
0x26: {  	[smem:$0x3F9F] =	sst s1;
	(tag) =	ssettag s2;
	_ =	strace s9  }
0x27: {  	s1 =	sld [smem:$0x3FAF]  }
0x28: {  	s2 =	sld [smem:$0x3FB0]  }
0x29: {  	s4 =	sld [smem:$0x3FB2]  }
0x2a: {  	p0 =	seq.s32 s5, $0x0;
	s5 =	sld [smem:$0x3FB3]  }
0x2b: {  	s6 =	sld [smem:$0x3FB4]  }
0x2c: {  	s7 =	sld [smem:$0x3FB5]  }
0x2d: {  	s3 =	simm.s32 $0x108;
	s8 =	sld [smem:$0x3FB6]  }
0x2e: {  	s3 =	simm.s32 @!p0 $0x1082;
	s9 =	sld [smem:$0x3FB7]  }
0x2f: {  	lr =	sadd.s32 s0, s3;
	s0 =	sld [smem:$0x3FAE]  }
0x30: {  	s3 =	sld [smem:$0x3FB1]  }
0x31: {  	[smem:$0x3FBA] =	sst s10  }
0x32: {  	s10 =	sld [smem:$0x3FB8];
	_ =	sdelay $0x3  }
0x33: {  	p0 =	seq.s32 s10, $0x1;
	s10 =	sld [smem:$0x3FBA];
	_ =	sdelay $0x3  }
0x34: {  	[smem:$0x3FBA] =	sst s10  }
0x35: {  	s10 =	sld [smem:$0x3FB9];
	_ =	sdelay $0x3  }
0x36: {  	p1 =	seq.s32 s10, $0x1;
	s10 =	sld [smem:$0x3FBA];
	_ =	sdelay $0x3  }
0x37: {  	[smem:$0x3FBA] =	sst s10  }
0x38: {  	s10 =	sld [smem:$0x3FBB]  }
0x39: {  	_ = 	snop;
	(pc) =	sbr.ind lr, $3  }
0x3a: {  	_ = 	snop  }
0x3b: {  	_ = 	snop  }
0x3c: {  	p2 =	seq.s32 s10, $0x1;
	s10 =	sld [smem:$0x3FBA]  }
0x3d: {  	_ =	shalt  }
0x3e: {  	_ =	shalt  }
0x3f: {  	_ =	shalt  }
0x40: {  	_ =	shalt  }
0x41: {  	_ =	shalt  }
0x42: {  	_ =	shalt  }
0x43: {  	_ =	shalt  }
0x44: {  	_ =	shalt  }
0x45: {  	_ =	shalt  }
0x46: {  	_ =	shalt  }
0x47: {  	_ =	shalt  }
0x48: {  	_ =	shalt  }
0x49: {  	_ =	shalt  }
0x4a: {  	_ =	shalt  }
0x4b: {  	_ =	shalt  }
0x4c: {  	_ =	shalt  }
0x4d: {  	_ =	shalt  }
0x4e: {  	_ =	shalt  }
0x4f: {  	_ =	shalt  }
0x50: {  	_ =	shalt  }
0x51: {  	_ =	shalt  }
0x52: {  	_ =	shalt  }
0x53: {  	_ =	shalt  }
0x54: {  	_ =	shalt  }
0x55: {  	_ =	shalt  }
0x56: {  	_ =	shalt  }
0x57: {  	_ =	shalt  }
0x58: {  	_ =	shalt  }
0x59: {  	_ =	shalt  }
0x5a: {  	_ =	shalt  }
0x5b: {  	_ =	shalt  }
0x5c: {  	_ =	shalt  }
0x5d: {  	_ =	shalt  }
0x5e: {  	_ =	shalt  }
0x5f: {  	_ =	shalt  }
0x60: {  	_ =	shalt  }
0x61: {  	_ =	shalt  }
0x62: {  	_ =	shalt  }
0x63: {  	_ =	shalt  }
0x64: {  	_ =	shalt  }
0x65: {  	_ =	shalt  }
0x66: {  	_ =	shalt  }
0x67: {  	_ =	shalt  }
0x68: {  	_ =	shalt  }
0x69: {  	_ =	shalt  }
0x6a: {  	_ =	shalt  }
0x6b: {  	_ =	shalt  }
0x6c: {  	_ =	shalt  }
0x6d: {  	_ =	shalt  }
0x6e: {  	_ =	shalt  }
0x6f: {  	_ =	shalt  }
0x70: {  	_ =	shalt  }
0x71: {  	_ =	shalt  }
0x72: {  	_ =	shalt  }
0x73: {  	_ =	shalt  }
0x74: {  	_ =	shalt  }
0x75: {  	_ =	shalt  }
0x76: {  	_ =	shalt  }
0x77: {  	_ =	shalt  }
0x78: {  	_ =	shalt  }
0x79: {  	_ =	shalt  }
0x7a: {  	_ =	shalt  }
0x7b: {  	_ =	shalt  }
0x7c: {  	_ =	shalt  }
0x7d: {  	_ =	shalt  }
0x7e: {  	_ =	shalt  }
0x7f: {  	_ =	shalt  }
0x80: {  	_ =	shalt  }
0x81: {  	_ =	shalt  }
0x82: {  	_ =	shalt  }
0x83: {  	_ =	shalt  }
0x84: {  	_ =	shalt  }
0x85: {  	_ =	shalt  }
0x86: {  	_ =	shalt  }
0x87: {  	_ =	shalt  }
.Lfunc_end0:
.L_simem_size_0:
called_computation_lowered:
.L_overlay_start_0:
0x88: {  	s2 =	sld [smem:$0x3FD9]  }
0x89: {  	s3 =	sld [smem:$0x3FFE];
	_ =	sdelay $0x1  }
0x8a: {  	s1 =	srdreg.scid  }
0x8b: {  	s0 =	sand.u32 $0x1, s1  }
0x8c: {  	s17 =	sshll.u32 s0, $0xA;
	s2 =	sadd.s32 s3, s2  }
0x8d: {  	s2 =	sadd.s32 s2, s17  }
0x8e: {  	[smem:$0x3FC6] =	sst s2  }
0x8f: {  	_ = 	snop  }
0x90: {  	s2 =	sld [smem:$0x3FD0];
	(tm) =	ssettm $0x1  }
0x91: {  	s18 =	sld [smem:$0x3FFB];
	_ =	sdelay $0x3  }
0x92: {  	_ =	strace s18  }
0x93: {  	s3 =	sld [smem:$0x3FFC];
	_ =	sdelay $0x3  }
0x94: {  	_ =	strace s3  }
0x95: {  	s3 =	sld [smem:$0x3FFD];
	_ =	sdelay $0x3  }
0x96: {  	_ =	strace s3  }
0x97: {  	_ =	strace $0x8FFFFFFF  }
0x98: {  	s19 =	sld [smem:$0x3FDB];
	_ =	sdelay $0x1  }
0x99: {  	s4 =	simm.s32 $_scs_section_size  }
0x9a: {  	s5 =	simm.s32 $_size__tile_overlayer_lowered;
	s6 =	simm.s32 $_tile_overlayer_lowered  }
0x9b: {  	s22 =	simm.s32 $0x1BFF;
	s21 =	sshll.u32 s6, $0x1;
	s3 =	sadd.s32 s4, s19  }
0x9c: {  	s7 =	simm.s32 $0x0;
	s20 =	sshll.u32 s5, $0x1;
	s5 =	sadd.s32 s21, s3  }
0x9d: {  	[timem:s7], [sflag:s22] =	dma.local [hbm:s5], s20  }
0x9e: {  	_ =	swait.ge [sflag:s22], s20  }
0x9f: {  	s4 =	ssub.s32 $0x0, s20;
	[sflag:s22] =	ssyncset.done $0x0  }
0xa0: {  	[sflag:s22] =	ssyncadd.s32 s4;
	_ =	sdelay $0x1  }
0xa1: {  	s23 =	simm.s32 $0x1B8B  }
0xa2: {  	_ =	swait.ge [sflag:s23], $0x1  }
0xa3: {  	[sflag:s23] =	ssyncset.done $0x0  }
0xa4: {  	s25 =	simm.s32 $0x1B8E;
	s24 =	sld [smem:$0x3FFE];
	[sflag:s23] =	ssyncadd.s32 $0xFFFFFFFF  }
0xa5: {  	s26 =	simm.s32 $execute0_lowered;
	[smem:$0x3FD2] =	sst s25  }
0xa6: {  	s5 =	sshll.u32 s26, $0x1;
	_ =	strace $0x80000046;
	[dreg:$0x1] =	wrdreg $0xFFFFFFFF  }
0xa7: {  	s28 =	simm.s32 $_size_execute0_lowered;
	s3 =	sadd.s32 s3, s5;
	[dreg:$0x0] =	wrdreg $0x0  }
0xa8: {  	s5 =	sshll.u32 s28, $0x1;
	[dreg:$0x2] =	wrdreg s3  }
0xa9: {  	[dreg:$0x3] =	wrdreg s5  }
0xaa: {  	[dreg:$0x4] =	wrdreg $0xC0  }
0xab: {  	_ =	task [dreg:s7], $0x5FFFF  }
0xac: {  	[dreg:$0x1] =	wrdreg $0xFFFFFFFF  }
0xad: {  	[dreg:$0x0] =	wrdreg $0x60  }
0xae: {  	[dreg:$0x2] =	wrdreg s2  }
0xaf: {  	[dreg:$0x3] =	wrdreg s24  }
0xb0: {  	[dreg:$0x4] =	wrdreg $0x91680  }
0xb1: {  	[dreg:$0x5] =	wrdreg $0x9  }
0xb2: {  	_ =	task.clear_ibuf [dreg:s7], $0x6FFFF;
	_ =	strace $0x90000046  }
0xb3: {  	s29 =	simm.s32 $0x9;
	_ =	strace $0x80000048  }
0xb4: {  	_ =	swait.ge [sflag:s29], $0x1  }
0xb5: {  	[sflag:s29] =	ssyncadd.s32 $0xFFFFFFFF  }
0xb6: {  	_ =	strace $0x90000048  }
0xb7: {  	_ =	sfence  }
0xb8: {  	s30 =	sld [smem:$0x0];
	_ =	sdelay $0x2  }
0xb9: {  	s31 =	sshll.u32 s1, $0xD;
	s1 =	sshrl.u32 s1, $0x2  }
0xba: {  	s3 =	sand.u32 $0x4000, s31;
	s1 =	sadd.s32 s1, s30  }
0xbb: {  	s0 =	sor.u32 s3, s0;
	s1 =	sshll.u32 s1, $0x11  }
0xbc: {  	s0 =	sor.u32 s1, s0  }
0xbd: {  	s0 =	sadd.s32 $0x8F2B, s0  }
0xbe: {  	[sflag:s0] =	ssyncadd.remote.s32 $0x1  }
0xbf: {  	_ =	sfence.sel $0xFFFF  }
0xc0: {  	[dreg:$0x0] =	wrdreg $0xFFFFFFFF;
	(pc) =	sbr.abs _section_cstart, $3  }
0xc1: {  	[dreg:$0x1] =	wrdreg $0xFFFFFFFF  }
0xc2: {  	_ =	task.clear_ibuf [dreg:s7], $0x2FFFF;
	_ =	strace $0x9FFFFFFF  }
0xc3: {  	(tm) =	ssettm $0x7FFFFFFF  }
tec
execute0_lowered:
.L_overlay_start_1:
0x0: {  	(tag) =	ssettag $0x1  }
0x1: {  	s0 =	rddreg [dreg:$0x0]  }
0x2: {  	s4 =	rddreg [dreg:$0x1]  }
0x3: {  	s1 =	rddreg [dreg:$0x2]  }
0x4: {  	s3 =	srdreg.scid;
	s12 =	stileid.u32;
	s2 =	simm.s32 $0x0  }
0x5: {  	s15 =	simm.s32 $0x98D8;
	s17 =	simm.s32 $0xCAD8;
	s19 =	simm.s32 $0xFCD8  }
0x6: {  	s21 =	simm.s32 $0x12ED8;
	s22 =	simm.s32 $0x1;
	s23 =	simm.s32 $0x2  }
0x7: {  	s24 =	simm.s32 $0x3;
	s28 =	simm.s32 $0x6;
	s29 =	simm.s32 $0x7  }
0x8: {  	s30 =	simm.s32 $0x8;
	s31 =	simm.s32 $0x0;
	s9 =	sand.u32 $0x1, s3  }
0x9: {  	s25 =	sshll.u32 s12, $0x1;
	[smem:$0x7FF] =	sst s2;
	s3 =	sadd.s32 $0xC00, s4  }
0xa: {  	s11 =	sadd.s32 $0x1E00, s4;
	s4 =	sadd.s32 $0x1C00, s4;
	s26 =	smul.u32 $0x34000, s12  }
0xb: {  	p0 =	sne.s32 s12, $0x0;
	s5 =	sor.u32 s9, s25;
	s14 =	smul.u32 $0x1A000, s9  }
0xc: {  	s12 =	simm.s32 $0x9;
	s7 =	ssub.s32 $0x2, s9;
	s6 =	smul.u32 $0xD0000, s5  }
0xd: {  	_ =	strace $0x80000047;
	s8 =	sshrl.u32 s7, $0x1;
	s5 =	smul.u32 $0x340, s5  }
0xe: {  	s25 =	simm.s32 $0x4;
	s10 =	ssub.s32 s7, s8;
	s6 =	sshrl.u32 s6, $0x3  }
0xf: {  	s5 =	sadd.s32 s0, s5;
	s10 =	smax.u32 s10, $0x1;
	s0 =	sadd.s32 s26, s11  }
0x10: {  	s26 =	simm.s32 $0x5;
	s13 =	sadd.s32 s11, s6;
	s11 =	sadd.s32 s14, s0  }
0x11: {  	s14 =	simm.s32 $0x64;
	s6 =	sadd.s32 $0x18600, s13;
	s7 =	sadd.s32 $0x18C80, s13  }
0x12: {  	s8 =	sadd.s32 $0x19300, s13;
	s9 =	sadd.s32 $0x19980, s13;
	s13 =	simm.s32 $0x1A00  }
.LBB2_1:
0x13: {  	s0 =	simm.s32 @!p0 $0x0;
	s16 =	simm.s32 @!p0 $0x1A68  }
0x14: {  	[tilespmem:s16], [sflag:$0x9] =	stream.linear.gather @!p0 [hbm4b:s3+s0], $0x7700, $0x38;
	[tilespmem:$0x160D8] =	vst v63  }
0x15: {  	s0 =	simm.s32 @!p0 $0x9  }
0x16: {  	_ =	swait.ge @!p0 [sflag:s0], $0x7700  }
0x17: {  	[sflag:s0] =	ssyncset.done @!p0 $0x0  }
0x18: {  	[sflag:s0] =	ssyncadd.s32 @!p0 $0xFFFF8900  }
0x19: {  	[spmem:s1] =	stream.linear.scatter @!p0 [tilespmem:s16], [sflag:$0x9], $0x7700, $0x38;
	[tilespmem:$0x160D8] =	vst v63  }
0x1a: {  	_ =	swait.ge @!p0 [sflag:s0], $0x7700  }
0x1b: {  	[sflag:s0] =	ssyncset.done @!p0 $0x0  }
0x1c: {  	[sflag:s0] =	ssyncadd.s32 @!p0 $0xFFFF8900  }
0x1d: {  	[tilespmem:s2], [sflag:$0x9] =	stream.linear.gather [hbm4b:s5+s2], $0x1A00, $0x38;
	[tilespmem:$0x160D8] =	vst v63  }
0x1e: {  	_ =	swait.ge [sflag:s12], $0x1A00  }
0x1f: {  	[sflag:s12] =	ssyncset.done $0x0  }
0x20: {  	[sflag:s12] =	ssyncadd.s32 $0xFFFFE600  }
0x21: {  	[tilespmem:s13], [sflag:$0x9] =	stream.linear.gather [hbm4b:s4+s2], $0x68, $0x38;
	[tilespmem:$0x160D8] =	vst v63  }
0x22: {  	_ =	swait.ge [sflag:s12], $0x68  }
0x23: {  	[sflag:s12] =	ssyncset.done $0x0  }
0x24: {  	[sflag:s12] =	ssyncadd.s32 $0xFFFFFF98  }
0x25: {  	[bflag:$0x0] =	sbarrier.arrive $0xFFFF  }
0x26: {  	[tilespmem:s15], [sflag:$0x1] =	stream.indirect.gather [spmem:s1], $0x80, s2, s14, $0xb8;
	[tilespmem:$0x160D8] =	vst v63  }
0x27: {  	s16 =	simm.s32 $0x68  }
0x28: {  	[tilespmem:s17], [sflag:$0x2] =	stream.indirect.gather [spmem:s1], $0x80, s16, s14, $0xb8;
	[tilespmem:$0x160D8] =	vst v63  }
0x29: {  	s18 =	simm.s32 $0xD0  }
0x2a: {  	[tilespmem:s19], [sflag:$0x3] =	stream.indirect.gather [spmem:s1], $0x80, s18, s14, $0xb8;
	[tilespmem:$0x160D8] =	vst v63  }
0x2b: {  	s20 =	simm.s32 $0x138  }
0x2c: {  	[tilespmem:s21], [sflag:$0x4] =	stream.indirect.gather [spmem:s1], $0x80, s20, s14, $0xb8;
	[tilespmem:$0x160D8] =	vst v63  }
0x2d: {  	_ =	swait.ge [sflag:s22], $0x3200  }
0x2e: {  	[sflag:s22] =	ssyncset.done $0x0  }
0x2f: {  	[sflag:s22] =	ssyncadd.s32 $0xFFFFCE00  }
0x30: {  	[hbm4b:s11+s14] =	stream.indirect.scatter [tilespmem:s15], [sflag:$0x5], $0x80, s13, s14, $0xb8;
	[tilespmem:$0x160D8] =	vst v63  }
0x31: {  	_ =	swait.ge [sflag:s23], $0x3200  }
0x32: {  	[sflag:s23] =	ssyncset.done $0x0  }
0x33: {  	s16 =	sadd.s32 $0x680, s11;
	[sflag:s23] =	ssyncadd.s32 $0xFFFFCE00  }
0x34: {  	[hbm4b:s16+s14] =	stream.indirect.scatter [tilespmem:s17], [sflag:$0x6], $0x80, s13, s14, $0xb8;
	[tilespmem:$0x160D8] =	vst v63  }
0x35: {  	_ =	swait.ge [sflag:s24], $0x3200  }
0x36: {  	[sflag:s24] =	ssyncset.done $0x0  }
0x37: {  	s18 =	sadd.s32 $0xD00, s11;
	[sflag:s24] =	ssyncadd.s32 $0xFFFFCE00  }
0x38: {  	[hbm4b:s18+s14] =	stream.indirect.scatter [tilespmem:s19], [sflag:$0x7], $0x80, s13, s14, $0xb8;
	[tilespmem:$0x160D8] =	vst v63  }
0x39: {  	_ =	swait.ge [sflag:s25], $0x3200  }
0x3a: {  	[sflag:s25] =	ssyncset.done $0x0  }
0x3b: {  	s20 =	sadd.s32 $0x1380, s11;
	[sflag:s25] =	ssyncadd.s32 $0xFFFFCE00  }
0x3c: {  	[hbm4b:s20+s14] =	stream.indirect.scatter [tilespmem:s21], [sflag:$0x8], $0x80, s13, s14, $0xb8;
	[tilespmem:$0x160D8] =	vst v63  }
0x3d: {  	_ =	swait.ge [sflag:s26], $0x3200  }
0x3e: {  	[sflag:s26] =	ssyncset.done $0x0  }
0x3f: {  	s16 =	simm.s32 $0x1A0;
	[sflag:s26] =	ssyncadd.s32 $0xFFFFCE00  }
0x40: {  	[tilespmem:s15], [sflag:$0x1] =	stream.indirect.gather [spmem:s1], $0x80, s16, s14, $0xb8;
	[tilespmem:$0x160D8] =	vst v63  }
0x41: {  	_ =	swait.ge [sflag:s28], $0x3200  }
0x42: {  	[sflag:s28] =	ssyncset.done $0x0  }
0x43: {  	s18 =	simm.s32 $0x208;
	[sflag:s28] =	ssyncadd.s32 $0xFFFFCE00  }
0x44: {  	[tilespmem:s17], [sflag:$0x2] =	stream.indirect.gather [spmem:s1], $0x80, s18, s14, $0xb8;
	[tilespmem:$0x160D8] =	vst v63  }
0x45: {  	_ =	swait.ge [sflag:s29], $0x3200  }
0x46: {  	[sflag:s29] =	ssyncset.done $0x0  }
0x47: {  	s20 =	simm.s32 $0x270;
	[sflag:s29] =	ssyncadd.s32 $0xFFFFCE00  }
0x48: {  	[tilespmem:s19], [sflag:$0x3] =	stream.indirect.gather [spmem:s1], $0x80, s20, s14, $0xb8;
	[tilespmem:$0x160D8] =	vst v63  }
0x49: {  	_ =	swait.ge [sflag:s30], $0x3200  }
0x4a: {  	s0 =	simm.s32 $0x680;
	[sflag:s30] =	ssyncset.done $0x0  }
0x4b: {  	s16 =	sadd.s32 $0x1A00, s11;
	s18 =	simm.s32 $0x2D8;
	[sflag:s30] =	ssyncadd.s32 $0xFFFFCE00  }
.LBB2_2:
0x4c: {  	[tilespmem:s21], [sflag:$0x4] =	stream.indirect.gather [spmem:s1], $0x80, s18, s14, $0xb8;
	[tilespmem:$0x160D8] =	vst v63  }
0x4d: {  	s18 =	smov.u32 s0  }
0x4e: {  	p1 =	sne.s32 s0, $0x5B00;
	s0 =	sadd.s32 $0x680, s0;
	_ =	swait.ge [sflag:s22], $0x3200  }
0x4f: {  	[sflag:s22] =	ssyncset.done $0x0  }
0x50: {  	[sflag:s22] =	ssyncadd.s32 $0xFFFFCE00  }
0x51: {  	[hbm4b:s16+s14] =	stream.indirect.scatter [tilespmem:s15], [sflag:$0x5], $0x80, s13, s14, $0xb8;
	[tilespmem:$0x160D8] =	vst v63  }
0x52: {  	_ =	swait.ge [sflag:s23], $0x3200  }
0x53: {  	[sflag:s23] =	ssyncset.done $0x0  }
0x54: {  	s20 =	sadd.s32 $0x680, s16;
	[sflag:s23] =	ssyncadd.s32 $0xFFFFCE00  }
0x55: {  	[hbm4b:s20+s14] =	stream.indirect.scatter [tilespmem:s17], [sflag:$0x6], $0x80, s13, s14, $0xb8;
	[tilespmem:$0x160D8] =	vst v63  }
0x56: {  	_ =	swait.ge [sflag:s24], $0x3200  }
0x57: {  	[sflag:s24] =	ssyncset.done $0x0  }
0x58: {  	s20 =	sadd.s32 $0xD00, s16;
	[sflag:s24] =	ssyncadd.s32 $0xFFFFCE00  }
0x59: {  	[hbm4b:s20+s14] =	stream.indirect.scatter [tilespmem:s19], [sflag:$0x7], $0x80, s13, s14, $0xb8;
	[tilespmem:$0x160D8] =	vst v63  }
0x5a: {  	_ =	swait.ge [sflag:s25], $0x3200  }
0x5b: {  	[sflag:s25] =	ssyncset.done $0x0  }
0x5c: {  	s20 =	sadd.s32 $0x1380, s16;
	[sflag:s25] =	ssyncadd.s32 $0xFFFFCE00  }
0x5d: {  	[hbm4b:s20+s14] =	stream.indirect.scatter [tilespmem:s21], [sflag:$0x8], $0x80, s13, s14, $0xb8;
	[tilespmem:$0x160D8] =	vst v63  }
0x5e: {  	_ =	swait.ge [sflag:s26], $0x3200  }
0x5f: {  	s18 =	sshra.s32 s18, $0x2;
	[sflag:s26] =	ssyncset.done $0x0  }
0x60: {  	s20 =	sadd.s32 $0x1A0, s18;
	[sflag:s26] =	ssyncadd.s32 $0xFFFFCE00  }
0x61: {  	[tilespmem:s15], [sflag:$0x1] =	stream.indirect.gather [spmem:s1], $0x80, s20, s14, $0xb8;
	[tilespmem:$0x160D8] =	vst v63  }
0x62: {  	_ =	swait.ge [sflag:s28], $0x3200  }
0x63: {  	[sflag:s28] =	ssyncset.done $0x0  }
0x64: {  	s20 =	sadd.s32 $0x208, s18;
	[sflag:s28] =	ssyncadd.s32 $0xFFFFCE00  }
0x65: {  	[tilespmem:s17], [sflag:$0x2] =	stream.indirect.gather [spmem:s1], $0x80, s20, s14, $0xb8;
	[tilespmem:$0x160D8] =	vst v63  }
0x66: {  	_ =	swait.ge [sflag:s29], $0x3200  }
0x67: {  	[sflag:s29] =	ssyncset.done $0x0  }
.Ltmp0:
0x68: {  	s20 =	sadd.s32 $0x270, s18;
	[sflag:s29] =	ssyncadd.s32 $0xFFFFCE00;
	(pc) =	sbr.rel @p1 .LBB2_2-.Ltmp0, $4  }
0x69: {  	[tilespmem:s19], [sflag:$0x3] =	stream.indirect.gather [spmem:s1], $0x80, s20, s14, $0xb8;
	[tilespmem:$0x160D8] =	vst v63  }
0x6a: {  	_ =	swait.ge [sflag:s30], $0x3200  }
0x6b: {  	[sflag:s30] =	ssyncset.done $0x0  }
0x6c: {  	s16 =	sadd.s32 $0x1A00, s16;
	s18 =	sadd.s32 $0x2D8, s18;
	[sflag:s30] =	ssyncadd.s32 $0xFFFFCE00  }
0x6d: {  	[tilespmem:s21], [sflag:$0x4] =	stream.indirect.gather [spmem:s1], $0x80, s18, s14, $0xb8;
	[tilespmem:$0x160D8] =	vst v63  }
0x6e: {  	_ =	swait.ge [sflag:s22], $0x3200  }
0x6f: {  	[sflag:s22] =	ssyncset.done $0x0  }
0x70: {  	[sflag:s22] =	ssyncadd.s32 $0xFFFFCE00  }
0x71: {  	[hbm4b:s6+s14] =	stream.indirect.scatter [tilespmem:s15], [sflag:$0x5], $0x80, s13, s14, $0xb8;
	[tilespmem:$0x160D8] =	vst v63  }
0x72: {  	_ =	swait.ge [sflag:s23], $0x3200  }
0x73: {  	[sflag:s23] =	ssyncset.done $0x0  }
0x74: {  	[sflag:s23] =	ssyncadd.s32 $0xFFFFCE00  }
0x75: {  	[hbm4b:s7+s14] =	stream.indirect.scatter [tilespmem:s17], [sflag:$0x6], $0x80, s13, s14, $0xb8;
	[tilespmem:$0x160D8] =	vst v63  }
0x76: {  	_ =	swait.ge [sflag:s24], $0x3200  }
0x77: {  	[sflag:s24] =	ssyncset.done $0x0  }
0x78: {  	[sflag:s24] =	ssyncadd.s32 $0xFFFFCE00  }
0x79: {  	[hbm4b:s8+s14] =	stream.indirect.scatter [tilespmem:s19], [sflag:$0x7], $0x80, s13, s14, $0xb8;
	[tilespmem:$0x160D8] =	vst v63  }
0x7a: {  	_ =	swait.ge [sflag:s25], $0x3200  }
0x7b: {  	[sflag:s25] =	ssyncset.done $0x0  }
0x7c: {  	[sflag:s25] =	ssyncadd.s32 $0xFFFFCE00  }
0x7d: {  	[hbm4b:s9+s14] =	stream.indirect.scatter [tilespmem:s21], [sflag:$0x8], $0x80, s13, s14, $0xb8;
	[tilespmem:$0x160D8] =	vst v63  }
0x7e: {  	_ =	swait.ge [sflag:s26], $0x3200  }
0x7f: {  	[sflag:s26] =	ssyncset.done $0x0  }
0x80: {  	[sflag:s26] =	ssyncadd.s32 $0xFFFFCE00  }
0x81: {  	_ =	swait.ge [sflag:s28], $0x3200  }
0x82: {  	[sflag:s28] =	ssyncset.done $0x0  }
0x83: {  	s31 =	sadd.s32 $0x1, s31;
	[sflag:s28] =	ssyncadd.s32 $0xFFFFCE00  }
0x84: {  	p1 =	sne.s32 s31, s10;
	_ =	swait.ge [sflag:s29], $0x3200  }
.Ltmp1:
0x85: {  	[sflag:s29] =	ssyncset.done $0x0;
	(pc) =	sbr.rel @p1 .LBB2_1-.Ltmp1, $4  }
0x86: {  	[sflag:s29] =	ssyncadd.s32 $0xFFFFCE00  }
0x87: {  	_ =	swait.ge [sflag:s30], $0x3200  }
0x88: {  	[sflag:s30] =	ssyncset.done $0x0  }
0x89: {  	[sflag:s30] =	ssyncadd.s32 $0xFFFFCE00  }
0x8a: {  	_ =	sfence.sel $0x180000  }
0x8b: {  	[bflag:$0x0] =	sbarrier.arrive $0xFFFF  }
0x8c: {  	_ =	strace $0x90000047  }
0x8d: {  	[bflag:$0x2] =	sbarrier.arrive $0xFFFF  }
0x8e: {  	s0 =	rddreg [dreg:$0x3]  }
0x8f: {  	s0 =	sadd.s32 @!p0 $0x100000, s0  }
0x90: {  	[sflag:s0] =	ssyncadd.tile.s32 @!p0 $0x1;
	_ =	shalt  }
.Lfunc_end2:
_tile_overlayer_lowered:
.L_overlay_start_2:
0x91: {  	(tag) =	ssettag $0x2  }
0x92: {  	s0 =	rddreg [dreg:$0x0];
	s2 =	stileid.u32  }
0x93: {  	s1 =	rddreg [dreg:$0x1];
	p0 =	sne.s32 s2, $0x0  }
0x94: {  	s3 =	rddreg [dreg:$0x2];
	[bflag:$0x3] =	sbarrier.arrive $0xFFFF;
	s2 =	simm.s32 @!p0 $0x1C09  }
0x95: {  	[timem:s3], [sflag:s2] =	dma.local @!p0 [hbm:s0], s1  }
0x96: {  	s0 =	simm.s32 @!p0 $0x9  }
0x97: {  	_ =	swait.ge @!p0 [sflag:s0], s1  }
0x98: {  	s1 =	ssub.s32 @!p0 $0x0, s1;
	[sflag:s0] =	ssyncset.done @!p0 $0x0  }
0x99: {  	[sflag:s0] =	ssyncadd.s32 @!p0 s1  }
0x9a: {  	[bflag:$0x3] =	sbarrier.arrive $0xFFFF  }
0x9b: {  	_ =	shalt  }

// kernel: kernel.9.cloned.1.call-start
scs
__scs_entry_jumppad:
0x0: {  	(pc) =	sbr.rel $0x88, $3  }
0x1: {  	(tag) =	ssettag $0x0;
	lr =	simm.s32 $0x1  }
0x2: {  	[smem:$0x3F9F] =	sst lr;
	_ =	strace $0xD0000000  }
0x3: {  	_ = 	snop  }
0x4: {  	_ = 	snop  }
0x5: {  	_ = 	snop  }
0x6: {  	_ = 	snop  }
0x7: {  	_ = 	snop  }
__scs_overlays_trampoline_lowered:
0x8: {  	[smem:$0x3FAE] =	sst s0  }
0x9: {  	[smem:$0x3FAF] =	sst s1  }
0xa: {  	[smem:$0x3FB0] =	sst s2  }
0xb: {  	[smem:$0x3FB1] =	sst s3  }
0xc: {  	[smem:$0x3FB2] =	sst s4  }
0xd: {  	[smem:$0x3FB3] =	sst s5  }
0xe: {  	[smem:$0x3FB4] =	sst s6  }
0xf: {  	[smem:$0x3FB5] =	sst s7  }
0x10: {  	[smem:$0x3FB6] =	sst s8  }
0x11: {  	[smem:$0x3FB7] =	sst s9;
	s0 =	simm.s32 @!p0 $0x0  }
0x12: {  	s1 =	sld [smem:$0x3F9D];
	s0 =	simm.s32 @p0 $0x1  }
0x13: {  	[smem:$0x3FB8] =	sst s0;
	s0 =	simm.s32 @!p1 $0x0  }
0x14: {  	s2 =	sld [smem:$0x3F9C];
	s0 =	simm.s32 @p1 $0x1  }
0x15: {  	[smem:$0x3FB9] =	sst s0;
	s0 =	simm.s32 @!p2 $0x0  }
0x16: {  	s3 =	sld [smem:$0x3FDB];
	s0 =	simm.s32 @p2 $0x1  }
0x17: {  	s4 =	simm.s32 $0x1BF5;
	[smem:$0x3FBB] =	sst s0  }
0x18: {  	s0 =	sld [smem:$0x3F9E];
	_ =	swait.ge [sflag:s4], $0x0  }
0x19: {  	s7 =	sld [smem:$0x3F9F]  }
0x1a: {  	s8 =	sadd.s32 $0xFFFFE003, lr  }
0x1b: {  	s9 =	sadd.s32 $0xFFFFFEF7, lr;
	s5 =	simm.s32 $0xFFFFFFFF;
	p2 =	slt.u32 s8, $0xFFFFF086  }
0x1c: {  	p1 =	slt.u32 s9, $0xF7A;
	s5 =	simm.s32 @!p2 $0x0  }
0x1d: {  	s5 =	simm.s32 @p1 $0x1;
	p0 =	seq.s32 s7, s2  }
0x1e: {  	s7 =	smul.u32 @!p0 $0xF7A, s2;
	p2 =	seq.s32 @!p0 s5, $0x0  }
0x1f: {  	s9 =	smul.u32 $0xF7A, s1;
	s8 =	simm.s32 @!p0 $0x1BF5;
	p2 =	por !p2, p0  }
0x20: {  	[sflag:s8] =	ssyncset.s32 @!p0 $0xFFFFF086;
	s6 =	sadd.s32 @!p0 s3, s7;
	s7 =	simm.s32 @!p0 $0x108  }
0x21: {  	s3 =	sadd.s32 s3, s9;
	s6 =	sadd.s32 @!p0 $0x88, s6;
	s7 =	simm.s32 @p2 $0x1082  }
0x22: {  	[simem:s7], [sflag:s8] =	dma.local @!p0 [hbm:s6], $0xF7A  }
0x23: {  	s9 =	sor.u32 $0xD0000000, s2;
	s6 =	simm.s32 $0x108;
	_ =	swait.ge @!p0 [sflag:s8], $0x0  }
0x24: {  	s3 =	sadd.s32 $0x88, s3;
	s6 =	simm.s32 @!p1 $0x1082;
	[sflag:s4] =	ssyncset.s32 $0xFFFFF086  }
0x25: {  	[simem:s6], [sflag:s4] =	dma.local [hbm:s3], $0xF7A  }
0x26: {  	[smem:$0x3F9F] =	sst s1;
	(tag) =	ssettag s2;
	_ =	strace s9  }
0x27: {  	s1 =	sld [smem:$0x3FAF]  }
0x28: {  	s2 =	sld [smem:$0x3FB0]  }
0x29: {  	s4 =	sld [smem:$0x3FB2]  }
0x2a: {  	p0 =	seq.s32 s5, $0x0;
	s5 =	sld [smem:$0x3FB3]  }
0x2b: {  	s6 =	sld [smem:$0x3FB4]  }
0x2c: {  	s7 =	sld [smem:$0x3FB5]  }
0x2d: {  	s3 =	simm.s32 $0x108;
	s8 =	sld [smem:$0x3FB6]  }
0x2e: {  	s3 =	simm.s32 @!p0 $0x1082;
	s9 =	sld [smem:$0x3FB7]  }
0x2f: {  	lr =	sadd.s32 s0, s3;
	s0 =	sld [smem:$0x3FAE]  }
0x30: {  	s3 =	sld [smem:$0x3FB1]  }
0x31: {  	[smem:$0x3FBA] =	sst s10  }
0x32: {  	s10 =	sld [smem:$0x3FB8];
	_ =	sdelay $0x3  }
0x33: {  	p0 =	seq.s32 s10, $0x1;
	s10 =	sld [smem:$0x3FBA];
	_ =	sdelay $0x3  }
0x34: {  	[smem:$0x3FBA] =	sst s10  }
0x35: {  	s10 =	sld [smem:$0x3FB9];
	_ =	sdelay $0x3  }
0x36: {  	p1 =	seq.s32 s10, $0x1;
	s10 =	sld [smem:$0x3FBA];
	_ =	sdelay $0x3  }
0x37: {  	[smem:$0x3FBA] =	sst s10  }
0x38: {  	s10 =	sld [smem:$0x3FBB]  }
0x39: {  	_ = 	snop;
	(pc) =	sbr.ind lr, $3  }
0x3a: {  	_ = 	snop  }
0x3b: {  	_ = 	snop  }
0x3c: {  	p2 =	seq.s32 s10, $0x1;
	s10 =	sld [smem:$0x3FBA]  }
0x3d: {  	_ =	shalt  }
0x3e: {  	_ =	shalt  }
0x3f: {  	_ =	shalt  }
0x40: {  	_ =	shalt  }
0x41: {  	_ =	shalt  }
0x42: {  	_ =	shalt  }
0x43: {  	_ =	shalt  }
0x44: {  	_ =	shalt  }
0x45: {  	_ =	shalt  }
0x46: {  	_ =	shalt  }
0x47: {  	_ =	shalt  }
0x48: {  	_ =	shalt  }
0x49: {  	_ =	shalt  }
0x4a: {  	_ =	shalt  }
0x4b: {  	_ =	shalt  }
0x4c: {  	_ =	shalt  }
0x4d: {  	_ =	shalt  }
0x4e: {  	_ =	shalt  }
0x4f: {  	_ =	shalt  }
0x50: {  	_ =	shalt  }
0x51: {  	_ =	shalt  }
0x52: {  	_ =	shalt  }
0x53: {  	_ =	shalt  }
0x54: {  	_ =	shalt  }
0x55: {  	_ =	shalt  }
0x56: {  	_ =	shalt  }
0x57: {  	_ =	shalt  }
0x58: {  	_ =	shalt  }
0x59: {  	_ =	shalt  }
0x5a: {  	_ =	shalt  }
0x5b: {  	_ =	shalt  }
0x5c: {  	_ =	shalt  }
0x5d: {  	_ =	shalt  }
0x5e: {  	_ =	shalt  }
0x5f: {  	_ =	shalt  }
0x60: {  	_ =	shalt  }
0x61: {  	_ =	shalt  }
0x62: {  	_ =	shalt  }
0x63: {  	_ =	shalt  }
0x64: {  	_ =	shalt  }
0x65: {  	_ =	shalt  }
0x66: {  	_ =	shalt  }
0x67: {  	_ =	shalt  }
0x68: {  	_ =	shalt  }
0x69: {  	_ =	shalt  }
0x6a: {  	_ =	shalt  }
0x6b: {  	_ =	shalt  }
0x6c: {  	_ =	shalt  }
0x6d: {  	_ =	shalt  }
0x6e: {  	_ =	shalt  }
0x6f: {  	_ =	shalt  }
0x70: {  	_ =	shalt  }
0x71: {  	_ =	shalt  }
0x72: {  	_ =	shalt  }
0x73: {  	_ =	shalt  }
0x74: {  	_ =	shalt  }
0x75: {  	_ =	shalt  }
0x76: {  	_ =	shalt  }
0x77: {  	_ =	shalt  }
0x78: {  	_ =	shalt  }
0x79: {  	_ =	shalt  }
0x7a: {  	_ =	shalt  }
0x7b: {  	_ =	shalt  }
0x7c: {  	_ =	shalt  }
0x7d: {  	_ =	shalt  }
0x7e: {  	_ =	shalt  }
0x7f: {  	_ =	shalt  }
0x80: {  	_ =	shalt  }
0x81: {  	_ =	shalt  }
0x82: {  	_ =	shalt  }
0x83: {  	_ =	shalt  }
0x84: {  	_ =	shalt  }
0x85: {  	_ =	shalt  }
0x86: {  	_ =	shalt  }
0x87: {  	_ =	shalt  }
.Lfunc_end0:
.L_simem_size_0:
called_computation.1_lowered:
.L_overlay_start_0:
0x88: {  	s2 =	sld [smem:$0x3FD9]  }
0x89: {  	s3 =	sld [smem:$0x3FFE];
	_ =	sdelay $0x1  }
0x8a: {  	s1 =	srdreg.scid  }
0x8b: {  	s0 =	sand.u32 $0x1, s1  }
0x8c: {  	s17 =	sshll.u32 s0, $0xA;
	s2 =	sadd.s32 s3, s2  }
0x8d: {  	s2 =	sadd.s32 s2, s17  }
0x8e: {  	[smem:$0x3FC6] =	sst s2  }
0x8f: {  	_ = 	snop  }
0x90: {  	(tm) =	ssettm $0x1  }
0x91: {  	s18 =	sld [smem:$0x3FFB];
	_ =	sdelay $0x3  }
0x92: {  	_ =	strace s18  }
0x93: {  	s2 =	sld [smem:$0x3FFC];
	_ =	sdelay $0x3  }
0x94: {  	_ =	strace s2  }
0x95: {  	s2 =	sld [smem:$0x3FFD];
	_ =	sdelay $0x3  }
0x96: {  	_ =	strace s2  }
0x97: {  	_ =	strace $0x8FFFFFFF  }
0x98: {  	s19 =	sld [smem:$0x3FDB];
	_ =	sdelay $0x1  }
0x99: {  	s20 =	simm.s32 $_scs_section_size  }
0x9a: {  	s4 =	simm.s32 $_size__tile_overlayer_lowered;
	s5 =	simm.s32 $_tile_overlayer_lowered  }
0x9b: {  	s6 =	simm.s32 $0x1BFF;
	s21 =	sshll.u32 s5, $0x1;
	s3 =	sadd.s32 s20, s19  }
0x9c: {  	s22 =	simm.s32 $0x0;
	s4 =	sshll.u32 s4, $0x1;
	s5 =	sadd.s32 s21, s3  }
0x9d: {  	[timem:s22], [sflag:s6] =	dma.local [hbm:s5], s4  }
0x9e: {  	_ =	swait.ge [sflag:s6], s4  }
0x9f: {  	s4 =	ssub.s32 $0x0, s4;
	[sflag:s6] =	ssyncset.done $0x0  }
0xa0: {  	[sflag:s6] =	ssyncadd.s32 s4;
	_ =	sdelay $0x1  }
0xa1: {  	s23 =	simm.s32 $0x1B8B  }
0xa2: {  	_ =	swait.ge [sflag:s23], $0x1  }
0xa3: {  	[sflag:s23] =	ssyncset.done $0x0  }
0xa4: {  	[sflag:s23] =	ssyncadd.s32 $0xFFFFFFFF  }
0xa5: {  	s4 =	sld [smem:$0x0]  }
0xa6: {  	s5 =	sand.u32 $0xFFFFFFFE, s1  }
0xa7: {  	p0 =	sne.s32 s1, s5  }
0xa8: {  	s5 =	sshll.u32 @p0 s5, $0xE  }
0xa9: {  	s5 =	sadd.s32 @p0 $0x11B8D, s5;
	s6 =	sshll.u32 @p0 s4, $0x11  }
0xaa: {  	s5 =	sor.u32 @p0 s6, s5  }
0xab: {  	[sflag:s5] =	ssyncadd.remote.s32 @p0 $0x1;
	_ =	sdelay $0x1  }
0xac: {  	s5 =	simm.s32 @p0 $0x1B8D  }
0xad: {  	_ =	swait.eq @p0 [sflag:s5], $0x1  }
0xae: {  	[sflag:s5] =	ssyncadd.s32 @p0 $0xFFFFFFFF  }
0xaf: {  	s6 =	sshll.u32 @!p0 s1, $0xE  }
0xb0: {  	s6 =	sor.u32 @!p0 $0x4000, s6;
	s5 =	simm.s32 @!p0 $0x1B8D  }
0xb1: {  	s4 =	sshll.u32 @!p0 s4, $0x11;
	s6 =	sadd.s32 @!p0 $0x11B8D, s6;
	_ =	swait.eq @!p0 [sflag:s5], $0x1  }
0xb2: {  	s4 =	sor.u32 @!p0 s4, s6;
	[sflag:s5] =	ssyncadd.s32 @!p0 $0xFFFFFFFF  }
0xb3: {  	s25 =	simm.s32 $0x1B8E;
	s24 =	sld [smem:$0x3FFE];
	[sflag:s4] =	ssyncadd.remote.s32 @!p0 $0x1  }
0xb4: {  	s26 =	simm.s32 $execute0_lowered;
	[smem:$0x3FD2] =	sst s25  }
0xb5: {  	s5 =	sshll.u32 s26, $0x1;
	_ =	strace $0x80000049;
	[dreg:$0x1] =	wrdreg $0xFFFFFFFF  }
0xb6: {  	s28 =	simm.s32 $_size_execute0_lowered;
	s3 =	sadd.s32 s3, s5;
	[dreg:$0x0] =	wrdreg $0x0  }
0xb7: {  	s5 =	sshll.u32 s28, $0x1;
	[dreg:$0x2] =	wrdreg s3  }
0xb8: {  	[dreg:$0x3] =	wrdreg s5  }
0xb9: {  	[dreg:$0x4] =	wrdreg $0xC0  }
0xba: {  	_ =	task [dreg:s22], $0x5FFFF  }
0xbb: {  	[dreg:$0x1] =	wrdreg $0xFFFFFFFF  }
0xbc: {  	[dreg:$0x0] =	wrdreg $0x60  }
0xbd: {  	[dreg:$0x2] =	wrdreg s24  }
0xbe: {  	[dreg:$0x3] =	wrdreg $0x91680  }
0xbf: {  	[dreg:$0x4] =	wrdreg $0xA  }
0xc0: {  	_ =	task.clear_ibuf [dreg:s22], $0x5FFFF;
	_ =	strace $0x90000049  }
0xc1: {  	s29 =	simm.s32 $0xA;
	_ =	strace $0x8000004B  }
0xc2: {  	_ =	swait.ge [sflag:s29], $0x1  }
0xc3: {  	[sflag:s29] =	ssyncadd.s32 $0xFFFFFFFF  }
0xc4: {  	_ =	strace $0x9000004B  }
0xc5: {  	_ =	sfence  }
0xc6: {  	s30 =	sld [smem:$0x0];
	_ =	sdelay $0x2  }
0xc7: {  	s31 =	sshll.u32 s1, $0xD;
	s1 =	sshrl.u32 s1, $0x2  }
0xc8: {  	s4 =	sand.u32 $0x4000, s31;
	s1 =	sadd.s32 s1, s30  }
0xc9: {  	s0 =	sor.u32 s4, s0;
	s1 =	sshll.u32 s1, $0x11  }
0xca: {  	s0 =	sor.u32 s1, s0  }
0xcb: {  	s0 =	sadd.s32 $0x8F2B, s0  }
0xcc: {  	[sflag:s0] =	ssyncadd.remote.s32 $0x1  }
0xcd: {  	_ =	sfence.sel $0xFFFF  }
0xce: {  	[dreg:$0x0] =	wrdreg $0xFFFFFFFF;
	(pc) =	sbr.abs _section_cstart, $3  }
0xcf: {  	[dreg:$0x1] =	wrdreg $0xFFFFFFFF  }
0xd0: {  	_ =	task.clear_ibuf [dreg:s22], $0x2FFFF;
	_ =	strace $0x9FFFFFFF  }
0xd1: {  	(tm) =	ssettm $0x7FFFFFFF  }
tec
execute0_lowered:
.L_overlay_start_1:
0x0: {  	(tag) =	ssettag $0x1  }
0x1: {  	s0 =	rddreg [dreg:$0x0]  }
0x2: {  	s2 =	srdreg.scid;
	s12 =	stileid.u32  }
0x3: {  	s1 =	rddreg [dreg:$0x1];
	s15 =	simm.s32 $0x98D8;
	s17 =	simm.s32 $0xCAD8  }
0x4: {  	s19 =	simm.s32 $0xFCD8;
	s21 =	simm.s32 $0x12ED8;
	s22 =	simm.s32 $0x1  }
0x5: {  	s23 =	simm.s32 $0x2;
	s24 =	simm.s32 $0x3;
	s28 =	simm.s32 $0x6  }
0x6: {  	s29 =	simm.s32 $0x7;
	s30 =	simm.s32 $0x8;
	s31 =	simm.s32 $0x0  }
0x7: {  	s9 =	sand.u32 $0x1, s2;
	s3 =	sshll.u32 s12, $0x1;
	s2 =	simm.s32 $0x0  }
0x8: {  	s11 =	sadd.s32 $0x348600, s0;
	s13 =	smul.u32 $0x34000, s12;
	p0 =	sne.s32 s12, $0x0  }
0x9: {  	s12 =	simm.s32 $0x9;
	s3 =	sor.u32 s9, s3;
	s14 =	smul.u32 $0x1A000, s9  }
0xa: {  	[smem:$0x7FF] =	sst s2;
	s7 =	ssub.s32 $0x2, s9;
	s4 =	smul.u32 $0x340, s3  }
0xb: {  	_ =	strace $0x8000004A;
	s5 =	smul.u32 $0xD0000, s3;
	s3 =	sadd.s32 $0xC00, s0  }
0xc: {  	s8 =	sshrl.u32 s7, $0x1;
	s26 =	sadd.s32 s13, s11;
	s13 =	simm.s32 $0x1A00  }
0xd: {  	s25 =	ssub.s32 s7, s8;
	s6 =	sadd.s32 s4, s0;
	s5 =	sshrl.u32 s5, $0x3  }
0xe: {  	s4 =	sadd.s32 $0x1C00, s0;
	s10 =	sadd.s32 s11, s5;
	s5 =	sadd.s32 $0x341E00, s6  }
0xf: {  	s11 =	sadd.s32 s14, s26;
	s14 =	simm.s32 $0x64;
	s26 =	simm.s32 $0x5  }
0x10: {  	s6 =	sadd.s32 $0x18600, s10;
	s7 =	sadd.s32 $0x18C80, s10;
	s8 =	sadd.s32 $0x19300, s10  }
0x11: {  	s9 =	sadd.s32 $0x19980, s10;
	s10 =	smax.u32 s25, $0x1;
	s25 =	simm.s32 $0x4  }
.LBB2_1:
0x12: {  	s0 =	simm.s32 @!p0 $0x0;
	s16 =	simm.s32 @!p0 $0x1A68  }
0x13: {  	[tilespmem:s16], [sflag:$0x9] =	stream.linear.gather @!p0 [hbm4b:s3+s0], $0x7700, $0x38;
	[tilespmem:$0x160D8] =	vst v63  }
0x14: {  	s0 =	simm.s32 @!p0 $0x9  }
0x15: {  	_ =	swait.ge @!p0 [sflag:s0], $0x7700  }
0x16: {  	[sflag:s0] =	ssyncset.done @!p0 $0x0  }
0x17: {  	[sflag:s0] =	ssyncadd.s32 @!p0 $0xFFFF8900  }
0x18: {  	[spmem:s1] =	stream.linear.scatter @!p0 [tilespmem:s16], [sflag:$0x9], $0x7700, $0x38;
	[tilespmem:$0x160D8] =	vst v63  }
0x19: {  	_ =	swait.ge @!p0 [sflag:s0], $0x7700  }
0x1a: {  	[sflag:s0] =	ssyncset.done @!p0 $0x0  }
0x1b: {  	[sflag:s0] =	ssyncadd.s32 @!p0 $0xFFFF8900  }
0x1c: {  	[tilespmem:s2], [sflag:$0x9] =	stream.linear.gather [hbm4b:s5+s2], $0x1A00, $0x38;
	[tilespmem:$0x160D8] =	vst v63  }
0x1d: {  	_ =	swait.ge [sflag:s12], $0x1A00  }
0x1e: {  	[sflag:s12] =	ssyncset.done $0x0  }
0x1f: {  	[sflag:s12] =	ssyncadd.s32 $0xFFFFE600  }
0x20: {  	[tilespmem:s13], [sflag:$0x9] =	stream.linear.gather [hbm4b:s4+s2], $0x68, $0x38;
	[tilespmem:$0x160D8] =	vst v63  }
0x21: {  	_ =	swait.ge [sflag:s12], $0x68  }
0x22: {  	[sflag:s12] =	ssyncset.done $0x0  }
0x23: {  	[sflag:s12] =	ssyncadd.s32 $0xFFFFFF98  }
0x24: {  	[bflag:$0x0] =	sbarrier.arrive $0xFFFF  }
0x25: {  	[tilespmem:s15], [sflag:$0x1] =	stream.indirect.gather [spmem:s1], $0x80, s2, s14, $0xb8;
	[tilespmem:$0x160D8] =	vst v63  }
0x26: {  	s16 =	simm.s32 $0x68  }
0x27: {  	[tilespmem:s17], [sflag:$0x2] =	stream.indirect.gather [spmem:s1], $0x80, s16, s14, $0xb8;
	[tilespmem:$0x160D8] =	vst v63  }
0x28: {  	s18 =	simm.s32 $0xD0  }
0x29: {  	[tilespmem:s19], [sflag:$0x3] =	stream.indirect.gather [spmem:s1], $0x80, s18, s14, $0xb8;
	[tilespmem:$0x160D8] =	vst v63  }
0x2a: {  	s20 =	simm.s32 $0x138  }
0x2b: {  	[tilespmem:s21], [sflag:$0x4] =	stream.indirect.gather [spmem:s1], $0x80, s20, s14, $0xb8;
	[tilespmem:$0x160D8] =	vst v63  }
0x2c: {  	_ =	swait.ge [sflag:s22], $0x3200  }
0x2d: {  	[sflag:s22] =	ssyncset.done $0x0  }
0x2e: {  	[sflag:s22] =	ssyncadd.s32 $0xFFFFCE00  }
0x2f: {  	[hbm4b:s11+s14] =	stream.indirect.scatter [tilespmem:s15], [sflag:$0x5], $0x80, s13, s14, $0xb8;
	[tilespmem:$0x160D8] =	vst v63  }
0x30: {  	_ =	swait.ge [sflag:s23], $0x3200  }
0x31: {  	[sflag:s23] =	ssyncset.done $0x0  }
0x32: {  	s16 =	sadd.s32 $0x680, s11;
	[sflag:s23] =	ssyncadd.s32 $0xFFFFCE00  }
0x33: {  	[hbm4b:s16+s14] =	stream.indirect.scatter [tilespmem:s17], [sflag:$0x6], $0x80, s13, s14, $0xb8;
	[tilespmem:$0x160D8] =	vst v63  }
0x34: {  	_ =	swait.ge [sflag:s24], $0x3200  }
0x35: {  	[sflag:s24] =	ssyncset.done $0x0  }
0x36: {  	s18 =	sadd.s32 $0xD00, s11;
	[sflag:s24] =	ssyncadd.s32 $0xFFFFCE00  }
0x37: {  	[hbm4b:s18+s14] =	stream.indirect.scatter [tilespmem:s19], [sflag:$0x7], $0x80, s13, s14, $0xb8;
	[tilespmem:$0x160D8] =	vst v63  }
0x38: {  	_ =	swait.ge [sflag:s25], $0x3200  }
0x39: {  	[sflag:s25] =	ssyncset.done $0x0  }
0x3a: {  	s20 =	sadd.s32 $0x1380, s11;
	[sflag:s25] =	ssyncadd.s32 $0xFFFFCE00  }
0x3b: {  	[hbm4b:s20+s14] =	stream.indirect.scatter [tilespmem:s21], [sflag:$0x8], $0x80, s13, s14, $0xb8;
	[tilespmem:$0x160D8] =	vst v63  }
0x3c: {  	_ =	swait.ge [sflag:s26], $0x3200  }
0x3d: {  	[sflag:s26] =	ssyncset.done $0x0  }
0x3e: {  	s16 =	simm.s32 $0x1A0;
	[sflag:s26] =	ssyncadd.s32 $0xFFFFCE00  }
0x3f: {  	[tilespmem:s15], [sflag:$0x1] =	stream.indirect.gather [spmem:s1], $0x80, s16, s14, $0xb8;
	[tilespmem:$0x160D8] =	vst v63  }
0x40: {  	_ =	swait.ge [sflag:s28], $0x3200  }
0x41: {  	[sflag:s28] =	ssyncset.done $0x0  }
0x42: {  	s18 =	simm.s32 $0x208;
	[sflag:s28] =	ssyncadd.s32 $0xFFFFCE00  }
0x43: {  	[tilespmem:s17], [sflag:$0x2] =	stream.indirect.gather [spmem:s1], $0x80, s18, s14, $0xb8;
	[tilespmem:$0x160D8] =	vst v63  }
0x44: {  	_ =	swait.ge [sflag:s29], $0x3200  }
0x45: {  	[sflag:s29] =	ssyncset.done $0x0  }
0x46: {  	s20 =	simm.s32 $0x270;
	[sflag:s29] =	ssyncadd.s32 $0xFFFFCE00  }
0x47: {  	[tilespmem:s19], [sflag:$0x3] =	stream.indirect.gather [spmem:s1], $0x80, s20, s14, $0xb8;
	[tilespmem:$0x160D8] =	vst v63  }
0x48: {  	_ =	swait.ge [sflag:s30], $0x3200  }
0x49: {  	s0 =	simm.s32 $0x680;
	[sflag:s30] =	ssyncset.done $0x0  }
0x4a: {  	s16 =	sadd.s32 $0x1A00, s11;
	s18 =	simm.s32 $0x2D8;
	[sflag:s30] =	ssyncadd.s32 $0xFFFFCE00  }
.LBB2_2:
0x4b: {  	[tilespmem:s21], [sflag:$0x4] =	stream.indirect.gather [spmem:s1], $0x80, s18, s14, $0xb8;
	[tilespmem:$0x160D8] =	vst v63  }
0x4c: {  	s18 =	smov.u32 s0  }
0x4d: {  	p1 =	sne.s32 s0, $0x5B00;
	s0 =	sadd.s32 $0x680, s0;
	_ =	swait.ge [sflag:s22], $0x3200  }
0x4e: {  	[sflag:s22] =	ssyncset.done $0x0  }
0x4f: {  	[sflag:s22] =	ssyncadd.s32 $0xFFFFCE00  }
0x50: {  	[hbm4b:s16+s14] =	stream.indirect.scatter [tilespmem:s15], [sflag:$0x5], $0x80, s13, s14, $0xb8;
	[tilespmem:$0x160D8] =	vst v63  }
0x51: {  	_ =	swait.ge [sflag:s23], $0x3200  }
0x52: {  	[sflag:s23] =	ssyncset.done $0x0  }
0x53: {  	s20 =	sadd.s32 $0x680, s16;
	[sflag:s23] =	ssyncadd.s32 $0xFFFFCE00  }
0x54: {  	[hbm4b:s20+s14] =	stream.indirect.scatter [tilespmem:s17], [sflag:$0x6], $0x80, s13, s14, $0xb8;
	[tilespmem:$0x160D8] =	vst v63  }
0x55: {  	_ =	swait.ge [sflag:s24], $0x3200  }
0x56: {  	[sflag:s24] =	ssyncset.done $0x0  }
0x57: {  	s20 =	sadd.s32 $0xD00, s16;
	[sflag:s24] =	ssyncadd.s32 $0xFFFFCE00  }
0x58: {  	[hbm4b:s20+s14] =	stream.indirect.scatter [tilespmem:s19], [sflag:$0x7], $0x80, s13, s14, $0xb8;
	[tilespmem:$0x160D8] =	vst v63  }
0x59: {  	_ =	swait.ge [sflag:s25], $0x3200  }
0x5a: {  	[sflag:s25] =	ssyncset.done $0x0  }
0x5b: {  	s20 =	sadd.s32 $0x1380, s16;
	[sflag:s25] =	ssyncadd.s32 $0xFFFFCE00  }
0x5c: {  	[hbm4b:s20+s14] =	stream.indirect.scatter [tilespmem:s21], [sflag:$0x8], $0x80, s13, s14, $0xb8;
	[tilespmem:$0x160D8] =	vst v63  }
0x5d: {  	_ =	swait.ge [sflag:s26], $0x3200  }
0x5e: {  	s18 =	sshra.s32 s18, $0x2;
	[sflag:s26] =	ssyncset.done $0x0  }
0x5f: {  	s20 =	sadd.s32 $0x1A0, s18;
	[sflag:s26] =	ssyncadd.s32 $0xFFFFCE00  }
0x60: {  	[tilespmem:s15], [sflag:$0x1] =	stream.indirect.gather [spmem:s1], $0x80, s20, s14, $0xb8;
	[tilespmem:$0x160D8] =	vst v63  }
0x61: {  	_ =	swait.ge [sflag:s28], $0x3200  }
0x62: {  	[sflag:s28] =	ssyncset.done $0x0  }
0x63: {  	s20 =	sadd.s32 $0x208, s18;
	[sflag:s28] =	ssyncadd.s32 $0xFFFFCE00  }
0x64: {  	[tilespmem:s17], [sflag:$0x2] =	stream.indirect.gather [spmem:s1], $0x80, s20, s14, $0xb8;
	[tilespmem:$0x160D8] =	vst v63  }
0x65: {  	_ =	swait.ge [sflag:s29], $0x3200  }
0x66: {  	[sflag:s29] =	ssyncset.done $0x0  }
.Ltmp0:
0x67: {  	s20 =	sadd.s32 $0x270, s18;
	[sflag:s29] =	ssyncadd.s32 $0xFFFFCE00;
	(pc) =	sbr.rel @p1 .LBB2_2-.Ltmp0, $4  }
0x68: {  	[tilespmem:s19], [sflag:$0x3] =	stream.indirect.gather [spmem:s1], $0x80, s20, s14, $0xb8;
	[tilespmem:$0x160D8] =	vst v63  }
0x69: {  	_ =	swait.ge [sflag:s30], $0x3200  }
0x6a: {  	[sflag:s30] =	ssyncset.done $0x0  }
0x6b: {  	s16 =	sadd.s32 $0x1A00, s16;
	s18 =	sadd.s32 $0x2D8, s18;
	[sflag:s30] =	ssyncadd.s32 $0xFFFFCE00  }
0x6c: {  	[tilespmem:s21], [sflag:$0x4] =	stream.indirect.gather [spmem:s1], $0x80, s18, s14, $0xb8;
	[tilespmem:$0x160D8] =	vst v63  }
0x6d: {  	_ =	swait.ge [sflag:s22], $0x3200  }
0x6e: {  	[sflag:s22] =	ssyncset.done $0x0  }
0x6f: {  	[sflag:s22] =	ssyncadd.s32 $0xFFFFCE00  }
0x70: {  	[hbm4b:s6+s14] =	stream.indirect.scatter [tilespmem:s15], [sflag:$0x5], $0x80, s13, s14, $0xb8;
	[tilespmem:$0x160D8] =	vst v63  }
0x71: {  	_ =	swait.ge [sflag:s23], $0x3200  }
0x72: {  	[sflag:s23] =	ssyncset.done $0x0  }
0x73: {  	[sflag:s23] =	ssyncadd.s32 $0xFFFFCE00  }
0x74: {  	[hbm4b:s7+s14] =	stream.indirect.scatter [tilespmem:s17], [sflag:$0x6], $0x80, s13, s14, $0xb8;
	[tilespmem:$0x160D8] =	vst v63  }
0x75: {  	_ =	swait.ge [sflag:s24], $0x3200  }
0x76: {  	[sflag:s24] =	ssyncset.done $0x0  }
0x77: {  	[sflag:s24] =	ssyncadd.s32 $0xFFFFCE00  }
0x78: {  	[hbm4b:s8+s14] =	stream.indirect.scatter [tilespmem:s19], [sflag:$0x7], $0x80, s13, s14, $0xb8;
	[tilespmem:$0x160D8] =	vst v63  }
0x79: {  	_ =	swait.ge [sflag:s25], $0x3200  }
0x7a: {  	[sflag:s25] =	ssyncset.done $0x0  }
0x7b: {  	[sflag:s25] =	ssyncadd.s32 $0xFFFFCE00  }
0x7c: {  	[hbm4b:s9+s14] =	stream.indirect.scatter [tilespmem:s21], [sflag:$0x8], $0x80, s13, s14, $0xb8;
	[tilespmem:$0x160D8] =	vst v63  }
0x7d: {  	_ =	swait.ge [sflag:s26], $0x3200  }
0x7e: {  	[sflag:s26] =	ssyncset.done $0x0  }
0x7f: {  	[sflag:s26] =	ssyncadd.s32 $0xFFFFCE00  }
0x80: {  	_ =	swait.ge [sflag:s28], $0x3200  }
0x81: {  	[sflag:s28] =	ssyncset.done $0x0  }
0x82: {  	s31 =	sadd.s32 $0x1, s31;
	[sflag:s28] =	ssyncadd.s32 $0xFFFFCE00  }
0x83: {  	p1 =	sne.s32 s31, s10;
	_ =	swait.ge [sflag:s29], $0x3200  }
.Ltmp1:
0x84: {  	[sflag:s29] =	ssyncset.done $0x0;
	(pc) =	sbr.rel @p1 .LBB2_1-.Ltmp1, $4  }
0x85: {  	[sflag:s29] =	ssyncadd.s32 $0xFFFFCE00  }
0x86: {  	_ =	swait.ge [sflag:s30], $0x3200  }
0x87: {  	[sflag:s30] =	ssyncset.done $0x0  }
0x88: {  	[sflag:s30] =	ssyncadd.s32 $0xFFFFCE00  }
0x89: {  	_ =	sfence.sel $0x180000  }
0x8a: {  	[bflag:$0x0] =	sbarrier.arrive $0xFFFF  }
0x8b: {  	_ =	strace $0x9000004A  }
0x8c: {  	[bflag:$0x2] =	sbarrier.arrive $0xFFFF  }
0x8d: {  	s0 =	rddreg [dreg:$0x2]  }
0x8e: {  	s0 =	sadd.s32 @!p0 $0x100000, s0  }
0x8f: {  	[sflag:s0] =	ssyncadd.tile.s32 @!p0 $0x1;
	_ =	shalt  }
.Lfunc_end2:
_tile_overlayer_lowered:
.L_overlay_start_2:
0x90: {  	(tag) =	ssettag $0x2  }
0x91: {  	s0 =	rddreg [dreg:$0x0];
	s2 =	stileid.u32  }
0x92: {  	s1 =	rddreg [dreg:$0x1];
	p0 =	sne.s32 s2, $0x0  }
0x93: {  	s3 =	rddreg [dreg:$0x2];
	[bflag:$0x3] =	sbarrier.arrive $0xFFFF;
	s2 =	simm.s32 @!p0 $0x1C09  }
0x94: {  	[timem:s3], [sflag:s2] =	dma.local @!p0 [hbm:s0], s1  }
0x95: {  	s0 =	simm.s32 @!p0 $0x9  }
0x96: {  	_ =	swait.ge @!p0 [sflag:s0], s1  }
0x97: {  	s1 =	ssub.s32 @!p0 $0x0, s1;
	[sflag:s0] =	ssyncset.done @!p0 $0x0  }
0x98: {  	[sflag:s0] =	ssyncadd.s32 @!p0 s1  }
0x99: {  	[bflag:$0x3] =	sbarrier.arrive $0xFFFF  }
0x9a: {  	_ =	shalt  }

</sc_bundles>
